<compile_context>
chip_gen: v7x
topology: tpu7x:2x2x1
jax: 0.10.2.dev20260603
libtpu: 0.0.44.dev20260713+nightly
codegen_flags: <defaults>
</compile_context>

<pallas_src>
import functools
import math

import jax
import jax.numpy as jnp
from jax import lax
from jax.experimental import pallas as pl
from jax.experimental.pallas import tpu as pltpu
from jax.experimental.pallas import tpu_sc as plsc

D = 64
EPS = 1e-6
SQRT_D = math.sqrt(D)

NC = 2
NS = 16
NW = NC * NS

L = 16
NQ = D // 8


def _fused_kernel(table_p, x, pos8, gamma, beta):
    B, S = x.shape
    BPW = B // NW
    mesh = plsc.VectorSubcoreMesh(core_axis_name="c", subcore_axis_name="s")

    @functools.partial(
        pl.kernel,
        out_type=jax.ShapeDtypeStruct((S, NQ, NW, 8, BPW), jnp.float32),
        mesh=mesh,
        scratch_types=[
            pltpu.VMEM((S, BPW), jnp.int32),
            pltpu.VMEM((L, S), jnp.int32),
            pltpu.VMEM((2, BPW, 2 * D), jnp.float32),
            pltpu.VMEM((S, D), jnp.float32),
            pltpu.VMEM((2, D), jnp.float32),
            pltpu.VMEM((2, D, BPW + 1), jnp.float32),
            pltpu.SemaphoreType.DMA,
            pltpu.SemaphoreType.DMA,
        ],
        compiler_params=pltpu.CompilerParams(
            use_tc_tiling_on_sc=False, needs_layout_passes=False
        ),
    )
    def body(table_h, x_h, pos_h, gam_h, bet_h, out_h, idxt_v, tmp_v, slab_v,
             pos_v, gb_v, ob_v, gsem, osem):
        wid = lax.axis_index("s") * NC + lax.axis_index("c")
        b0 = wid * BPW
        pltpu.sync_copy(pos_h, pos_v)
        pltpu.sync_copy(gam_h, gb_v.at[0])
        pltpu.sync_copy(bet_h, gb_v.at[1])
        iota = lax.iota(jnp.int32, L)

        for ch in range(BPW // L):
            pltpu.sync_copy(x_h.at[pl.ds(b0 + ch * L, L)], tmp_v)

            def tr_body(s, carry, _ch=ch):
                sv = jnp.full((L,), s, jnp.int32)
                v = plsc.load_gather(tmp_v, [iota, sv])
                plsc.store_scatter(idxt_v, [sv, iota + _ch * L], v)
                return carry

            lax.fori_loop(0, S, tr_body, 0)

        def fire_gather(s, slab):
            pltpu.async_copy(
                table_h.at[idxt_v.at[s]], slab_v.at[slab], gsem)

        def wait_gather(slab):
            pltpu.make_async_copy(
                table_h.at[pl.ds(0, BPW)], slab_v.at[slab], gsem).wait()

        def fire_outs(s, slab):
            for q in range(NQ):
                pltpu.async_copy(
                    ob_v.at[slab, pl.ds(q * 8, 8), pl.ds(0, BPW)],
                    out_h.at[s, q, wid], osem)

        def wait_outs(slab):
            pltpu.make_async_copy(
                table_h.at[pl.ds(0, D)], slab_v.at[0, pl.ds(0, D)], osem
            ).wait()

        inv_d = 1.0 / D
        inv_dm1 = 1.0 / (D - 1)
        nv = D // L
        gvec = [gb_v[0, pl.ds(L * k, L)] for k in range(nv)]
        bvec = [gb_v[1, pl.ds(L * k, L)] for k in range(nv)]
        crows = [iota + L * k for k in range(nv)]

        def compute(s, slab):
            pvec = [pos_v[s, pl.ds(L * k, L)] for k in range(nv)]

            def tok4(ti, carry, _slab=slab, _pvec=pvec):
                toks = []
                for u in range(8):
                    t = ti * 8 + u
                    h = [
                        slab_v[_slab, t, pl.ds(L * k, L)] + _pvec[k]
                        for k in range(nv)
                    ]
                    toks.append((t, h))
                stats = []
                for t, h in toks:
                    hs = (h[0] + h[1]) + (h[2] + h[3])
                    hq = (h[0] * h[0] + h[1] * h[1]) + (
                        h[2] * h[2] + h[3] * h[3])
                    stats.append((jnp.sum(hs), jnp.sum(hq)))
                for (t, h), (sm, sq) in zip(toks, stats):
                    mean = sm * inv_d
                    var = jnp.maximum((sq - sm * mean) * inv_dm1, 1e-30)
                    bits = lax.bitcast_convert_type(var, jnp.int32)
                    u = lax.bitcast_convert_type(
                        jnp.int32(0x5F3759DF) - (bits >> 1), jnp.float32)
                    u = u * (1.5 - 0.5 * var * u * u)
                    mr = mean * u
                    tvv = jnp.full((L,), t, jnp.int32)
                    for k in range(nv):
                        o = (h[k] * u - mr) * gvec[k] + bvec[k]
                        plsc.store_scatter(
                            ob_v.at[_slab], [crows[k], tvv], o)
                return carry

            lax.fori_loop(0, BPW // 8, tok4, 0)

        fire_gather(0, 0)

        def stage_pair(j, carry):
            for slab in range(2):
                s = 2 * j + slab
                wait_gather(slab)

                @pl.when(s + 1 < S)
                def _():
                    fire_gather(s + 1, 1 - slab)

                @pl.when(s >= 1)
                def _():
                    wait_outs(1 - slab)

                compute(s, slab)
                fire_outs(s, slab)
            return carry

        lax.fori_loop(0, S // 2, stage_pair, 0)
        wait_outs(1)

    return body(table_p, x, pos8, gamma, beta)


def kernel(x, table, gamma, beta, pos_embed):
    b, s = x.shape
    xi = x.astype(jnp.int32)
    pos = lax.slice(pos_embed, (0, 1, 0), (1, s + 1, D))[0]
    pos8 = pos * (1.0 / SQRT_D)
    table_p = lax.pad(table, jnp.float32(0), ((0, 0, 0), (0, D, 0)))
    out5 = _fused_kernel(table_p, xi, pos8, gamma, beta)
    return out5.transpose(2, 4, 0, 1, 3).reshape(b, s, D)

# --- scband reference (transcript-rebuilt; emitter-appended) ---
"""Pipeline reference for scband-text-embed-45389214384142 (READ-ONLY COPY).

The authoritative reference and input builder live on the scoring server;
editing this copy changes nothing except your own understanding.
"""

import jax, jax.numpy as jnp
import numpy as np
import math

VOCAB = 1000000
EMBED_DIM = 64
BATCH = 4096
SEQ = 200
EPS = 1e-6


def get_1d_sincos_pos_embed(embed_dim, length=5000, cls_token=True):
    pos = np.arange(length, dtype=np.float32)
    omega = np.arange(embed_dim // 2, dtype=np.float32)
    omega /= embed_dim / 2.0
    omega = 1.0 / 10000 ** omega
    out = np.einsum('m,d->md', pos, omega)
    emb_sin = np.sin(out)
    emb_cos = np.cos(out)
    emb = np.concatenate([emb_sin, emb_cos], axis=1)
    if cls_token:
        emb = np.concatenate([np.zeros([1, embed_dim], dtype=np.float32), emb], axis=0)
    return emb


def setup_inputs(seed: int = 0) -> dict:
    key = jax.random.key(seed)
    k1, k2 = jax.random.split(key)
    x = jax.random.randint(k1, (BATCH, SEQ), 0, VOCAB, dtype=jnp.int64 if jax.config.jax_enable_x64 else jnp.int32)
    table = jax.random.normal(k2, (VOCAB, EMBED_DIM), dtype=jnp.float32)
    gamma = jnp.ones((EMBED_DIM,), dtype=jnp.float32)
    beta = jnp.zeros((EMBED_DIM,), dtype=jnp.float32)
    pos_embed = jnp.asarray(get_1d_sincos_pos_embed(EMBED_DIM, 5000, cls_token=True))[None, :, :]
    return {"x": x, "table": table, "gamma": gamma, "beta": beta, "pos_embed": pos_embed}


def reference(x, table, gamma, beta, pos_embed):
    # WordEmbed: lut(x) * sqrt(embed_dim)
    emb = jnp.take(table, x, axis=0) * math.sqrt(EMBED_DIM)
    # add (non-trainable) positional embedding, skipping cls slot
    L = emb.shape[1]
    h = emb + pos_embed[:, 1:L + 1]
    # custom LayerNorm: gamma * (x - mean) / (std + eps) + beta, torch std is unbiased (ddof=1)
    mean = jnp.mean(h, axis=-1, keepdims=True)
    std = jnp.std(h, axis=-1, keepdims=True, ddof=1)
    out = gamma * (h - mean) / (std + EPS) + beta
    # dropout p=0.0 -> identity
    return out

if __name__ == "__main__":
    import jax
    _d = setup_inputs()
    print(jax.jit(kernel)(*tuple(_d.values())))

</pallas_src>

<mosaic_0001>
#map = affine_map<(d0, d1) -> (0, 0)>
#map1 = affine_map<(d0, d1) -> (0)>
#map2 = affine_map<(d0, d1) -> (0, 0, 0, 0, 0)>
module attributes {stable_mosaic.version = 14 : i64} {
  func.func @body(%arg0: i32, %arg1: i32, %arg2: memref<1000000x128xf32, #tpu.memory_space<hbm>>, %arg3: memref<4096x200xi32, #tpu.memory_space<hbm>>, %arg4: memref<200x64xf32, #tpu.memory_space<hbm>>, %arg5: memref<64xf32, #tpu.memory_space<hbm>>, %arg6: memref<64xf32, #tpu.memory_space<hbm>>, %arg7: memref<200x8x32x8x128xf32, #tpu.memory_space<hbm>>, %arg8: memref<200x128xi32, #tpu.memory_space<vmem>>, %arg9: memref<16x200xi32, #tpu.memory_space<vmem>>, %arg10: memref<2x128x128xf32, #tpu.memory_space<vmem>>, %arg11: memref<200x64xf32, #tpu.memory_space<vmem>>, %arg12: memref<2x64xf32, #tpu.memory_space<vmem>>, %arg13: memref<2x64x129xf32, #tpu.memory_space<vmem>>, %arg14: memref<!tpu.dma_semaphore, #tpu.memory_space<semaphore_mem>>, %arg15: memref<!tpu.dma_semaphore, #tpu.memory_space<semaphore_mem>>) attributes {dimension_semantics = [#tpu.dimension_semantics<core_parallel>, #tpu.dimension_semantics<subcore_parallel>], iteration_bounds = array<i64: 2, 16>, scalar_prefetch = 0 : i64, scratch_operands = 8 : i64, tpu.core_type = #tpu.core_type<sc_vector_subcore>, window_params = [{transform_indices = #map}, {transform_indices = #map}, {transform_indices = #map}, {transform_indices = #map1}, {transform_indices = #map1}, {transform_indices = #map2}]} {
    %mul3A = arith.constant 2 : i32
    %mul3A_0 = arith.muli %arg1, %mul3A : i32
    %add3A = arith.addi %mul3A_0, %arg0 : i32
    %mul3A_1 = arith.constant 128 : i32
    %mul3A_2 = arith.muli %add3A, %mul3A_1 : i32
    "tpu.region"() ({
      %run_scoped3A_141 = tpu.sem_alloc : memref<!tpu.dma_semaphore, #tpu.memory_space<semaphore_mem>>
      tpu.enqueue_dma source(%arg4 : memref<200x64xf32, #tpu.memory_space<hbm>>) target(%arg11 : memref<200x64xf32, #tpu.memory_space<vmem>>) target_semaphore(%run_scoped3A_141 : memref<!tpu.dma_semaphore, #tpu.memory_space<semaphore_mem>>)
      tpu.wait_dma2 semaphore(%run_scoped3A_141 : memref<!tpu.dma_semaphore, #tpu.memory_space<semaphore_mem>>) src(%arg4 : memref<200x64xf32, #tpu.memory_space<hbm>>) dst(%arg11 : memref<200x64xf32, #tpu.memory_space<vmem>>)
      tpu.yield
    }) : () -> ()
    %run_scoped3A = arith.constant 0 : i32
    "tpu.region"() ({
      %run_scoped3A_141 = tpu.sem_alloc : memref<!tpu.dma_semaphore, #tpu.memory_space<semaphore_mem>>
      %dma_start3A_142 = arith.constant 0 : i32
      %dma_start3A_143 = tpu.memref_slice %arg12[%run_scoped3A, %dma_start3A_142] : memref<2x64xf32, #tpu.memory_space<vmem>> -> memref<1x64xf32, #tpu.memory_space<vmem>>
      %dma_start3A_144 = tpu.memref_squeeze %dma_start3A_143 : memref<1x64xf32, #tpu.memory_space<vmem>> -> memref<64xf32, #tpu.memory_space<vmem>>
      %dma_start3A_145 = arith.constant 0 : i32
      %dma_start3A_146 = tpu.memref_slice %arg12[%run_scoped3A, %dma_start3A_145] : memref<2x64xf32, #tpu.memory_space<vmem>> -> memref<1x64xf32, #tpu.memory_space<vmem>>
      %dma_start3A_147 = tpu.memref_squeeze %dma_start3A_146 : memref<1x64xf32, #tpu.memory_space<vmem>> -> memref<64xf32, #tpu.memory_space<vmem>>
      tpu.enqueue_dma source(%arg5 : memref<64xf32, #tpu.memory_space<hbm>>) target(%dma_start3A_147 : memref<64xf32, #tpu.memory_space<vmem>>) target_semaphore(%run_scoped3A_141 : memref<!tpu.dma_semaphore, #tpu.memory_space<semaphore_mem>>)
      %dma_wait3A_148 = arith.constant 0 : i32
      %dma_wait3A_149 = tpu.memref_slice %arg12[%run_scoped3A, %dma_wait3A_148] : memref<2x64xf32, #tpu.memory_space<vmem>> -> memref<1x64xf32, #tpu.memory_space<vmem>>
      %dma_wait3A_150 = tpu.memref_squeeze %dma_wait3A_149 : memref<1x64xf32, #tpu.memory_space<vmem>> -> memref<64xf32, #tpu.memory_space<vmem>>
      %dma_wait3A_151 = arith.constant 0 : i32
      %dma_wait3A_152 = tpu.memref_slice %arg12[%run_scoped3A, %dma_wait3A_151] : memref<2x64xf32, #tpu.memory_space<vmem>> -> memref<1x64xf32, #tpu.memory_space<vmem>>
      %dma_wait3A_153 = tpu.memref_squeeze %dma_wait3A_152 : memref<1x64xf32, #tpu.memory_space<vmem>> -> memref<64xf32, #tpu.memory_space<vmem>>
      tpu.wait_dma2 semaphore(%run_scoped3A_141 : memref<!tpu.dma_semaphore, #tpu.memory_space<semaphore_mem>>) src(%arg5 : memref<64xf32, #tpu.memory_space<hbm>>) dst(%dma_wait3A_153 : memref<64xf32, #tpu.memory_space<vmem>>)
      tpu.yield
    }) : () -> ()
    %run_scoped3A_3 = arith.constant 1 : i32
    "tpu.region"() ({
      %run_scoped3A_141 = tpu.sem_alloc : memref<!tpu.dma_semaphore, #tpu.memory_space<semaphore_mem>>
      %dma_start3A_142 = arith.constant 0 : i32
      %dma_start3A_143 = tpu.memref_slice %arg12[%run_scoped3A_3, %dma_start3A_142] : memref<2x64xf32, #tpu.memory_space<vmem>> -> memref<1x64xf32, #tpu.memory_space<vmem>>
      %dma_start3A_144 = tpu.memref_squeeze %dma_start3A_143 : memref<1x64xf32, #tpu.memory_space<vmem>> -> memref<64xf32, #tpu.memory_space<vmem>>
      %dma_start3A_145 = arith.constant 0 : i32
      %dma_start3A_146 = tpu.memref_slice %arg12[%run_scoped3A_3, %dma_start3A_145] : memref<2x64xf32, #tpu.memory_space<vmem>> -> memref<1x64xf32, #tpu.memory_space<vmem>>
      %dma_start3A_147 = tpu.memref_squeeze %dma_start3A_146 : memref<1x64xf32, #tpu.memory_space<vmem>> -> memref<64xf32, #tpu.memory_space<vmem>>
      tpu.enqueue_dma source(%arg6 : memref<64xf32, #tpu.memory_space<hbm>>) target(%dma_start3A_147 : memref<64xf32, #tpu.memory_space<vmem>>) target_semaphore(%run_scoped3A_141 : memref<!tpu.dma_semaphore, #tpu.memory_space<semaphore_mem>>)
      %dma_wait3A_148 = arith.constant 0 : i32
      %dma_wait3A_149 = tpu.memref_slice %arg12[%run_scoped3A_3, %dma_wait3A_148] : memref<2x64xf32, #tpu.memory_space<vmem>> -> memref<1x64xf32, #tpu.memory_space<vmem>>
      %dma_wait3A_150 = tpu.memref_squeeze %dma_wait3A_149 : memref<1x64xf32, #tpu.memory_space<vmem>> -> memref<64xf32, #tpu.memory_space<vmem>>
      %dma_wait3A_151 = arith.constant 0 : i32
      %dma_wait3A_152 = tpu.memref_slice %arg12[%run_scoped3A_3, %dma_wait3A_151] : memref<2x64xf32, #tpu.memory_space<vmem>> -> memref<1x64xf32, #tpu.memory_space<vmem>>
      %dma_wait3A_153 = tpu.memref_squeeze %dma_wait3A_152 : memref<1x64xf32, #tpu.memory_space<vmem>> -> memref<64xf32, #tpu.memory_space<vmem>>
      tpu.wait_dma2 semaphore(%run_scoped3A_141 : memref<!tpu.dma_semaphore, #tpu.memory_space<semaphore_mem>>) src(%arg6 : memref<64xf32, #tpu.memory_space<hbm>>) dst(%dma_wait3A_153 : memref<64xf32, #tpu.memory_space<vmem>>)
      tpu.yield
    }) : () -> ()
    %iota3A = tpu.iota {dimensions = array<i32: 0>} : vector<16xi32>
    %add3A_4 = arith.constant 0 : i32
    %add3A_5 = arith.addi %mul3A_2, %add3A_4 : i32
    "tpu.region"() ({
      %run_scoped3A_141 = tpu.sem_alloc : memref<!tpu.dma_semaphore, #tpu.memory_space<semaphore_mem>>
      %dma_start3A_142 = arith.constant 0 : i32
      %dma_start3A_143 = tpu.memref_slice %arg3[%add3A_5, %dma_start3A_142] : memref<4096x200xi32, #tpu.memory_space<hbm>> -> memref<16x200xi32, #tpu.memory_space<hbm>>
      %dma_start3A_144 = arith.constant 0 : i32
      %dma_start3A_145 = tpu.memref_slice %arg3[%add3A_5, %dma_start3A_144] : memref<4096x200xi32, #tpu.memory_space<hbm>> -> memref<16x200xi32, #tpu.memory_space<hbm>>
      tpu.enqueue_dma source(%dma_start3A_145 : memref<16x200xi32, #tpu.memory_space<hbm>>) target(%arg9 : memref<16x200xi32, #tpu.memory_space<vmem>>) target_semaphore(%run_scoped3A_141 : memref<!tpu.dma_semaphore, #tpu.memory_space<semaphore_mem>>)
      %dma_wait3A_146 = arith.constant 0 : i32
      %dma_wait3A_147 = tpu.memref_slice %arg3[%add3A_5, %dma_wait3A_146] : memref<4096x200xi32, #tpu.memory_space<hbm>> -> memref<16x200xi32, #tpu.memory_space<hbm>>
      %dma_wait3A_148 = arith.constant 0 : i32
      %dma_wait3A_149 = tpu.memref_slice %arg3[%add3A_5, %dma_wait3A_148] : memref<4096x200xi32, #tpu.memory_space<hbm>> -> memref<16x200xi32, #tpu.memory_space<hbm>>
      tpu.wait_dma2 semaphore(%run_scoped3A_141 : memref<!tpu.dma_semaphore, #tpu.memory_space<semaphore_mem>>) src(%dma_wait3A_149 : memref<16x200xi32, #tpu.memory_space<hbm>>) dst(%arg9 : memref<16x200xi32, #tpu.memory_space<vmem>>)
      tpu.yield
    }) : () -> ()
    %scan3A = arith.constant 0 : i32
    %scan3A_6 = arith.constant 0 : i32
    %scan3A_7 = arith.constant 200 : i32
    %scan3A_8 = arith.addi %scan3A_6, %scan3A_7 : i32
    %scan3A_9 = arith.constant 1 : i32
    scf.for %scan3A_141 = %scan3A_6 to %scan3A_8 step %scan3A_9  : i32 {
      %broadcast_in_dim3A = vector.broadcast %scan3A_141 : i32 to vector<16xi32>
      %gather3A = tpu.vector_load_idx %arg9[%iota3A, %broadcast_in_dim3A] : memref<16x200xi32, #tpu.memory_space<vmem>>[vector<16xi32>, vector<16xi32>], vector<16xi32>,
      %add3A_142 = arith.constant 0 : i32
      %add3A_143 = vector.broadcast %add3A_142 : i32 to vector<16xi32>
      %add3A_144 = arith.addi %iota3A, %add3A_143 : vector<16xi32>
      tpu.vector_store_idx %arg8[%broadcast_in_dim3A, %add3A_144], %gather3A : memref<200x128xi32, #tpu.memory_space<vmem>>[vector<16xi32>, vector<16xi32>], vector<16xi32>,
    }
    %scan3A_10 = arith.constant 200 : i32
    %add3A_11 = arith.constant 16 : i32
    %add3A_12 = arith.addi %mul3A_2, %add3A_11 : i32
    "tpu.region"() ({
      %run_scoped3A_141 = tpu.sem_alloc : memref<!tpu.dma_semaphore, #tpu.memory_space<semaphore_mem>>
      %dma_start3A_142 = arith.constant 0 : i32
      %dma_start3A_143 = tpu.memref_slice %arg3[%add3A_12, %dma_start3A_142] : memref<4096x200xi32, #tpu.memory_space<hbm>> -> memref<16x200xi32, #tpu.memory_space<hbm>>
      %dma_start3A_144 = arith.constant 0 : i32
      %dma_start3A_145 = tpu.memref_slice %arg3[%add3A_12, %dma_start3A_144] : memref<4096x200xi32, #tpu.memory_space<hbm>> -> memref<16x200xi32, #tpu.memory_space<hbm>>
      tpu.enqueue_dma source(%dma_start3A_145 : memref<16x200xi32, #tpu.memory_space<hbm>>) target(%arg9 : memref<16x200xi32, #tpu.memory_space<vmem>>) target_semaphore(%run_scoped3A_141 : memref<!tpu.dma_semaphore, #tpu.memory_space<semaphore_mem>>)
      %dma_wait3A_146 = arith.constant 0 : i32
      %dma_wait3A_147 = tpu.memref_slice %arg3[%add3A_12, %dma_wait3A_146] : memref<4096x200xi32, #tpu.memory_space<hbm>> -> memref<16x200xi32, #tpu.memory_space<hbm>>
      %dma_wait3A_148 = arith.constant 0 : i32
      %dma_wait3A_149 = tpu.memref_slice %arg3[%add3A_12, %dma_wait3A_148] : memref<4096x200xi32, #tpu.memory_space<hbm>> -> memref<16x200xi32, #tpu.memory_space<hbm>>
      tpu.wait_dma2 semaphore(%run_scoped3A_141 : memref<!tpu.dma_semaphore, #tpu.memory_space<semaphore_mem>>) src(%dma_wait3A_149 : memref<16x200xi32, #tpu.memory_space<hbm>>) dst(%arg9 : memref<16x200xi32, #tpu.memory_space<vmem>>)
      tpu.yield
    }) : () -> ()
    %scan3A_13 = arith.constant 0 : i32
    %scan3A_14 = arith.constant 0 : i32
    %scan3A_15 = arith.constant 200 : i32
    %scan3A_16 = arith.addi %scan3A_14, %scan3A_15 : i32
    %scan3A_17 = arith.constant 1 : i32
    scf.for %scan3A_141 = %scan3A_14 to %scan3A_16 step %scan3A_17  : i32 {
      %broadcast_in_dim3A = vector.broadcast %scan3A_141 : i32 to vector<16xi32>
      %gather3A = tpu.vector_load_idx %arg9[%iota3A, %broadcast_in_dim3A] : memref<16x200xi32, #tpu.memory_space<vmem>>[vector<16xi32>, vector<16xi32>], vector<16xi32>,
      %add3A_142 = arith.constant 16 : i32
      %add3A_143 = vector.broadcast %add3A_142 : i32 to vector<16xi32>
      %add3A_144 = arith.addi %iota3A, %add3A_143 : vector<16xi32>
      tpu.vector_store_idx %arg8[%broadcast_in_dim3A, %add3A_144], %gather3A : memref<200x128xi32, #tpu.memory_space<vmem>>[vector<16xi32>, vector<16xi32>], vector<16xi32>,
    }
    %scan3A_18 = arith.constant 200 : i32
    %add3A_19 = arith.constant 32 : i32
    %add3A_20 = arith.addi %mul3A_2, %add3A_19 : i32
    "tpu.region"() ({
      %run_scoped3A_141 = tpu.sem_alloc : memref<!tpu.dma_semaphore, #tpu.memory_space<semaphore_mem>>
      %dma_start3A_142 = arith.constant 0 : i32
      %dma_start3A_143 = tpu.memref_slice %arg3[%add3A_20, %dma_start3A_142] : memref<4096x200xi32, #tpu.memory_space<hbm>> -> memref<16x200xi32, #tpu.memory_space<hbm>>
      %dma_start3A_144 = arith.constant 0 : i32
      %dma_start3A_145 = tpu.memref_slice %arg3[%add3A_20, %dma_start3A_144] : memref<4096x200xi32, #tpu.memory_space<hbm>> -> memref<16x200xi32, #tpu.memory_space<hbm>>
      tpu.enqueue_dma source(%dma_start3A_145 : memref<16x200xi32, #tpu.memory_space<hbm>>) target(%arg9 : memref<16x200xi32, #tpu.memory_space<vmem>>) target_semaphore(%run_scoped3A_141 : memref<!tpu.dma_semaphore, #tpu.memory_space<semaphore_mem>>)
      %dma_wait3A_146 = arith.constant 0 : i32
      %dma_wait3A_147 = tpu.memref_slice %arg3[%add3A_20, %dma_wait3A_146] : memref<4096x200xi32, #tpu.memory_space<hbm>> -> memref<16x200xi32, #tpu.memory_space<hbm>>
      %dma_wait3A_148 = arith.constant 0 : i32
      %dma_wait3A_149 = tpu.memref_slice %arg3[%add3A_20, %dma_wait3A_148] : memref<4096x200xi32, #tpu.memory_space<hbm>> -> memref<16x200xi32, #tpu.memory_space<hbm>>
      tpu.wait_dma2 semaphore(%run_scoped3A_141 : memref<!tpu.dma_semaphore, #tpu.memory_space<semaphore_mem>>) src(%dma_wait3A_149 : memref<16x200xi32, #tpu.memory_space<hbm>>) dst(%arg9 : memref<16x200xi32, #tpu.memory_space<vmem>>)
      tpu.yield
    }) : () -> ()
    %scan3A_21 = arith.constant 0 : i32
    %scan3A_22 = arith.constant 0 : i32
    %scan3A_23 = arith.constant 200 : i32
    %scan3A_24 = arith.addi %scan3A_22, %scan3A_23 : i32
    %scan3A_25 = arith.constant 1 : i32
    scf.for %scan3A_141 = %scan3A_22 to %scan3A_24 step %scan3A_25  : i32 {
      %broadcast_in_dim3A = vector.broadcast %scan3A_141 : i32 to vector<16xi32>
      %gather3A = tpu.vector_load_idx %arg9[%iota3A, %broadcast_in_dim3A] : memref<16x200xi32, #tpu.memory_space<vmem>>[vector<16xi32>, vector<16xi32>], vector<16xi32>,
      %add3A_142 = arith.constant 32 : i32
      %add3A_143 = vector.broadcast %add3A_142 : i32 to vector<16xi32>
      %add3A_144 = arith.addi %iota3A, %add3A_143 : vector<16xi32>
      tpu.vector_store_idx %arg8[%broadcast_in_dim3A, %add3A_144], %gather3A : memref<200x128xi32, #tpu.memory_space<vmem>>[vector<16xi32>, vector<16xi32>], vector<16xi32>,
    }
    %scan3A_26 = arith.constant 200 : i32
    %add3A_27 = arith.constant 48 : i32
    %add3A_28 = arith.addi %mul3A_2, %add3A_27 : i32
    "tpu.region"() ({
      %run_scoped3A_141 = tpu.sem_alloc : memref<!tpu.dma_semaphore, #tpu.memory_space<semaphore_mem>>
      %dma_start3A_142 = arith.constant 0 : i32
      %dma_start3A_143 = tpu.memref_slice %arg3[%add3A_28, %dma_start3A_142] : memref<4096x200xi32, #tpu.memory_space<hbm>> -> memref<16x200xi32, #tpu.memory_space<hbm>>
      %dma_start3A_144 = arith.constant 0 : i32
      %dma_start3A_145 = tpu.memref_slice %arg3[%add3A_28, %dma_start3A_144] : memref<4096x200xi32, #tpu.memory_space<hbm>> -> memref<16x200xi32, #tpu.memory_space<hbm>>
      tpu.enqueue_dma source(%dma_start3A_145 : memref<16x200xi32, #tpu.memory_space<hbm>>) target(%arg9 : memref<16x200xi32, #tpu.memory_space<vmem>>) target_semaphore(%run_scoped3A_141 : memref<!tpu.dma_semaphore, #tpu.memory_space<semaphore_mem>>)
      %dma_wait3A_146 = arith.constant 0 : i32
      %dma_wait3A_147 = tpu.memref_slice %arg3[%add3A_28, %dma_wait3A_146] : memref<4096x200xi32, #tpu.memory_space<hbm>> -> memref<16x200xi32, #tpu.memory_space<hbm>>
      %dma_wait3A_148 = arith.constant 0 : i32
      %dma_wait3A_149 = tpu.memref_slice %arg3[%add3A_28, %dma_wait3A_148] : memref<4096x200xi32, #tpu.memory_space<hbm>> -> memref<16x200xi32, #tpu.memory_space<hbm>>
      tpu.wait_dma2 semaphore(%run_scoped3A_141 : memref<!tpu.dma_semaphore, #tpu.memory_space<semaphore_mem>>) src(%dma_wait3A_149 : memref<16x200xi32, #tpu.memory_space<hbm>>) dst(%arg9 : memref<16x200xi32, #tpu.memory_space<vmem>>)
      tpu.yield
    }) : () -> ()
    %scan3A_29 = arith.constant 0 : i32
    %scan3A_30 = arith.constant 0 : i32
    %scan3A_31 = arith.constant 200 : i32
    %scan3A_32 = arith.addi %scan3A_30, %scan3A_31 : i32
    %scan3A_33 = arith.constant 1 : i32
    scf.for %scan3A_141 = %scan3A_30 to %scan3A_32 step %scan3A_33  : i32 {
      %broadcast_in_dim3A = vector.broadcast %scan3A_141 : i32 to vector<16xi32>
      %gather3A = tpu.vector_load_idx %arg9[%iota3A, %broadcast_in_dim3A] : memref<16x200xi32, #tpu.memory_space<vmem>>[vector<16xi32>, vector<16xi32>], vector<16xi32>,
      %add3A_142 = arith.constant 48 : i32
      %add3A_143 = vector.broadcast %add3A_142 : i32 to vector<16xi32>
      %add3A_144 = arith.addi %iota3A, %add3A_143 : vector<16xi32>
      tpu.vector_store_idx %arg8[%broadcast_in_dim3A, %add3A_144], %gather3A : memref<200x128xi32, #tpu.memory_space<vmem>>[vector<16xi32>, vector<16xi32>], vector<16xi32>,
    }
    %scan3A_34 = arith.constant 200 : i32
    %add3A_35 = arith.constant 64 : i32
    %add3A_36 = arith.addi %mul3A_2, %add3A_35 : i32
    "tpu.region"() ({
      %run_scoped3A_141 = tpu.sem_alloc : memref<!tpu.dma_semaphore, #tpu.memory_space<semaphore_mem>>
      %dma_start3A_142 = arith.constant 0 : i32
      %dma_start3A_143 = tpu.memref_slice %arg3[%add3A_36, %dma_start3A_142] : memref<4096x200xi32, #tpu.memory_space<hbm>> -> memref<16x200xi32, #tpu.memory_space<hbm>>
      %dma_start3A_144 = arith.constant 0 : i32
      %dma_start3A_145 = tpu.memref_slice %arg3[%add3A_36, %dma_start3A_144] : memref<4096x200xi32, #tpu.memory_space<hbm>> -> memref<16x200xi32, #tpu.memory_space<hbm>>
      tpu.enqueue_dma source(%dma_start3A_145 : memref<16x200xi32, #tpu.memory_space<hbm>>) target(%arg9 : memref<16x200xi32, #tpu.memory_space<vmem>>) target_semaphore(%run_scoped3A_141 : memref<!tpu.dma_semaphore, #tpu.memory_space<semaphore_mem>>)
      %dma_wait3A_146 = arith.constant 0 : i32
      %dma_wait3A_147 = tpu.memref_slice %arg3[%add3A_36, %dma_wait3A_146] : memref<4096x200xi32, #tpu.memory_space<hbm>> -> memref<16x200xi32, #tpu.memory_space<hbm>>
      %dma_wait3A_148 = arith.constant 0 : i32
      %dma_wait3A_149 = tpu.memref_slice %arg3[%add3A_36, %dma_wait3A_148] : memref<4096x200xi32, #tpu.memory_space<hbm>> -> memref<16x200xi32, #tpu.memory_space<hbm>>
      tpu.wait_dma2 semaphore(%run_scoped3A_141 : memref<!tpu.dma_semaphore, #tpu.memory_space<semaphore_mem>>) src(%dma_wait3A_149 : memref<16x200xi32, #tpu.memory_space<hbm>>) dst(%arg9 : memref<16x200xi32, #tpu.memory_space<vmem>>)
      tpu.yield
    }) : () -> ()
    %scan3A_37 = arith.constant 0 : i32
    %scan3A_38 = arith.constant 0 : i32
    %scan3A_39 = arith.constant 200 : i32
    %scan3A_40 = arith.addi %scan3A_38, %scan3A_39 : i32
    %scan3A_41 = arith.constant 1 : i32
    scf.for %scan3A_141 = %scan3A_38 to %scan3A_40 step %scan3A_41  : i32 {
      %broadcast_in_dim3A = vector.broadcast %scan3A_141 : i32 to vector<16xi32>
      %gather3A = tpu.vector_load_idx %arg9[%iota3A, %broadcast_in_dim3A] : memref<16x200xi32, #tpu.memory_space<vmem>>[vector<16xi32>, vector<16xi32>], vector<16xi32>,
      %add3A_142 = arith.constant 64 : i32
      %add3A_143 = vector.broadcast %add3A_142 : i32 to vector<16xi32>
      %add3A_144 = arith.addi %iota3A, %add3A_143 : vector<16xi32>
      tpu.vector_store_idx %arg8[%broadcast_in_dim3A, %add3A_144], %gather3A : memref<200x128xi32, #tpu.memory_space<vmem>>[vector<16xi32>, vector<16xi32>], vector<16xi32>,
    }
    %scan3A_42 = arith.constant 200 : i32
    %add3A_43 = arith.constant 80 : i32
    %add3A_44 = arith.addi %mul3A_2, %add3A_43 : i32
    "tpu.region"() ({
      %run_scoped3A_141 = tpu.sem_alloc : memref<!tpu.dma_semaphore, #tpu.memory_space<semaphore_mem>>
      %dma_start3A_142 = arith.constant 0 : i32
      %dma_start3A_143 = tpu.memref_slice %arg3[%add3A_44, %dma_start3A_142] : memref<4096x200xi32, #tpu.memory_space<hbm>> -> memref<16x200xi32, #tpu.memory_space<hbm>>
      %dma_start3A_144 = arith.constant 0 : i32
      %dma_start3A_145 = tpu.memref_slice %arg3[%add3A_44, %dma_start3A_144] : memref<4096x200xi32, #tpu.memory_space<hbm>> -> memref<16x200xi32, #tpu.memory_space<hbm>>
      tpu.enqueue_dma source(%dma_start3A_145 : memref<16x200xi32, #tpu.memory_space<hbm>>) target(%arg9 : memref<16x200xi32, #tpu.memory_space<vmem>>) target_semaphore(%run_scoped3A_141 : memref<!tpu.dma_semaphore, #tpu.memory_space<semaphore_mem>>)
      %dma_wait3A_146 = arith.constant 0 : i32
      %dma_wait3A_147 = tpu.memref_slice %arg3[%add3A_44, %dma_wait3A_146] : memref<4096x200xi32, #tpu.memory_space<hbm>> -> memref<16x200xi32, #tpu.memory_space<hbm>>
      %dma_wait3A_148 = arith.constant 0 : i32
      %dma_wait3A_149 = tpu.memref_slice %arg3[%add3A_44, %dma_wait3A_148] : memref<4096x200xi32, #tpu.memory_space<hbm>> -> memref<16x200xi32, #tpu.memory_space<hbm>>
      tpu.wait_dma2 semaphore(%run_scoped3A_141 : memref<!tpu.dma_semaphore, #tpu.memory_space<semaphore_mem>>) src(%dma_wait3A_149 : memref<16x200xi32, #tpu.memory_space<hbm>>) dst(%arg9 : memref<16x200xi32, #tpu.memory_space<vmem>>)
      tpu.yield
    }) : () -> ()
    %scan3A_45 = arith.constant 0 : i32
    %scan3A_46 = arith.constant 0 : i32
    %scan3A_47 = arith.constant 200 : i32
    %scan3A_48 = arith.addi %scan3A_46, %scan3A_47 : i32
    %scan3A_49 = arith.constant 1 : i32
    scf.for %scan3A_141 = %scan3A_46 to %scan3A_48 step %scan3A_49  : i32 {
      %broadcast_in_dim3A = vector.broadcast %scan3A_141 : i32 to vector<16xi32>
      %gather3A = tpu.vector_load_idx %arg9[%iota3A, %broadcast_in_dim3A] : memref<16x200xi32, #tpu.memory_space<vmem>>[vector<16xi32>, vector<16xi32>], vector<16xi32>,
      %add3A_142 = arith.constant 80 : i32
      %add3A_143 = vector.broadcast %add3A_142 : i32 to vector<16xi32>
      %add3A_144 = arith.addi %iota3A, %add3A_143 : vector<16xi32>
      tpu.vector_store_idx %arg8[%broadcast_in_dim3A, %add3A_144], %gather3A : memref<200x128xi32, #tpu.memory_space<vmem>>[vector<16xi32>, vector<16xi32>], vector<16xi32>,
    }
    %scan3A_50 = arith.constant 200 : i32
    %add3A_51 = arith.constant 96 : i32
    %add3A_52 = arith.addi %mul3A_2, %add3A_51 : i32
    "tpu.region"() ({
      %run_scoped3A_141 = tpu.sem_alloc : memref<!tpu.dma_semaphore, #tpu.memory_space<semaphore_mem>>
      %dma_start3A_142 = arith.constant 0 : i32
      %dma_start3A_143 = tpu.memref_slice %arg3[%add3A_52, %dma_start3A_142] : memref<4096x200xi32, #tpu.memory_space<hbm>> -> memref<16x200xi32, #tpu.memory_space<hbm>>
      %dma_start3A_144 = arith.constant 0 : i32
      %dma_start3A_145 = tpu.memref_slice %arg3[%add3A_52, %dma_start3A_144] : memref<4096x200xi32, #tpu.memory_space<hbm>> -> memref<16x200xi32, #tpu.memory_space<hbm>>
      tpu.enqueue_dma source(%dma_start3A_145 : memref<16x200xi32, #tpu.memory_space<hbm>>) target(%arg9 : memref<16x200xi32, #tpu.memory_space<vmem>>) target_semaphore(%run_scoped3A_141 : memref<!tpu.dma_semaphore, #tpu.memory_space<semaphore_mem>>)
      %dma_wait3A_146 = arith.constant 0 : i32
      %dma_wait3A_147 = tpu.memref_slice %arg3[%add3A_52, %dma_wait3A_146] : memref<4096x200xi32, #tpu.memory_space<hbm>> -> memref<16x200xi32, #tpu.memory_space<hbm>>
      %dma_wait3A_148 = arith.constant 0 : i32
      %dma_wait3A_149 = tpu.memref_slice %arg3[%add3A_52, %dma_wait3A_148] : memref<4096x200xi32, #tpu.memory_space<hbm>> -> memref<16x200xi32, #tpu.memory_space<hbm>>
      tpu.wait_dma2 semaphore(%run_scoped3A_141 : memref<!tpu.dma_semaphore, #tpu.memory_space<semaphore_mem>>) src(%dma_wait3A_149 : memref<16x200xi32, #tpu.memory_space<hbm>>) dst(%arg9 : memref<16x200xi32, #tpu.memory_space<vmem>>)
      tpu.yield
    }) : () -> ()
    %scan3A_53 = arith.constant 0 : i32
    %scan3A_54 = arith.constant 0 : i32
    %scan3A_55 = arith.constant 200 : i32
    %scan3A_56 = arith.addi %scan3A_54, %scan3A_55 : i32
    %scan3A_57 = arith.constant 1 : i32
    scf.for %scan3A_141 = %scan3A_54 to %scan3A_56 step %scan3A_57  : i32 {
      %broadcast_in_dim3A = vector.broadcast %scan3A_141 : i32 to vector<16xi32>
      %gather3A = tpu.vector_load_idx %arg9[%iota3A, %broadcast_in_dim3A] : memref<16x200xi32, #tpu.memory_space<vmem>>[vector<16xi32>, vector<16xi32>], vector<16xi32>,
      %add3A_142 = arith.constant 96 : i32
      %add3A_143 = vector.broadcast %add3A_142 : i32 to vector<16xi32>
      %add3A_144 = arith.addi %iota3A, %add3A_143 : vector<16xi32>
      tpu.vector_store_idx %arg8[%broadcast_in_dim3A, %add3A_144], %gather3A : memref<200x128xi32, #tpu.memory_space<vmem>>[vector<16xi32>, vector<16xi32>], vector<16xi32>,
    }
    %scan3A_58 = arith.constant 200 : i32
    %add3A_59 = arith.constant 112 : i32
    %add3A_60 = arith.addi %mul3A_2, %add3A_59 : i32
    "tpu.region"() ({
      %run_scoped3A_141 = tpu.sem_alloc : memref<!tpu.dma_semaphore, #tpu.memory_space<semaphore_mem>>
      %dma_start3A_142 = arith.constant 0 : i32
      %dma_start3A_143 = tpu.memref_slice %arg3[%add3A_60, %dma_start3A_142] : memref<4096x200xi32, #tpu.memory_space<hbm>> -> memref<16x200xi32, #tpu.memory_space<hbm>>
      %dma_start3A_144 = arith.constant 0 : i32
      %dma_start3A_145 = tpu.memref_slice %arg3[%add3A_60, %dma_start3A_144] : memref<4096x200xi32, #tpu.memory_space<hbm>> -> memref<16x200xi32, #tpu.memory_space<hbm>>
      tpu.enqueue_dma source(%dma_start3A_145 : memref<16x200xi32, #tpu.memory_space<hbm>>) target(%arg9 : memref<16x200xi32, #tpu.memory_space<vmem>>) target_semaphore(%run_scoped3A_141 : memref<!tpu.dma_semaphore, #tpu.memory_space<semaphore_mem>>)
      %dma_wait3A_146 = arith.constant 0 : i32
      %dma_wait3A_147 = tpu.memref_slice %arg3[%add3A_60, %dma_wait3A_146] : memref<4096x200xi32, #tpu.memory_space<hbm>> -> memref<16x200xi32, #tpu.memory_space<hbm>>
      %dma_wait3A_148 = arith.constant 0 : i32
      %dma_wait3A_149 = tpu.memref_slice %arg3[%add3A_60, %dma_wait3A_148] : memref<4096x200xi32, #tpu.memory_space<hbm>> -> memref<16x200xi32, #tpu.memory_space<hbm>>
      tpu.wait_dma2 semaphore(%run_scoped3A_141 : memref<!tpu.dma_semaphore, #tpu.memory_space<semaphore_mem>>) src(%dma_wait3A_149 : memref<16x200xi32, #tpu.memory_space<hbm>>) dst(%arg9 : memref<16x200xi32, #tpu.memory_space<vmem>>)
      tpu.yield
    }) : () -> ()
    %scan3A_61 = arith.constant 0 : i32
    %scan3A_62 = arith.constant 0 : i32
    %scan3A_63 = arith.constant 200 : i32
    %scan3A_64 = arith.addi %scan3A_62, %scan3A_63 : i32
    %scan3A_65 = arith.constant 1 : i32
    scf.for %scan3A_141 = %scan3A_62 to %scan3A_64 step %scan3A_65  : i32 {
      %broadcast_in_dim3A = vector.broadcast %scan3A_141 : i32 to vector<16xi32>
      %gather3A = tpu.vector_load_idx %arg9[%iota3A, %broadcast_in_dim3A] : memref<16x200xi32, #tpu.memory_space<vmem>>[vector<16xi32>, vector<16xi32>], vector<16xi32>,
      %add3A_142 = arith.constant 112 : i32
      %add3A_143 = vector.broadcast %add3A_142 : i32 to vector<16xi32>
      %add3A_144 = arith.addi %iota3A, %add3A_143 : vector<16xi32>
      tpu.vector_store_idx %arg8[%broadcast_in_dim3A, %add3A_144], %gather3A : memref<200x128xi32, #tpu.memory_space<vmem>>[vector<16xi32>, vector<16xi32>], vector<16xi32>,
    }
    %scan3A_66 = arith.constant 200 : i32
    %get3A = arith.constant 0 : i32
    %get3A_67 = arith.index_cast %get3A : i32 to index
    %get3A_68 = arith.constant 0 : index
    %get3A_69 = tpu.vector_load %arg12[%get3A_67, %get3A_68] {strides = array<i32>} : memref<2x64xf32, #tpu.memory_space<vmem>>, vector<16xf32>,
    %get3A_70 = arith.constant 0 : i32
    %get3A_71 = arith.index_cast %get3A_70 : i32 to index
    %get3A_72 = arith.constant 16 : index
    %get3A_73 = tpu.vector_load %arg12[%get3A_71, %get3A_72] {strides = array<i32>} : memref<2x64xf32, #tpu.memory_space<vmem>>, vector<16xf32>,
    %get3A_74 = arith.constant 0 : i32
    %get3A_75 = arith.index_cast %get3A_74 : i32 to index
    %get3A_76 = arith.constant 32 : index
    %get3A_77 = tpu.vector_load %arg12[%get3A_75, %get3A_76] {strides = array<i32>} : memref<2x64xf32, #tpu.memory_space<vmem>>, vector<16xf32>,
    %get3A_78 = arith.constant 0 : i32
    %get3A_79 = arith.index_cast %get3A_78 : i32 to index
    %get3A_80 = arith.constant 48 : index
    %get3A_81 = tpu.vector_load %arg12[%get3A_79, %get3A_80] {strides = array<i32>} : memref<2x64xf32, #tpu.memory_space<vmem>>, vector<16xf32>,
    %get3A_82 = arith.constant 1 : i32
    %get3A_83 = arith.index_cast %get3A_82 : i32 to index
    %get3A_84 = arith.constant 0 : index
    %get3A_85 = tpu.vector_load %arg12[%get3A_83, %get3A_84] {strides = array<i32>} : memref<2x64xf32, #tpu.memory_space<vmem>>, vector<16xf32>,
    %get3A_86 = arith.constant 1 : i32
    %get3A_87 = arith.index_cast %get3A_86 : i32 to index
    %get3A_88 = arith.constant 16 : index
    %get3A_89 = tpu.vector_load %arg12[%get3A_87, %get3A_88] {strides = array<i32>} : memref<2x64xf32, #tpu.memory_space<vmem>>, vector<16xf32>,
    %get3A_90 = arith.constant 1 : i32
    %get3A_91 = arith.index_cast %get3A_90 : i32 to index
    %get3A_92 = arith.constant 32 : index
    %get3A_93 = tpu.vector_load %arg12[%get3A_91, %get3A_92] {strides = array<i32>} : memref<2x64xf32, #tpu.memory_space<vmem>>, vector<16xf32>,
    %get3A_94 = arith.constant 1 : i32
    %get3A_95 = arith.index_cast %get3A_94 : i32 to index
    %get3A_96 = arith.constant 48 : index
    %get3A_97 = tpu.vector_load %arg12[%get3A_95, %get3A_96] {strides = array<i32>} : memref<2x64xf32, #tpu.memory_space<vmem>>, vector<16xf32>,
    %add3A_98 = arith.constant 0 : i32
    %add3A_99 = vector.broadcast %add3A_98 : i32 to vector<16xi32>
    %add3A_100 = arith.addi %iota3A, %add3A_99 : vector<16xi32>
    %add3A_101 = arith.constant 16 : i32
    %add3A_102 = vector.broadcast %add3A_101 : i32 to vector<16xi32>
    %add3A_103 = arith.addi %iota3A, %add3A_102 : vector<16xi32>
    %add3A_104 = arith.constant 32 : i32
    %add3A_105 = vector.broadcast %add3A_104 : i32 to vector<16xi32>
    %add3A_106 = arith.addi %iota3A, %add3A_105 : vector<16xi32>
    %add3A_107 = arith.constant 48 : i32
    %add3A_108 = vector.broadcast %add3A_107 : i32 to vector<16xi32>
    %add3A_109 = arith.addi %iota3A, %add3A_108 : vector<16xi32>
    %dma_start3A = arith.constant 0 : i32
    %dma_start3A_110 = arith.constant 0 : i32
    %dma_start3A_111 = arith.constant 0 : i32
    %dma_start3A_112 = arith.constant 0 : i32
    %dma_start3A_113 = tpu.memref_slice %arg10[%dma_start3A_110, %dma_start3A_111, %dma_start3A_112] : memref<2x128x128xf32, #tpu.memory_space<vmem>> -> memref<1x128x128xf32, #tpu.memory_space<vmem>>
    %dma_start3A_114 = tpu.memref_squeeze %dma_start3A_113 : memref<1x128x128xf32, #tpu.memory_space<vmem>> -> memref<128x128xf32, #tpu.memory_space<vmem>>
    %dma_start3A_115 = arith.constant 0 : i32
    %dma_start3A_116 = tpu.memref_slice %arg8[%dma_start3A, %dma_start3A_115] : memref<200x128xi32, #tpu.memory_space<vmem>> -> memref<1x128xi32, #tpu.memory_space<vmem>>
    %dma_start3A_117 = tpu.memref_squeeze %dma_start3A_116 : memref<1x128xi32, #tpu.memory_space<vmem>> -> memref<128xi32, #tpu.memory_space<vmem>>
    %dma_start3A_118 = arith.constant 0 : i32
    %dma_start3A_119 = arith.constant 0 : i32
    %dma_start3A_120 = tpu.memref_slice %arg2[%dma_start3A_118, %dma_start3A_119] : memref<1000000x128xf32, #tpu.memory_space<hbm>> -> memref<1000000x128xf32, #tpu.memory_space<hbm>>
    tpu.enqueue_indirect_dma source(%dma_start3A_120 : memref<1000000x128xf32, #tpu.memory_space<hbm>>) target(%dma_start3A_114 : memref<128x128xf32, #tpu.memory_space<vmem>>) offsets(%dma_start3A_117 : memref<128xi32, #tpu.memory_space<vmem>>) semaphore(%arg14 : memref<!tpu.dma_semaphore, #tpu.memory_space<semaphore_mem>>)
    %scan3A_121 = arith.constant 0 : i32
    %scan3A_122 = arith.constant 0 : i32
    %scan3A_123 = arith.constant 100 : i32
    %scan3A_124 = arith.addi %scan3A_122, %scan3A_123 : i32
    %scan3A_125 = arith.constant 1 : i32
    scf.for %scan3A_141 = %scan3A_122 to %scan3A_124 step %scan3A_125  : i32 {
      %mul3A_142 = arith.constant 2 : i32
      %mul3A_143 = arith.muli %mul3A_142, %scan3A_141 : i32
      %add3A_144 = arith.constant 0 : i32
      %add3A_145 = arith.addi %mul3A_143, %add3A_144 : i32
      %dma_wait3A_146 = arith.constant 0 : i32
      %dma_wait3A_147 = arith.constant 0 : i32
      %dma_wait3A_148 = arith.constant 0 : i32
      %dma_wait3A_149 = tpu.memref_slice %arg10[%dma_wait3A_146, %dma_wait3A_147, %dma_wait3A_148] : memref<2x128x128xf32, #tpu.memory_space<vmem>> -> memref<1x128x128xf32, #tpu.memory_space<vmem>>
      %dma_wait3A_150 = tpu.memref_squeeze %dma_wait3A_149 : memref<1x128x128xf32, #tpu.memory_space<vmem>> -> memref<128x128xf32, #tpu.memory_space<vmem>>
      %dma_wait3A_151 = arith.constant 0 : i32
      %dma_wait3A_152 = arith.constant 0 : i32
      %dma_wait3A_153 = tpu.memref_slice %arg2[%dma_wait3A_151, %dma_wait3A_152] : memref<1000000x128xf32, #tpu.memory_space<hbm>> -> memref<128x128xf32, #tpu.memory_space<hbm>>
      %dma_wait3A_154 = arith.constant 0 : i32
      %dma_wait3A_155 = arith.constant 0 : i32
      %dma_wait3A_156 = tpu.memref_slice %arg10[%dma_wait3A_146, %dma_wait3A_154, %dma_wait3A_155] : memref<2x128x128xf32, #tpu.memory_space<vmem>> -> memref<1x128x128xf32, #tpu.memory_space<vmem>>
      %dma_wait3A_157 = tpu.memref_squeeze %dma_wait3A_156 : memref<1x128x128xf32, #tpu.memory_space<vmem>> -> memref<128x128xf32, #tpu.memory_space<vmem>>
      %dma_wait3A_158 = arith.constant 0 : i32
      %dma_wait3A_159 = arith.constant 0 : i32
      %dma_wait3A_160 = tpu.memref_slice %arg2[%dma_wait3A_158, %dma_wait3A_159] : memref<1000000x128xf32, #tpu.memory_space<hbm>> -> memref<128x128xf32, #tpu.memory_space<hbm>>
      tpu.wait_dma2 semaphore(%arg14 : memref<!tpu.dma_semaphore, #tpu.memory_space<semaphore_mem>>) src(%dma_wait3A_160 : memref<128x128xf32, #tpu.memory_space<hbm>>) dst(%dma_wait3A_157 : memref<128x128xf32, #tpu.memory_space<vmem>>)
      %add3A_161 = arith.constant 1 : i32
      %add3A_162 = arith.addi %add3A_145, %add3A_161 : i32
      %lt3A = arith.constant 200 : i32
      %lt3A_163 = arith.cmpi slt, %add3A_162, %lt3A : i32
      %convert_element_type3A = arith.extui %lt3A_163 : i1 to i32
      %cond3A = arith.constant 0 : i32
      %cond3A_164 = arith.cmpi ne, %convert_element_type3A, %cond3A : i32
      scf.if %cond3A_164 {
        %add3A_524 = arith.constant 1 : i32
        %add3A_525 = arith.addi %add3A_145, %add3A_524 : i32
        %dma_start3A_526 = arith.constant 1 : i32
        %dma_start3A_527 = arith.constant 0 : i32
        %dma_start3A_528 = arith.constant 0 : i32
        %dma_start3A_529 = tpu.memref_slice %arg10[%dma_start3A_526, %dma_start3A_527, %dma_start3A_528] : memref<2x128x128xf32, #tpu.memory_space<vmem>> -> memref<1x128x128xf32, #tpu.memory_space<vmem>>
        %dma_start3A_530 = tpu.memref_squeeze %dma_start3A_529 : memref<1x128x128xf32, #tpu.memory_space<vmem>> -> memref<128x128xf32, #tpu.memory_space<vmem>>
        %dma_start3A_531 = arith.constant 0 : i32
        %dma_start3A_532 = tpu.memref_slice %arg8[%add3A_525, %dma_start3A_531] : memref<200x128xi32, #tpu.memory_space<vmem>> -> memref<1x128xi32, #tpu.memory_space<vmem>>
        %dma_start3A_533 = tpu.memref_squeeze %dma_start3A_532 : memref<1x128xi32, #tpu.memory_space<vmem>> -> memref<128xi32, #tpu.memory_space<vmem>>
        %dma_start3A_534 = arith.constant 0 : i32
        %dma_start3A_535 = arith.constant 0 : i32
        %dma_start3A_536 = tpu.memref_slice %arg2[%dma_start3A_534, %dma_start3A_535] : memref<1000000x128xf32, #tpu.memory_space<hbm>> -> memref<1000000x128xf32, #tpu.memory_space<hbm>>
        tpu.enqueue_indirect_dma source(%dma_start3A_536 : memref<1000000x128xf32, #tpu.memory_space<hbm>>) target(%dma_start3A_530 : memref<128x128xf32, #tpu.memory_space<vmem>>) offsets(%dma_start3A_533 : memref<128xi32, #tpu.memory_space<vmem>>) semaphore(%arg14 : memref<!tpu.dma_semaphore, #tpu.memory_space<semaphore_mem>>)
      } else {
      }
      %ge3A = arith.constant 1 : i32
      %ge3A_165 = arith.cmpi sge, %add3A_145, %ge3A : i32
      %convert_element_type3A_166 = arith.extui %ge3A_165 : i1 to i32
      %cond3A_167 = arith.constant 0 : i32
      %cond3A_168 = arith.cmpi ne, %convert_element_type3A_166, %cond3A_167 : i32
      scf.if %cond3A_168 {
        %dma_wait3A_524 = arith.constant 0 : i32
        %dma_wait3A_525 = arith.constant 0 : i32
        %dma_wait3A_526 = arith.constant 0 : i32
        %dma_wait3A_527 = tpu.memref_slice %arg10[%dma_wait3A_524, %dma_wait3A_525, %dma_wait3A_526] : memref<2x128x128xf32, #tpu.memory_space<vmem>> -> memref<1x64x128xf32, #tpu.memory_space<vmem>>
        %dma_wait3A_528 = tpu.memref_squeeze %dma_wait3A_527 : memref<1x64x128xf32, #tpu.memory_space<vmem>> -> memref<64x128xf32, #tpu.memory_space<vmem>>
        %dma_wait3A_529 = arith.constant 0 : i32
        %dma_wait3A_530 = arith.constant 0 : i32
        %dma_wait3A_531 = tpu.memref_slice %arg2[%dma_wait3A_529, %dma_wait3A_530] : memref<1000000x128xf32, #tpu.memory_space<hbm>> -> memref<64x128xf32, #tpu.memory_space<hbm>>
        %dma_wait3A_532 = arith.constant 0 : i32
        %dma_wait3A_533 = arith.constant 0 : i32
        %dma_wait3A_534 = tpu.memref_slice %arg10[%dma_wait3A_524, %dma_wait3A_532, %dma_wait3A_533] : memref<2x128x128xf32, #tpu.memory_space<vmem>> -> memref<1x64x128xf32, #tpu.memory_space<vmem>>
        %dma_wait3A_535 = tpu.memref_squeeze %dma_wait3A_534 : memref<1x64x128xf32, #tpu.memory_space<vmem>> -> memref<64x128xf32, #tpu.memory_space<vmem>>
        %dma_wait3A_536 = arith.constant 0 : i32
        %dma_wait3A_537 = arith.constant 0 : i32
        %dma_wait3A_538 = tpu.memref_slice %arg2[%dma_wait3A_536, %dma_wait3A_537] : memref<1000000x128xf32, #tpu.memory_space<hbm>> -> memref<64x128xf32, #tpu.memory_space<hbm>>
        tpu.wait_dma2 semaphore(%arg15 : memref<!tpu.dma_semaphore, #tpu.memory_space<semaphore_mem>>) src(%dma_wait3A_538 : memref<64x128xf32, #tpu.memory_space<hbm>>) dst(%dma_wait3A_535 : memref<64x128xf32, #tpu.memory_space<vmem>>)
      } else {
      }
      %get3A_169 = arith.index_cast %add3A_145 : i32 to index
      %get3A_170 = arith.constant 0 : index
      %get3A_171 = tpu.vector_load %arg11[%get3A_169, %get3A_170] {strides = array<i32>} : memref<200x64xf32, #tpu.memory_space<vmem>>, vector<16xf32>,
      %get3A_172 = arith.index_cast %add3A_145 : i32 to index
      %get3A_173 = arith.constant 16 : index
      %get3A_174 = tpu.vector_load %arg11[%get3A_172, %get3A_173] {strides = array<i32>} : memref<200x64xf32, #tpu.memory_space<vmem>>, vector<16xf32>,
      %get3A_175 = arith.index_cast %add3A_145 : i32 to index
      %get3A_176 = arith.constant 32 : index
      %get3A_177 = tpu.vector_load %arg11[%get3A_175, %get3A_176] {strides = array<i32>} : memref<200x64xf32, #tpu.memory_space<vmem>>, vector<16xf32>,
      %get3A_178 = arith.index_cast %add3A_145 : i32 to index
      %get3A_179 = arith.constant 48 : index
      %get3A_180 = tpu.vector_load %arg11[%get3A_178, %get3A_179] {strides = array<i32>} : memref<200x64xf32, #tpu.memory_space<vmem>>, vector<16xf32>,
      %scan3A_181 = arith.constant 0 : i32
      %scan3A_182 = arith.constant 0 : i32
      %scan3A_183 = arith.constant 16 : i32
      %scan3A_184 = arith.addi %scan3A_182, %scan3A_183 : i32
      %scan3A_185 = arith.constant 1 : i32
      scf.for %scan3A_524 = %scan3A_182 to %scan3A_184 step %scan3A_185  : i32 {
        %mul3A_525 = arith.constant 8 : i32
        %mul3A_526 = arith.muli %scan3A_524, %mul3A_525 : i32
        %add3A_527 = arith.constant 0 : i32
        %add3A_528 = arith.addi %mul3A_526, %add3A_527 : i32
        %get3A_529 = arith.constant 0 : i32
        %get3A_530 = arith.index_cast %get3A_529 : i32 to index
        %get3A_531 = arith.index_cast %add3A_528 : i32 to index
        %get3A_532 = arith.constant 0 : index
        %get3A_533 = tpu.vector_load %arg10[%get3A_530, %get3A_531, %get3A_532] {strides = array<i32>} : memref<2x128x128xf32, #tpu.memory_space<vmem>>, vector<16xf32>,
        %add3A_534 = arith.addf %get3A_533, %get3A_171 : vector<16xf32>
        %get3A_535 = arith.constant 0 : i32
        %get3A_536 = arith.index_cast %get3A_535 : i32 to index
        %get3A_537 = arith.index_cast %add3A_528 : i32 to index
        %get3A_538 = arith.constant 16 : index
        %get3A_539 = tpu.vector_load %arg10[%get3A_536, %get3A_537, %get3A_538] {strides = array<i32>} : memref<2x128x128xf32, #tpu.memory_space<vmem>>, vector<16xf32>,
        %add3A_540 = arith.addf %get3A_539, %get3A_174 : vector<16xf32>
        %get3A_541 = arith.constant 0 : i32
        %get3A_542 = arith.index_cast %get3A_541 : i32 to index
        %get3A_543 = arith.index_cast %add3A_528 : i32 to index
        %get3A_544 = arith.constant 32 : index
        %get3A_545 = tpu.vector_load %arg10[%get3A_542, %get3A_543, %get3A_544] {strides = array<i32>} : memref<2x128x128xf32, #tpu.memory_space<vmem>>, vector<16xf32>,
        %add3A_546 = arith.addf %get3A_545, %get3A_177 : vector<16xf32>
        %get3A_547 = arith.constant 0 : i32
        %get3A_548 = arith.index_cast %get3A_547 : i32 to index
        %get3A_549 = arith.index_cast %add3A_528 : i32 to index
        %get3A_550 = arith.constant 48 : index
        %get3A_551 = tpu.vector_load %arg10[%get3A_548, %get3A_549, %get3A_550] {strides = array<i32>} : memref<2x128x128xf32, #tpu.memory_space<vmem>>, vector<16xf32>,
        %add3A_552 = arith.addf %get3A_551, %get3A_180 : vector<16xf32>
        %mul3A_553 = arith.constant 8 : i32
        %mul3A_554 = arith.muli %scan3A_524, %mul3A_553 : i32
        %add3A_555 = arith.constant 1 : i32
        %add3A_556 = arith.addi %mul3A_554, %add3A_555 : i32
        %get3A_557 = arith.constant 0 : i32
        %get3A_558 = arith.index_cast %get3A_557 : i32 to index
        %get3A_559 = arith.index_cast %add3A_556 : i32 to index
        %get3A_560 = arith.constant 0 : index
        %get3A_561 = tpu.vector_load %arg10[%get3A_558, %get3A_559, %get3A_560] {strides = array<i32>} : memref<2x128x128xf32, #tpu.memory_space<vmem>>, vector<16xf32>,
        %add3A_562 = arith.addf %get3A_561, %get3A_171 : vector<16xf32>
        %get3A_563 = arith.constant 0 : i32
        %get3A_564 = arith.index_cast %get3A_563 : i32 to index
        %get3A_565 = arith.index_cast %add3A_556 : i32 to index
        %get3A_566 = arith.constant 16 : index
        %get3A_567 = tpu.vector_load %arg10[%get3A_564, %get3A_565, %get3A_566] {strides = array<i32>} : memref<2x128x128xf32, #tpu.memory_space<vmem>>, vector<16xf32>,
        %add3A_568 = arith.addf %get3A_567, %get3A_174 : vector<16xf32>
        %get3A_569 = arith.constant 0 : i32
        %get3A_570 = arith.index_cast %get3A_569 : i32 to index
        %get3A_571 = arith.index_cast %add3A_556 : i32 to index
        %get3A_572 = arith.constant 32 : index
        %get3A_573 = tpu.vector_load %arg10[%get3A_570, %get3A_571, %get3A_572] {strides = array<i32>} : memref<2x128x128xf32, #tpu.memory_space<vmem>>, vector<16xf32>,
        %add3A_574 = arith.addf %get3A_573, %get3A_177 : vector<16xf32>
        %get3A_575 = arith.constant 0 : i32
        %get3A_576 = arith.index_cast %get3A_575 : i32 to index
        %get3A_577 = arith.index_cast %add3A_556 : i32 to index
        %get3A_578 = arith.constant 48 : index
        %get3A_579 = tpu.vector_load %arg10[%get3A_576, %get3A_577, %get3A_578] {strides = array<i32>} : memref<2x128x128xf32, #tpu.memory_space<vmem>>, vector<16xf32>,
        %add3A_580 = arith.addf %get3A_579, %get3A_180 : vector<16xf32>
        %mul3A_581 = arith.constant 8 : i32
        %mul3A_582 = arith.muli %scan3A_524, %mul3A_581 : i32
        %add3A_583 = arith.constant 2 : i32
        %add3A_584 = arith.addi %mul3A_582, %add3A_583 : i32
        %get3A_585 = arith.constant 0 : i32
        %get3A_586 = arith.index_cast %get3A_585 : i32 to index
        %get3A_587 = arith.index_cast %add3A_584 : i32 to index
        %get3A_588 = arith.constant 0 : index
        %get3A_589 = tpu.vector_load %arg10[%get3A_586, %get3A_587, %get3A_588] {strides = array<i32>} : memref<2x128x128xf32, #tpu.memory_space<vmem>>, vector<16xf32>,
        %add3A_590 = arith.addf %get3A_589, %get3A_171 : vector<16xf32>
        %get3A_591 = arith.constant 0 : i32
        %get3A_592 = arith.index_cast %get3A_591 : i32 to index
        %get3A_593 = arith.index_cast %add3A_584 : i32 to index
        %get3A_594 = arith.constant 16 : index
        %get3A_595 = tpu.vector_load %arg10[%get3A_592, %get3A_593, %get3A_594] {strides = array<i32>} : memref<2x128x128xf32, #tpu.memory_space<vmem>>, vector<16xf32>,
        %add3A_596 = arith.addf %get3A_595, %get3A_174 : vector<16xf32>
        %get3A_597 = arith.constant 0 : i32
        %get3A_598 = arith.index_cast %get3A_597 : i32 to index
        %get3A_599 = arith.index_cast %add3A_584 : i32 to index
        %get3A_600 = arith.constant 32 : index
        %get3A_601 = tpu.vector_load %arg10[%get3A_598, %get3A_599, %get3A_600] {strides = array<i32>} : memref<2x128x128xf32, #tpu.memory_space<vmem>>, vector<16xf32>,
        %add3A_602 = arith.addf %get3A_601, %get3A_177 : vector<16xf32>
        %get3A_603 = arith.constant 0 : i32
        %get3A_604 = arith.index_cast %get3A_603 : i32 to index
        %get3A_605 = arith.index_cast %add3A_584 : i32 to index
        %get3A_606 = arith.constant 48 : index
        %get3A_607 = tpu.vector_load %arg10[%get3A_604, %get3A_605, %get3A_606] {strides = array<i32>} : memref<2x128x128xf32, #tpu.memory_space<vmem>>, vector<16xf32>,
        %add3A_608 = arith.addf %get3A_607, %get3A_180 : vector<16xf32>
        %mul3A_609 = arith.constant 8 : i32
        %mul3A_610 = arith.muli %scan3A_524, %mul3A_609 : i32
        %add3A_611 = arith.constant 3 : i32
        %add3A_612 = arith.addi %mul3A_610, %add3A_611 : i32
        %get3A_613 = arith.constant 0 : i32
        %get3A_614 = arith.index_cast %get3A_613 : i32 to index
        %get3A_615 = arith.index_cast %add3A_612 : i32 to index
        %get3A_616 = arith.constant 0 : index
        %get3A_617 = tpu.vector_load %arg10[%get3A_614, %get3A_615, %get3A_616] {strides = array<i32>} : memref<2x128x128xf32, #tpu.memory_space<vmem>>, vector<16xf32>,
        %add3A_618 = arith.addf %get3A_617, %get3A_171 : vector<16xf32>
        %get3A_619 = arith.constant 0 : i32
        %get3A_620 = arith.index_cast %get3A_619 : i32 to index
        %get3A_621 = arith.index_cast %add3A_612 : i32 to index
        %get3A_622 = arith.constant 16 : index
        %get3A_623 = tpu.vector_load %arg10[%get3A_620, %get3A_621, %get3A_622] {strides = array<i32>} : memref<2x128x128xf32, #tpu.memory_space<vmem>>, vector<16xf32>,
        %add3A_624 = arith.addf %get3A_623, %get3A_174 : vector<16xf32>
        %get3A_625 = arith.constant 0 : i32
        %get3A_626 = arith.index_cast %get3A_625 : i32 to index
        %get3A_627 = arith.index_cast %add3A_612 : i32 to index
        %get3A_628 = arith.constant 32 : index
        %get3A_629 = tpu.vector_load %arg10[%get3A_626, %get3A_627, %get3A_628] {strides = array<i32>} : memref<2x128x128xf32, #tpu.memory_space<vmem>>, vector<16xf32>,
        %add3A_630 = arith.addf %get3A_629, %get3A_177 : vector<16xf32>
        %get3A_631 = arith.constant 0 : i32
        %get3A_632 = arith.index_cast %get3A_631 : i32 to index
        %get3A_633 = arith.index_cast %add3A_612 : i32 to index
        %get3A_634 = arith.constant 48 : index
        %get3A_635 = tpu.vector_load %arg10[%get3A_632, %get3A_633, %get3A_634] {strides = array<i32>} : memref<2x128x128xf32, #tpu.memory_space<vmem>>, vector<16xf32>,
        %add3A_636 = arith.addf %get3A_635, %get3A_180 : vector<16xf32>
        %mul3A_637 = arith.constant 8 : i32
        %mul3A_638 = arith.muli %scan3A_524, %mul3A_637 : i32
        %add3A_639 = arith.constant 4 : i32
        %add3A_640 = arith.addi %mul3A_638, %add3A_639 : i32
        %get3A_641 = arith.constant 0 : i32
        %get3A_642 = arith.index_cast %get3A_641 : i32 to index
        %get3A_643 = arith.index_cast %add3A_640 : i32 to index
        %get3A_644 = arith.constant 0 : index
        %get3A_645 = tpu.vector_load %arg10[%get3A_642, %get3A_643, %get3A_644] {strides = array<i32>} : memref<2x128x128xf32, #tpu.memory_space<vmem>>, vector<16xf32>,
        %add3A_646 = arith.addf %get3A_645, %get3A_171 : vector<16xf32>
        %get3A_647 = arith.constant 0 : i32
        %get3A_648 = arith.index_cast %get3A_647 : i32 to index
        %get3A_649 = arith.index_cast %add3A_640 : i32 to index
        %get3A_650 = arith.constant 16 : index
        %get3A_651 = tpu.vector_load %arg10[%get3A_648, %get3A_649, %get3A_650] {strides = array<i32>} : memref<2x128x128xf32, #tpu.memory_space<vmem>>, vector<16xf32>,
        %add3A_652 = arith.addf %get3A_651, %get3A_174 : vector<16xf32>
        %get3A_653 = arith.constant 0 : i32
        %get3A_654 = arith.index_cast %get3A_653 : i32 to index
        %get3A_655 = arith.index_cast %add3A_640 : i32 to index
        %get3A_656 = arith.constant 32 : index
        %get3A_657 = tpu.vector_load %arg10[%get3A_654, %get3A_655, %get3A_656] {strides = array<i32>} : memref<2x128x128xf32, #tpu.memory_space<vmem>>, vector<16xf32>,
        %add3A_658 = arith.addf %get3A_657, %get3A_177 : vector<16xf32>
        %get3A_659 = arith.constant 0 : i32
        %get3A_660 = arith.index_cast %get3A_659 : i32 to index
        %get3A_661 = arith.index_cast %add3A_640 : i32 to index
        %get3A_662 = arith.constant 48 : index
        %get3A_663 = tpu.vector_load %arg10[%get3A_660, %get3A_661, %get3A_662] {strides = array<i32>} : memref<2x128x128xf32, #tpu.memory_space<vmem>>, vector<16xf32>,
        %add3A_664 = arith.addf %get3A_663, %get3A_180 : vector<16xf32>
        %mul3A_665 = arith.constant 8 : i32
        %mul3A_666 = arith.muli %scan3A_524, %mul3A_665 : i32
        %add3A_667 = arith.constant 5 : i32
        %add3A_668 = arith.addi %mul3A_666, %add3A_667 : i32
        %get3A_669 = arith.constant 0 : i32
        %get3A_670 = arith.index_cast %get3A_669 : i32 to index
        %get3A_671 = arith.index_cast %add3A_668 : i32 to index
        %get3A_672 = arith.constant 0 : index
        %get3A_673 = tpu.vector_load %arg10[%get3A_670, %get3A_671, %get3A_672] {strides = array<i32>} : memref<2x128x128xf32, #tpu.memory_space<vmem>>, vector<16xf32>,
        %add3A_674 = arith.addf %get3A_673, %get3A_171 : vector<16xf32>
        %get3A_675 = arith.constant 0 : i32
        %get3A_676 = arith.index_cast %get3A_675 : i32 to index
        %get3A_677 = arith.index_cast %add3A_668 : i32 to index
        %get3A_678 = arith.constant 16 : index
        %get3A_679 = tpu.vector_load %arg10[%get3A_676, %get3A_677, %get3A_678] {strides = array<i32>} : memref<2x128x128xf32, #tpu.memory_space<vmem>>, vector<16xf32>,
        %add3A_680 = arith.addf %get3A_679, %get3A_174 : vector<16xf32>
        %get3A_681 = arith.constant 0 : i32
        %get3A_682 = arith.index_cast %get3A_681 : i32 to index
        %get3A_683 = arith.index_cast %add3A_668 : i32 to index
        %get3A_684 = arith.constant 32 : index
        %get3A_685 = tpu.vector_load %arg10[%get3A_682, %get3A_683, %get3A_684] {strides = array<i32>} : memref<2x128x128xf32, #tpu.memory_space<vmem>>, vector<16xf32>,
        %add3A_686 = arith.addf %get3A_685, %get3A_177 : vector<16xf32>
        %get3A_687 = arith.constant 0 : i32
        %get3A_688 = arith.index_cast %get3A_687 : i32 to index
        %get3A_689 = arith.index_cast %add3A_668 : i32 to index
        %get3A_690 = arith.constant 48 : index
        %get3A_691 = tpu.vector_load %arg10[%get3A_688, %get3A_689, %get3A_690] {strides = array<i32>} : memref<2x128x128xf32, #tpu.memory_space<vmem>>, vector<16xf32>,
        %add3A_692 = arith.addf %get3A_691, %get3A_180 : vector<16xf32>
        %mul3A_693 = arith.constant 8 : i32
        %mul3A_694 = arith.muli %scan3A_524, %mul3A_693 : i32
        %add3A_695 = arith.constant 6 : i32
        %add3A_696 = arith.addi %mul3A_694, %add3A_695 : i32
        %get3A_697 = arith.constant 0 : i32
        %get3A_698 = arith.index_cast %get3A_697 : i32 to index
        %get3A_699 = arith.index_cast %add3A_696 : i32 to index
        %get3A_700 = arith.constant 0 : index
        %get3A_701 = tpu.vector_load %arg10[%get3A_698, %get3A_699, %get3A_700] {strides = array<i32>} : memref<2x128x128xf32, #tpu.memory_space<vmem>>, vector<16xf32>,
        %add3A_702 = arith.addf %get3A_701, %get3A_171 : vector<16xf32>
        %get3A_703 = arith.constant 0 : i32
        %get3A_704 = arith.index_cast %get3A_703 : i32 to index
        %get3A_705 = arith.index_cast %add3A_696 : i32 to index
        %get3A_706 = arith.constant 16 : index
        %get3A_707 = tpu.vector_load %arg10[%get3A_704, %get3A_705, %get3A_706] {strides = array<i32>} : memref<2x128x128xf32, #tpu.memory_space<vmem>>, vector<16xf32>,
        %add3A_708 = arith.addf %get3A_707, %get3A_174 : vector<16xf32>
        %get3A_709 = arith.constant 0 : i32
        %get3A_710 = arith.index_cast %get3A_709 : i32 to index
        %get3A_711 = arith.index_cast %add3A_696 : i32 to index
        %get3A_712 = arith.constant 32 : index
        %get3A_713 = tpu.vector_load %arg10[%get3A_710, %get3A_711, %get3A_712] {strides = array<i32>} : memref<2x128x128xf32, #tpu.memory_space<vmem>>, vector<16xf32>,
        %add3A_714 = arith.addf %get3A_713, %get3A_177 : vector<16xf32>
        %get3A_715 = arith.constant 0 : i32
        %get3A_716 = arith.index_cast %get3A_715 : i32 to index
        %get3A_717 = arith.index_cast %add3A_696 : i32 to index
        %get3A_718 = arith.constant 48 : index
        %get3A_719 = tpu.vector_load %arg10[%get3A_716, %get3A_717, %get3A_718] {strides = array<i32>} : memref<2x128x128xf32, #tpu.memory_space<vmem>>, vector<16xf32>,
        %add3A_720 = arith.addf %get3A_719, %get3A_180 : vector<16xf32>
        %mul3A_721 = arith.constant 8 : i32
        %mul3A_722 = arith.muli %scan3A_524, %mul3A_721 : i32
        %add3A_723 = arith.constant 7 : i32
        %add3A_724 = arith.addi %mul3A_722, %add3A_723 : i32
        %get3A_725 = arith.constant 0 : i32
        %get3A_726 = arith.index_cast %get3A_725 : i32 to index
        %get3A_727 = arith.index_cast %add3A_724 : i32 to index
        %get3A_728 = arith.constant 0 : index
        %get3A_729 = tpu.vector_load %arg10[%get3A_726, %get3A_727, %get3A_728] {strides = array<i32>} : memref<2x128x128xf32, #tpu.memory_space<vmem>>, vector<16xf32>,
        %add3A_730 = arith.addf %get3A_729, %get3A_171 : vector<16xf32>
        %get3A_731 = arith.constant 0 : i32
        %get3A_732 = arith.index_cast %get3A_731 : i32 to index
        %get3A_733 = arith.index_cast %add3A_724 : i32 to index
        %get3A_734 = arith.constant 16 : index
        %get3A_735 = tpu.vector_load %arg10[%get3A_732, %get3A_733, %get3A_734] {strides = array<i32>} : memref<2x128x128xf32, #tpu.memory_space<vmem>>, vector<16xf32>,
        %add3A_736 = arith.addf %get3A_735, %get3A_174 : vector<16xf32>
        %get3A_737 = arith.constant 0 : i32
        %get3A_738 = arith.index_cast %get3A_737 : i32 to index
        %get3A_739 = arith.index_cast %add3A_724 : i32 to index
        %get3A_740 = arith.constant 32 : index
        %get3A_741 = tpu.vector_load %arg10[%get3A_738, %get3A_739, %get3A_740] {strides = array<i32>} : memref<2x128x128xf32, #tpu.memory_space<vmem>>, vector<16xf32>,
        %add3A_742 = arith.addf %get3A_741, %get3A_177 : vector<16xf32>
        %get3A_743 = arith.constant 0 : i32
        %get3A_744 = arith.index_cast %get3A_743 : i32 to index
        %get3A_745 = arith.index_cast %add3A_724 : i32 to index
        %get3A_746 = arith.constant 48 : index
        %get3A_747 = tpu.vector_load %arg10[%get3A_744, %get3A_745, %get3A_746] {strides = array<i32>} : memref<2x128x128xf32, #tpu.memory_space<vmem>>, vector<16xf32>,
        %add3A_748 = arith.addf %get3A_747, %get3A_180 : vector<16xf32>
        %add3A_749 = arith.addf %add3A_534, %add3A_540 : vector<16xf32>
        %add3A_750 = arith.addf %add3A_546, %add3A_552 : vector<16xf32>
        %add3A_751 = arith.addf %add3A_749, %add3A_750 : vector<16xf32>
        %mul3A_752 = arith.mulf %add3A_534, %add3A_534 : vector<16xf32>
        %mul3A_753 = arith.mulf %add3A_540, %add3A_540 : vector<16xf32>
        %add3A_754 = arith.addf %mul3A_752, %mul3A_753 : vector<16xf32>
        %mul3A_755 = arith.mulf %add3A_546, %add3A_546 : vector<16xf32>
        %mul3A_756 = arith.mulf %add3A_552, %add3A_552 : vector<16xf32>
        %add3A_757 = arith.addf %mul3A_755, %mul3A_756 : vector<16xf32>
        %add3A_758 = arith.addf %add3A_754, %add3A_757 : vector<16xf32>
        %reduce_sum3A = arith.constant true
        %reduce_sum3A_759 = vector.broadcast %reduce_sum3A : i1 to vector<16xi1>
        %reduce_sum3A_760 = tpu.scan <sum>, %add3A_751 masked %reduce_sum3A_759 : vector<16xf32>, vector<16xi1> -> vector<16xf32>
        %reduce_sum3A_761 = vector.extract %reduce_sum3A_760[15] : f32 from vector<16xf32>
        %reduce_sum3A_762 = arith.constant true
        %reduce_sum3A_763 = vector.broadcast %reduce_sum3A_762 : i1 to vector<16xi1>
        %reduce_sum3A_764 = tpu.scan <sum>, %add3A_758 masked %reduce_sum3A_763 : vector<16xf32>, vector<16xi1> -> vector<16xf32>
        %reduce_sum3A_765 = vector.extract %reduce_sum3A_764[15] : f32 from vector<16xf32>
        %add3A_766 = arith.addf %add3A_562, %add3A_568 : vector<16xf32>
        %add3A_767 = arith.addf %add3A_574, %add3A_580 : vector<16xf32>
        %add3A_768 = arith.addf %add3A_766, %add3A_767 : vector<16xf32>
        %mul3A_769 = arith.mulf %add3A_562, %add3A_562 : vector<16xf32>
        %mul3A_770 = arith.mulf %add3A_568, %add3A_568 : vector<16xf32>
        %add3A_771 = arith.addf %mul3A_769, %mul3A_770 : vector<16xf32>
        %mul3A_772 = arith.mulf %add3A_574, %add3A_574 : vector<16xf32>
        %mul3A_773 = arith.mulf %add3A_580, %add3A_580 : vector<16xf32>
        %add3A_774 = arith.addf %mul3A_772, %mul3A_773 : vector<16xf32>
        %add3A_775 = arith.addf %add3A_771, %add3A_774 : vector<16xf32>
        %reduce_sum3A_776 = arith.constant true
        %reduce_sum3A_777 = vector.broadcast %reduce_sum3A_776 : i1 to vector<16xi1>
        %reduce_sum3A_778 = tpu.scan <sum>, %add3A_768 masked %reduce_sum3A_777 : vector<16xf32>, vector<16xi1> -> vector<16xf32>
        %reduce_sum3A_779 = vector.extract %reduce_sum3A_778[15] : f32 from vector<16xf32>
        %reduce_sum3A_780 = arith.constant true
        %reduce_sum3A_781 = vector.broadcast %reduce_sum3A_780 : i1 to vector<16xi1>
        %reduce_sum3A_782 = tpu.scan <sum>, %add3A_775 masked %reduce_sum3A_781 : vector<16xf32>, vector<16xi1> -> vector<16xf32>
        %reduce_sum3A_783 = vector.extract %reduce_sum3A_782[15] : f32 from vector<16xf32>
        %add3A_784 = arith.addf %add3A_590, %add3A_596 : vector<16xf32>
        %add3A_785 = arith.addf %add3A_602, %add3A_608 : vector<16xf32>
        %add3A_786 = arith.addf %add3A_784, %add3A_785 : vector<16xf32>
        %mul3A_787 = arith.mulf %add3A_590, %add3A_590 : vector<16xf32>
        %mul3A_788 = arith.mulf %add3A_596, %add3A_596 : vector<16xf32>
        %add3A_789 = arith.addf %mul3A_787, %mul3A_788 : vector<16xf32>
        %mul3A_790 = arith.mulf %add3A_602, %add3A_602 : vector<16xf32>
        %mul3A_791 = arith.mulf %add3A_608, %add3A_608 : vector<16xf32>
        %add3A_792 = arith.addf %mul3A_790, %mul3A_791 : vector<16xf32>
        %add3A_793 = arith.addf %add3A_789, %add3A_792 : vector<16xf32>
        %reduce_sum3A_794 = arith.constant true
        %reduce_sum3A_795 = vector.broadcast %reduce_sum3A_794 : i1 to vector<16xi1>
        %reduce_sum3A_796 = tpu.scan <sum>, %add3A_786 masked %reduce_sum3A_795 : vector<16xf32>, vector<16xi1> -> vector<16xf32>
        %reduce_sum3A_797 = vector.extract %reduce_sum3A_796[15] : f32 from vector<16xf32>
        %reduce_sum3A_798 = arith.constant true
        %reduce_sum3A_799 = vector.broadcast %reduce_sum3A_798 : i1 to vector<16xi1>
        %reduce_sum3A_800 = tpu.scan <sum>, %add3A_793 masked %reduce_sum3A_799 : vector<16xf32>, vector<16xi1> -> vector<16xf32>
        %reduce_sum3A_801 = vector.extract %reduce_sum3A_800[15] : f32 from vector<16xf32>
        %add3A_802 = arith.addf %add3A_618, %add3A_624 : vector<16xf32>
        %add3A_803 = arith.addf %add3A_630, %add3A_636 : vector<16xf32>
        %add3A_804 = arith.addf %add3A_802, %add3A_803 : vector<16xf32>
        %mul3A_805 = arith.mulf %add3A_618, %add3A_618 : vector<16xf32>
        %mul3A_806 = arith.mulf %add3A_624, %add3A_624 : vector<16xf32>
        %add3A_807 = arith.addf %mul3A_805, %mul3A_806 : vector<16xf32>
        %mul3A_808 = arith.mulf %add3A_630, %add3A_630 : vector<16xf32>
        %mul3A_809 = arith.mulf %add3A_636, %add3A_636 : vector<16xf32>
        %add3A_810 = arith.addf %mul3A_808, %mul3A_809 : vector<16xf32>
        %add3A_811 = arith.addf %add3A_807, %add3A_810 : vector<16xf32>
        %reduce_sum3A_812 = arith.constant true
        %reduce_sum3A_813 = vector.broadcast %reduce_sum3A_812 : i1 to vector<16xi1>
        %reduce_sum3A_814 = tpu.scan <sum>, %add3A_804 masked %reduce_sum3A_813 : vector<16xf32>, vector<16xi1> -> vector<16xf32>
        %reduce_sum3A_815 = vector.extract %reduce_sum3A_814[15] : f32 from vector<16xf32>
        %reduce_sum3A_816 = arith.constant true
        %reduce_sum3A_817 = vector.broadcast %reduce_sum3A_816 : i1 to vector<16xi1>
        %reduce_sum3A_818 = tpu.scan <sum>, %add3A_811 masked %reduce_sum3A_817 : vector<16xf32>, vector<16xi1> -> vector<16xf32>
        %reduce_sum3A_819 = vector.extract %reduce_sum3A_818[15] : f32 from vector<16xf32>
        %add3A_820 = arith.addf %add3A_646, %add3A_652 : vector<16xf32>
        %add3A_821 = arith.addf %add3A_658, %add3A_664 : vector<16xf32>
        %add3A_822 = arith.addf %add3A_820, %add3A_821 : vector<16xf32>
        %mul3A_823 = arith.mulf %add3A_646, %add3A_646 : vector<16xf32>
        %mul3A_824 = arith.mulf %add3A_652, %add3A_652 : vector<16xf32>
        %add3A_825 = arith.addf %mul3A_823, %mul3A_824 : vector<16xf32>
        %mul3A_826 = arith.mulf %add3A_658, %add3A_658 : vector<16xf32>
        %mul3A_827 = arith.mulf %add3A_664, %add3A_664 : vector<16xf32>
        %add3A_828 = arith.addf %mul3A_826, %mul3A_827 : vector<16xf32>
        %add3A_829 = arith.addf %add3A_825, %add3A_828 : vector<16xf32>
        %reduce_sum3A_830 = arith.constant true
        %reduce_sum3A_831 = vector.broadcast %reduce_sum3A_830 : i1 to vector<16xi1>
        %reduce_sum3A_832 = tpu.scan <sum>, %add3A_822 masked %reduce_sum3A_831 : vector<16xf32>, vector<16xi1> -> vector<16xf32>
        %reduce_sum3A_833 = vector.extract %reduce_sum3A_832[15] : f32 from vector<16xf32>
        %reduce_sum3A_834 = arith.constant true
        %reduce_sum3A_835 = vector.broadcast %reduce_sum3A_834 : i1 to vector<16xi1>
        %reduce_sum3A_836 = tpu.scan <sum>, %add3A_829 masked %reduce_sum3A_835 : vector<16xf32>, vector<16xi1> -> vector<16xf32>
        %reduce_sum3A_837 = vector.extract %reduce_sum3A_836[15] : f32 from vector<16xf32>
        %add3A_838 = arith.addf %add3A_674, %add3A_680 : vector<16xf32>
        %add3A_839 = arith.addf %add3A_686, %add3A_692 : vector<16xf32>
        %add3A_840 = arith.addf %add3A_838, %add3A_839 : vector<16xf32>
        %mul3A_841 = arith.mulf %add3A_674, %add3A_674 : vector<16xf32>
        %mul3A_842 = arith.mulf %add3A_680, %add3A_680 : vector<16xf32>
        %add3A_843 = arith.addf %mul3A_841, %mul3A_842 : vector<16xf32>
        %mul3A_844 = arith.mulf %add3A_686, %add3A_686 : vector<16xf32>
        %mul3A_845 = arith.mulf %add3A_692, %add3A_692 : vector<16xf32>
        %add3A_846 = arith.addf %mul3A_844, %mul3A_845 : vector<16xf32>
        %add3A_847 = arith.addf %add3A_843, %add3A_846 : vector<16xf32>
        %reduce_sum3A_848 = arith.constant true
        %reduce_sum3A_849 = vector.broadcast %reduce_sum3A_848 : i1 to vector<16xi1>
        %reduce_sum3A_850 = tpu.scan <sum>, %add3A_840 masked %reduce_sum3A_849 : vector<16xf32>, vector<16xi1> -> vector<16xf32>
        %reduce_sum3A_851 = vector.extract %reduce_sum3A_850[15] : f32 from vector<16xf32>
        %reduce_sum3A_852 = arith.constant true
        %reduce_sum3A_853 = vector.broadcast %reduce_sum3A_852 : i1 to vector<16xi1>
        %reduce_sum3A_854 = tpu.scan <sum>, %add3A_847 masked %reduce_sum3A_853 : vector<16xf32>, vector<16xi1> -> vector<16xf32>
        %reduce_sum3A_855 = vector.extract %reduce_sum3A_854[15] : f32 from vector<16xf32>
        %add3A_856 = arith.addf %add3A_702, %add3A_708 : vector<16xf32>
        %add3A_857 = arith.addf %add3A_714, %add3A_720 : vector<16xf32>
        %add3A_858 = arith.addf %add3A_856, %add3A_857 : vector<16xf32>
        %mul3A_859 = arith.mulf %add3A_702, %add3A_702 : vector<16xf32>
        %mul3A_860 = arith.mulf %add3A_708, %add3A_708 : vector<16xf32>
        %add3A_861 = arith.addf %mul3A_859, %mul3A_860 : vector<16xf32>
        %mul3A_862 = arith.mulf %add3A_714, %add3A_714 : vector<16xf32>
        %mul3A_863 = arith.mulf %add3A_720, %add3A_720 : vector<16xf32>
        %add3A_864 = arith.addf %mul3A_862, %mul3A_863 : vector<16xf32>
        %add3A_865 = arith.addf %add3A_861, %add3A_864 : vector<16xf32>
        %reduce_sum3A_866 = arith.constant true
        %reduce_sum3A_867 = vector.broadcast %reduce_sum3A_866 : i1 to vector<16xi1>
        %reduce_sum3A_868 = tpu.scan <sum>, %add3A_858 masked %reduce_sum3A_867 : vector<16xf32>, vector<16xi1> -> vector<16xf32>
        %reduce_sum3A_869 = vector.extract %reduce_sum3A_868[15] : f32 from vector<16xf32>
        %reduce_sum3A_870 = arith.constant true
        %reduce_sum3A_871 = vector.broadcast %reduce_sum3A_870 : i1 to vector<16xi1>
        %reduce_sum3A_872 = tpu.scan <sum>, %add3A_865 masked %reduce_sum3A_871 : vector<16xf32>, vector<16xi1> -> vector<16xf32>
        %reduce_sum3A_873 = vector.extract %reduce_sum3A_872[15] : f32 from vector<16xf32>
        %add3A_874 = arith.addf %add3A_730, %add3A_736 : vector<16xf32>
        %add3A_875 = arith.addf %add3A_742, %add3A_748 : vector<16xf32>
        %add3A_876 = arith.addf %add3A_874, %add3A_875 : vector<16xf32>
        %mul3A_877 = arith.mulf %add3A_730, %add3A_730 : vector<16xf32>
        %mul3A_878 = arith.mulf %add3A_736, %add3A_736 : vector<16xf32>
        %add3A_879 = arith.addf %mul3A_877, %mul3A_878 : vector<16xf32>
        %mul3A_880 = arith.mulf %add3A_742, %add3A_742 : vector<16xf32>
        %mul3A_881 = arith.mulf %add3A_748, %add3A_748 : vector<16xf32>
        %add3A_882 = arith.addf %mul3A_880, %mul3A_881 : vector<16xf32>
        %add3A_883 = arith.addf %add3A_879, %add3A_882 : vector<16xf32>
        %reduce_sum3A_884 = arith.constant true
        %reduce_sum3A_885 = vector.broadcast %reduce_sum3A_884 : i1 to vector<16xi1>
        %reduce_sum3A_886 = tpu.scan <sum>, %add3A_876 masked %reduce_sum3A_885 : vector<16xf32>, vector<16xi1> -> vector<16xf32>
        %reduce_sum3A_887 = vector.extract %reduce_sum3A_886[15] : f32 from vector<16xf32>
        %reduce_sum3A_888 = arith.constant true
        %reduce_sum3A_889 = vector.broadcast %reduce_sum3A_888 : i1 to vector<16xi1>
        %reduce_sum3A_890 = tpu.scan <sum>, %add3A_883 masked %reduce_sum3A_889 : vector<16xf32>, vector<16xi1> -> vector<16xf32>
        %reduce_sum3A_891 = vector.extract %reduce_sum3A_890[15] : f32 from vector<16xf32>
        %mul3A_892 = arith.constant 1.562500e-02 : f32
        %mul3A_893 = arith.mulf %reduce_sum3A_761, %mul3A_892 : f32
        %mul3A_894 = arith.mulf %reduce_sum3A_761, %mul3A_893 : f32
        %sub3A = arith.subf %reduce_sum3A_765, %mul3A_894 : f32
        %mul3A_895 = arith.constant 0.0158730168 : f32
        %mul3A_896 = arith.mulf %sub3A, %mul3A_895 : f32
        %max3A = arith.constant 1.000000e-30 : f32
        %max3A_897 = arith.maximumf %mul3A_896, %max3A : f32
        %bitcast_convert_type3A = arith.bitcast %max3A_897 : f32 to i32
        %shift_right_arithmetic3A = arith.constant 1 : i32
        %shift_right_arithmetic3A_898 = arith.shrsi %bitcast_convert_type3A, %shift_right_arithmetic3A : i32
        %sub3A_899 = arith.constant 1597463007 : i32
        %sub3A_900 = arith.subi %sub3A_899, %shift_right_arithmetic3A_898 : i32
        %bitcast_convert_type3A_901 = arith.bitcast %sub3A_900 : i32 to f32
        %mul3A_902 = arith.constant 5.000000e-01 : f32
        %mul3A_903 = arith.mulf %mul3A_902, %max3A_897 : f32
        %mul3A_904 = arith.mulf %mul3A_903, %bitcast_convert_type3A_901 : f32
        %mul3A_905 = arith.mulf %mul3A_904, %bitcast_convert_type3A_901 : f32
        %sub3A_906 = arith.constant 1.500000e+00 : f32
        %sub3A_907 = arith.subf %sub3A_906, %mul3A_905 : f32
        %mul3A_908 = arith.mulf %bitcast_convert_type3A_901, %sub3A_907 : f32
        %mul3A_909 = arith.mulf %mul3A_893, %mul3A_908 : f32
        %broadcast_in_dim3A = vector.broadcast %add3A_528 : i32 to vector<16xi32>
        %mul3A_910 = vector.broadcast %mul3A_908 : f32 to vector<16xf32>
        %mul3A_911 = arith.mulf %add3A_534, %mul3A_910 : vector<16xf32>
        %sub3A_912 = vector.broadcast %mul3A_909 : f32 to vector<16xf32>
        %sub3A_913 = arith.subf %mul3A_911, %sub3A_912 : vector<16xf32>
        %mul3A_914 = arith.mulf %sub3A_913, %get3A_69 : vector<16xf32>
        %add3A_915 = arith.addf %mul3A_914, %get3A_85 : vector<16xf32>
        %scatter3A = arith.constant 0 : i32
        %scatter3A_916 = arith.constant 0 : i32
        %scatter3A_917 = arith.constant 0 : i32
        %scatter3A_918 = tpu.memref_slice %arg13[%scatter3A, %scatter3A_916, %scatter3A_917] : memref<2x64x129xf32, #tpu.memory_space<vmem>> -> memref<1x64x129xf32, #tpu.memory_space<vmem>>
        %scatter3A_919 = tpu.memref_squeeze %scatter3A_918 : memref<1x64x129xf32, #tpu.memory_space<vmem>> -> memref<64x129xf32, #tpu.memory_space<vmem>>
        tpu.vector_store_idx %scatter3A_919[%add3A_100, %broadcast_in_dim3A], %add3A_915 : memref<64x129xf32, #tpu.memory_space<vmem>>[vector<16xi32>, vector<16xi32>], vector<16xf32>,
        %mul3A_920 = vector.broadcast %mul3A_908 : f32 to vector<16xf32>
        %mul3A_921 = arith.mulf %add3A_540, %mul3A_920 : vector<16xf32>
        %sub3A_922 = vector.broadcast %mul3A_909 : f32 to vector<16xf32>
        %sub3A_923 = arith.subf %mul3A_921, %sub3A_922 : vector<16xf32>
        %mul3A_924 = arith.mulf %sub3A_923, %get3A_73 : vector<16xf32>
        %add3A_925 = arith.addf %mul3A_924, %get3A_89 : vector<16xf32>
        %scatter3A_926 = arith.constant 0 : i32
        %scatter3A_927 = arith.constant 0 : i32
        %scatter3A_928 = arith.constant 0 : i32
        %scatter3A_929 = tpu.memref_slice %arg13[%scatter3A_926, %scatter3A_927, %scatter3A_928] : memref<2x64x129xf32, #tpu.memory_space<vmem>> -> memref<1x64x129xf32, #tpu.memory_space<vmem>>
        %scatter3A_930 = tpu.memref_squeeze %scatter3A_929 : memref<1x64x129xf32, #tpu.memory_space<vmem>> -> memref<64x129xf32, #tpu.memory_space<vmem>>
        tpu.vector_store_idx %scatter3A_930[%add3A_103, %broadcast_in_dim3A], %add3A_925 : memref<64x129xf32, #tpu.memory_space<vmem>>[vector<16xi32>, vector<16xi32>], vector<16xf32>,
        %mul3A_931 = vector.broadcast %mul3A_908 : f32 to vector<16xf32>
        %mul3A_932 = arith.mulf %add3A_546, %mul3A_931 : vector<16xf32>
        %sub3A_933 = vector.broadcast %mul3A_909 : f32 to vector<16xf32>
        %sub3A_934 = arith.subf %mul3A_932, %sub3A_933 : vector<16xf32>
        %mul3A_935 = arith.mulf %sub3A_934, %get3A_77 : vector<16xf32>
        %add3A_936 = arith.addf %mul3A_935, %get3A_93 : vector<16xf32>
        %scatter3A_937 = arith.constant 0 : i32
        %scatter3A_938 = arith.constant 0 : i32
        %scatter3A_939 = arith.constant 0 : i32
        %scatter3A_940 = tpu.memref_slice %arg13[%scatter3A_937, %scatter3A_938, %scatter3A_939] : memref<2x64x129xf32, #tpu.memory_space<vmem>> -> memref<1x64x129xf32, #tpu.memory_space<vmem>>
        %scatter3A_941 = tpu.memref_squeeze %scatter3A_940 : memref<1x64x129xf32, #tpu.memory_space<vmem>> -> memref<64x129xf32, #tpu.memory_space<vmem>>
        tpu.vector_store_idx %scatter3A_941[%add3A_106, %broadcast_in_dim3A], %add3A_936 : memref<64x129xf32, #tpu.memory_space<vmem>>[vector<16xi32>, vector<16xi32>], vector<16xf32>,
        %mul3A_942 = vector.broadcast %mul3A_908 : f32 to vector<16xf32>
        %mul3A_943 = arith.mulf %add3A_552, %mul3A_942 : vector<16xf32>
        %sub3A_944 = vector.broadcast %mul3A_909 : f32 to vector<16xf32>
        %sub3A_945 = arith.subf %mul3A_943, %sub3A_944 : vector<16xf32>
        %mul3A_946 = arith.mulf %sub3A_945, %get3A_81 : vector<16xf32>
        %add3A_947 = arith.addf %mul3A_946, %get3A_97 : vector<16xf32>
        %scatter3A_948 = arith.constant 0 : i32
        %scatter3A_949 = arith.constant 0 : i32
        %scatter3A_950 = arith.constant 0 : i32
        %scatter3A_951 = tpu.memref_slice %arg13[%scatter3A_948, %scatter3A_949, %scatter3A_950] : memref<2x64x129xf32, #tpu.memory_space<vmem>> -> memref<1x64x129xf32, #tpu.memory_space<vmem>>
        %scatter3A_952 = tpu.memref_squeeze %scatter3A_951 : memref<1x64x129xf32, #tpu.memory_space<vmem>> -> memref<64x129xf32, #tpu.memory_space<vmem>>
        tpu.vector_store_idx %scatter3A_952[%add3A_109, %broadcast_in_dim3A], %add3A_947 : memref<64x129xf32, #tpu.memory_space<vmem>>[vector<16xi32>, vector<16xi32>], vector<16xf32>,
        %mul3A_953 = arith.constant 1.562500e-02 : f32
        %mul3A_954 = arith.mulf %reduce_sum3A_779, %mul3A_953 : f32
        %mul3A_955 = arith.mulf %reduce_sum3A_779, %mul3A_954 : f32
        %sub3A_956 = arith.subf %reduce_sum3A_783, %mul3A_955 : f32
        %mul3A_957 = arith.constant 0.0158730168 : f32
        %mul3A_958 = arith.mulf %sub3A_956, %mul3A_957 : f32
        %max3A_959 = arith.constant 1.000000e-30 : f32
        %max3A_960 = arith.maximumf %mul3A_958, %max3A_959 : f32
        %bitcast_convert_type3A_961 = arith.bitcast %max3A_960 : f32 to i32
        %shift_right_arithmetic3A_962 = arith.constant 1 : i32
        %shift_right_arithmetic3A_963 = arith.shrsi %bitcast_convert_type3A_961, %shift_right_arithmetic3A_962 : i32
        %sub3A_964 = arith.constant 1597463007 : i32
        %sub3A_965 = arith.subi %sub3A_964, %shift_right_arithmetic3A_963 : i32
        %bitcast_convert_type3A_966 = arith.bitcast %sub3A_965 : i32 to f32
        %mul3A_967 = arith.constant 5.000000e-01 : f32
        %mul3A_968 = arith.mulf %mul3A_967, %max3A_960 : f32
        %mul3A_969 = arith.mulf %mul3A_968, %bitcast_convert_type3A_966 : f32
        %mul3A_970 = arith.mulf %mul3A_969, %bitcast_convert_type3A_966 : f32
        %sub3A_971 = arith.constant 1.500000e+00 : f32
        %sub3A_972 = arith.subf %sub3A_971, %mul3A_970 : f32
        %mul3A_973 = arith.mulf %bitcast_convert_type3A_966, %sub3A_972 : f32
        %mul3A_974 = arith.mulf %mul3A_954, %mul3A_973 : f32
        %broadcast_in_dim3A_975 = vector.broadcast %add3A_556 : i32 to vector<16xi32>
        %mul3A_976 = vector.broadcast %mul3A_973 : f32 to vector<16xf32>
        %mul3A_977 = arith.mulf %add3A_562, %mul3A_976 : vector<16xf32>
        %sub3A_978 = vector.broadcast %mul3A_974 : f32 to vector<16xf32>
        %sub3A_979 = arith.subf %mul3A_977, %sub3A_978 : vector<16xf32>
        %mul3A_980 = arith.mulf %sub3A_979, %get3A_69 : vector<16xf32>
        %add3A_981 = arith.addf %mul3A_980, %get3A_85 : vector<16xf32>
        %scatter3A_982 = arith.constant 0 : i32
        %scatter3A_983 = arith.constant 0 : i32
        %scatter3A_984 = arith.constant 0 : i32
        %scatter3A_985 = tpu.memref_slice %arg13[%scatter3A_982, %scatter3A_983, %scatter3A_984] : memref<2x64x129xf32, #tpu.memory_space<vmem>> -> memref<1x64x129xf32, #tpu.memory_space<vmem>>
        %scatter3A_986 = tpu.memref_squeeze %scatter3A_985 : memref<1x64x129xf32, #tpu.memory_space<vmem>> -> memref<64x129xf32, #tpu.memory_space<vmem>>
        tpu.vector_store_idx %scatter3A_986[%add3A_100, %broadcast_in_dim3A_975], %add3A_981 : memref<64x129xf32, #tpu.memory_space<vmem>>[vector<16xi32>, vector<16xi32>], vector<16xf32>,
        %mul3A_987 = vector.broadcast %mul3A_973 : f32 to vector<16xf32>
        %mul3A_988 = arith.mulf %add3A_568, %mul3A_987 : vector<16xf32>
        %sub3A_989 = vector.broadcast %mul3A_974 : f32 to vector<16xf32>
        %sub3A_990 = arith.subf %mul3A_988, %sub3A_989 : vector<16xf32>
        %mul3A_991 = arith.mulf %sub3A_990, %get3A_73 : vector<16xf32>
        %add3A_992 = arith.addf %mul3A_991, %get3A_89 : vector<16xf32>
        %scatter3A_993 = arith.constant 0 : i32
        %scatter3A_994 = arith.constant 0 : i32
        %scatter3A_995 = arith.constant 0 : i32
        %scatter3A_996 = tpu.memref_slice %arg13[%scatter3A_993, %scatter3A_994, %scatter3A_995] : memref<2x64x129xf32, #tpu.memory_space<vmem>> -> memref<1x64x129xf32, #tpu.memory_space<vmem>>
        %scatter3A_997 = tpu.memref_squeeze %scatter3A_996 : memref<1x64x129xf32, #tpu.memory_space<vmem>> -> memref<64x129xf32, #tpu.memory_space<vmem>>
        tpu.vector_store_idx %scatter3A_997[%add3A_103, %broadcast_in_dim3A_975], %add3A_992 : memref<64x129xf32, #tpu.memory_space<vmem>>[vector<16xi32>, vector<16xi32>], vector<16xf32>,
        %mul3A_998 = vector.broadcast %mul3A_973 : f32 to vector<16xf32>
        %mul3A_999 = arith.mulf %add3A_574, %mul3A_998 : vector<16xf32>
        %sub3A_1000 = vector.broadcast %mul3A_974 : f32 to vector<16xf32>
        %sub3A_1001 = arith.subf %mul3A_999, %sub3A_1000 : vector<16xf32>
        %mul3A_1002 = arith.mulf %sub3A_1001, %get3A_77 : vector<16xf32>
        %add3A_1003 = arith.addf %mul3A_1002, %get3A_93 : vector<16xf32>
        %scatter3A_1004 = arith.constant 0 : i32
        %scatter3A_1005 = arith.constant 0 : i32
        %scatter3A_1006 = arith.constant 0 : i32
        %scatter3A_1007 = tpu.memref_slice %arg13[%scatter3A_1004, %scatter3A_1005, %scatter3A_1006] : memref<2x64x129xf32, #tpu.memory_space<vmem>> -> memref<1x64x129xf32, #tpu.memory_space<vmem>>
        %scatter3A_1008 = tpu.memref_squeeze %scatter3A_1007 : memref<1x64x129xf32, #tpu.memory_space<vmem>> -> memref<64x129xf32, #tpu.memory_space<vmem>>
        tpu.vector_store_idx %scatter3A_1008[%add3A_106, %broadcast_in_dim3A_975], %add3A_1003 : memref<64x129xf32, #tpu.memory_space<vmem>>[vector<16xi32>, vector<16xi32>], vector<16xf32>,
        %mul3A_1009 = vector.broadcast %mul3A_973 : f32 to vector<16xf32>
        %mul3A_1010 = arith.mulf %add3A_580, %mul3A_1009 : vector<16xf32>
        %sub3A_1011 = vector.broadcast %mul3A_974 : f32 to vector<16xf32>
        %sub3A_1012 = arith.subf %mul3A_1010, %sub3A_1011 : vector<16xf32>
        %mul3A_1013 = arith.mulf %sub3A_1012, %get3A_81 : vector<16xf32>
        %add3A_1014 = arith.addf %mul3A_1013, %get3A_97 : vector<16xf32>
        %scatter3A_1015 = arith.constant 0 : i32
        %scatter3A_1016 = arith.constant 0 : i32
        %scatter3A_1017 = arith.constant 0 : i32
        %scatter3A_1018 = tpu.memref_slice %arg13[%scatter3A_1015, %scatter3A_1016, %scatter3A_1017] : memref<2x64x129xf32, #tpu.memory_space<vmem>> -> memref<1x64x129xf32, #tpu.memory_space<vmem>>
        %scatter3A_1019 = tpu.memref_squeeze %scatter3A_1018 : memref<1x64x129xf32, #tpu.memory_space<vmem>> -> memref<64x129xf32, #tpu.memory_space<vmem>>
        tpu.vector_store_idx %scatter3A_1019[%add3A_109, %broadcast_in_dim3A_975], %add3A_1014 : memref<64x129xf32, #tpu.memory_space<vmem>>[vector<16xi32>, vector<16xi32>], vector<16xf32>,
        %mul3A_1020 = arith.constant 1.562500e-02 : f32
        %mul3A_1021 = arith.mulf %reduce_sum3A_797, %mul3A_1020 : f32
        %mul3A_1022 = arith.mulf %reduce_sum3A_797, %mul3A_1021 : f32
        %sub3A_1023 = arith.subf %reduce_sum3A_801, %mul3A_1022 : f32
        %mul3A_1024 = arith.constant 0.0158730168 : f32
        %mul3A_1025 = arith.mulf %sub3A_1023, %mul3A_1024 : f32
        %max3A_1026 = arith.constant 1.000000e-30 : f32
        %max3A_1027 = arith.maximumf %mul3A_1025, %max3A_1026 : f32
        %bitcast_convert_type3A_1028 = arith.bitcast %max3A_1027 : f32 to i32
        %shift_right_arithmetic3A_1029 = arith.constant 1 : i32
        %shift_right_arithmetic3A_1030 = arith.shrsi %bitcast_convert_type3A_1028, %shift_right_arithmetic3A_1029 : i32
        %sub3A_1031 = arith.constant 1597463007 : i32
        %sub3A_1032 = arith.subi %sub3A_1031, %shift_right_arithmetic3A_1030 : i32
        %bitcast_convert_type3A_1033 = arith.bitcast %sub3A_1032 : i32 to f32
        %mul3A_1034 = arith.constant 5.000000e-01 : f32
        %mul3A_1035 = arith.mulf %mul3A_1034, %max3A_1027 : f32
        %mul3A_1036 = arith.mulf %mul3A_1035, %bitcast_convert_type3A_1033 : f32
        %mul3A_1037 = arith.mulf %mul3A_1036, %bitcast_convert_type3A_1033 : f32
        %sub3A_1038 = arith.constant 1.500000e+00 : f32
        %sub3A_1039 = arith.subf %sub3A_1038, %mul3A_1037 : f32
        %mul3A_1040 = arith.mulf %bitcast_convert_type3A_1033, %sub3A_1039 : f32
        %mul3A_1041 = arith.mulf %mul3A_1021, %mul3A_1040 : f32
        %broadcast_in_dim3A_1042 = vector.broadcast %add3A_584 : i32 to vector<16xi32>
        %mul3A_1043 = vector.broadcast %mul3A_1040 : f32 to vector<16xf32>
        %mul3A_1044 = arith.mulf %add3A_590, %mul3A_1043 : vector<16xf32>
        %sub3A_1045 = vector.broadcast %mul3A_1041 : f32 to vector<16xf32>
        %sub3A_1046 = arith.subf %mul3A_1044, %sub3A_1045 : vector<16xf32>
        %mul3A_1047 = arith.mulf %sub3A_1046, %get3A_69 : vector<16xf32>
        %add3A_1048 = arith.addf %mul3A_1047, %get3A_85 : vector<16xf32>
        %scatter3A_1049 = arith.constant 0 : i32
        %scatter3A_1050 = arith.constant 0 : i32
        %scatter3A_1051 = arith.constant 0 : i32
        %scatter3A_1052 = tpu.memref_slice %arg13[%scatter3A_1049, %scatter3A_1050, %scatter3A_1051] : memref<2x64x129xf32, #tpu.memory_space<vmem>> -> memref<1x64x129xf32, #tpu.memory_space<vmem>>
        %scatter3A_1053 = tpu.memref_squeeze %scatter3A_1052 : memref<1x64x129xf32, #tpu.memory_space<vmem>> -> memref<64x129xf32, #tpu.memory_space<vmem>>
        tpu.vector_store_idx %scatter3A_1053[%add3A_100, %broadcast_in_dim3A_1042], %add3A_1048 : memref<64x129xf32, #tpu.memory_space<vmem>>[vector<16xi32>, vector<16xi32>], vector<16xf32>,
        %mul3A_1054 = vector.broadcast %mul3A_1040 : f32 to vector<16xf32>
        %mul3A_1055 = arith.mulf %add3A_596, %mul3A_1054 : vector<16xf32>
        %sub3A_1056 = vector.broadcast %mul3A_1041 : f32 to vector<16xf32>
        %sub3A_1057 = arith.subf %mul3A_1055, %sub3A_1056 : vector<16xf32>
        %mul3A_1058 = arith.mulf %sub3A_1057, %get3A_73 : vector<16xf32>
        %add3A_1059 = arith.addf %mul3A_1058, %get3A_89 : vector<16xf32>
        %scatter3A_1060 = arith.constant 0 : i32
        %scatter3A_1061 = arith.constant 0 : i32
        %scatter3A_1062 = arith.constant 0 : i32
        %scatter3A_1063 = tpu.memref_slice %arg13[%scatter3A_1060, %scatter3A_1061, %scatter3A_1062] : memref<2x64x129xf32, #tpu.memory_space<vmem>> -> memref<1x64x129xf32, #tpu.memory_space<vmem>>
        %scatter3A_1064 = tpu.memref_squeeze %scatter3A_1063 : memref<1x64x129xf32, #tpu.memory_space<vmem>> -> memref<64x129xf32, #tpu.memory_space<vmem>>
        tpu.vector_store_idx %scatter3A_1064[%add3A_103, %broadcast_in_dim3A_1042], %add3A_1059 : memref<64x129xf32, #tpu.memory_space<vmem>>[vector<16xi32>, vector<16xi32>], vector<16xf32>,
        %mul3A_1065 = vector.broadcast %mul3A_1040 : f32 to vector<16xf32>
        %mul3A_1066 = arith.mulf %add3A_602, %mul3A_1065 : vector<16xf32>
        %sub3A_1067 = vector.broadcast %mul3A_1041 : f32 to vector<16xf32>
        %sub3A_1068 = arith.subf %mul3A_1066, %sub3A_1067 : vector<16xf32>
        %mul3A_1069 = arith.mulf %sub3A_1068, %get3A_77 : vector<16xf32>
        %add3A_1070 = arith.addf %mul3A_1069, %get3A_93 : vector<16xf32>
        %scatter3A_1071 = arith.constant 0 : i32
        %scatter3A_1072 = arith.constant 0 : i32
        %scatter3A_1073 = arith.constant 0 : i32
        %scatter3A_1074 = tpu.memref_slice %arg13[%scatter3A_1071, %scatter3A_1072, %scatter3A_1073] : memref<2x64x129xf32, #tpu.memory_space<vmem>> -> memref<1x64x129xf32, #tpu.memory_space<vmem>>
        %scatter3A_1075 = tpu.memref_squeeze %scatter3A_1074 : memref<1x64x129xf32, #tpu.memory_space<vmem>> -> memref<64x129xf32, #tpu.memory_space<vmem>>
        tpu.vector_store_idx %scatter3A_1075[%add3A_106, %broadcast_in_dim3A_1042], %add3A_1070 : memref<64x129xf32, #tpu.memory_space<vmem>>[vector<16xi32>, vector<16xi32>], vector<16xf32>,
        %mul3A_1076 = vector.broadcast %mul3A_1040 : f32 to vector<16xf32>
        %mul3A_1077 = arith.mulf %add3A_608, %mul3A_1076 : vector<16xf32>
        %sub3A_1078 = vector.broadcast %mul3A_1041 : f32 to vector<16xf32>
        %sub3A_1079 = arith.subf %mul3A_1077, %sub3A_1078 : vector<16xf32>
        %mul3A_1080 = arith.mulf %sub3A_1079, %get3A_81 : vector<16xf32>
        %add3A_1081 = arith.addf %mul3A_1080, %get3A_97 : vector<16xf32>
        %scatter3A_1082 = arith.constant 0 : i32
        %scatter3A_1083 = arith.constant 0 : i32
        %scatter3A_1084 = arith.constant 0 : i32
        %scatter3A_1085 = tpu.memref_slice %arg13[%scatter3A_1082, %scatter3A_1083, %scatter3A_1084] : memref<2x64x129xf32, #tpu.memory_space<vmem>> -> memref<1x64x129xf32, #tpu.memory_space<vmem>>
        %scatter3A_1086 = tpu.memref_squeeze %scatter3A_1085 : memref<1x64x129xf32, #tpu.memory_space<vmem>> -> memref<64x129xf32, #tpu.memory_space<vmem>>
        tpu.vector_store_idx %scatter3A_1086[%add3A_109, %broadcast_in_dim3A_1042], %add3A_1081 : memref<64x129xf32, #tpu.memory_space<vmem>>[vector<16xi32>, vector<16xi32>], vector<16xf32>,
        %mul3A_1087 = arith.constant 1.562500e-02 : f32
        %mul3A_1088 = arith.mulf %reduce_sum3A_815, %mul3A_1087 : f32
        %mul3A_1089 = arith.mulf %reduce_sum3A_815, %mul3A_1088 : f32
        %sub3A_1090 = arith.subf %reduce_sum3A_819, %mul3A_1089 : f32
        %mul3A_1091 = arith.constant 0.0158730168 : f32
        %mul3A_1092 = arith.mulf %sub3A_1090, %mul3A_1091 : f32
        %max3A_1093 = arith.constant 1.000000e-30 : f32
        %max3A_1094 = arith.maximumf %mul3A_1092, %max3A_1093 : f32
        %bitcast_convert_type3A_1095 = arith.bitcast %max3A_1094 : f32 to i32
        %shift_right_arithmetic3A_1096 = arith.constant 1 : i32
        %shift_right_arithmetic3A_1097 = arith.shrsi %bitcast_convert_type3A_1095, %shift_right_arithmetic3A_1096 : i32
        %sub3A_1098 = arith.constant 1597463007 : i32
        %sub3A_1099 = arith.subi %sub3A_1098, %shift_right_arithmetic3A_1097 : i32
        %bitcast_convert_type3A_1100 = arith.bitcast %sub3A_1099 : i32 to f32
        %mul3A_1101 = arith.constant 5.000000e-01 : f32
        %mul3A_1102 = arith.mulf %mul3A_1101, %max3A_1094 : f32
        %mul3A_1103 = arith.mulf %mul3A_1102, %bitcast_convert_type3A_1100 : f32
        %mul3A_1104 = arith.mulf %mul3A_1103, %bitcast_convert_type3A_1100 : f32
        %sub3A_1105 = arith.constant 1.500000e+00 : f32
        %sub3A_1106 = arith.subf %sub3A_1105, %mul3A_1104 : f32
        %mul3A_1107 = arith.mulf %bitcast_convert_type3A_1100, %sub3A_1106 : f32
        %mul3A_1108 = arith.mulf %mul3A_1088, %mul3A_1107 : f32
        %broadcast_in_dim3A_1109 = vector.broadcast %add3A_612 : i32 to vector<16xi32>
        %mul3A_1110 = vector.broadcast %mul3A_1107 : f32 to vector<16xf32>
        %mul3A_1111 = arith.mulf %add3A_618, %mul3A_1110 : vector<16xf32>
        %sub3A_1112 = vector.broadcast %mul3A_1108 : f32 to vector<16xf32>
        %sub3A_1113 = arith.subf %mul3A_1111, %sub3A_1112 : vector<16xf32>
        %mul3A_1114 = arith.mulf %sub3A_1113, %get3A_69 : vector<16xf32>
        %add3A_1115 = arith.addf %mul3A_1114, %get3A_85 : vector<16xf32>
        %scatter3A_1116 = arith.constant 0 : i32
        %scatter3A_1117 = arith.constant 0 : i32
        %scatter3A_1118 = arith.constant 0 : i32
        %scatter3A_1119 = tpu.memref_slice %arg13[%scatter3A_1116, %scatter3A_1117, %scatter3A_1118] : memref<2x64x129xf32, #tpu.memory_space<vmem>> -> memref<1x64x129xf32, #tpu.memory_space<vmem>>
        %scatter3A_1120 = tpu.memref_squeeze %scatter3A_1119 : memref<1x64x129xf32, #tpu.memory_space<vmem>> -> memref<64x129xf32, #tpu.memory_space<vmem>>
        tpu.vector_store_idx %scatter3A_1120[%add3A_100, %broadcast_in_dim3A_1109], %add3A_1115 : memref<64x129xf32, #tpu.memory_space<vmem>>[vector<16xi32>, vector<16xi32>], vector<16xf32>,
        %mul3A_1121 = vector.broadcast %mul3A_1107 : f32 to vector<16xf32>
        %mul3A_1122 = arith.mulf %add3A_624, %mul3A_1121 : vector<16xf32>
        %sub3A_1123 = vector.broadcast %mul3A_1108 : f32 to vector<16xf32>
        %sub3A_1124 = arith.subf %mul3A_1122, %sub3A_1123 : vector<16xf32>
        %mul3A_1125 = arith.mulf %sub3A_1124, %get3A_73 : vector<16xf32>
        %add3A_1126 = arith.addf %mul3A_1125, %get3A_89 : vector<16xf32>
        %scatter3A_1127 = arith.constant 0 : i32
        %scatter3A_1128 = arith.constant 0 : i32
        %scatter3A_1129 = arith.constant 0 : i32
        %scatter3A_1130 = tpu.memref_slice %arg13[%scatter3A_1127, %scatter3A_1128, %scatter3A_1129] : memref<2x64x129xf32, #tpu.memory_space<vmem>> -> memref<1x64x129xf32, #tpu.memory_space<vmem>>
        %scatter3A_1131 = tpu.memref_squeeze %scatter3A_1130 : memref<1x64x129xf32, #tpu.memory_space<vmem>> -> memref<64x129xf32, #tpu.memory_space<vmem>>
        tpu.vector_store_idx %scatter3A_1131[%add3A_103, %broadcast_in_dim3A_1109], %add3A_1126 : memref<64x129xf32, #tpu.memory_space<vmem>>[vector<16xi32>, vector<16xi32>], vector<16xf32>,
        %mul3A_1132 = vector.broadcast %mul3A_1107 : f32 to vector<16xf32>
        %mul3A_1133 = arith.mulf %add3A_630, %mul3A_1132 : vector<16xf32>
        %sub3A_1134 = vector.broadcast %mul3A_1108 : f32 to vector<16xf32>
        %sub3A_1135 = arith.subf %mul3A_1133, %sub3A_1134 : vector<16xf32>
        %mul3A_1136 = arith.mulf %sub3A_1135, %get3A_77 : vector<16xf32>
        %add3A_1137 = arith.addf %mul3A_1136, %get3A_93 : vector<16xf32>
        %scatter3A_1138 = arith.constant 0 : i32
        %scatter3A_1139 = arith.constant 0 : i32
        %scatter3A_1140 = arith.constant 0 : i32
        %scatter3A_1141 = tpu.memref_slice %arg13[%scatter3A_1138, %scatter3A_1139, %scatter3A_1140] : memref<2x64x129xf32, #tpu.memory_space<vmem>> -> memref<1x64x129xf32, #tpu.memory_space<vmem>>
        %scatter3A_1142 = tpu.memref_squeeze %scatter3A_1141 : memref<1x64x129xf32, #tpu.memory_space<vmem>> -> memref<64x129xf32, #tpu.memory_space<vmem>>
        tpu.vector_store_idx %scatter3A_1142[%add3A_106, %broadcast_in_dim3A_1109], %add3A_1137 : memref<64x129xf32, #tpu.memory_space<vmem>>[vector<16xi32>, vector<16xi32>], vector<16xf32>,
        %mul3A_1143 = vector.broadcast %mul3A_1107 : f32 to vector<16xf32>
        %mul3A_1144 = arith.mulf %add3A_636, %mul3A_1143 : vector<16xf32>
        %sub3A_1145 = vector.broadcast %mul3A_1108 : f32 to vector<16xf32>
        %sub3A_1146 = arith.subf %mul3A_1144, %sub3A_1145 : vector<16xf32>
        %mul3A_1147 = arith.mulf %sub3A_1146, %get3A_81 : vector<16xf32>
        %add3A_1148 = arith.addf %mul3A_1147, %get3A_97 : vector<16xf32>
        %scatter3A_1149 = arith.constant 0 : i32
        %scatter3A_1150 = arith.constant 0 : i32
        %scatter3A_1151 = arith.constant 0 : i32
        %scatter3A_1152 = tpu.memref_slice %arg13[%scatter3A_1149, %scatter3A_1150, %scatter3A_1151] : memref<2x64x129xf32, #tpu.memory_space<vmem>> -> memref<1x64x129xf32, #tpu.memory_space<vmem>>
        %scatter3A_1153 = tpu.memref_squeeze %scatter3A_1152 : memref<1x64x129xf32, #tpu.memory_space<vmem>> -> memref<64x129xf32, #tpu.memory_space<vmem>>
        tpu.vector_store_idx %scatter3A_1153[%add3A_109, %broadcast_in_dim3A_1109], %add3A_1148 : memref<64x129xf32, #tpu.memory_space<vmem>>[vector<16xi32>, vector<16xi32>], vector<16xf32>,
        %mul3A_1154 = arith.constant 1.562500e-02 : f32
        %mul3A_1155 = arith.mulf %reduce_sum3A_833, %mul3A_1154 : f32
        %mul3A_1156 = arith.mulf %reduce_sum3A_833, %mul3A_1155 : f32
        %sub3A_1157 = arith.subf %reduce_sum3A_837, %mul3A_1156 : f32
        %mul3A_1158 = arith.constant 0.0158730168 : f32
        %mul3A_1159 = arith.mulf %sub3A_1157, %mul3A_1158 : f32
        %max3A_1160 = arith.constant 1.000000e-30 : f32
        %max3A_1161 = arith.maximumf %mul3A_1159, %max3A_1160 : f32
        %bitcast_convert_type3A_1162 = arith.bitcast %max3A_1161 : f32 to i32
        %shift_right_arithmetic3A_1163 = arith.constant 1 : i32
        %shift_right_arithmetic3A_1164 = arith.shrsi %bitcast_convert_type3A_1162, %shift_right_arithmetic3A_1163 : i32
        %sub3A_1165 = arith.constant 1597463007 : i32
        %sub3A_1166 = arith.subi %sub3A_1165, %shift_right_arithmetic3A_1164 : i32
        %bitcast_convert_type3A_1167 = arith.bitcast %sub3A_1166 : i32 to f32
        %mul3A_1168 = arith.constant 5.000000e-01 : f32
        %mul3A_1169 = arith.mulf %mul3A_1168, %max3A_1161 : f32
        %mul3A_1170 = arith.mulf %mul3A_1169, %bitcast_convert_type3A_1167 : f32
        %mul3A_1171 = arith.mulf %mul3A_1170, %bitcast_convert_type3A_1167 : f32
        %sub3A_1172 = arith.constant 1.500000e+00 : f32
        %sub3A_1173 = arith.subf %sub3A_1172, %mul3A_1171 : f32
        %mul3A_1174 = arith.mulf %bitcast_convert_type3A_1167, %sub3A_1173 : f32
        %mul3A_1175 = arith.mulf %mul3A_1155, %mul3A_1174 : f32
        %broadcast_in_dim3A_1176 = vector.broadcast %add3A_640 : i32 to vector<16xi32>
        %mul3A_1177 = vector.broadcast %mul3A_1174 : f32 to vector<16xf32>
        %mul3A_1178 = arith.mulf %add3A_646, %mul3A_1177 : vector<16xf32>
        %sub3A_1179 = vector.broadcast %mul3A_1175 : f32 to vector<16xf32>
        %sub3A_1180 = arith.subf %mul3A_1178, %sub3A_1179 : vector<16xf32>
        %mul3A_1181 = arith.mulf %sub3A_1180, %get3A_69 : vector<16xf32>
        %add3A_1182 = arith.addf %mul3A_1181, %get3A_85 : vector<16xf32>
        %scatter3A_1183 = arith.constant 0 : i32
        %scatter3A_1184 = arith.constant 0 : i32
        %scatter3A_1185 = arith.constant 0 : i32
        %scatter3A_1186 = tpu.memref_slice %arg13[%scatter3A_1183, %scatter3A_1184, %scatter3A_1185] : memref<2x64x129xf32, #tpu.memory_space<vmem>> -> memref<1x64x129xf32, #tpu.memory_space<vmem>>
        %scatter3A_1187 = tpu.memref_squeeze %scatter3A_1186 : memref<1x64x129xf32, #tpu.memory_space<vmem>> -> memref<64x129xf32, #tpu.memory_space<vmem>>
        tpu.vector_store_idx %scatter3A_1187[%add3A_100, %broadcast_in_dim3A_1176], %add3A_1182 : memref<64x129xf32, #tpu.memory_space<vmem>>[vector<16xi32>, vector<16xi32>], vector<16xf32>,
        %mul3A_1188 = vector.broadcast %mul3A_1174 : f32 to vector<16xf32>
        %mul3A_1189 = arith.mulf %add3A_652, %mul3A_1188 : vector<16xf32>
        %sub3A_1190 = vector.broadcast %mul3A_1175 : f32 to vector<16xf32>
        %sub3A_1191 = arith.subf %mul3A_1189, %sub3A_1190 : vector<16xf32>
        %mul3A_1192 = arith.mulf %sub3A_1191, %get3A_73 : vector<16xf32>
        %add3A_1193 = arith.addf %mul3A_1192, %get3A_89 : vector<16xf32>
        %scatter3A_1194 = arith.constant 0 : i32
        %scatter3A_1195 = arith.constant 0 : i32
        %scatter3A_1196 = arith.constant 0 : i32
        %scatter3A_1197 = tpu.memref_slice %arg13[%scatter3A_1194, %scatter3A_1195, %scatter3A_1196] : memref<2x64x129xf32, #tpu.memory_space<vmem>> -> memref<1x64x129xf32, #tpu.memory_space<vmem>>
        %scatter3A_1198 = tpu.memref_squeeze %scatter3A_1197 : memref<1x64x129xf32, #tpu.memory_space<vmem>> -> memref<64x129xf32, #tpu.memory_space<vmem>>
        tpu.vector_store_idx %scatter3A_1198[%add3A_103, %broadcast_in_dim3A_1176], %add3A_1193 : memref<64x129xf32, #tpu.memory_space<vmem>>[vector<16xi32>, vector<16xi32>], vector<16xf32>,
        %mul3A_1199 = vector.broadcast %mul3A_1174 : f32 to vector<16xf32>
        %mul3A_1200 = arith.mulf %add3A_658, %mul3A_1199 : vector<16xf32>
        %sub3A_1201 = vector.broadcast %mul3A_1175 : f32 to vector<16xf32>
        %sub3A_1202 = arith.subf %mul3A_1200, %sub3A_1201 : vector<16xf32>
        %mul3A_1203 = arith.mulf %sub3A_1202, %get3A_77 : vector<16xf32>
        %add3A_1204 = arith.addf %mul3A_1203, %get3A_93 : vector<16xf32>
        %scatter3A_1205 = arith.constant 0 : i32
        %scatter3A_1206 = arith.constant 0 : i32
        %scatter3A_1207 = arith.constant 0 : i32
        %scatter3A_1208 = tpu.memref_slice %arg13[%scatter3A_1205, %scatter3A_1206, %scatter3A_1207] : memref<2x64x129xf32, #tpu.memory_space<vmem>> -> memref<1x64x129xf32, #tpu.memory_space<vmem>>
        %scatter3A_1209 = tpu.memref_squeeze %scatter3A_1208 : memref<1x64x129xf32, #tpu.memory_space<vmem>> -> memref<64x129xf32, #tpu.memory_space<vmem>>
        tpu.vector_store_idx %scatter3A_1209[%add3A_106, %broadcast_in_dim3A_1176], %add3A_1204 : memref<64x129xf32, #tpu.memory_space<vmem>>[vector<16xi32>, vector<16xi32>], vector<16xf32>,
        %mul3A_1210 = vector.broadcast %mul3A_1174 : f32 to vector<16xf32>
        %mul3A_1211 = arith.mulf %add3A_664, %mul3A_1210 : vector<16xf32>
        %sub3A_1212 = vector.broadcast %mul3A_1175 : f32 to vector<16xf32>
        %sub3A_1213 = arith.subf %mul3A_1211, %sub3A_1212 : vector<16xf32>
        %mul3A_1214 = arith.mulf %sub3A_1213, %get3A_81 : vector<16xf32>
        %add3A_1215 = arith.addf %mul3A_1214, %get3A_97 : vector<16xf32>
        %scatter3A_1216 = arith.constant 0 : i32
        %scatter3A_1217 = arith.constant 0 : i32
        %scatter3A_1218 = arith.constant 0 : i32
        %scatter3A_1219 = tpu.memref_slice %arg13[%scatter3A_1216, %scatter3A_1217, %scatter3A_1218] : memref<2x64x129xf32, #tpu.memory_space<vmem>> -> memref<1x64x129xf32, #tpu.memory_space<vmem>>
        %scatter3A_1220 = tpu.memref_squeeze %scatter3A_1219 : memref<1x64x129xf32, #tpu.memory_space<vmem>> -> memref<64x129xf32, #tpu.memory_space<vmem>>
        tpu.vector_store_idx %scatter3A_1220[%add3A_109, %broadcast_in_dim3A_1176], %add3A_1215 : memref<64x129xf32, #tpu.memory_space<vmem>>[vector<16xi32>, vector<16xi32>], vector<16xf32>,
        %mul3A_1221 = arith.constant 1.562500e-02 : f32
        %mul3A_1222 = arith.mulf %reduce_sum3A_851, %mul3A_1221 : f32
        %mul3A_1223 = arith.mulf %reduce_sum3A_851, %mul3A_1222 : f32
        %sub3A_1224 = arith.subf %reduce_sum3A_855, %mul3A_1223 : f32
        %mul3A_1225 = arith.constant 0.0158730168 : f32
        %mul3A_1226 = arith.mulf %sub3A_1224, %mul3A_1225 : f32
        %max3A_1227 = arith.constant 1.000000e-30 : f32
        %max3A_1228 = arith.maximumf %mul3A_1226, %max3A_1227 : f32
        %bitcast_convert_type3A_1229 = arith.bitcast %max3A_1228 : f32 to i32
        %shift_right_arithmetic3A_1230 = arith.constant 1 : i32
        %shift_right_arithmetic3A_1231 = arith.shrsi %bitcast_convert_type3A_1229, %shift_right_arithmetic3A_1230 : i32
        %sub3A_1232 = arith.constant 1597463007 : i32
        %sub3A_1233 = arith.subi %sub3A_1232, %shift_right_arithmetic3A_1231 : i32
        %bitcast_convert_type3A_1234 = arith.bitcast %sub3A_1233 : i32 to f32
        %mul3A_1235 = arith.constant 5.000000e-01 : f32
        %mul3A_1236 = arith.mulf %mul3A_1235, %max3A_1228 : f32
        %mul3A_1237 = arith.mulf %mul3A_1236, %bitcast_convert_type3A_1234 : f32
        %mul3A_1238 = arith.mulf %mul3A_1237, %bitcast_convert_type3A_1234 : f32
        %sub3A_1239 = arith.constant 1.500000e+00 : f32
        %sub3A_1240 = arith.subf %sub3A_1239, %mul3A_1238 : f32
        %mul3A_1241 = arith.mulf %bitcast_convert_type3A_1234, %sub3A_1240 : f32
        %mul3A_1242 = arith.mulf %mul3A_1222, %mul3A_1241 : f32
        %broadcast_in_dim3A_1243 = vector.broadcast %add3A_668 : i32 to vector<16xi32>
        %mul3A_1244 = vector.broadcast %mul3A_1241 : f32 to vector<16xf32>
        %mul3A_1245 = arith.mulf %add3A_674, %mul3A_1244 : vector<16xf32>
        %sub3A_1246 = vector.broadcast %mul3A_1242 : f32 to vector<16xf32>
        %sub3A_1247 = arith.subf %mul3A_1245, %sub3A_1246 : vector<16xf32>
        %mul3A_1248 = arith.mulf %sub3A_1247, %get3A_69 : vector<16xf32>
        %add3A_1249 = arith.addf %mul3A_1248, %get3A_85 : vector<16xf32>
        %scatter3A_1250 = arith.constant 0 : i32
        %scatter3A_1251 = arith.constant 0 : i32
        %scatter3A_1252 = arith.constant 0 : i32
        %scatter3A_1253 = tpu.memref_slice %arg13[%scatter3A_1250, %scatter3A_1251, %scatter3A_1252] : memref<2x64x129xf32, #tpu.memory_space<vmem>> -> memref<1x64x129xf32, #tpu.memory_space<vmem>>
        %scatter3A_1254 = tpu.memref_squeeze %scatter3A_1253 : memref<1x64x129xf32, #tpu.memory_space<vmem>> -> memref<64x129xf32, #tpu.memory_space<vmem>>
        tpu.vector_store_idx %scatter3A_1254[%add3A_100, %broadcast_in_dim3A_1243], %add3A_1249 : memref<64x129xf32, #tpu.memory_space<vmem>>[vector<16xi32>, vector<16xi32>], vector<16xf32>,
        %mul3A_1255 = vector.broadcast %mul3A_1241 : f32 to vector<16xf32>
        %mul3A_1256 = arith.mulf %add3A_680, %mul3A_1255 : vector<16xf32>
        %sub3A_1257 = vector.broadcast %mul3A_1242 : f32 to vector<16xf32>
        %sub3A_1258 = arith.subf %mul3A_1256, %sub3A_1257 : vector<16xf32>
        %mul3A_1259 = arith.mulf %sub3A_1258, %get3A_73 : vector<16xf32>
        %add3A_1260 = arith.addf %mul3A_1259, %get3A_89 : vector<16xf32>
        %scatter3A_1261 = arith.constant 0 : i32
        %scatter3A_1262 = arith.constant 0 : i32
        %scatter3A_1263 = arith.constant 0 : i32
        %scatter3A_1264 = tpu.memref_slice %arg13[%scatter3A_1261, %scatter3A_1262, %scatter3A_1263] : memref<2x64x129xf32, #tpu.memory_space<vmem>> -> memref<1x64x129xf32, #tpu.memory_space<vmem>>
        %scatter3A_1265 = tpu.memref_squeeze %scatter3A_1264 : memref<1x64x129xf32, #tpu.memory_space<vmem>> -> memref<64x129xf32, #tpu.memory_space<vmem>>
        tpu.vector_store_idx %scatter3A_1265[%add3A_103, %broadcast_in_dim3A_1243], %add3A_1260 : memref<64x129xf32, #tpu.memory_space<vmem>>[vector<16xi32>, vector<16xi32>], vector<16xf32>,
        %mul3A_1266 = vector.broadcast %mul3A_1241 : f32 to vector<16xf32>
        %mul3A_1267 = arith.mulf %add3A_686, %mul3A_1266 : vector<16xf32>
        %sub3A_1268 = vector.broadcast %mul3A_1242 : f32 to vector<16xf32>
        %sub3A_1269 = arith.subf %mul3A_1267, %sub3A_1268 : vector<16xf32>
        %mul3A_1270 = arith.mulf %sub3A_1269, %get3A_77 : vector<16xf32>
        %add3A_1271 = arith.addf %mul3A_1270, %get3A_93 : vector<16xf32>
        %scatter3A_1272 = arith.constant 0 : i32
        %scatter3A_1273 = arith.constant 0 : i32
        %scatter3A_1274 = arith.constant 0 : i32
        %scatter3A_1275 = tpu.memref_slice %arg13[%scatter3A_1272, %scatter3A_1273, %scatter3A_1274] : memref<2x64x129xf32, #tpu.memory_space<vmem>> -> memref<1x64x129xf32, #tpu.memory_space<vmem>>
        %scatter3A_1276 = tpu.memref_squeeze %scatter3A_1275 : memref<1x64x129xf32, #tpu.memory_space<vmem>> -> memref<64x129xf32, #tpu.memory_space<vmem>>
        tpu.vector_store_idx %scatter3A_1276[%add3A_106, %broadcast_in_dim3A_1243], %add3A_1271 : memref<64x129xf32, #tpu.memory_space<vmem>>[vector<16xi32>, vector<16xi32>], vector<16xf32>,
        %mul3A_1277 = vector.broadcast %mul3A_1241 : f32 to vector<16xf32>
        %mul3A_1278 = arith.mulf %add3A_692, %mul3A_1277 : vector<16xf32>
        %sub3A_1279 = vector.broadcast %mul3A_1242 : f32 to vector<16xf32>
        %sub3A_1280 = arith.subf %mul3A_1278, %sub3A_1279 : vector<16xf32>
        %mul3A_1281 = arith.mulf %sub3A_1280, %get3A_81 : vector<16xf32>
        %add3A_1282 = arith.addf %mul3A_1281, %get3A_97 : vector<16xf32>
        %scatter3A_1283 = arith.constant 0 : i32
        %scatter3A_1284 = arith.constant 0 : i32
        %scatter3A_1285 = arith.constant 0 : i32
        %scatter3A_1286 = tpu.memref_slice %arg13[%scatter3A_1283, %scatter3A_1284, %scatter3A_1285] : memref<2x64x129xf32, #tpu.memory_space<vmem>> -> memref<1x64x129xf32, #tpu.memory_space<vmem>>
        %scatter3A_1287 = tpu.memref_squeeze %scatter3A_1286 : memref<1x64x129xf32, #tpu.memory_space<vmem>> -> memref<64x129xf32, #tpu.memory_space<vmem>>
        tpu.vector_store_idx %scatter3A_1287[%add3A_109, %broadcast_in_dim3A_1243], %add3A_1282 : memref<64x129xf32, #tpu.memory_space<vmem>>[vector<16xi32>, vector<16xi32>], vector<16xf32>,
        %mul3A_1288 = arith.constant 1.562500e-02 : f32
        %mul3A_1289 = arith.mulf %reduce_sum3A_869, %mul3A_1288 : f32
        %mul3A_1290 = arith.mulf %reduce_sum3A_869, %mul3A_1289 : f32
        %sub3A_1291 = arith.subf %reduce_sum3A_873, %mul3A_1290 : f32
        %mul3A_1292 = arith.constant 0.0158730168 : f32
        %mul3A_1293 = arith.mulf %sub3A_1291, %mul3A_1292 : f32
        %max3A_1294 = arith.constant 1.000000e-30 : f32
        %max3A_1295 = arith.maximumf %mul3A_1293, %max3A_1294 : f32
        %bitcast_convert_type3A_1296 = arith.bitcast %max3A_1295 : f32 to i32
        %shift_right_arithmetic3A_1297 = arith.constant 1 : i32
        %shift_right_arithmetic3A_1298 = arith.shrsi %bitcast_convert_type3A_1296, %shift_right_arithmetic3A_1297 : i32
        %sub3A_1299 = arith.constant 1597463007 : i32
        %sub3A_1300 = arith.subi %sub3A_1299, %shift_right_arithmetic3A_1298 : i32
        %bitcast_convert_type3A_1301 = arith.bitcast %sub3A_1300 : i32 to f32
        %mul3A_1302 = arith.constant 5.000000e-01 : f32
        %mul3A_1303 = arith.mulf %mul3A_1302, %max3A_1295 : f32
        %mul3A_1304 = arith.mulf %mul3A_1303, %bitcast_convert_type3A_1301 : f32
        %mul3A_1305 = arith.mulf %mul3A_1304, %bitcast_convert_type3A_1301 : f32
        %sub3A_1306 = arith.constant 1.500000e+00 : f32
        %sub3A_1307 = arith.subf %sub3A_1306, %mul3A_1305 : f32
        %mul3A_1308 = arith.mulf %bitcast_convert_type3A_1301, %sub3A_1307 : f32
        %mul3A_1309 = arith.mulf %mul3A_1289, %mul3A_1308 : f32
        %broadcast_in_dim3A_1310 = vector.broadcast %add3A_696 : i32 to vector<16xi32>
        %mul3A_1311 = vector.broadcast %mul3A_1308 : f32 to vector<16xf32>
        %mul3A_1312 = arith.mulf %add3A_702, %mul3A_1311 : vector<16xf32>
        %sub3A_1313 = vector.broadcast %mul3A_1309 : f32 to vector<16xf32>
        %sub3A_1314 = arith.subf %mul3A_1312, %sub3A_1313 : vector<16xf32>
        %mul3A_1315 = arith.mulf %sub3A_1314, %get3A_69 : vector<16xf32>
        %add3A_1316 = arith.addf %mul3A_1315, %get3A_85 : vector<16xf32>
        %scatter3A_1317 = arith.constant 0 : i32
        %scatter3A_1318 = arith.constant 0 : i32
        %scatter3A_1319 = arith.constant 0 : i32
        %scatter3A_1320 = tpu.memref_slice %arg13[%scatter3A_1317, %scatter3A_1318, %scatter3A_1319] : memref<2x64x129xf32, #tpu.memory_space<vmem>> -> memref<1x64x129xf32, #tpu.memory_space<vmem>>
        %scatter3A_1321 = tpu.memref_squeeze %scatter3A_1320 : memref<1x64x129xf32, #tpu.memory_space<vmem>> -> memref<64x129xf32, #tpu.memory_space<vmem>>
        tpu.vector_store_idx %scatter3A_1321[%add3A_100, %broadcast_in_dim3A_1310], %add3A_1316 : memref<64x129xf32, #tpu.memory_space<vmem>>[vector<16xi32>, vector<16xi32>], vector<16xf32>,
        %mul3A_1322 = vector.broadcast %mul3A_1308 : f32 to vector<16xf32>
        %mul3A_1323 = arith.mulf %add3A_708, %mul3A_1322 : vector<16xf32>
        %sub3A_1324 = vector.broadcast %mul3A_1309 : f32 to vector<16xf32>
        %sub3A_1325 = arith.subf %mul3A_1323, %sub3A_1324 : vector<16xf32>
        %mul3A_1326 = arith.mulf %sub3A_1325, %get3A_73 : vector<16xf32>
        %add3A_1327 = arith.addf %mul3A_1326, %get3A_89 : vector<16xf32>
        %scatter3A_1328 = arith.constant 0 : i32
        %scatter3A_1329 = arith.constant 0 : i32
        %scatter3A_1330 = arith.constant 0 : i32
        %scatter3A_1331 = tpu.memref_slice %arg13[%scatter3A_1328, %scatter3A_1329, %scatter3A_1330] : memref<2x64x129xf32, #tpu.memory_space<vmem>> -> memref<1x64x129xf32, #tpu.memory_space<vmem>>
        %scatter3A_1332 = tpu.memref_squeeze %scatter3A_1331 : memref<1x64x129xf32, #tpu.memory_space<vmem>> -> memref<64x129xf32, #tpu.memory_space<vmem>>
        tpu.vector_store_idx %scatter3A_1332[%add3A_103, %broadcast_in_dim3A_1310], %add3A_1327 : memref<64x129xf32, #tpu.memory_space<vmem>>[vector<16xi32>, vector<16xi32>], vector<16xf32>,
        %mul3A_1333 = vector.broadcast %mul3A_1308 : f32 to vector<16xf32>
        %mul3A_1334 = arith.mulf %add3A_714, %mul3A_1333 : vector<16xf32>
        %sub3A_1335 = vector.broadcast %mul3A_1309 : f32 to vector<16xf32>
        %sub3A_1336 = arith.subf %mul3A_1334, %sub3A_1335 : vector<16xf32>
        %mul3A_1337 = arith.mulf %sub3A_1336, %get3A_77 : vector<16xf32>
        %add3A_1338 = arith.addf %mul3A_1337, %get3A_93 : vector<16xf32>
        %scatter3A_1339 = arith.constant 0 : i32
        %scatter3A_1340 = arith.constant 0 : i32
        %scatter3A_1341 = arith.constant 0 : i32
        %scatter3A_1342 = tpu.memref_slice %arg13[%scatter3A_1339, %scatter3A_1340, %scatter3A_1341] : memref<2x64x129xf32, #tpu.memory_space<vmem>> -> memref<1x64x129xf32, #tpu.memory_space<vmem>>
        %scatter3A_1343 = tpu.memref_squeeze %scatter3A_1342 : memref<1x64x129xf32, #tpu.memory_space<vmem>> -> memref<64x129xf32, #tpu.memory_space<vmem>>
        tpu.vector_store_idx %scatter3A_1343[%add3A_106, %broadcast_in_dim3A_1310], %add3A_1338 : memref<64x129xf32, #tpu.memory_space<vmem>>[vector<16xi32>, vector<16xi32>], vector<16xf32>,
        %mul3A_1344 = vector.broadcast %mul3A_1308 : f32 to vector<16xf32>
        %mul3A_1345 = arith.mulf %add3A_720, %mul3A_1344 : vector<16xf32>
        %sub3A_1346 = vector.broadcast %mul3A_1309 : f32 to vector<16xf32>
        %sub3A_1347 = arith.subf %mul3A_1345, %sub3A_1346 : vector<16xf32>
        %mul3A_1348 = arith.mulf %sub3A_1347, %get3A_81 : vector<16xf32>
        %add3A_1349 = arith.addf %mul3A_1348, %get3A_97 : vector<16xf32>
        %scatter3A_1350 = arith.constant 0 : i32
        %scatter3A_1351 = arith.constant 0 : i32
        %scatter3A_1352 = arith.constant 0 : i32
        %scatter3A_1353 = tpu.memref_slice %arg13[%scatter3A_1350, %scatter3A_1351, %scatter3A_1352] : memref<2x64x129xf32, #tpu.memory_space<vmem>> -> memref<1x64x129xf32, #tpu.memory_space<vmem>>
        %scatter3A_1354 = tpu.memref_squeeze %scatter3A_1353 : memref<1x64x129xf32, #tpu.memory_space<vmem>> -> memref<64x129xf32, #tpu.memory_space<vmem>>
        tpu.vector_store_idx %scatter3A_1354[%add3A_109, %broadcast_in_dim3A_1310], %add3A_1349 : memref<64x129xf32, #tpu.memory_space<vmem>>[vector<16xi32>, vector<16xi32>], vector<16xf32>,
        %mul3A_1355 = arith.constant 1.562500e-02 : f32
        %mul3A_1356 = arith.mulf %reduce_sum3A_887, %mul3A_1355 : f32
        %mul3A_1357 = arith.mulf %reduce_sum3A_887, %mul3A_1356 : f32
        %sub3A_1358 = arith.subf %reduce_sum3A_891, %mul3A_1357 : f32
        %mul3A_1359 = arith.constant 0.0158730168 : f32
        %mul3A_1360 = arith.mulf %sub3A_1358, %mul3A_1359 : f32
        %max3A_1361 = arith.constant 1.000000e-30 : f32
        %max3A_1362 = arith.maximumf %mul3A_1360, %max3A_1361 : f32
        %bitcast_convert_type3A_1363 = arith.bitcast %max3A_1362 : f32 to i32
        %shift_right_arithmetic3A_1364 = arith.constant 1 : i32
        %shift_right_arithmetic3A_1365 = arith.shrsi %bitcast_convert_type3A_1363, %shift_right_arithmetic3A_1364 : i32
        %sub3A_1366 = arith.constant 1597463007 : i32
        %sub3A_1367 = arith.subi %sub3A_1366, %shift_right_arithmetic3A_1365 : i32
        %bitcast_convert_type3A_1368 = arith.bitcast %sub3A_1367 : i32 to f32
        %mul3A_1369 = arith.constant 5.000000e-01 : f32
        %mul3A_1370 = arith.mulf %mul3A_1369, %max3A_1362 : f32
        %mul3A_1371 = arith.mulf %mul3A_1370, %bitcast_convert_type3A_1368 : f32
        %mul3A_1372 = arith.mulf %mul3A_1371, %bitcast_convert_type3A_1368 : f32
        %sub3A_1373 = arith.constant 1.500000e+00 : f32
        %sub3A_1374 = arith.subf %sub3A_1373, %mul3A_1372 : f32
        %mul3A_1375 = arith.mulf %bitcast_convert_type3A_1368, %sub3A_1374 : f32
        %mul3A_1376 = arith.mulf %mul3A_1356, %mul3A_1375 : f32
        %broadcast_in_dim3A_1377 = vector.broadcast %add3A_724 : i32 to vector<16xi32>
        %mul3A_1378 = vector.broadcast %mul3A_1375 : f32 to vector<16xf32>
        %mul3A_1379 = arith.mulf %add3A_730, %mul3A_1378 : vector<16xf32>
        %sub3A_1380 = vector.broadcast %mul3A_1376 : f32 to vector<16xf32>
        %sub3A_1381 = arith.subf %mul3A_1379, %sub3A_1380 : vector<16xf32>
        %mul3A_1382 = arith.mulf %sub3A_1381, %get3A_69 : vector<16xf32>
        %add3A_1383 = arith.addf %mul3A_1382, %get3A_85 : vector<16xf32>
        %scatter3A_1384 = arith.constant 0 : i32
        %scatter3A_1385 = arith.constant 0 : i32
        %scatter3A_1386 = arith.constant 0 : i32
        %scatter3A_1387 = tpu.memref_slice %arg13[%scatter3A_1384, %scatter3A_1385, %scatter3A_1386] : memref<2x64x129xf32, #tpu.memory_space<vmem>> -> memref<1x64x129xf32, #tpu.memory_space<vmem>>
        %scatter3A_1388 = tpu.memref_squeeze %scatter3A_1387 : memref<1x64x129xf32, #tpu.memory_space<vmem>> -> memref<64x129xf32, #tpu.memory_space<vmem>>
        tpu.vector_store_idx %scatter3A_1388[%add3A_100, %broadcast_in_dim3A_1377], %add3A_1383 : memref<64x129xf32, #tpu.memory_space<vmem>>[vector<16xi32>, vector<16xi32>], vector<16xf32>,
        %mul3A_1389 = vector.broadcast %mul3A_1375 : f32 to vector<16xf32>
        %mul3A_1390 = arith.mulf %add3A_736, %mul3A_1389 : vector<16xf32>
        %sub3A_1391 = vector.broadcast %mul3A_1376 : f32 to vector<16xf32>
        %sub3A_1392 = arith.subf %mul3A_1390, %sub3A_1391 : vector<16xf32>
        %mul3A_1393 = arith.mulf %sub3A_1392, %get3A_73 : vector<16xf32>
        %add3A_1394 = arith.addf %mul3A_1393, %get3A_89 : vector<16xf32>
        %scatter3A_1395 = arith.constant 0 : i32
        %scatter3A_1396 = arith.constant 0 : i32
        %scatter3A_1397 = arith.constant 0 : i32
        %scatter3A_1398 = tpu.memref_slice %arg13[%scatter3A_1395, %scatter3A_1396, %scatter3A_1397] : memref<2x64x129xf32, #tpu.memory_space<vmem>> -> memref<1x64x129xf32, #tpu.memory_space<vmem>>
        %scatter3A_1399 = tpu.memref_squeeze %scatter3A_1398 : memref<1x64x129xf32, #tpu.memory_space<vmem>> -> memref<64x129xf32, #tpu.memory_space<vmem>>
        tpu.vector_store_idx %scatter3A_1399[%add3A_103, %broadcast_in_dim3A_1377], %add3A_1394 : memref<64x129xf32, #tpu.memory_space<vmem>>[vector<16xi32>, vector<16xi32>], vector<16xf32>,
        %mul3A_1400 = vector.broadcast %mul3A_1375 : f32 to vector<16xf32>
        %mul3A_1401 = arith.mulf %add3A_742, %mul3A_1400 : vector<16xf32>
        %sub3A_1402 = vector.broadcast %mul3A_1376 : f32 to vector<16xf32>
        %sub3A_1403 = arith.subf %mul3A_1401, %sub3A_1402 : vector<16xf32>
        %mul3A_1404 = arith.mulf %sub3A_1403, %get3A_77 : vector<16xf32>
        %add3A_1405 = arith.addf %mul3A_1404, %get3A_93 : vector<16xf32>
        %scatter3A_1406 = arith.constant 0 : i32
        %scatter3A_1407 = arith.constant 0 : i32
        %scatter3A_1408 = arith.constant 0 : i32
        %scatter3A_1409 = tpu.memref_slice %arg13[%scatter3A_1406, %scatter3A_1407, %scatter3A_1408] : memref<2x64x129xf32, #tpu.memory_space<vmem>> -> memref<1x64x129xf32, #tpu.memory_space<vmem>>
        %scatter3A_1410 = tpu.memref_squeeze %scatter3A_1409 : memref<1x64x129xf32, #tpu.memory_space<vmem>> -> memref<64x129xf32, #tpu.memory_space<vmem>>
        tpu.vector_store_idx %scatter3A_1410[%add3A_106, %broadcast_in_dim3A_1377], %add3A_1405 : memref<64x129xf32, #tpu.memory_space<vmem>>[vector<16xi32>, vector<16xi32>], vector<16xf32>,
        %mul3A_1411 = vector.broadcast %mul3A_1375 : f32 to vector<16xf32>
        %mul3A_1412 = arith.mulf %add3A_748, %mul3A_1411 : vector<16xf32>
        %sub3A_1413 = vector.broadcast %mul3A_1376 : f32 to vector<16xf32>
        %sub3A_1414 = arith.subf %mul3A_1412, %sub3A_1413 : vector<16xf32>
        %mul3A_1415 = arith.mulf %sub3A_1414, %get3A_81 : vector<16xf32>
        %add3A_1416 = arith.addf %mul3A_1415, %get3A_97 : vector<16xf32>
        %scatter3A_1417 = arith.constant 0 : i32
        %scatter3A_1418 = arith.constant 0 : i32
        %scatter3A_1419 = arith.constant 0 : i32
        %scatter3A_1420 = tpu.memref_slice %arg13[%scatter3A_1417, %scatter3A_1418, %scatter3A_1419] : memref<2x64x129xf32, #tpu.memory_space<vmem>> -> memref<1x64x129xf32, #tpu.memory_space<vmem>>
        %scatter3A_1421 = tpu.memref_squeeze %scatter3A_1420 : memref<1x64x129xf32, #tpu.memory_space<vmem>> -> memref<64x129xf32, #tpu.memory_space<vmem>>
        tpu.vector_store_idx %scatter3A_1421[%add3A_109, %broadcast_in_dim3A_1377], %add3A_1416 : memref<64x129xf32, #tpu.memory_space<vmem>>[vector<16xi32>, vector<16xi32>], vector<16xf32>,
      }
      %scan3A_186 = arith.constant 16 : i32
      %dma_start3A_187 = arith.constant 0 : i32
      %dma_start3A_188 = arith.constant 0 : i32
      %dma_start3A_189 = arith.constant 0 : i32
      %dma_start3A_190 = arith.constant 0 : i32
      %dma_start3A_191 = tpu.memref_slice %arg13[%dma_start3A_187, %dma_start3A_189, %dma_start3A_190] : memref<2x64x129xf32, #tpu.memory_space<vmem>> -> memref<1x8x128xf32, #tpu.memory_space<vmem>>
      %dma_start3A_192 = tpu.memref_squeeze %dma_start3A_191 : memref<1x8x128xf32, #tpu.memory_space<vmem>> -> memref<8x128xf32, #tpu.memory_space<vmem>>
      %dma_start3A_193 = arith.constant 0 : i32
      %dma_start3A_194 = arith.constant 0 : i32
      %dma_start3A_195 = tpu.memref_slice %arg7[%add3A_145, %dma_start3A_188, %add3A, %dma_start3A_193, %dma_start3A_194] : memref<200x8x32x8x128xf32, #tpu.memory_space<hbm>> -> memref<1x1x1x8x128xf32, #tpu.memory_space<hbm>>
      %dma_start3A_196 = tpu.memref_squeeze %dma_start3A_195 : memref<1x1x1x8x128xf32, #tpu.memory_space<hbm>> -> memref<8x128xf32, #tpu.memory_space<hbm>>
      %dma_start3A_197 = arith.constant 0 : i32
      %dma_start3A_198 = arith.constant 0 : i32
      %dma_start3A_199 = tpu.memref_slice %arg7[%add3A_145, %dma_start3A_188, %add3A, %dma_start3A_197, %dma_start3A_198] : memref<200x8x32x8x128xf32, #tpu.memory_space<hbm>> -> memref<1x1x1x8x128xf32, #tpu.memory_space<hbm>>
      %dma_start3A_200 = tpu.memref_squeeze %dma_start3A_199 : memref<1x1x1x8x128xf32, #tpu.memory_space<hbm>> -> memref<8x128xf32, #tpu.memory_space<hbm>>
      %dma_start3A_201 = arith.constant 0 : i32
      %dma_start3A_202 = arith.constant 0 : i32
      %dma_start3A_203 = tpu.memref_slice %arg13[%dma_start3A_187, %dma_start3A_201, %dma_start3A_202] : memref<2x64x129xf32, #tpu.memory_space<vmem>> -> memref<1x8x128xf32, #tpu.memory_space<vmem>>
      %dma_start3A_204 = tpu.memref_squeeze %dma_start3A_203 : memref<1x8x128xf32, #tpu.memory_space<vmem>> -> memref<8x128xf32, #tpu.memory_space<vmem>>
      tpu.enqueue_dma source(%dma_start3A_204 : memref<8x128xf32, #tpu.memory_space<vmem>>) target(%dma_start3A_200 : memref<8x128xf32, #tpu.memory_space<hbm>>) target_semaphore(%arg15 : memref<!tpu.dma_semaphore, #tpu.memory_space<semaphore_mem>>)
      %dma_start3A_205 = arith.constant 0 : i32
      %dma_start3A_206 = arith.constant 1 : i32
      %dma_start3A_207 = arith.constant 8 : i32
      %dma_start3A_208 = arith.constant 0 : i32
      %dma_start3A_209 = tpu.memref_slice %arg13[%dma_start3A_205, %dma_start3A_207, %dma_start3A_208] : memref<2x64x129xf32, #tpu.memory_space<vmem>> -> memref<1x8x128xf32, #tpu.memory_space<vmem>>
      %dma_start3A_210 = tpu.memref_squeeze %dma_start3A_209 : memref<1x8x128xf32, #tpu.memory_space<vmem>> -> memref<8x128xf32, #tpu.memory_space<vmem>>
      %dma_start3A_211 = arith.constant 0 : i32
      %dma_start3A_212 = arith.constant 0 : i32
      %dma_start3A_213 = tpu.memref_slice %arg7[%add3A_145, %dma_start3A_206, %add3A, %dma_start3A_211, %dma_start3A_212] : memref<200x8x32x8x128xf32, #tpu.memory_space<hbm>> -> memref<1x1x1x8x128xf32, #tpu.memory_space<hbm>>
      %dma_start3A_214 = tpu.memref_squeeze %dma_start3A_213 : memref<1x1x1x8x128xf32, #tpu.memory_space<hbm>> -> memref<8x128xf32, #tpu.memory_space<hbm>>
      %dma_start3A_215 = arith.constant 0 : i32
      %dma_start3A_216 = arith.constant 0 : i32
      %dma_start3A_217 = tpu.memref_slice %arg7[%add3A_145, %dma_start3A_206, %add3A, %dma_start3A_215, %dma_start3A_216] : memref<200x8x32x8x128xf32, #tpu.memory_space<hbm>> -> memref<1x1x1x8x128xf32, #tpu.memory_space<hbm>>
      %dma_start3A_218 = tpu.memref_squeeze %dma_start3A_217 : memref<1x1x1x8x128xf32, #tpu.memory_space<hbm>> -> memref<8x128xf32, #tpu.memory_space<hbm>>
      %dma_start3A_219 = arith.constant 8 : i32
      %dma_start3A_220 = arith.constant 0 : i32
      %dma_start3A_221 = tpu.memref_slice %arg13[%dma_start3A_205, %dma_start3A_219, %dma_start3A_220] : memref<2x64x129xf32, #tpu.memory_space<vmem>> -> memref<1x8x128xf32, #tpu.memory_space<vmem>>
      %dma_start3A_222 = tpu.memref_squeeze %dma_start3A_221 : memref<1x8x128xf32, #tpu.memory_space<vmem>> -> memref<8x128xf32, #tpu.memory_space<vmem>>
      tpu.enqueue_dma source(%dma_start3A_222 : memref<8x128xf32, #tpu.memory_space<vmem>>) target(%dma_start3A_218 : memref<8x128xf32, #tpu.memory_space<hbm>>) target_semaphore(%arg15 : memref<!tpu.dma_semaphore, #tpu.memory_space<semaphore_mem>>)
      %dma_start3A_223 = arith.constant 0 : i32
      %dma_start3A_224 = arith.constant 2 : i32
      %dma_start3A_225 = arith.constant 16 : i32
      %dma_start3A_226 = arith.constant 0 : i32
      %dma_start3A_227 = tpu.memref_slice %arg13[%dma_start3A_223, %dma_start3A_225, %dma_start3A_226] : memref<2x64x129xf32, #tpu.memory_space<vmem>> -> memref<1x8x128xf32, #tpu.memory_space<vmem>>
      %dma_start3A_228 = tpu.memref_squeeze %dma_start3A_227 : memref<1x8x128xf32, #tpu.memory_space<vmem>> -> memref<8x128xf32, #tpu.memory_space<vmem>>
      %dma_start3A_229 = arith.constant 0 : i32
      %dma_start3A_230 = arith.constant 0 : i32
      %dma_start3A_231 = tpu.memref_slice %arg7[%add3A_145, %dma_start3A_224, %add3A, %dma_start3A_229, %dma_start3A_230] : memref<200x8x32x8x128xf32, #tpu.memory_space<hbm>> -> memref<1x1x1x8x128xf32, #tpu.memory_space<hbm>>
      %dma_start3A_232 = tpu.memref_squeeze %dma_start3A_231 : memref<1x1x1x8x128xf32, #tpu.memory_space<hbm>> -> memref<8x128xf32, #tpu.memory_space<hbm>>
      %dma_start3A_233 = arith.constant 0 : i32
      %dma_start3A_234 = arith.constant 0 : i32
      %dma_start3A_235 = tpu.memref_slice %arg7[%add3A_145, %dma_start3A_224, %add3A, %dma_start3A_233, %dma_start3A_234] : memref<200x8x32x8x128xf32, #tpu.memory_space<hbm>> -> memref<1x1x1x8x128xf32, #tpu.memory_space<hbm>>
      %dma_start3A_236 = tpu.memref_squeeze %dma_start3A_235 : memref<1x1x1x8x128xf32, #tpu.memory_space<hbm>> -> memref<8x128xf32, #tpu.memory_space<hbm>>
      %dma_start3A_237 = arith.constant 16 : i32
      %dma_start3A_238 = arith.constant 0 : i32
      %dma_start3A_239 = tpu.memref_slice %arg13[%dma_start3A_223, %dma_start3A_237, %dma_start3A_238] : memref<2x64x129xf32, #tpu.memory_space<vmem>> -> memref<1x8x128xf32, #tpu.memory_space<vmem>>
      %dma_start3A_240 = tpu.memref_squeeze %dma_start3A_239 : memref<1x8x128xf32, #tpu.memory_space<vmem>> -> memref<8x128xf32, #tpu.memory_space<vmem>>
      tpu.enqueue_dma source(%dma_start3A_240 : memref<8x128xf32, #tpu.memory_space<vmem>>) target(%dma_start3A_236 : memref<8x128xf32, #tpu.memory_space<hbm>>) target_semaphore(%arg15 : memref<!tpu.dma_semaphore, #tpu.memory_space<semaphore_mem>>)
      %dma_start3A_241 = arith.constant 0 : i32
      %dma_start3A_242 = arith.constant 3 : i32
      %dma_start3A_243 = arith.constant 24 : i32
      %dma_start3A_244 = arith.constant 0 : i32
      %dma_start3A_245 = tpu.memref_slice %arg13[%dma_start3A_241, %dma_start3A_243, %dma_start3A_244] : memref<2x64x129xf32, #tpu.memory_space<vmem>> -> memref<1x8x128xf32, #tpu.memory_space<vmem>>
      %dma_start3A_246 = tpu.memref_squeeze %dma_start3A_245 : memref<1x8x128xf32, #tpu.memory_space<vmem>> -> memref<8x128xf32, #tpu.memory_space<vmem>>
      %dma_start3A_247 = arith.constant 0 : i32
      %dma_start3A_248 = arith.constant 0 : i32
      %dma_start3A_249 = tpu.memref_slice %arg7[%add3A_145, %dma_start3A_242, %add3A, %dma_start3A_247, %dma_start3A_248] : memref<200x8x32x8x128xf32, #tpu.memory_space<hbm>> -> memref<1x1x1x8x128xf32, #tpu.memory_space<hbm>>
      %dma_start3A_250 = tpu.memref_squeeze %dma_start3A_249 : memref<1x1x1x8x128xf32, #tpu.memory_space<hbm>> -> memref<8x128xf32, #tpu.memory_space<hbm>>
      %dma_start3A_251 = arith.constant 0 : i32
      %dma_start3A_252 = arith.constant 0 : i32
      %dma_start3A_253 = tpu.memref_slice %arg7[%add3A_145, %dma_start3A_242, %add3A, %dma_start3A_251, %dma_start3A_252] : memref<200x8x32x8x128xf32, #tpu.memory_space<hbm>> -> memref<1x1x1x8x128xf32, #tpu.memory_space<hbm>>
      %dma_start3A_254 = tpu.memref_squeeze %dma_start3A_253 : memref<1x1x1x8x128xf32, #tpu.memory_space<hbm>> -> memref<8x128xf32, #tpu.memory_space<hbm>>
      %dma_start3A_255 = arith.constant 24 : i32
      %dma_start3A_256 = arith.constant 0 : i32
      %dma_start3A_257 = tpu.memref_slice %arg13[%dma_start3A_241, %dma_start3A_255, %dma_start3A_256] : memref<2x64x129xf32, #tpu.memory_space<vmem>> -> memref<1x8x128xf32, #tpu.memory_space<vmem>>
      %dma_start3A_258 = tpu.memref_squeeze %dma_start3A_257 : memref<1x8x128xf32, #tpu.memory_space<vmem>> -> memref<8x128xf32, #tpu.memory_space<vmem>>
      tpu.enqueue_dma source(%dma_start3A_258 : memref<8x128xf32, #tpu.memory_space<vmem>>) target(%dma_start3A_254 : memref<8x128xf32, #tpu.memory_space<hbm>>) target_semaphore(%arg15 : memref<!tpu.dma_semaphore, #tpu.memory_space<semaphore_mem>>)
      %dma_start3A_259 = arith.constant 0 : i32
      %dma_start3A_260 = arith.constant 4 : i32
      %dma_start3A_261 = arith.constant 32 : i32
      %dma_start3A_262 = arith.constant 0 : i32
      %dma_start3A_263 = tpu.memref_slice %arg13[%dma_start3A_259, %dma_start3A_261, %dma_start3A_262] : memref<2x64x129xf32, #tpu.memory_space<vmem>> -> memref<1x8x128xf32, #tpu.memory_space<vmem>>
      %dma_start3A_264 = tpu.memref_squeeze %dma_start3A_263 : memref<1x8x128xf32, #tpu.memory_space<vmem>> -> memref<8x128xf32, #tpu.memory_space<vmem>>
      %dma_start3A_265 = arith.constant 0 : i32
      %dma_start3A_266 = arith.constant 0 : i32
      %dma_start3A_267 = tpu.memref_slice %arg7[%add3A_145, %dma_start3A_260, %add3A, %dma_start3A_265, %dma_start3A_266] : memref<200x8x32x8x128xf32, #tpu.memory_space<hbm>> -> memref<1x1x1x8x128xf32, #tpu.memory_space<hbm>>
      %dma_start3A_268 = tpu.memref_squeeze %dma_start3A_267 : memref<1x1x1x8x128xf32, #tpu.memory_space<hbm>> -> memref<8x128xf32, #tpu.memory_space<hbm>>
      %dma_start3A_269 = arith.constant 0 : i32
      %dma_start3A_270 = arith.constant 0 : i32
      %dma_start3A_271 = tpu.memref_slice %arg7[%add3A_145, %dma_start3A_260, %add3A, %dma_start3A_269, %dma_start3A_270] : memref<200x8x32x8x128xf32, #tpu.memory_space<hbm>> -> memref<1x1x1x8x128xf32, #tpu.memory_space<hbm>>
      %dma_start3A_272 = tpu.memref_squeeze %dma_start3A_271 : memref<1x1x1x8x128xf32, #tpu.memory_space<hbm>> -> memref<8x128xf32, #tpu.memory_space<hbm>>
      %dma_start3A_273 = arith.constant 32 : i32
      %dma_start3A_274 = arith.constant 0 : i32
      %dma_start3A_275 = tpu.memref_slice %arg13[%dma_start3A_259, %dma_start3A_273, %dma_start3A_274] : memref<2x64x129xf32, #tpu.memory_space<vmem>> -> memref<1x8x128xf32, #tpu.memory_space<vmem>>
      %dma_start3A_276 = tpu.memref_squeeze %dma_start3A_275 : memref<1x8x128xf32, #tpu.memory_space<vmem>> -> memref<8x128xf32, #tpu.memory_space<vmem>>
      tpu.enqueue_dma source(%dma_start3A_276 : memref<8x128xf32, #tpu.memory_space<vmem>>) target(%dma_start3A_272 : memref<8x128xf32, #tpu.memory_space<hbm>>) target_semaphore(%arg15 : memref<!tpu.dma_semaphore, #tpu.memory_space<semaphore_mem>>)
      %dma_start3A_277 = arith.constant 0 : i32
      %dma_start3A_278 = arith.constant 5 : i32
      %dma_start3A_279 = arith.constant 40 : i32
      %dma_start3A_280 = arith.constant 0 : i32
      %dma_start3A_281 = tpu.memref_slice %arg13[%dma_start3A_277, %dma_start3A_279, %dma_start3A_280] : memref<2x64x129xf32, #tpu.memory_space<vmem>> -> memref<1x8x128xf32, #tpu.memory_space<vmem>>
      %dma_start3A_282 = tpu.memref_squeeze %dma_start3A_281 : memref<1x8x128xf32, #tpu.memory_space<vmem>> -> memref<8x128xf32, #tpu.memory_space<vmem>>
      %dma_start3A_283 = arith.constant 0 : i32
      %dma_start3A_284 = arith.constant 0 : i32
      %dma_start3A_285 = tpu.memref_slice %arg7[%add3A_145, %dma_start3A_278, %add3A, %dma_start3A_283, %dma_start3A_284] : memref<200x8x32x8x128xf32, #tpu.memory_space<hbm>> -> memref<1x1x1x8x128xf32, #tpu.memory_space<hbm>>
      %dma_start3A_286 = tpu.memref_squeeze %dma_start3A_285 : memref<1x1x1x8x128xf32, #tpu.memory_space<hbm>> -> memref<8x128xf32, #tpu.memory_space<hbm>>
      %dma_start3A_287 = arith.constant 0 : i32
      %dma_start3A_288 = arith.constant 0 : i32
      %dma_start3A_289 = tpu.memref_slice %arg7[%add3A_145, %dma_start3A_278, %add3A, %dma_start3A_287, %dma_start3A_288] : memref<200x8x32x8x128xf32, #tpu.memory_space<hbm>> -> memref<1x1x1x8x128xf32, #tpu.memory_space<hbm>>
      %dma_start3A_290 = tpu.memref_squeeze %dma_start3A_289 : memref<1x1x1x8x128xf32, #tpu.memory_space<hbm>> -> memref<8x128xf32, #tpu.memory_space<hbm>>
      %dma_start3A_291 = arith.constant 40 : i32
      %dma_start3A_292 = arith.constant 0 : i32
      %dma_start3A_293 = tpu.memref_slice %arg13[%dma_start3A_277, %dma_start3A_291, %dma_start3A_292] : memref<2x64x129xf32, #tpu.memory_space<vmem>> -> memref<1x8x128xf32, #tpu.memory_space<vmem>>
      %dma_start3A_294 = tpu.memref_squeeze %dma_start3A_293 : memref<1x8x128xf32, #tpu.memory_space<vmem>> -> memref<8x128xf32, #tpu.memory_space<vmem>>
      tpu.enqueue_dma source(%dma_start3A_294 : memref<8x128xf32, #tpu.memory_space<vmem>>) target(%dma_start3A_290 : memref<8x128xf32, #tpu.memory_space<hbm>>) target_semaphore(%arg15 : memref<!tpu.dma_semaphore, #tpu.memory_space<semaphore_mem>>)
      %dma_start3A_295 = arith.constant 0 : i32
      %dma_start3A_296 = arith.constant 6 : i32
      %dma_start3A_297 = arith.constant 48 : i32
      %dma_start3A_298 = arith.constant 0 : i32
      %dma_start3A_299 = tpu.memref_slice %arg13[%dma_start3A_295, %dma_start3A_297, %dma_start3A_298] : memref<2x64x129xf32, #tpu.memory_space<vmem>> -> memref<1x8x128xf32, #tpu.memory_space<vmem>>
      %dma_start3A_300 = tpu.memref_squeeze %dma_start3A_299 : memref<1x8x128xf32, #tpu.memory_space<vmem>> -> memref<8x128xf32, #tpu.memory_space<vmem>>
      %dma_start3A_301 = arith.constant 0 : i32
      %dma_start3A_302 = arith.constant 0 : i32
      %dma_start3A_303 = tpu.memref_slice %arg7[%add3A_145, %dma_start3A_296, %add3A, %dma_start3A_301, %dma_start3A_302] : memref<200x8x32x8x128xf32, #tpu.memory_space<hbm>> -> memref<1x1x1x8x128xf32, #tpu.memory_space<hbm>>
      %dma_start3A_304 = tpu.memref_squeeze %dma_start3A_303 : memref<1x1x1x8x128xf32, #tpu.memory_space<hbm>> -> memref<8x128xf32, #tpu.memory_space<hbm>>
      %dma_start3A_305 = arith.constant 0 : i32
      %dma_start3A_306 = arith.constant 0 : i32
      %dma_start3A_307 = tpu.memref_slice %arg7[%add3A_145, %dma_start3A_296, %add3A, %dma_start3A_305, %dma_start3A_306] : memref<200x8x32x8x128xf32, #tpu.memory_space<hbm>> -> memref<1x1x1x8x128xf32, #tpu.memory_space<hbm>>
      %dma_start3A_308 = tpu.memref_squeeze %dma_start3A_307 : memref<1x1x1x8x128xf32, #tpu.memory_space<hbm>> -> memref<8x128xf32, #tpu.memory_space<hbm>>
      %dma_start3A_309 = arith.constant 48 : i32
      %dma_start3A_310 = arith.constant 0 : i32
      %dma_start3A_311 = tpu.memref_slice %arg13[%dma_start3A_295, %dma_start3A_309, %dma_start3A_310] : memref<2x64x129xf32, #tpu.memory_space<vmem>> -> memref<1x8x128xf32, #tpu.memory_space<vmem>>
      %dma_start3A_312 = tpu.memref_squeeze %dma_start3A_311 : memref<1x8x128xf32, #tpu.memory_space<vmem>> -> memref<8x128xf32, #tpu.memory_space<vmem>>
      tpu.enqueue_dma source(%dma_start3A_312 : memref<8x128xf32, #tpu.memory_space<vmem>>) target(%dma_start3A_308 : memref<8x128xf32, #tpu.memory_space<hbm>>) target_semaphore(%arg15 : memref<!tpu.dma_semaphore, #tpu.memory_space<semaphore_mem>>)
      %dma_start3A_313 = arith.constant 0 : i32
      %dma_start3A_314 = arith.constant 7 : i32
      %dma_start3A_315 = arith.constant 56 : i32
      %dma_start3A_316 = arith.constant 0 : i32
      %dma_start3A_317 = tpu.memref_slice %arg13[%dma_start3A_313, %dma_start3A_315, %dma_start3A_316] : memref<2x64x129xf32, #tpu.memory_space<vmem>> -> memref<1x8x128xf32, #tpu.memory_space<vmem>>
      %dma_start3A_318 = tpu.memref_squeeze %dma_start3A_317 : memref<1x8x128xf32, #tpu.memory_space<vmem>> -> memref<8x128xf32, #tpu.memory_space<vmem>>
      %dma_start3A_319 = arith.constant 0 : i32
      %dma_start3A_320 = arith.constant 0 : i32
      %dma_start3A_321 = tpu.memref_slice %arg7[%add3A_145, %dma_start3A_314, %add3A, %dma_start3A_319, %dma_start3A_320] : memref<200x8x32x8x128xf32, #tpu.memory_space<hbm>> -> memref<1x1x1x8x128xf32, #tpu.memory_space<hbm>>
      %dma_start3A_322 = tpu.memref_squeeze %dma_start3A_321 : memref<1x1x1x8x128xf32, #tpu.memory_space<hbm>> -> memref<8x128xf32, #tpu.memory_space<hbm>>
      %dma_start3A_323 = arith.constant 0 : i32
      %dma_start3A_324 = arith.constant 0 : i32
      %dma_start3A_325 = tpu.memref_slice %arg7[%add3A_145, %dma_start3A_314, %add3A, %dma_start3A_323, %dma_start3A_324] : memref<200x8x32x8x128xf32, #tpu.memory_space<hbm>> -> memref<1x1x1x8x128xf32, #tpu.memory_space<hbm>>
      %dma_start3A_326 = tpu.memref_squeeze %dma_start3A_325 : memref<1x1x1x8x128xf32, #tpu.memory_space<hbm>> -> memref<8x128xf32, #tpu.memory_space<hbm>>
      %dma_start3A_327 = arith.constant 56 : i32
      %dma_start3A_328 = arith.constant 0 : i32
      %dma_start3A_329 = tpu.memref_slice %arg13[%dma_start3A_313, %dma_start3A_327, %dma_start3A_328] : memref<2x64x129xf32, #tpu.memory_space<vmem>> -> memref<1x8x128xf32, #tpu.memory_space<vmem>>
      %dma_start3A_330 = tpu.memref_squeeze %dma_start3A_329 : memref<1x8x128xf32, #tpu.memory_space<vmem>> -> memref<8x128xf32, #tpu.memory_space<vmem>>
      tpu.enqueue_dma source(%dma_start3A_330 : memref<8x128xf32, #tpu.memory_space<vmem>>) target(%dma_start3A_326 : memref<8x128xf32, #tpu.memory_space<hbm>>) target_semaphore(%arg15 : memref<!tpu.dma_semaphore, #tpu.memory_space<semaphore_mem>>)
      %mul3A_331 = arith.constant 2 : i32
      %mul3A_332 = arith.muli %mul3A_331, %scan3A_141 : i32
      %add3A_333 = arith.constant 1 : i32
      %add3A_334 = arith.addi %mul3A_332, %add3A_333 : i32
      %dma_wait3A_335 = arith.constant 1 : i32
      %dma_wait3A_336 = arith.constant 0 : i32
      %dma_wait3A_337 = arith.constant 0 : i32
      %dma_wait3A_338 = tpu.memref_slice %arg10[%dma_wait3A_335, %dma_wait3A_336, %dma_wait3A_337] : memref<2x128x128xf32, #tpu.memory_space<vmem>> -> memref<1x128x128xf32, #tpu.memory_space<vmem>>
      %dma_wait3A_339 = tpu.memref_squeeze %dma_wait3A_338 : memref<1x128x128xf32, #tpu.memory_space<vmem>> -> memref<128x128xf32, #tpu.memory_space<vmem>>
      %dma_wait3A_340 = arith.constant 0 : i32
      %dma_wait3A_341 = arith.constant 0 : i32
      %dma_wait3A_342 = tpu.memref_slice %arg2[%dma_wait3A_340, %dma_wait3A_341] : memref<1000000x128xf32, #tpu.memory_space<hbm>> -> memref<128x128xf32, #tpu.memory_space<hbm>>
      %dma_wait3A_343 = arith.constant 0 : i32
      %dma_wait3A_344 = arith.constant 0 : i32
      %dma_wait3A_345 = tpu.memref_slice %arg10[%dma_wait3A_335, %dma_wait3A_343, %dma_wait3A_344] : memref<2x128x128xf32, #tpu.memory_space<vmem>> -> memref<1x128x128xf32, #tpu.memory_space<vmem>>
      %dma_wait3A_346 = tpu.memref_squeeze %dma_wait3A_345 : memref<1x128x128xf32, #tpu.memory_space<vmem>> -> memref<128x128xf32, #tpu.memory_space<vmem>>
      %dma_wait3A_347 = arith.constant 0 : i32
      %dma_wait3A_348 = arith.constant 0 : i32
      %dma_wait3A_349 = tpu.memref_slice %arg2[%dma_wait3A_347, %dma_wait3A_348] : memref<1000000x128xf32, #tpu.memory_space<hbm>> -> memref<128x128xf32, #tpu.memory_space<hbm>>
      tpu.wait_dma2 semaphore(%arg14 : memref<!tpu.dma_semaphore, #tpu.memory_space<semaphore_mem>>) src(%dma_wait3A_349 : memref<128x128xf32, #tpu.memory_space<hbm>>) dst(%dma_wait3A_346 : memref<128x128xf32, #tpu.memory_space<vmem>>)
      %add3A_350 = arith.constant 1 : i32
      %add3A_351 = arith.addi %add3A_334, %add3A_350 : i32
      %lt3A_352 = arith.constant 200 : i32
      %lt3A_353 = arith.cmpi slt, %add3A_351, %lt3A_352 : i32
      %convert_element_type3A_354 = arith.extui %lt3A_353 : i1 to i32
      %cond3A_355 = arith.constant 0 : i32
      %cond3A_356 = arith.cmpi ne, %convert_element_type3A_354, %cond3A_355 : i32
      scf.if %cond3A_356 {
        %add3A_524 = arith.constant 1 : i32
        %add3A_525 = arith.addi %add3A_334, %add3A_524 : i32
        %dma_start3A_526 = arith.constant 0 : i32
        %dma_start3A_527 = arith.constant 0 : i32
        %dma_start3A_528 = arith.constant 0 : i32
        %dma_start3A_529 = tpu.memref_slice %arg10[%dma_start3A_526, %dma_start3A_527, %dma_start3A_528] : memref<2x128x128xf32, #tpu.memory_space<vmem>> -> memref<1x128x128xf32, #tpu.memory_space<vmem>>
        %dma_start3A_530 = tpu.memref_squeeze %dma_start3A_529 : memref<1x128x128xf32, #tpu.memory_space<vmem>> -> memref<128x128xf32, #tpu.memory_space<vmem>>
        %dma_start3A_531 = arith.constant 0 : i32
        %dma_start3A_532 = tpu.memref_slice %arg8[%add3A_525, %dma_start3A_531] : memref<200x128xi32, #tpu.memory_space<vmem>> -> memref<1x128xi32, #tpu.memory_space<vmem>>
        %dma_start3A_533 = tpu.memref_squeeze %dma_start3A_532 : memref<1x128xi32, #tpu.memory_space<vmem>> -> memref<128xi32, #tpu.memory_space<vmem>>
        %dma_start3A_534 = arith.constant 0 : i32
        %dma_start3A_535 = arith.constant 0 : i32
        %dma_start3A_536 = tpu.memref_slice %arg2[%dma_start3A_534, %dma_start3A_535] : memref<1000000x128xf32, #tpu.memory_space<hbm>> -> memref<1000000x128xf32, #tpu.memory_space<hbm>>
        tpu.enqueue_indirect_dma source(%dma_start3A_536 : memref<1000000x128xf32, #tpu.memory_space<hbm>>) target(%dma_start3A_530 : memref<128x128xf32, #tpu.memory_space<vmem>>) offsets(%dma_start3A_533 : memref<128xi32, #tpu.memory_space<vmem>>) semaphore(%arg14 : memref<!tpu.dma_semaphore, #tpu.memory_space<semaphore_mem>>)
      } else {
      }
      %ge3A_357 = arith.constant 1 : i32
      %ge3A_358 = arith.cmpi sge, %add3A_334, %ge3A_357 : i32
      %convert_element_type3A_359 = arith.extui %ge3A_358 : i1 to i32
      %cond3A_360 = arith.constant 0 : i32
      %cond3A_361 = arith.cmpi ne, %convert_element_type3A_359, %cond3A_360 : i32
      scf.if %cond3A_361 {
        %dma_wait3A_524 = arith.constant 0 : i32
        %dma_wait3A_525 = arith.constant 0 : i32
        %dma_wait3A_526 = arith.constant 0 : i32
        %dma_wait3A_527 = tpu.memref_slice %arg10[%dma_wait3A_524, %dma_wait3A_525, %dma_wait3A_526] : memref<2x128x128xf32, #tpu.memory_space<vmem>> -> memref<1x64x128xf32, #tpu.memory_space<vmem>>
        %dma_wait3A_528 = tpu.memref_squeeze %dma_wait3A_527 : memref<1x64x128xf32, #tpu.memory_space<vmem>> -> memref<64x128xf32, #tpu.memory_space<vmem>>
        %dma_wait3A_529 = arith.constant 0 : i32
        %dma_wait3A_530 = arith.constant 0 : i32
        %dma_wait3A_531 = tpu.memref_slice %arg2[%dma_wait3A_529, %dma_wait3A_530] : memref<1000000x128xf32, #tpu.memory_space<hbm>> -> memref<64x128xf32, #tpu.memory_space<hbm>>
        %dma_wait3A_532 = arith.constant 0 : i32
        %dma_wait3A_533 = arith.constant 0 : i32
        %dma_wait3A_534 = tpu.memref_slice %arg10[%dma_wait3A_524, %dma_wait3A_532, %dma_wait3A_533] : memref<2x128x128xf32, #tpu.memory_space<vmem>> -> memref<1x64x128xf32, #tpu.memory_space<vmem>>
        %dma_wait3A_535 = tpu.memref_squeeze %dma_wait3A_534 : memref<1x64x128xf32, #tpu.memory_space<vmem>> -> memref<64x128xf32, #tpu.memory_space<vmem>>
        %dma_wait3A_536 = arith.constant 0 : i32
        %dma_wait3A_537 = arith.constant 0 : i32
        %dma_wait3A_538 = tpu.memref_slice %arg2[%dma_wait3A_536, %dma_wait3A_537] : memref<1000000x128xf32, #tpu.memory_space<hbm>> -> memref<64x128xf32, #tpu.memory_space<hbm>>
        tpu.wait_dma2 semaphore(%arg15 : memref<!tpu.dma_semaphore, #tpu.memory_space<semaphore_mem>>) src(%dma_wait3A_538 : memref<64x128xf32, #tpu.memory_space<hbm>>) dst(%dma_wait3A_535 : memref<64x128xf32, #tpu.memory_space<vmem>>)
      } else {
      }
      %get3A_362 = arith.index_cast %add3A_334 : i32 to index
      %get3A_363 = arith.constant 0 : index
      %get3A_364 = tpu.vector_load %arg11[%get3A_362, %get3A_363] {strides = array<i32>} : memref<200x64xf32, #tpu.memory_space<vmem>>, vector<16xf32>,
      %get3A_365 = arith.index_cast %add3A_334 : i32 to index
      %get3A_366 = arith.constant 16 : index
      %get3A_367 = tpu.vector_load %arg11[%get3A_365, %get3A_366] {strides = array<i32>} : memref<200x64xf32, #tpu.memory_space<vmem>>, vector<16xf32>,
      %get3A_368 = arith.index_cast %add3A_334 : i32 to index
      %get3A_369 = arith.constant 32 : index
      %get3A_370 = tpu.vector_load %arg11[%get3A_368, %get3A_369] {strides = array<i32>} : memref<200x64xf32, #tpu.memory_space<vmem>>, vector<16xf32>,
      %get3A_371 = arith.index_cast %add3A_334 : i32 to index
      %get3A_372 = arith.constant 48 : index
      %get3A_373 = tpu.vector_load %arg11[%get3A_371, %get3A_372] {strides = array<i32>} : memref<200x64xf32, #tpu.memory_space<vmem>>, vector<16xf32>,
      %scan3A_374 = arith.constant 0 : i32
      %scan3A_375 = arith.constant 0 : i32
      %scan3A_376 = arith.constant 16 : i32
      %scan3A_377 = arith.addi %scan3A_375, %scan3A_376 : i32
      %scan3A_378 = arith.constant 1 : i32
      scf.for %scan3A_524 = %scan3A_375 to %scan3A_377 step %scan3A_378  : i32 {
        %mul3A_525 = arith.constant 8 : i32
        %mul3A_526 = arith.muli %scan3A_524, %mul3A_525 : i32
        %add3A_527 = arith.constant 0 : i32
        %add3A_528 = arith.addi %mul3A_526, %add3A_527 : i32
        %get3A_529 = arith.constant 1 : i32
        %get3A_530 = arith.index_cast %get3A_529 : i32 to index
        %get3A_531 = arith.index_cast %add3A_528 : i32 to index
        %get3A_532 = arith.constant 0 : index
        %get3A_533 = tpu.vector_load %arg10[%get3A_530, %get3A_531, %get3A_532] {strides = array<i32>} : memref<2x128x128xf32, #tpu.memory_space<vmem>>, vector<16xf32>,
        %add3A_534 = arith.addf %get3A_533, %get3A_364 : vector<16xf32>
        %get3A_535 = arith.constant 1 : i32
        %get3A_536 = arith.index_cast %get3A_535 : i32 to index
        %get3A_537 = arith.index_cast %add3A_528 : i32 to index
        %get3A_538 = arith.constant 16 : index
        %get3A_539 = tpu.vector_load %arg10[%get3A_536, %get3A_537, %get3A_538] {strides = array<i32>} : memref<2x128x128xf32, #tpu.memory_space<vmem>>, vector<16xf32>,
        %add3A_540 = arith.addf %get3A_539, %get3A_367 : vector<16xf32>
        %get3A_541 = arith.constant 1 : i32
        %get3A_542 = arith.index_cast %get3A_541 : i32 to index
        %get3A_543 = arith.index_cast %add3A_528 : i32 to index
        %get3A_544 = arith.constant 32 : index
        %get3A_545 = tpu.vector_load %arg10[%get3A_542, %get3A_543, %get3A_544] {strides = array<i32>} : memref<2x128x128xf32, #tpu.memory_space<vmem>>, vector<16xf32>,
        %add3A_546 = arith.addf %get3A_545, %get3A_370 : vector<16xf32>
        %get3A_547 = arith.constant 1 : i32
        %get3A_548 = arith.index_cast %get3A_547 : i32 to index
        %get3A_549 = arith.index_cast %add3A_528 : i32 to index
        %get3A_550 = arith.constant 48 : index
        %get3A_551 = tpu.vector_load %arg10[%get3A_548, %get3A_549, %get3A_550] {strides = array<i32>} : memref<2x128x128xf32, #tpu.memory_space<vmem>>, vector<16xf32>,
        %add3A_552 = arith.addf %get3A_551, %get3A_373 : vector<16xf32>
        %mul3A_553 = arith.constant 8 : i32
        %mul3A_554 = arith.muli %scan3A_524, %mul3A_553 : i32
        %add3A_555 = arith.constant 1 : i32
        %add3A_556 = arith.addi %mul3A_554, %add3A_555 : i32
        %get3A_557 = arith.constant 1 : i32
        %get3A_558 = arith.index_cast %get3A_557 : i32 to index
        %get3A_559 = arith.index_cast %add3A_556 : i32 to index
        %get3A_560 = arith.constant 0 : index
        %get3A_561 = tpu.vector_load %arg10[%get3A_558, %get3A_559, %get3A_560] {strides = array<i32>} : memref<2x128x128xf32, #tpu.memory_space<vmem>>, vector<16xf32>,
        %add3A_562 = arith.addf %get3A_561, %get3A_364 : vector<16xf32>
        %get3A_563 = arith.constant 1 : i32
        %get3A_564 = arith.index_cast %get3A_563 : i32 to index
        %get3A_565 = arith.index_cast %add3A_556 : i32 to index
        %get3A_566 = arith.constant 16 : index
        %get3A_567 = tpu.vector_load %arg10[%get3A_564, %get3A_565, %get3A_566] {strides = array<i32>} : memref<2x128x128xf32, #tpu.memory_space<vmem>>, vector<16xf32>,
        %add3A_568 = arith.addf %get3A_567, %get3A_367 : vector<16xf32>
        %get3A_569 = arith.constant 1 : i32
        %get3A_570 = arith.index_cast %get3A_569 : i32 to index
        %get3A_571 = arith.index_cast %add3A_556 : i32 to index
        %get3A_572 = arith.constant 32 : index
        %get3A_573 = tpu.vector_load %arg10[%get3A_570, %get3A_571, %get3A_572] {strides = array<i32>} : memref<2x128x128xf32, #tpu.memory_space<vmem>>, vector<16xf32>,
        %add3A_574 = arith.addf %get3A_573, %get3A_370 : vector<16xf32>
        %get3A_575 = arith.constant 1 : i32
        %get3A_576 = arith.index_cast %get3A_575 : i32 to index
        %get3A_577 = arith.index_cast %add3A_556 : i32 to index
        %get3A_578 = arith.constant 48 : index
        %get3A_579 = tpu.vector_load %arg10[%get3A_576, %get3A_577, %get3A_578] {strides = array<i32>} : memref<2x128x128xf32, #tpu.memory_space<vmem>>, vector<16xf32>,
        %add3A_580 = arith.addf %get3A_579, %get3A_373 : vector<16xf32>
        %mul3A_581 = arith.constant 8 : i32
        %mul3A_582 = arith.muli %scan3A_524, %mul3A_581 : i32
        %add3A_583 = arith.constant 2 : i32
        %add3A_584 = arith.addi %mul3A_582, %add3A_583 : i32
        %get3A_585 = arith.constant 1 : i32
        %get3A_586 = arith.index_cast %get3A_585 : i32 to index
        %get3A_587 = arith.index_cast %add3A_584 : i32 to index
        %get3A_588 = arith.constant 0 : index
        %get3A_589 = tpu.vector_load %arg10[%get3A_586, %get3A_587, %get3A_588] {strides = array<i32>} : memref<2x128x128xf32, #tpu.memory_space<vmem>>, vector<16xf32>,
        %add3A_590 = arith.addf %get3A_589, %get3A_364 : vector<16xf32>
        %get3A_591 = arith.constant 1 : i32
        %get3A_592 = arith.index_cast %get3A_591 : i32 to index
        %get3A_593 = arith.index_cast %add3A_584 : i32 to index
        %get3A_594 = arith.constant 16 : index
        %get3A_595 = tpu.vector_load %arg10[%get3A_592, %get3A_593, %get3A_594] {strides = array<i32>} : memref<2x128x128xf32, #tpu.memory_space<vmem>>, vector<16xf32>,
        %add3A_596 = arith.addf %get3A_595, %get3A_367 : vector<16xf32>
        %get3A_597 = arith.constant 1 : i32
        %get3A_598 = arith.index_cast %get3A_597 : i32 to index
        %get3A_599 = arith.index_cast %add3A_584 : i32 to index
        %get3A_600 = arith.constant 32 : index
        %get3A_601 = tpu.vector_load %arg10[%get3A_598, %get3A_599, %get3A_600] {strides = array<i32>} : memref<2x128x128xf32, #tpu.memory_space<vmem>>, vector<16xf32>,
        %add3A_602 = arith.addf %get3A_601, %get3A_370 : vector<16xf32>
        %get3A_603 = arith.constant 1 : i32
        %get3A_604 = arith.index_cast %get3A_603 : i32 to index
        %get3A_605 = arith.index_cast %add3A_584 : i32 to index
        %get3A_606 = arith.constant 48 : index
        %get3A_607 = tpu.vector_load %arg10[%get3A_604, %get3A_605, %get3A_606] {strides = array<i32>} : memref<2x128x128xf32, #tpu.memory_space<vmem>>, vector<16xf32>,
        %add3A_608 = arith.addf %get3A_607, %get3A_373 : vector<16xf32>
        %mul3A_609 = arith.constant 8 : i32
        %mul3A_610 = arith.muli %scan3A_524, %mul3A_609 : i32
        %add3A_611 = arith.constant 3 : i32
        %add3A_612 = arith.addi %mul3A_610, %add3A_611 : i32
        %get3A_613 = arith.constant 1 : i32
        %get3A_614 = arith.index_cast %get3A_613 : i32 to index
        %get3A_615 = arith.index_cast %add3A_612 : i32 to index
        %get3A_616 = arith.constant 0 : index
        %get3A_617 = tpu.vector_load %arg10[%get3A_614, %get3A_615, %get3A_616] {strides = array<i32>} : memref<2x128x128xf32, #tpu.memory_space<vmem>>, vector<16xf32>,
        %add3A_618 = arith.addf %get3A_617, %get3A_364 : vector<16xf32>
        %get3A_619 = arith.constant 1 : i32
        %get3A_620 = arith.index_cast %get3A_619 : i32 to index
        %get3A_621 = arith.index_cast %add3A_612 : i32 to index
        %get3A_622 = arith.constant 16 : index
        %get3A_623 = tpu.vector_load %arg10[%get3A_620, %get3A_621, %get3A_622] {strides = array<i32>} : memref<2x128x128xf32, #tpu.memory_space<vmem>>, vector<16xf32>,
        %add3A_624 = arith.addf %get3A_623, %get3A_367 : vector<16xf32>
        %get3A_625 = arith.constant 1 : i32
        %get3A_626 = arith.index_cast %get3A_625 : i32 to index
        %get3A_627 = arith.index_cast %add3A_612 : i32 to index
        %get3A_628 = arith.constant 32 : index
        %get3A_629 = tpu.vector_load %arg10[%get3A_626, %get3A_627, %get3A_628] {strides = array<i32>} : memref<2x128x128xf32, #tpu.memory_space<vmem>>, vector<16xf32>,
        %add3A_630 = arith.addf %get3A_629, %get3A_370 : vector<16xf32>
        %get3A_631 = arith.constant 1 : i32
        %get3A_632 = arith.index_cast %get3A_631 : i32 to index
        %get3A_633 = arith.index_cast %add3A_612 : i32 to index
        %get3A_634 = arith.constant 48 : index
        %get3A_635 = tpu.vector_load %arg10[%get3A_632, %get3A_633, %get3A_634] {strides = array<i32>} : memref<2x128x128xf32, #tpu.memory_space<vmem>>, vector<16xf32>,
        %add3A_636 = arith.addf %get3A_635, %get3A_373 : vector<16xf32>
        %mul3A_637 = arith.constant 8 : i32
        %mul3A_638 = arith.muli %scan3A_524, %mul3A_637 : i32
        %add3A_639 = arith.constant 4 : i32
        %add3A_640 = arith.addi %mul3A_638, %add3A_639 : i32
        %get3A_641 = arith.constant 1 : i32
        %get3A_642 = arith.index_cast %get3A_641 : i32 to index
        %get3A_643 = arith.index_cast %add3A_640 : i32 to index
        %get3A_644 = arith.constant 0 : index
        %get3A_645 = tpu.vector_load %arg10[%get3A_642, %get3A_643, %get3A_644] {strides = array<i32>} : memref<2x128x128xf32, #tpu.memory_space<vmem>>, vector<16xf32>,
        %add3A_646 = arith.addf %get3A_645, %get3A_364 : vector<16xf32>
        %get3A_647 = arith.constant 1 : i32
        %get3A_648 = arith.index_cast %get3A_647 : i32 to index
        %get3A_649 = arith.index_cast %add3A_640 : i32 to index
        %get3A_650 = arith.constant 16 : index
        %get3A_651 = tpu.vector_load %arg10[%get3A_648, %get3A_649, %get3A_650] {strides = array<i32>} : memref<2x128x128xf32, #tpu.memory_space<vmem>>, vector<16xf32>,
        %add3A_652 = arith.addf %get3A_651, %get3A_367 : vector<16xf32>
        %get3A_653 = arith.constant 1 : i32
        %get3A_654 = arith.index_cast %get3A_653 : i32 to index
        %get3A_655 = arith.index_cast %add3A_640 : i32 to index
        %get3A_656 = arith.constant 32 : index
        %get3A_657 = tpu.vector_load %arg10[%get3A_654, %get3A_655, %get3A_656] {strides = array<i32>} : memref<2x128x128xf32, #tpu.memory_space<vmem>>, vector<16xf32>,
        %add3A_658 = arith.addf %get3A_657, %get3A_370 : vector<16xf32>
        %get3A_659 = arith.constant 1 : i32
        %get3A_660 = arith.index_cast %get3A_659 : i32 to index
        %get3A_661 = arith.index_cast %add3A_640 : i32 to index
        %get3A_662 = arith.constant 48 : index
        %get3A_663 = tpu.vector_load %arg10[%get3A_660, %get3A_661, %get3A_662] {strides = array<i32>} : memref<2x128x128xf32, #tpu.memory_space<vmem>>, vector<16xf32>,
        %add3A_664 = arith.addf %get3A_663, %get3A_373 : vector<16xf32>
        %mul3A_665 = arith.constant 8 : i32
        %mul3A_666 = arith.muli %scan3A_524, %mul3A_665 : i32
        %add3A_667 = arith.constant 5 : i32
        %add3A_668 = arith.addi %mul3A_666, %add3A_667 : i32
        %get3A_669 = arith.constant 1 : i32
        %get3A_670 = arith.index_cast %get3A_669 : i32 to index
        %get3A_671 = arith.index_cast %add3A_668 : i32 to index
        %get3A_672 = arith.constant 0 : index
        %get3A_673 = tpu.vector_load %arg10[%get3A_670, %get3A_671, %get3A_672] {strides = array<i32>} : memref<2x128x128xf32, #tpu.memory_space<vmem>>, vector<16xf32>,
        %add3A_674 = arith.addf %get3A_673, %get3A_364 : vector<16xf32>
        %get3A_675 = arith.constant 1 : i32
        %get3A_676 = arith.index_cast %get3A_675 : i32 to index
        %get3A_677 = arith.index_cast %add3A_668 : i32 to index
        %get3A_678 = arith.constant 16 : index
        %get3A_679 = tpu.vector_load %arg10[%get3A_676, %get3A_677, %get3A_678] {strides = array<i32>} : memref<2x128x128xf32, #tpu.memory_space<vmem>>, vector<16xf32>,
        %add3A_680 = arith.addf %get3A_679, %get3A_367 : vector<16xf32>
        %get3A_681 = arith.constant 1 : i32
        %get3A_682 = arith.index_cast %get3A_681 : i32 to index
        %get3A_683 = arith.index_cast %add3A_668 : i32 to index
        %get3A_684 = arith.constant 32 : index
        %get3A_685 = tpu.vector_load %arg10[%get3A_682, %get3A_683, %get3A_684] {strides = array<i32>} : memref<2x128x128xf32, #tpu.memory_space<vmem>>, vector<16xf32>,
        %add3A_686 = arith.addf %get3A_685, %get3A_370 : vector<16xf32>
        %get3A_687 = arith.constant 1 : i32
        %get3A_688 = arith.index_cast %get3A_687 : i32 to index
        %get3A_689 = arith.index_cast %add3A_668 : i32 to index
        %get3A_690 = arith.constant 48 : index
        %get3A_691 = tpu.vector_load %arg10[%get3A_688, %get3A_689, %get3A_690] {strides = array<i32>} : memref<2x128x128xf32, #tpu.memory_space<vmem>>, vector<16xf32>,
        %add3A_692 = arith.addf %get3A_691, %get3A_373 : vector<16xf32>
        %mul3A_693 = arith.constant 8 : i32
        %mul3A_694 = arith.muli %scan3A_524, %mul3A_693 : i32
        %add3A_695 = arith.constant 6 : i32
        %add3A_696 = arith.addi %mul3A_694, %add3A_695 : i32
        %get3A_697 = arith.constant 1 : i32
        %get3A_698 = arith.index_cast %get3A_697 : i32 to index
        %get3A_699 = arith.index_cast %add3A_696 : i32 to index
        %get3A_700 = arith.constant 0 : index
        %get3A_701 = tpu.vector_load %arg10[%get3A_698, %get3A_699, %get3A_700] {strides = array<i32>} : memref<2x128x128xf32, #tpu.memory_space<vmem>>, vector<16xf32>,
        %add3A_702 = arith.addf %get3A_701, %get3A_364 : vector<16xf32>
        %get3A_703 = arith.constant 1 : i32
        %get3A_704 = arith.index_cast %get3A_703 : i32 to index
        %get3A_705 = arith.index_cast %add3A_696 : i32 to index
        %get3A_706 = arith.constant 16 : index
        %get3A_707 = tpu.vector_load %arg10[%get3A_704, %get3A_705, %get3A_706] {strides = array<i32>} : memref<2x128x128xf32, #tpu.memory_space<vmem>>, vector<16xf32>,
        %add3A_708 = arith.addf %get3A_707, %get3A_367 : vector<16xf32>
        %get3A_709 = arith.constant 1 : i32
        %get3A_710 = arith.index_cast %get3A_709 : i32 to index
        %get3A_711 = arith.index_cast %add3A_696 : i32 to index
        %get3A_712 = arith.constant 32 : index
        %get3A_713 = tpu.vector_load %arg10[%get3A_710, %get3A_711, %get3A_712] {strides = array<i32>} : memref<2x128x128xf32, #tpu.memory_space<vmem>>, vector<16xf32>,
        %add3A_714 = arith.addf %get3A_713, %get3A_370 : vector<16xf32>
        %get3A_715 = arith.constant 1 : i32
        %get3A_716 = arith.index_cast %get3A_715 : i32 to index
        %get3A_717 = arith.index_cast %add3A_696 : i32 to index
        %get3A_718 = arith.constant 48 : index
        %get3A_719 = tpu.vector_load %arg10[%get3A_716, %get3A_717, %get3A_718] {strides = array<i32>} : memref<2x128x128xf32, #tpu.memory_space<vmem>>, vector<16xf32>,
        %add3A_720 = arith.addf %get3A_719, %get3A_373 : vector<16xf32>
        %mul3A_721 = arith.constant 8 : i32
        %mul3A_722 = arith.muli %scan3A_524, %mul3A_721 : i32
        %add3A_723 = arith.constant 7 : i32
        %add3A_724 = arith.addi %mul3A_722, %add3A_723 : i32
        %get3A_725 = arith.constant 1 : i32
        %get3A_726 = arith.index_cast %get3A_725 : i32 to index
        %get3A_727 = arith.index_cast %add3A_724 : i32 to index
        %get3A_728 = arith.constant 0 : index
        %get3A_729 = tpu.vector_load %arg10[%get3A_726, %get3A_727, %get3A_728] {strides = array<i32>} : memref<2x128x128xf32, #tpu.memory_space<vmem>>, vector<16xf32>,
        %add3A_730 = arith.addf %get3A_729, %get3A_364 : vector<16xf32>
        %get3A_731 = arith.constant 1 : i32
        %get3A_732 = arith.index_cast %get3A_731 : i32 to index
        %get3A_733 = arith.index_cast %add3A_724 : i32 to index
        %get3A_734 = arith.constant 16 : index
        %get3A_735 = tpu.vector_load %arg10[%get3A_732, %get3A_733, %get3A_734] {strides = array<i32>} : memref<2x128x128xf32, #tpu.memory_space<vmem>>, vector<16xf32>,
        %add3A_736 = arith.addf %get3A_735, %get3A_367 : vector<16xf32>
        %get3A_737 = arith.constant 1 : i32
        %get3A_738 = arith.index_cast %get3A_737 : i32 to index
        %get3A_739 = arith.index_cast %add3A_724 : i32 to index
        %get3A_740 = arith.constant 32 : index
        %get3A_741 = tpu.vector_load %arg10[%get3A_738, %get3A_739, %get3A_740] {strides = array<i32>} : memref<2x128x128xf32, #tpu.memory_space<vmem>>, vector<16xf32>,
        %add3A_742 = arith.addf %get3A_741, %get3A_370 : vector<16xf32>
        %get3A_743 = arith.constant 1 : i32
        %get3A_744 = arith.index_cast %get3A_743 : i32 to index
        %get3A_745 = arith.index_cast %add3A_724 : i32 to index
        %get3A_746 = arith.constant 48 : index
        %get3A_747 = tpu.vector_load %arg10[%get3A_744, %get3A_745, %get3A_746] {strides = array<i32>} : memref<2x128x128xf32, #tpu.memory_space<vmem>>, vector<16xf32>,
        %add3A_748 = arith.addf %get3A_747, %get3A_373 : vector<16xf32>
        %add3A_749 = arith.addf %add3A_534, %add3A_540 : vector<16xf32>
        %add3A_750 = arith.addf %add3A_546, %add3A_552 : vector<16xf32>
        %add3A_751 = arith.addf %add3A_749, %add3A_750 : vector<16xf32>
        %mul3A_752 = arith.mulf %add3A_534, %add3A_534 : vector<16xf32>
        %mul3A_753 = arith.mulf %add3A_540, %add3A_540 : vector<16xf32>
        %add3A_754 = arith.addf %mul3A_752, %mul3A_753 : vector<16xf32>
        %mul3A_755 = arith.mulf %add3A_546, %add3A_546 : vector<16xf32>
        %mul3A_756 = arith.mulf %add3A_552, %add3A_552 : vector<16xf32>
        %add3A_757 = arith.addf %mul3A_755, %mul3A_756 : vector<16xf32>
        %add3A_758 = arith.addf %add3A_754, %add3A_757 : vector<16xf32>
        %reduce_sum3A = arith.constant true
        %reduce_sum3A_759 = vector.broadcast %reduce_sum3A : i1 to vector<16xi1>
        %reduce_sum3A_760 = tpu.scan <sum>, %add3A_751 masked %reduce_sum3A_759 : vector<16xf32>, vector<16xi1> -> vector<16xf32>
        %reduce_sum3A_761 = vector.extract %reduce_sum3A_760[15] : f32 from vector<16xf32>
        %reduce_sum3A_762 = arith.constant true
        %reduce_sum3A_763 = vector.broadcast %reduce_sum3A_762 : i1 to vector<16xi1>
        %reduce_sum3A_764 = tpu.scan <sum>, %add3A_758 masked %reduce_sum3A_763 : vector<16xf32>, vector<16xi1> -> vector<16xf32>
        %reduce_sum3A_765 = vector.extract %reduce_sum3A_764[15] : f32 from vector<16xf32>
        %add3A_766 = arith.addf %add3A_562, %add3A_568 : vector<16xf32>
        %add3A_767 = arith.addf %add3A_574, %add3A_580 : vector<16xf32>
        %add3A_768 = arith.addf %add3A_766, %add3A_767 : vector<16xf32>
        %mul3A_769 = arith.mulf %add3A_562, %add3A_562 : vector<16xf32>
        %mul3A_770 = arith.mulf %add3A_568, %add3A_568 : vector<16xf32>
        %add3A_771 = arith.addf %mul3A_769, %mul3A_770 : vector<16xf32>
        %mul3A_772 = arith.mulf %add3A_574, %add3A_574 : vector<16xf32>
        %mul3A_773 = arith.mulf %add3A_580, %add3A_580 : vector<16xf32>
        %add3A_774 = arith.addf %mul3A_772, %mul3A_773 : vector<16xf32>
        %add3A_775 = arith.addf %add3A_771, %add3A_774 : vector<16xf32>
        %reduce_sum3A_776 = arith.constant true
        %reduce_sum3A_777 = vector.broadcast %reduce_sum3A_776 : i1 to vector<16xi1>
        %reduce_sum3A_778 = tpu.scan <sum>, %add3A_768 masked %reduce_sum3A_777 : vector<16xf32>, vector<16xi1> -> vector<16xf32>
        %reduce_sum3A_779 = vector.extract %reduce_sum3A_778[15] : f32 from vector<16xf32>
        %reduce_sum3A_780 = arith.constant true
        %reduce_sum3A_781 = vector.broadcast %reduce_sum3A_780 : i1 to vector<16xi1>
        %reduce_sum3A_782 = tpu.scan <sum>, %add3A_775 masked %reduce_sum3A_781 : vector<16xf32>, vector<16xi1> -> vector<16xf32>
        %reduce_sum3A_783 = vector.extract %reduce_sum3A_782[15] : f32 from vector<16xf32>
        %add3A_784 = arith.addf %add3A_590, %add3A_596 : vector<16xf32>
        %add3A_785 = arith.addf %add3A_602, %add3A_608 : vector<16xf32>
        %add3A_786 = arith.addf %add3A_784, %add3A_785 : vector<16xf32>
        %mul3A_787 = arith.mulf %add3A_590, %add3A_590 : vector<16xf32>
        %mul3A_788 = arith.mulf %add3A_596, %add3A_596 : vector<16xf32>
        %add3A_789 = arith.addf %mul3A_787, %mul3A_788 : vector<16xf32>
        %mul3A_790 = arith.mulf %add3A_602, %add3A_602 : vector<16xf32>
        %mul3A_791 = arith.mulf %add3A_608, %add3A_608 : vector<16xf32>
        %add3A_792 = arith.addf %mul3A_790, %mul3A_791 : vector<16xf32>
        %add3A_793 = arith.addf %add3A_789, %add3A_792 : vector<16xf32>
        %reduce_sum3A_794 = arith.constant true
        %reduce_sum3A_795 = vector.broadcast %reduce_sum3A_794 : i1 to vector<16xi1>
        %reduce_sum3A_796 = tpu.scan <sum>, %add3A_786 masked %reduce_sum3A_795 : vector<16xf32>, vector<16xi1> -> vector<16xf32>
        %reduce_sum3A_797 = vector.extract %reduce_sum3A_796[15] : f32 from vector<16xf32>
        %reduce_sum3A_798 = arith.constant true
        %reduce_sum3A_799 = vector.broadcast %reduce_sum3A_798 : i1 to vector<16xi1>
        %reduce_sum3A_800 = tpu.scan <sum>, %add3A_793 masked %reduce_sum3A_799 : vector<16xf32>, vector<16xi1> -> vector<16xf32>
        %reduce_sum3A_801 = vector.extract %reduce_sum3A_800[15] : f32 from vector<16xf32>
        %add3A_802 = arith.addf %add3A_618, %add3A_624 : vector<16xf32>
        %add3A_803 = arith.addf %add3A_630, %add3A_636 : vector<16xf32>
        %add3A_804 = arith.addf %add3A_802, %add3A_803 : vector<16xf32>
        %mul3A_805 = arith.mulf %add3A_618, %add3A_618 : vector<16xf32>
        %mul3A_806 = arith.mulf %add3A_624, %add3A_624 : vector<16xf32>
        %add3A_807 = arith.addf %mul3A_805, %mul3A_806 : vector<16xf32>
        %mul3A_808 = arith.mulf %add3A_630, %add3A_630 : vector<16xf32>
        %mul3A_809 = arith.mulf %add3A_636, %add3A_636 : vector<16xf32>
        %add3A_810 = arith.addf %mul3A_808, %mul3A_809 : vector<16xf32>
        %add3A_811 = arith.addf %add3A_807, %add3A_810 : vector<16xf32>
        %reduce_sum3A_812 = arith.constant true
        %reduce_sum3A_813 = vector.broadcast %reduce_sum3A_812 : i1 to vector<16xi1>
        %reduce_sum3A_814 = tpu.scan <sum>, %add3A_804 masked %reduce_sum3A_813 : vector<16xf32>, vector<16xi1> -> vector<16xf32>
        %reduce_sum3A_815 = vector.extract %reduce_sum3A_814[15] : f32 from vector<16xf32>
        %reduce_sum3A_816 = arith.constant true
        %reduce_sum3A_817 = vector.broadcast %reduce_sum3A_816 : i1 to vector<16xi1>
        %reduce_sum3A_818 = tpu.scan <sum>, %add3A_811 masked %reduce_sum3A_817 : vector<16xf32>, vector<16xi1> -> vector<16xf32>
        %reduce_sum3A_819 = vector.extract %reduce_sum3A_818[15] : f32 from vector<16xf32>
        %add3A_820 = arith.addf %add3A_646, %add3A_652 : vector<16xf32>
        %add3A_821 = arith.addf %add3A_658, %add3A_664 : vector<16xf32>
        %add3A_822 = arith.addf %add3A_820, %add3A_821 : vector<16xf32>
        %mul3A_823 = arith.mulf %add3A_646, %add3A_646 : vector<16xf32>
        %mul3A_824 = arith.mulf %add3A_652, %add3A_652 : vector<16xf32>
        %add3A_825 = arith.addf %mul3A_823, %mul3A_824 : vector<16xf32>
        %mul3A_826 = arith.mulf %add3A_658, %add3A_658 : vector<16xf32>
        %mul3A_827 = arith.mulf %add3A_664, %add3A_664 : vector<16xf32>
        %add3A_828 = arith.addf %mul3A_826, %mul3A_827 : vector<16xf32>
        %add3A_829 = arith.addf %add3A_825, %add3A_828 : vector<16xf32>
        %reduce_sum3A_830 = arith.constant true
        %reduce_sum3A_831 = vector.broadcast %reduce_sum3A_830 : i1 to vector<16xi1>
        %reduce_sum3A_832 = tpu.scan <sum>, %add3A_822 masked %reduce_sum3A_831 : vector<16xf32>, vector<16xi1> -> vector<16xf32>
        %reduce_sum3A_833 = vector.extract %reduce_sum3A_832[15] : f32 from vector<16xf32>
        %reduce_sum3A_834 = arith.constant true
        %reduce_sum3A_835 = vector.broadcast %reduce_sum3A_834 : i1 to vector<16xi1>
        %reduce_sum3A_836 = tpu.scan <sum>, %add3A_829 masked %reduce_sum3A_835 : vector<16xf32>, vector<16xi1> -> vector<16xf32>
        %reduce_sum3A_837 = vector.extract %reduce_sum3A_836[15] : f32 from vector<16xf32>
        %add3A_838 = arith.addf %add3A_674, %add3A_680 : vector<16xf32>
        %add3A_839 = arith.addf %add3A_686, %add3A_692 : vector<16xf32>
        %add3A_840 = arith.addf %add3A_838, %add3A_839 : vector<16xf32>
        %mul3A_841 = arith.mulf %add3A_674, %add3A_674 : vector<16xf32>
        %mul3A_842 = arith.mulf %add3A_680, %add3A_680 : vector<16xf32>
        %add3A_843 = arith.addf %mul3A_841, %mul3A_842 : vector<16xf32>
        %mul3A_844 = arith.mulf %add3A_686, %add3A_686 : vector<16xf32>
        %mul3A_845 = arith.mulf %add3A_692, %add3A_692 : vector<16xf32>
        %add3A_846 = arith.addf %mul3A_844, %mul3A_845 : vector<16xf32>
        %add3A_847 = arith.addf %add3A_843, %add3A_846 : vector<16xf32>
        %reduce_sum3A_848 = arith.constant true
        %reduce_sum3A_849 = vector.broadcast %reduce_sum3A_848 : i1 to vector<16xi1>
        %reduce_sum3A_850 = tpu.scan <sum>, %add3A_840 masked %reduce_sum3A_849 : vector<16xf32>, vector<16xi1> -> vector<16xf32>
        %reduce_sum3A_851 = vector.extract %reduce_sum3A_850[15] : f32 from vector<16xf32>
        %reduce_sum3A_852 = arith.constant true
        %reduce_sum3A_853 = vector.broadcast %reduce_sum3A_852 : i1 to vector<16xi1>
        %reduce_sum3A_854 = tpu.scan <sum>, %add3A_847 masked %reduce_sum3A_853 : vector<16xf32>, vector<16xi1> -> vector<16xf32>
        %reduce_sum3A_855 = vector.extract %reduce_sum3A_854[15] : f32 from vector<16xf32>
        %add3A_856 = arith.addf %add3A_702, %add3A_708 : vector<16xf32>
        %add3A_857 = arith.addf %add3A_714, %add3A_720 : vector<16xf32>
        %add3A_858 = arith.addf %add3A_856, %add3A_857 : vector<16xf32>
        %mul3A_859 = arith.mulf %add3A_702, %add3A_702 : vector<16xf32>
        %mul3A_860 = arith.mulf %add3A_708, %add3A_708 : vector<16xf32>
        %add3A_861 = arith.addf %mul3A_859, %mul3A_860 : vector<16xf32>
        %mul3A_862 = arith.mulf %add3A_714, %add3A_714 : vector<16xf32>
        %mul3A_863 = arith.mulf %add3A_720, %add3A_720 : vector<16xf32>
        %add3A_864 = arith.addf %mul3A_862, %mul3A_863 : vector<16xf32>
        %add3A_865 = arith.addf %add3A_861, %add3A_864 : vector<16xf32>
        %reduce_sum3A_866 = arith.constant true
        %reduce_sum3A_867 = vector.broadcast %reduce_sum3A_866 : i1 to vector<16xi1>
        %reduce_sum3A_868 = tpu.scan <sum>, %add3A_858 masked %reduce_sum3A_867 : vector<16xf32>, vector<16xi1> -> vector<16xf32>
        %reduce_sum3A_869 = vector.extract %reduce_sum3A_868[15] : f32 from vector<16xf32>
        %reduce_sum3A_870 = arith.constant true
        %reduce_sum3A_871 = vector.broadcast %reduce_sum3A_870 : i1 to vector<16xi1>
        %reduce_sum3A_872 = tpu.scan <sum>, %add3A_865 masked %reduce_sum3A_871 : vector<16xf32>, vector<16xi1> -> vector<16xf32>
        %reduce_sum3A_873 = vector.extract %reduce_sum3A_872[15] : f32 from vector<16xf32>
        %add3A_874 = arith.addf %add3A_730, %add3A_736 : vector<16xf32>
        %add3A_875 = arith.addf %add3A_742, %add3A_748 : vector<16xf32>
        %add3A_876 = arith.addf %add3A_874, %add3A_875 : vector<16xf32>
        %mul3A_877 = arith.mulf %add3A_730, %add3A_730 : vector<16xf32>
        %mul3A_878 = arith.mulf %add3A_736, %add3A_736 : vector<16xf32>
        %add3A_879 = arith.addf %mul3A_877, %mul3A_878 : vector<16xf32>
        %mul3A_880 = arith.mulf %add3A_742, %add3A_742 : vector<16xf32>
        %mul3A_881 = arith.mulf %add3A_748, %add3A_748 : vector<16xf32>
        %add3A_882 = arith.addf %mul3A_880, %mul3A_881 : vector<16xf32>
        %add3A_883 = arith.addf %add3A_879, %add3A_882 : vector<16xf32>
        %reduce_sum3A_884 = arith.constant true
        %reduce_sum3A_885 = vector.broadcast %reduce_sum3A_884 : i1 to vector<16xi1>
        %reduce_sum3A_886 = tpu.scan <sum>, %add3A_876 masked %reduce_sum3A_885 : vector<16xf32>, vector<16xi1> -> vector<16xf32>
        %reduce_sum3A_887 = vector.extract %reduce_sum3A_886[15] : f32 from vector<16xf32>
        %reduce_sum3A_888 = arith.constant true
        %reduce_sum3A_889 = vector.broadcast %reduce_sum3A_888 : i1 to vector<16xi1>
        %reduce_sum3A_890 = tpu.scan <sum>, %add3A_883 masked %reduce_sum3A_889 : vector<16xf32>, vector<16xi1> -> vector<16xf32>
        %reduce_sum3A_891 = vector.extract %reduce_sum3A_890[15] : f32 from vector<16xf32>
        %mul3A_892 = arith.constant 1.562500e-02 : f32
        %mul3A_893 = arith.mulf %reduce_sum3A_761, %mul3A_892 : f32
        %mul3A_894 = arith.mulf %reduce_sum3A_761, %mul3A_893 : f32
        %sub3A = arith.subf %reduce_sum3A_765, %mul3A_894 : f32
        %mul3A_895 = arith.constant 0.0158730168 : f32
        %mul3A_896 = arith.mulf %sub3A, %mul3A_895 : f32
        %max3A = arith.constant 1.000000e-30 : f32
        %max3A_897 = arith.maximumf %mul3A_896, %max3A : f32
        %bitcast_convert_type3A = arith.bitcast %max3A_897 : f32 to i32
        %shift_right_arithmetic3A = arith.constant 1 : i32
        %shift_right_arithmetic3A_898 = arith.shrsi %bitcast_convert_type3A, %shift_right_arithmetic3A : i32
        %sub3A_899 = arith.constant 1597463007 : i32
        %sub3A_900 = arith.subi %sub3A_899, %shift_right_arithmetic3A_898 : i32
        %bitcast_convert_type3A_901 = arith.bitcast %sub3A_900 : i32 to f32
        %mul3A_902 = arith.constant 5.000000e-01 : f32
        %mul3A_903 = arith.mulf %mul3A_902, %max3A_897 : f32
        %mul3A_904 = arith.mulf %mul3A_903, %bitcast_convert_type3A_901 : f32
        %mul3A_905 = arith.mulf %mul3A_904, %bitcast_convert_type3A_901 : f32
        %sub3A_906 = arith.constant 1.500000e+00 : f32
        %sub3A_907 = arith.subf %sub3A_906, %mul3A_905 : f32
        %mul3A_908 = arith.mulf %bitcast_convert_type3A_901, %sub3A_907 : f32
        %mul3A_909 = arith.mulf %mul3A_893, %mul3A_908 : f32
        %broadcast_in_dim3A = vector.broadcast %add3A_528 : i32 to vector<16xi32>
        %mul3A_910 = vector.broadcast %mul3A_908 : f32 to vector<16xf32>
        %mul3A_911 = arith.mulf %add3A_534, %mul3A_910 : vector<16xf32>
        %sub3A_912 = vector.broadcast %mul3A_909 : f32 to vector<16xf32>
        %sub3A_913 = arith.subf %mul3A_911, %sub3A_912 : vector<16xf32>
        %mul3A_914 = arith.mulf %sub3A_913, %get3A_69 : vector<16xf32>
        %add3A_915 = arith.addf %mul3A_914, %get3A_85 : vector<16xf32>
        %scatter3A = arith.constant 1 : i32
        %scatter3A_916 = arith.constant 0 : i32
        %scatter3A_917 = arith.constant 0 : i32
        %scatter3A_918 = tpu.memref_slice %arg13[%scatter3A, %scatter3A_916, %scatter3A_917] : memref<2x64x129xf32, #tpu.memory_space<vmem>> -> memref<1x64x129xf32, #tpu.memory_space<vmem>>
        %scatter3A_919 = tpu.memref_squeeze %scatter3A_918 : memref<1x64x129xf32, #tpu.memory_space<vmem>> -> memref<64x129xf32, #tpu.memory_space<vmem>>
        tpu.vector_store_idx %scatter3A_919[%add3A_100, %broadcast_in_dim3A], %add3A_915 : memref<64x129xf32, #tpu.memory_space<vmem>>[vector<16xi32>, vector<16xi32>], vector<16xf32>,
        %mul3A_920 = vector.broadcast %mul3A_908 : f32 to vector<16xf32>
        %mul3A_921 = arith.mulf %add3A_540, %mul3A_920 : vector<16xf32>
        %sub3A_922 = vector.broadcast %mul3A_909 : f32 to vector<16xf32>
        %sub3A_923 = arith.subf %mul3A_921, %sub3A_922 : vector<16xf32>
        %mul3A_924 = arith.mulf %sub3A_923, %get3A_73 : vector<16xf32>
        %add3A_925 = arith.addf %mul3A_924, %get3A_89 : vector<16xf32>
        %scatter3A_926 = arith.constant 1 : i32
        %scatter3A_927 = arith.constant 0 : i32
        %scatter3A_928 = arith.constant 0 : i32
        %scatter3A_929 = tpu.memref_slice %arg13[%scatter3A_926, %scatter3A_927, %scatter3A_928] : memref<2x64x129xf32, #tpu.memory_space<vmem>> -> memref<1x64x129xf32, #tpu.memory_space<vmem>>
        %scatter3A_930 = tpu.memref_squeeze %scatter3A_929 : memref<1x64x129xf32, #tpu.memory_space<vmem>> -> memref<64x129xf32, #tpu.memory_space<vmem>>
        tpu.vector_store_idx %scatter3A_930[%add3A_103, %broadcast_in_dim3A], %add3A_925 : memref<64x129xf32, #tpu.memory_space<vmem>>[vector<16xi32>, vector<16xi32>], vector<16xf32>,
        %mul3A_931 = vector.broadcast %mul3A_908 : f32 to vector<16xf32>
        %mul3A_932 = arith.mulf %add3A_546, %mul3A_931 : vector<16xf32>
        %sub3A_933 = vector.broadcast %mul3A_909 : f32 to vector<16xf32>
        %sub3A_934 = arith.subf %mul3A_932, %sub3A_933 : vector<16xf32>
        %mul3A_935 = arith.mulf %sub3A_934, %get3A_77 : vector<16xf32>
        %add3A_936 = arith.addf %mul3A_935, %get3A_93 : vector<16xf32>
        %scatter3A_937 = arith.constant 1 : i32
        %scatter3A_938 = arith.constant 0 : i32
        %scatter3A_939 = arith.constant 0 : i32
        %scatter3A_940 = tpu.memref_slice %arg13[%scatter3A_937, %scatter3A_938, %scatter3A_939] : memref<2x64x129xf32, #tpu.memory_space<vmem>> -> memref<1x64x129xf32, #tpu.memory_space<vmem>>
        %scatter3A_941 = tpu.memref_squeeze %scatter3A_940 : memref<1x64x129xf32, #tpu.memory_space<vmem>> -> memref<64x129xf32, #tpu.memory_space<vmem>>
        tpu.vector_store_idx %scatter3A_941[%add3A_106, %broadcast_in_dim3A], %add3A_936 : memref<64x129xf32, #tpu.memory_space<vmem>>[vector<16xi32>, vector<16xi32>], vector<16xf32>,
        %mul3A_942 = vector.broadcast %mul3A_908 : f32 to vector<16xf32>
        %mul3A_943 = arith.mulf %add3A_552, %mul3A_942 : vector<16xf32>
        %sub3A_944 = vector.broadcast %mul3A_909 : f32 to vector<16xf32>
        %sub3A_945 = arith.subf %mul3A_943, %sub3A_944 : vector<16xf32>
        %mul3A_946 = arith.mulf %sub3A_945, %get3A_81 : vector<16xf32>
        %add3A_947 = arith.addf %mul3A_946, %get3A_97 : vector<16xf32>
        %scatter3A_948 = arith.constant 1 : i32
        %scatter3A_949 = arith.constant 0 : i32
        %scatter3A_950 = arith.constant 0 : i32
        %scatter3A_951 = tpu.memref_slice %arg13[%scatter3A_948, %scatter3A_949, %scatter3A_950] : memref<2x64x129xf32, #tpu.memory_space<vmem>> -> memref<1x64x129xf32, #tpu.memory_space<vmem>>
        %scatter3A_952 = tpu.memref_squeeze %scatter3A_951 : memref<1x64x129xf32, #tpu.memory_space<vmem>> -> memref<64x129xf32, #tpu.memory_space<vmem>>
        tpu.vector_store_idx %scatter3A_952[%add3A_109, %broadcast_in_dim3A], %add3A_947 : memref<64x129xf32, #tpu.memory_space<vmem>>[vector<16xi32>, vector<16xi32>], vector<16xf32>,
        %mul3A_953 = arith.constant 1.562500e-02 : f32
        %mul3A_954 = arith.mulf %reduce_sum3A_779, %mul3A_953 : f32
        %mul3A_955 = arith.mulf %reduce_sum3A_779, %mul3A_954 : f32
        %sub3A_956 = arith.subf %reduce_sum3A_783, %mul3A_955 : f32
        %mul3A_957 = arith.constant 0.0158730168 : f32
        %mul3A_958 = arith.mulf %sub3A_956, %mul3A_957 : f32
        %max3A_959 = arith.constant 1.000000e-30 : f32
        %max3A_960 = arith.maximumf %mul3A_958, %max3A_959 : f32
        %bitcast_convert_type3A_961 = arith.bitcast %max3A_960 : f32 to i32
        %shift_right_arithmetic3A_962 = arith.constant 1 : i32
        %shift_right_arithmetic3A_963 = arith.shrsi %bitcast_convert_type3A_961, %shift_right_arithmetic3A_962 : i32
        %sub3A_964 = arith.constant 1597463007 : i32
        %sub3A_965 = arith.subi %sub3A_964, %shift_right_arithmetic3A_963 : i32
        %bitcast_convert_type3A_966 = arith.bitcast %sub3A_965 : i32 to f32
        %mul3A_967 = arith.constant 5.000000e-01 : f32
        %mul3A_968 = arith.mulf %mul3A_967, %max3A_960 : f32
        %mul3A_969 = arith.mulf %mul3A_968, %bitcast_convert_type3A_966 : f32
        %mul3A_970 = arith.mulf %mul3A_969, %bitcast_convert_type3A_966 : f32
        %sub3A_971 = arith.constant 1.500000e+00 : f32
        %sub3A_972 = arith.subf %sub3A_971, %mul3A_970 : f32
        %mul3A_973 = arith.mulf %bitcast_convert_type3A_966, %sub3A_972 : f32
        %mul3A_974 = arith.mulf %mul3A_954, %mul3A_973 : f32
        %broadcast_in_dim3A_975 = vector.broadcast %add3A_556 : i32 to vector<16xi32>
        %mul3A_976 = vector.broadcast %mul3A_973 : f32 to vector<16xf32>
        %mul3A_977 = arith.mulf %add3A_562, %mul3A_976 : vector<16xf32>
        %sub3A_978 = vector.broadcast %mul3A_974 : f32 to vector<16xf32>
        %sub3A_979 = arith.subf %mul3A_977, %sub3A_978 : vector<16xf32>
        %mul3A_980 = arith.mulf %sub3A_979, %get3A_69 : vector<16xf32>
        %add3A_981 = arith.addf %mul3A_980, %get3A_85 : vector<16xf32>
        %scatter3A_982 = arith.constant 1 : i32
        %scatter3A_983 = arith.constant 0 : i32
        %scatter3A_984 = arith.constant 0 : i32
        %scatter3A_985 = tpu.memref_slice %arg13[%scatter3A_982, %scatter3A_983, %scatter3A_984] : memref<2x64x129xf32, #tpu.memory_space<vmem>> -> memref<1x64x129xf32, #tpu.memory_space<vmem>>
        %scatter3A_986 = tpu.memref_squeeze %scatter3A_985 : memref<1x64x129xf32, #tpu.memory_space<vmem>> -> memref<64x129xf32, #tpu.memory_space<vmem>>
        tpu.vector_store_idx %scatter3A_986[%add3A_100, %broadcast_in_dim3A_975], %add3A_981 : memref<64x129xf32, #tpu.memory_space<vmem>>[vector<16xi32>, vector<16xi32>], vector<16xf32>,
        %mul3A_987 = vector.broadcast %mul3A_973 : f32 to vector<16xf32>
        %mul3A_988 = arith.mulf %add3A_568, %mul3A_987 : vector<16xf32>
        %sub3A_989 = vector.broadcast %mul3A_974 : f32 to vector<16xf32>
        %sub3A_990 = arith.subf %mul3A_988, %sub3A_989 : vector<16xf32>
        %mul3A_991 = arith.mulf %sub3A_990, %get3A_73 : vector<16xf32>
        %add3A_992 = arith.addf %mul3A_991, %get3A_89 : vector<16xf32>
        %scatter3A_993 = arith.constant 1 : i32
        %scatter3A_994 = arith.constant 0 : i32
        %scatter3A_995 = arith.constant 0 : i32
        %scatter3A_996 = tpu.memref_slice %arg13[%scatter3A_993, %scatter3A_994, %scatter3A_995] : memref<2x64x129xf32, #tpu.memory_space<vmem>> -> memref<1x64x129xf32, #tpu.memory_space<vmem>>
        %scatter3A_997 = tpu.memref_squeeze %scatter3A_996 : memref<1x64x129xf32, #tpu.memory_space<vmem>> -> memref<64x129xf32, #tpu.memory_space<vmem>>
        tpu.vector_store_idx %scatter3A_997[%add3A_103, %broadcast_in_dim3A_975], %add3A_992 : memref<64x129xf32, #tpu.memory_space<vmem>>[vector<16xi32>, vector<16xi32>], vector<16xf32>,
        %mul3A_998 = vector.broadcast %mul3A_973 : f32 to vector<16xf32>
        %mul3A_999 = arith.mulf %add3A_574, %mul3A_998 : vector<16xf32>
        %sub3A_1000 = vector.broadcast %mul3A_974 : f32 to vector<16xf32>
        %sub3A_1001 = arith.subf %mul3A_999, %sub3A_1000 : vector<16xf32>
        %mul3A_1002 = arith.mulf %sub3A_1001, %get3A_77 : vector<16xf32>
        %add3A_1003 = arith.addf %mul3A_1002, %get3A_93 : vector<16xf32>
        %scatter3A_1004 = arith.constant 1 : i32
        %scatter3A_1005 = arith.constant 0 : i32
        %scatter3A_1006 = arith.constant 0 : i32
        %scatter3A_1007 = tpu.memref_slice %arg13[%scatter3A_1004, %scatter3A_1005, %scatter3A_1006] : memref<2x64x129xf32, #tpu.memory_space<vmem>> -> memref<1x64x129xf32, #tpu.memory_space<vmem>>
        %scatter3A_1008 = tpu.memref_squeeze %scatter3A_1007 : memref<1x64x129xf32, #tpu.memory_space<vmem>> -> memref<64x129xf32, #tpu.memory_space<vmem>>
        tpu.vector_store_idx %scatter3A_1008[%add3A_106, %broadcast_in_dim3A_975], %add3A_1003 : memref<64x129xf32, #tpu.memory_space<vmem>>[vector<16xi32>, vector<16xi32>], vector<16xf32>,
        %mul3A_1009 = vector.broadcast %mul3A_973 : f32 to vector<16xf32>
        %mul3A_1010 = arith.mulf %add3A_580, %mul3A_1009 : vector<16xf32>
        %sub3A_1011 = vector.broadcast %mul3A_974 : f32 to vector<16xf32>
        %sub3A_1012 = arith.subf %mul3A_1010, %sub3A_1011 : vector<16xf32>
        %mul3A_1013 = arith.mulf %sub3A_1012, %get3A_81 : vector<16xf32>
        %add3A_1014 = arith.addf %mul3A_1013, %get3A_97 : vector<16xf32>
        %scatter3A_1015 = arith.constant 1 : i32
        %scatter3A_1016 = arith.constant 0 : i32
        %scatter3A_1017 = arith.constant 0 : i32
        %scatter3A_1018 = tpu.memref_slice %arg13[%scatter3A_1015, %scatter3A_1016, %scatter3A_1017] : memref<2x64x129xf32, #tpu.memory_space<vmem>> -> memref<1x64x129xf32, #tpu.memory_space<vmem>>
        %scatter3A_1019 = tpu.memref_squeeze %scatter3A_1018 : memref<1x64x129xf32, #tpu.memory_space<vmem>> -> memref<64x129xf32, #tpu.memory_space<vmem>>
        tpu.vector_store_idx %scatter3A_1019[%add3A_109, %broadcast_in_dim3A_975], %add3A_1014 : memref<64x129xf32, #tpu.memory_space<vmem>>[vector<16xi32>, vector<16xi32>], vector<16xf32>,
        %mul3A_1020 = arith.constant 1.562500e-02 : f32
        %mul3A_1021 = arith.mulf %reduce_sum3A_797, %mul3A_1020 : f32
        %mul3A_1022 = arith.mulf %reduce_sum3A_797, %mul3A_1021 : f32
        %sub3A_1023 = arith.subf %reduce_sum3A_801, %mul3A_1022 : f32
        %mul3A_1024 = arith.constant 0.0158730168 : f32
        %mul3A_1025 = arith.mulf %sub3A_1023, %mul3A_1024 : f32
        %max3A_1026 = arith.constant 1.000000e-30 : f32
        %max3A_1027 = arith.maximumf %mul3A_1025, %max3A_1026 : f32
        %bitcast_convert_type3A_1028 = arith.bitcast %max3A_1027 : f32 to i32
        %shift_right_arithmetic3A_1029 = arith.constant 1 : i32
        %shift_right_arithmetic3A_1030 = arith.shrsi %bitcast_convert_type3A_1028, %shift_right_arithmetic3A_1029 : i32
        %sub3A_1031 = arith.constant 1597463007 : i32
        %sub3A_1032 = arith.subi %sub3A_1031, %shift_right_arithmetic3A_1030 : i32
        %bitcast_convert_type3A_1033 = arith.bitcast %sub3A_1032 : i32 to f32
        %mul3A_1034 = arith.constant 5.000000e-01 : f32
        %mul3A_1035 = arith.mulf %mul3A_1034, %max3A_1027 : f32
        %mul3A_1036 = arith.mulf %mul3A_1035, %bitcast_convert_type3A_1033 : f32
        %mul3A_1037 = arith.mulf %mul3A_1036, %bitcast_convert_type3A_1033 : f32
        %sub3A_1038 = arith.constant 1.500000e+00 : f32
        %sub3A_1039 = arith.subf %sub3A_1038, %mul3A_1037 : f32
        %mul3A_1040 = arith.mulf %bitcast_convert_type3A_1033, %sub3A_1039 : f32
        %mul3A_1041 = arith.mulf %mul3A_1021, %mul3A_1040 : f32
        %broadcast_in_dim3A_1042 = vector.broadcast %add3A_584 : i32 to vector<16xi32>
        %mul3A_1043 = vector.broadcast %mul3A_1040 : f32 to vector<16xf32>
        %mul3A_1044 = arith.mulf %add3A_590, %mul3A_1043 : vector<16xf32>
        %sub3A_1045 = vector.broadcast %mul3A_1041 : f32 to vector<16xf32>
        %sub3A_1046 = arith.subf %mul3A_1044, %sub3A_1045 : vector<16xf32>
        %mul3A_1047 = arith.mulf %sub3A_1046, %get3A_69 : vector<16xf32>
        %add3A_1048 = arith.addf %mul3A_1047, %get3A_85 : vector<16xf32>
        %scatter3A_1049 = arith.constant 1 : i32
        %scatter3A_1050 = arith.constant 0 : i32
        %scatter3A_1051 = arith.constant 0 : i32
        %scatter3A_1052 = tpu.memref_slice %arg13[%scatter3A_1049, %scatter3A_1050, %scatter3A_1051] : memref<2x64x129xf32, #tpu.memory_space<vmem>> -> memref<1x64x129xf32, #tpu.memory_space<vmem>>
        %scatter3A_1053 = tpu.memref_squeeze %scatter3A_1052 : memref<1x64x129xf32, #tpu.memory_space<vmem>> -> memref<64x129xf32, #tpu.memory_space<vmem>>
        tpu.vector_store_idx %scatter3A_1053[%add3A_100, %broadcast_in_dim3A_1042], %add3A_1048 : memref<64x129xf32, #tpu.memory_space<vmem>>[vector<16xi32>, vector<16xi32>], vector<16xf32>,
        %mul3A_1054 = vector.broadcast %mul3A_1040 : f32 to vector<16xf32>
        %mul3A_1055 = arith.mulf %add3A_596, %mul3A_1054 : vector<16xf32>
        %sub3A_1056 = vector.broadcast %mul3A_1041 : f32 to vector<16xf32>
        %sub3A_1057 = arith.subf %mul3A_1055, %sub3A_1056 : vector<16xf32>
        %mul3A_1058 = arith.mulf %sub3A_1057, %get3A_73 : vector<16xf32>
        %add3A_1059 = arith.addf %mul3A_1058, %get3A_89 : vector<16xf32>
        %scatter3A_1060 = arith.constant 1 : i32
        %scatter3A_1061 = arith.constant 0 : i32
        %scatter3A_1062 = arith.constant 0 : i32
        %scatter3A_1063 = tpu.memref_slice %arg13[%scatter3A_1060, %scatter3A_1061, %scatter3A_1062] : memref<2x64x129xf32, #tpu.memory_space<vmem>> -> memref<1x64x129xf32, #tpu.memory_space<vmem>>
        %scatter3A_1064 = tpu.memref_squeeze %scatter3A_1063 : memref<1x64x129xf32, #tpu.memory_space<vmem>> -> memref<64x129xf32, #tpu.memory_space<vmem>>
        tpu.vector_store_idx %scatter3A_1064[%add3A_103, %broadcast_in_dim3A_1042], %add3A_1059 : memref<64x129xf32, #tpu.memory_space<vmem>>[vector<16xi32>, vector<16xi32>], vector<16xf32>,
        %mul3A_1065 = vector.broadcast %mul3A_1040 : f32 to vector<16xf32>
        %mul3A_1066 = arith.mulf %add3A_602, %mul3A_1065 : vector<16xf32>
        %sub3A_1067 = vector.broadcast %mul3A_1041 : f32 to vector<16xf32>
        %sub3A_1068 = arith.subf %mul3A_1066, %sub3A_1067 : vector<16xf32>
        %mul3A_1069 = arith.mulf %sub3A_1068, %get3A_77 : vector<16xf32>
        %add3A_1070 = arith.addf %mul3A_1069, %get3A_93 : vector<16xf32>
        %scatter3A_1071 = arith.constant 1 : i32
        %scatter3A_1072 = arith.constant 0 : i32
        %scatter3A_1073 = arith.constant 0 : i32
        %scatter3A_1074 = tpu.memref_slice %arg13[%scatter3A_1071, %scatter3A_1072, %scatter3A_1073] : memref<2x64x129xf32, #tpu.memory_space<vmem>> -> memref<1x64x129xf32, #tpu.memory_space<vmem>>
        %scatter3A_1075 = tpu.memref_squeeze %scatter3A_1074 : memref<1x64x129xf32, #tpu.memory_space<vmem>> -> memref<64x129xf32, #tpu.memory_space<vmem>>
        tpu.vector_store_idx %scatter3A_1075[%add3A_106, %broadcast_in_dim3A_1042], %add3A_1070 : memref<64x129xf32, #tpu.memory_space<vmem>>[vector<16xi32>, vector<16xi32>], vector<16xf32>,
        %mul3A_1076 = vector.broadcast %mul3A_1040 : f32 to vector<16xf32>
        %mul3A_1077 = arith.mulf %add3A_608, %mul3A_1076 : vector<16xf32>
        %sub3A_1078 = vector.broadcast %mul3A_1041 : f32 to vector<16xf32>
        %sub3A_1079 = arith.subf %mul3A_1077, %sub3A_1078 : vector<16xf32>
        %mul3A_1080 = arith.mulf %sub3A_1079, %get3A_81 : vector<16xf32>
        %add3A_1081 = arith.addf %mul3A_1080, %get3A_97 : vector<16xf32>
        %scatter3A_1082 = arith.constant 1 : i32
        %scatter3A_1083 = arith.constant 0 : i32
        %scatter3A_1084 = arith.constant 0 : i32
        %scatter3A_1085 = tpu.memref_slice %arg13[%scatter3A_1082, %scatter3A_1083, %scatter3A_1084] : memref<2x64x129xf32, #tpu.memory_space<vmem>> -> memref<1x64x129xf32, #tpu.memory_space<vmem>>
        %scatter3A_1086 = tpu.memref_squeeze %scatter3A_1085 : memref<1x64x129xf32, #tpu.memory_space<vmem>> -> memref<64x129xf32, #tpu.memory_space<vmem>>
        tpu.vector_store_idx %scatter3A_1086[%add3A_109, %broadcast_in_dim3A_1042], %add3A_1081 : memref<64x129xf32, #tpu.memory_space<vmem>>[vector<16xi32>, vector<16xi32>], vector<16xf32>,
        %mul3A_1087 = arith.constant 1.562500e-02 : f32
        %mul3A_1088 = arith.mulf %reduce_sum3A_815, %mul3A_1087 : f32
        %mul3A_1089 = arith.mulf %reduce_sum3A_815, %mul3A_1088 : f32
        %sub3A_1090 = arith.subf %reduce_sum3A_819, %mul3A_1089 : f32
        %mul3A_1091 = arith.constant 0.0158730168 : f32
        %mul3A_1092 = arith.mulf %sub3A_1090, %mul3A_1091 : f32
        %max3A_1093 = arith.constant 1.000000e-30 : f32
        %max3A_1094 = arith.maximumf %mul3A_1092, %max3A_1093 : f32
        %bitcast_convert_type3A_1095 = arith.bitcast %max3A_1094 : f32 to i32
        %shift_right_arithmetic3A_1096 = arith.constant 1 : i32
        %shift_right_arithmetic3A_1097 = arith.shrsi %bitcast_convert_type3A_1095, %shift_right_arithmetic3A_1096 : i32
        %sub3A_1098 = arith.constant 1597463007 : i32
        %sub3A_1099 = arith.subi %sub3A_1098, %shift_right_arithmetic3A_1097 : i32
        %bitcast_convert_type3A_1100 = arith.bitcast %sub3A_1099 : i32 to f32
        %mul3A_1101 = arith.constant 5.000000e-01 : f32
        %mul3A_1102 = arith.mulf %mul3A_1101, %max3A_1094 : f32
        %mul3A_1103 = arith.mulf %mul3A_1102, %bitcast_convert_type3A_1100 : f32
        %mul3A_1104 = arith.mulf %mul3A_1103, %bitcast_convert_type3A_1100 : f32
        %sub3A_1105 = arith.constant 1.500000e+00 : f32
        %sub3A_1106 = arith.subf %sub3A_1105, %mul3A_1104 : f32
        %mul3A_1107 = arith.mulf %bitcast_convert_type3A_1100, %sub3A_1106 : f32
        %mul3A_1108 = arith.mulf %mul3A_1088, %mul3A_1107 : f32
        %broadcast_in_dim3A_1109 = vector.broadcast %add3A_612 : i32 to vector<16xi32>
        %mul3A_1110 = vector.broadcast %mul3A_1107 : f32 to vector<16xf32>
        %mul3A_1111 = arith.mulf %add3A_618, %mul3A_1110 : vector<16xf32>
        %sub3A_1112 = vector.broadcast %mul3A_1108 : f32 to vector<16xf32>
        %sub3A_1113 = arith.subf %mul3A_1111, %sub3A_1112 : vector<16xf32>
        %mul3A_1114 = arith.mulf %sub3A_1113, %get3A_69 : vector<16xf32>
        %add3A_1115 = arith.addf %mul3A_1114, %get3A_85 : vector<16xf32>
        %scatter3A_1116 = arith.constant 1 : i32
        %scatter3A_1117 = arith.constant 0 : i32
        %scatter3A_1118 = arith.constant 0 : i32
        %scatter3A_1119 = tpu.memref_slice %arg13[%scatter3A_1116, %scatter3A_1117, %scatter3A_1118] : memref<2x64x129xf32, #tpu.memory_space<vmem>> -> memref<1x64x129xf32, #tpu.memory_space<vmem>>
        %scatter3A_1120 = tpu.memref_squeeze %scatter3A_1119 : memref<1x64x129xf32, #tpu.memory_space<vmem>> -> memref<64x129xf32, #tpu.memory_space<vmem>>
        tpu.vector_store_idx %scatter3A_1120[%add3A_100, %broadcast_in_dim3A_1109], %add3A_1115 : memref<64x129xf32, #tpu.memory_space<vmem>>[vector<16xi32>, vector<16xi32>], vector<16xf32>,
        %mul3A_1121 = vector.broadcast %mul3A_1107 : f32 to vector<16xf32>
        %mul3A_1122 = arith.mulf %add3A_624, %mul3A_1121 : vector<16xf32>
        %sub3A_1123 = vector.broadcast %mul3A_1108 : f32 to vector<16xf32>
        %sub3A_1124 = arith.subf %mul3A_1122, %sub3A_1123 : vector<16xf32>
        %mul3A_1125 = arith.mulf %sub3A_1124, %get3A_73 : vector<16xf32>
        %add3A_1126 = arith.addf %mul3A_1125, %get3A_89 : vector<16xf32>
        %scatter3A_1127 = arith.constant 1 : i32
        %scatter3A_1128 = arith.constant 0 : i32
        %scatter3A_1129 = arith.constant 0 : i32
        %scatter3A_1130 = tpu.memref_slice %arg13[%scatter3A_1127, %scatter3A_1128, %scatter3A_1129] : memref<2x64x129xf32, #tpu.memory_space<vmem>> -> memref<1x64x129xf32, #tpu.memory_space<vmem>>
        %scatter3A_1131 = tpu.memref_squeeze %scatter3A_1130 : memref<1x64x129xf32, #tpu.memory_space<vmem>> -> memref<64x129xf32, #tpu.memory_space<vmem>>
        tpu.vector_store_idx %scatter3A_1131[%add3A_103, %broadcast_in_dim3A_1109], %add3A_1126 : memref<64x129xf32, #tpu.memory_space<vmem>>[vector<16xi32>, vector<16xi32>], vector<16xf32>,
        %mul3A_1132 = vector.broadcast %mul3A_1107 : f32 to vector<16xf32>
        %mul3A_1133 = arith.mulf %add3A_630, %mul3A_1132 : vector<16xf32>
        %sub3A_1134 = vector.broadcast %mul3A_1108 : f32 to vector<16xf32>
        %sub3A_1135 = arith.subf %mul3A_1133, %sub3A_1134 : vector<16xf32>
        %mul3A_1136 = arith.mulf %sub3A_1135, %get3A_77 : vector<16xf32>
        %add3A_1137 = arith.addf %mul3A_1136, %get3A_93 : vector<16xf32>
        %scatter3A_1138 = arith.constant 1 : i32
        %scatter3A_1139 = arith.constant 0 : i32
        %scatter3A_1140 = arith.constant 0 : i32
        %scatter3A_1141 = tpu.memref_slice %arg13[%scatter3A_1138, %scatter3A_1139, %scatter3A_1140] : memref<2x64x129xf32, #tpu.memory_space<vmem>> -> memref<1x64x129xf32, #tpu.memory_space<vmem>>
        %scatter3A_1142 = tpu.memref_squeeze %scatter3A_1141 : memref<1x64x129xf32, #tpu.memory_space<vmem>> -> memref<64x129xf32, #tpu.memory_space<vmem>>
        tpu.vector_store_idx %scatter3A_1142[%add3A_106, %broadcast_in_dim3A_1109], %add3A_1137 : memref<64x129xf32, #tpu.memory_space<vmem>>[vector<16xi32>, vector<16xi32>], vector<16xf32>,
        %mul3A_1143 = vector.broadcast %mul3A_1107 : f32 to vector<16xf32>
        %mul3A_1144 = arith.mulf %add3A_636, %mul3A_1143 : vector<16xf32>
        %sub3A_1145 = vector.broadcast %mul3A_1108 : f32 to vector<16xf32>
        %sub3A_1146 = arith.subf %mul3A_1144, %sub3A_1145 : vector<16xf32>
        %mul3A_1147 = arith.mulf %sub3A_1146, %get3A_81 : vector<16xf32>
        %add3A_1148 = arith.addf %mul3A_1147, %get3A_97 : vector<16xf32>
        %scatter3A_1149 = arith.constant 1 : i32
        %scatter3A_1150 = arith.constant 0 : i32
        %scatter3A_1151 = arith.constant 0 : i32
        %scatter3A_1152 = tpu.memref_slice %arg13[%scatter3A_1149, %scatter3A_1150, %scatter3A_1151] : memref<2x64x129xf32, #tpu.memory_space<vmem>> -> memref<1x64x129xf32, #tpu.memory_space<vmem>>
        %scatter3A_1153 = tpu.memref_squeeze %scatter3A_1152 : memref<1x64x129xf32, #tpu.memory_space<vmem>> -> memref<64x129xf32, #tpu.memory_space<vmem>>
        tpu.vector_store_idx %scatter3A_1153[%add3A_109, %broadcast_in_dim3A_1109], %add3A_1148 : memref<64x129xf32, #tpu.memory_space<vmem>>[vector<16xi32>, vector<16xi32>], vector<16xf32>,
        %mul3A_1154 = arith.constant 1.562500e-02 : f32
        %mul3A_1155 = arith.mulf %reduce_sum3A_833, %mul3A_1154 : f32
        %mul3A_1156 = arith.mulf %reduce_sum3A_833, %mul3A_1155 : f32
        %sub3A_1157 = arith.subf %reduce_sum3A_837, %mul3A_1156 : f32
        %mul3A_1158 = arith.constant 0.0158730168 : f32
        %mul3A_1159 = arith.mulf %sub3A_1157, %mul3A_1158 : f32
        %max3A_1160 = arith.constant 1.000000e-30 : f32
        %max3A_1161 = arith.maximumf %mul3A_1159, %max3A_1160 : f32
        %bitcast_convert_type3A_1162 = arith.bitcast %max3A_1161 : f32 to i32
        %shift_right_arithmetic3A_1163 = arith.constant 1 : i32
        %shift_right_arithmetic3A_1164 = arith.shrsi %bitcast_convert_type3A_1162, %shift_right_arithmetic3A_1163 : i32
        %sub3A_1165 = arith.constant 1597463007 : i32
        %sub3A_1166 = arith.subi %sub3A_1165, %shift_right_arithmetic3A_1164 : i32
        %bitcast_convert_type3A_1167 = arith.bitcast %sub3A_1166 : i32 to f32
        %mul3A_1168 = arith.constant 5.000000e-01 : f32
        %mul3A_1169 = arith.mulf %mul3A_1168, %max3A_1161 : f32
        %mul3A_1170 = arith.mulf %mul3A_1169, %bitcast_convert_type3A_1167 : f32
        %mul3A_1171 = arith.mulf %mul3A_1170, %bitcast_convert_type3A_1167 : f32
        %sub3A_1172 = arith.constant 1.500000e+00 : f32
        %sub3A_1173 = arith.subf %sub3A_1172, %mul3A_1171 : f32
        %mul3A_1174 = arith.mulf %bitcast_convert_type3A_1167, %sub3A_1173 : f32
        %mul3A_1175 = arith.mulf %mul3A_1155, %mul3A_1174 : f32
        %broadcast_in_dim3A_1176 = vector.broadcast %add3A_640 : i32 to vector<16xi32>
        %mul3A_1177 = vector.broadcast %mul3A_1174 : f32 to vector<16xf32>
        %mul3A_1178 = arith.mulf %add3A_646, %mul3A_1177 : vector<16xf32>
        %sub3A_1179 = vector.broadcast %mul3A_1175 : f32 to vector<16xf32>
        %sub3A_1180 = arith.subf %mul3A_1178, %sub3A_1179 : vector<16xf32>
        %mul3A_1181 = arith.mulf %sub3A_1180, %get3A_69 : vector<16xf32>
        %add3A_1182 = arith.addf %mul3A_1181, %get3A_85 : vector<16xf32>
        %scatter3A_1183 = arith.constant 1 : i32
        %scatter3A_1184 = arith.constant 0 : i32
        %scatter3A_1185 = arith.constant 0 : i32
        %scatter3A_1186 = tpu.memref_slice %arg13[%scatter3A_1183, %scatter3A_1184, %scatter3A_1185] : memref<2x64x129xf32, #tpu.memory_space<vmem>> -> memref<1x64x129xf32, #tpu.memory_space<vmem>>
        %scatter3A_1187 = tpu.memref_squeeze %scatter3A_1186 : memref<1x64x129xf32, #tpu.memory_space<vmem>> -> memref<64x129xf32, #tpu.memory_space<vmem>>
        tpu.vector_store_idx %scatter3A_1187[%add3A_100, %broadcast_in_dim3A_1176], %add3A_1182 : memref<64x129xf32, #tpu.memory_space<vmem>>[vector<16xi32>, vector<16xi32>], vector<16xf32>,
        %mul3A_1188 = vector.broadcast %mul3A_1174 : f32 to vector<16xf32>
        %mul3A_1189 = arith.mulf %add3A_652, %mul3A_1188 : vector<16xf32>
        %sub3A_1190 = vector.broadcast %mul3A_1175 : f32 to vector<16xf32>
        %sub3A_1191 = arith.subf %mul3A_1189, %sub3A_1190 : vector<16xf32>
        %mul3A_1192 = arith.mulf %sub3A_1191, %get3A_73 : vector<16xf32>
        %add3A_1193 = arith.addf %mul3A_1192, %get3A_89 : vector<16xf32>
        %scatter3A_1194 = arith.constant 1 : i32
        %scatter3A_1195 = arith.constant 0 : i32
        %scatter3A_1196 = arith.constant 0 : i32
        %scatter3A_1197 = tpu.memref_slice %arg13[%scatter3A_1194, %scatter3A_1195, %scatter3A_1196] : memref<2x64x129xf32, #tpu.memory_space<vmem>> -> memref<1x64x129xf32, #tpu.memory_space<vmem>>
        %scatter3A_1198 = tpu.memref_squeeze %scatter3A_1197 : memref<1x64x129xf32, #tpu.memory_space<vmem>> -> memref<64x129xf32, #tpu.memory_space<vmem>>
        tpu.vector_store_idx %scatter3A_1198[%add3A_103, %broadcast_in_dim3A_1176], %add3A_1193 : memref<64x129xf32, #tpu.memory_space<vmem>>[vector<16xi32>, vector<16xi32>], vector<16xf32>,
        %mul3A_1199 = vector.broadcast %mul3A_1174 : f32 to vector<16xf32>
        %mul3A_1200 = arith.mulf %add3A_658, %mul3A_1199 : vector<16xf32>
        %sub3A_1201 = vector.broadcast %mul3A_1175 : f32 to vector<16xf32>
        %sub3A_1202 = arith.subf %mul3A_1200, %sub3A_1201 : vector<16xf32>
        %mul3A_1203 = arith.mulf %sub3A_1202, %get3A_77 : vector<16xf32>
        %add3A_1204 = arith.addf %mul3A_1203, %get3A_93 : vector<16xf32>
        %scatter3A_1205 = arith.constant 1 : i32
        %scatter3A_1206 = arith.constant 0 : i32
        %scatter3A_1207 = arith.constant 0 : i32
        %scatter3A_1208 = tpu.memref_slice %arg13[%scatter3A_1205, %scatter3A_1206, %scatter3A_1207] : memref<2x64x129xf32, #tpu.memory_space<vmem>> -> memref<1x64x129xf32, #tpu.memory_space<vmem>>
        %scatter3A_1209 = tpu.memref_squeeze %scatter3A_1208 : memref<1x64x129xf32, #tpu.memory_space<vmem>> -> memref<64x129xf32, #tpu.memory_space<vmem>>
        tpu.vector_store_idx %scatter3A_1209[%add3A_106, %broadcast_in_dim3A_1176], %add3A_1204 : memref<64x129xf32, #tpu.memory_space<vmem>>[vector<16xi32>, vector<16xi32>], vector<16xf32>,
        %mul3A_1210 = vector.broadcast %mul3A_1174 : f32 to vector<16xf32>
        %mul3A_1211 = arith.mulf %add3A_664, %mul3A_1210 : vector<16xf32>
        %sub3A_1212 = vector.broadcast %mul3A_1175 : f32 to vector<16xf32>
        %sub3A_1213 = arith.subf %mul3A_1211, %sub3A_1212 : vector<16xf32>
        %mul3A_1214 = arith.mulf %sub3A_1213, %get3A_81 : vector<16xf32>
        %add3A_1215 = arith.addf %mul3A_1214, %get3A_97 : vector<16xf32>
        %scatter3A_1216 = arith.constant 1 : i32
        %scatter3A_1217 = arith.constant 0 : i32
        %scatter3A_1218 = arith.constant 0 : i32
        %scatter3A_1219 = tpu.memref_slice %arg13[%scatter3A_1216, %scatter3A_1217, %scatter3A_1218] : memref<2x64x129xf32, #tpu.memory_space<vmem>> -> memref<1x64x129xf32, #tpu.memory_space<vmem>>
        %scatter3A_1220 = tpu.memref_squeeze %scatter3A_1219 : memref<1x64x129xf32, #tpu.memory_space<vmem>> -> memref<64x129xf32, #tpu.memory_space<vmem>>
        tpu.vector_store_idx %scatter3A_1220[%add3A_109, %broadcast_in_dim3A_1176], %add3A_1215 : memref<64x129xf32, #tpu.memory_space<vmem>>[vector<16xi32>, vector<16xi32>], vector<16xf32>,
        %mul3A_1221 = arith.constant 1.562500e-02 : f32
        %mul3A_1222 = arith.mulf %reduce_sum3A_851, %mul3A_1221 : f32
        %mul3A_1223 = arith.mulf %reduce_sum3A_851, %mul3A_1222 : f32
        %sub3A_1224 = arith.subf %reduce_sum3A_855, %mul3A_1223 : f32
        %mul3A_1225 = arith.constant 0.0158730168 : f32
        %mul3A_1226 = arith.mulf %sub3A_1224, %mul3A_1225 : f32
        %max3A_1227 = arith.constant 1.000000e-30 : f32
        %max3A_1228 = arith.maximumf %mul3A_1226, %max3A_1227 : f32
        %bitcast_convert_type3A_1229 = arith.bitcast %max3A_1228 : f32 to i32
        %shift_right_arithmetic3A_1230 = arith.constant 1 : i32
        %shift_right_arithmetic3A_1231 = arith.shrsi %bitcast_convert_type3A_1229, %shift_right_arithmetic3A_1230 : i32
        %sub3A_1232 = arith.constant 1597463007 : i32
        %sub3A_1233 = arith.subi %sub3A_1232, %shift_right_arithmetic3A_1231 : i32
        %bitcast_convert_type3A_1234 = arith.bitcast %sub3A_1233 : i32 to f32
        %mul3A_1235 = arith.constant 5.000000e-01 : f32
        %mul3A_1236 = arith.mulf %mul3A_1235, %max3A_1228 : f32
        %mul3A_1237 = arith.mulf %mul3A_1236, %bitcast_convert_type3A_1234 : f32
        %mul3A_1238 = arith.mulf %mul3A_1237, %bitcast_convert_type3A_1234 : f32
        %sub3A_1239 = arith.constant 1.500000e+00 : f32
        %sub3A_1240 = arith.subf %sub3A_1239, %mul3A_1238 : f32
        %mul3A_1241 = arith.mulf %bitcast_convert_type3A_1234, %sub3A_1240 : f32
        %mul3A_1242 = arith.mulf %mul3A_1222, %mul3A_1241 : f32
        %broadcast_in_dim3A_1243 = vector.broadcast %add3A_668 : i32 to vector<16xi32>
        %mul3A_1244 = vector.broadcast %mul3A_1241 : f32 to vector<16xf32>
        %mul3A_1245 = arith.mulf %add3A_674, %mul3A_1244 : vector<16xf32>
        %sub3A_1246 = vector.broadcast %mul3A_1242 : f32 to vector<16xf32>
        %sub3A_1247 = arith.subf %mul3A_1245, %sub3A_1246 : vector<16xf32>
        %mul3A_1248 = arith.mulf %sub3A_1247, %get3A_69 : vector<16xf32>
        %add3A_1249 = arith.addf %mul3A_1248, %get3A_85 : vector<16xf32>
        %scatter3A_1250 = arith.constant 1 : i32
        %scatter3A_1251 = arith.constant 0 : i32
        %scatter3A_1252 = arith.constant 0 : i32
        %scatter3A_1253 = tpu.memref_slice %arg13[%scatter3A_1250, %scatter3A_1251, %scatter3A_1252] : memref<2x64x129xf32, #tpu.memory_space<vmem>> -> memref<1x64x129xf32, #tpu.memory_space<vmem>>
        %scatter3A_1254 = tpu.memref_squeeze %scatter3A_1253 : memref<1x64x129xf32, #tpu.memory_space<vmem>> -> memref<64x129xf32, #tpu.memory_space<vmem>>
        tpu.vector_store_idx %scatter3A_1254[%add3A_100, %broadcast_in_dim3A_1243], %add3A_1249 : memref<64x129xf32, #tpu.memory_space<vmem>>[vector<16xi32>, vector<16xi32>], vector<16xf32>,
        %mul3A_1255 = vector.broadcast %mul3A_1241 : f32 to vector<16xf32>
        %mul3A_1256 = arith.mulf %add3A_680, %mul3A_1255 : vector<16xf32>
        %sub3A_1257 = vector.broadcast %mul3A_1242 : f32 to vector<16xf32>
        %sub3A_1258 = arith.subf %mul3A_1256, %sub3A_1257 : vector<16xf32>
        %mul3A_1259 = arith.mulf %sub3A_1258, %get3A_73 : vector<16xf32>
        %add3A_1260 = arith.addf %mul3A_1259, %get3A_89 : vector<16xf32>
        %scatter3A_1261 = arith.constant 1 : i32
        %scatter3A_1262 = arith.constant 0 : i32
        %scatter3A_1263 = arith.constant 0 : i32
        %scatter3A_1264 = tpu.memref_slice %arg13[%scatter3A_1261, %scatter3A_1262, %scatter3A_1263] : memref<2x64x129xf32, #tpu.memory_space<vmem>> -> memref<1x64x129xf32, #tpu.memory_space<vmem>>
        %scatter3A_1265 = tpu.memref_squeeze %scatter3A_1264 : memref<1x64x129xf32, #tpu.memory_space<vmem>> -> memref<64x129xf32, #tpu.memory_space<vmem>>
        tpu.vector_store_idx %scatter3A_1265[%add3A_103, %broadcast_in_dim3A_1243], %add3A_1260 : memref<64x129xf32, #tpu.memory_space<vmem>>[vector<16xi32>, vector<16xi32>], vector<16xf32>,
        %mul3A_1266 = vector.broadcast %mul3A_1241 : f32 to vector<16xf32>
        %mul3A_1267 = arith.mulf %add3A_686, %mul3A_1266 : vector<16xf32>
        %sub3A_1268 = vector.broadcast %mul3A_1242 : f32 to vector<16xf32>
        %sub3A_1269 = arith.subf %mul3A_1267, %sub3A_1268 : vector<16xf32>
        %mul3A_1270 = arith.mulf %sub3A_1269, %get3A_77 : vector<16xf32>
        %add3A_1271 = arith.addf %mul3A_1270, %get3A_93 : vector<16xf32>
        %scatter3A_1272 = arith.constant 1 : i32
        %scatter3A_1273 = arith.constant 0 : i32
        %scatter3A_1274 = arith.constant 0 : i32
        %scatter3A_1275 = tpu.memref_slice %arg13[%scatter3A_1272, %scatter3A_1273, %scatter3A_1274] : memref<2x64x129xf32, #tpu.memory_space<vmem>> -> memref<1x64x129xf32, #tpu.memory_space<vmem>>
        %scatter3A_1276 = tpu.memref_squeeze %scatter3A_1275 : memref<1x64x129xf32, #tpu.memory_space<vmem>> -> memref<64x129xf32, #tpu.memory_space<vmem>>
        tpu.vector_store_idx %scatter3A_1276[%add3A_106, %broadcast_in_dim3A_1243], %add3A_1271 : memref<64x129xf32, #tpu.memory_space<vmem>>[vector<16xi32>, vector<16xi32>], vector<16xf32>,
        %mul3A_1277 = vector.broadcast %mul3A_1241 : f32 to vector<16xf32>
        %mul3A_1278 = arith.mulf %add3A_692, %mul3A_1277 : vector<16xf32>
        %sub3A_1279 = vector.broadcast %mul3A_1242 : f32 to vector<16xf32>
        %sub3A_1280 = arith.subf %mul3A_1278, %sub3A_1279 : vector<16xf32>
        %mul3A_1281 = arith.mulf %sub3A_1280, %get3A_81 : vector<16xf32>
        %add3A_1282 = arith.addf %mul3A_1281, %get3A_97 : vector<16xf32>
        %scatter3A_1283 = arith.constant 1 : i32
        %scatter3A_1284 = arith.constant 0 : i32
        %scatter3A_1285 = arith.constant 0 : i32
        %scatter3A_1286 = tpu.memref_slice %arg13[%scatter3A_1283, %scatter3A_1284, %scatter3A_1285] : memref<2x64x129xf32, #tpu.memory_space<vmem>> -> memref<1x64x129xf32, #tpu.memory_space<vmem>>
        %scatter3A_1287 = tpu.memref_squeeze %scatter3A_1286 : memref<1x64x129xf32, #tpu.memory_space<vmem>> -> memref<64x129xf32, #tpu.memory_space<vmem>>
        tpu.vector_store_idx %scatter3A_1287[%add3A_109, %broadcast_in_dim3A_1243], %add3A_1282 : memref<64x129xf32, #tpu.memory_space<vmem>>[vector<16xi32>, vector<16xi32>], vector<16xf32>,
        %mul3A_1288 = arith.constant 1.562500e-02 : f32
        %mul3A_1289 = arith.mulf %reduce_sum3A_869, %mul3A_1288 : f32
        %mul3A_1290 = arith.mulf %reduce_sum3A_869, %mul3A_1289 : f32
        %sub3A_1291 = arith.subf %reduce_sum3A_873, %mul3A_1290 : f32
        %mul3A_1292 = arith.constant 0.0158730168 : f32
        %mul3A_1293 = arith.mulf %sub3A_1291, %mul3A_1292 : f32
        %max3A_1294 = arith.constant 1.000000e-30 : f32
        %max3A_1295 = arith.maximumf %mul3A_1293, %max3A_1294 : f32
        %bitcast_convert_type3A_1296 = arith.bitcast %max3A_1295 : f32 to i32
        %shift_right_arithmetic3A_1297 = arith.constant 1 : i32
        %shift_right_arithmetic3A_1298 = arith.shrsi %bitcast_convert_type3A_1296, %shift_right_arithmetic3A_1297 : i32
        %sub3A_1299 = arith.constant 1597463007 : i32
        %sub3A_1300 = arith.subi %sub3A_1299, %shift_right_arithmetic3A_1298 : i32
        %bitcast_convert_type3A_1301 = arith.bitcast %sub3A_1300 : i32 to f32
        %mul3A_1302 = arith.constant 5.000000e-01 : f32
        %mul3A_1303 = arith.mulf %mul3A_1302, %max3A_1295 : f32
        %mul3A_1304 = arith.mulf %mul3A_1303, %bitcast_convert_type3A_1301 : f32
        %mul3A_1305 = arith.mulf %mul3A_1304, %bitcast_convert_type3A_1301 : f32
        %sub3A_1306 = arith.constant 1.500000e+00 : f32
        %sub3A_1307 = arith.subf %sub3A_1306, %mul3A_1305 : f32
        %mul3A_1308 = arith.mulf %bitcast_convert_type3A_1301, %sub3A_1307 : f32
        %mul3A_1309 = arith.mulf %mul3A_1289, %mul3A_1308 : f32
        %broadcast_in_dim3A_1310 = vector.broadcast %add3A_696 : i32 to vector<16xi32>
        %mul3A_1311 = vector.broadcast %mul3A_1308 : f32 to vector<16xf32>
        %mul3A_1312 = arith.mulf %add3A_702, %mul3A_1311 : vector<16xf32>
        %sub3A_1313 = vector.broadcast %mul3A_1309 : f32 to vector<16xf32>
        %sub3A_1314 = arith.subf %mul3A_1312, %sub3A_1313 : vector<16xf32>
        %mul3A_1315 = arith.mulf %sub3A_1314, %get3A_69 : vector<16xf32>
        %add3A_1316 = arith.addf %mul3A_1315, %get3A_85 : vector<16xf32>
        %scatter3A_1317 = arith.constant 1 : i32
        %scatter3A_1318 = arith.constant 0 : i32
        %scatter3A_1319 = arith.constant 0 : i32
        %scatter3A_1320 = tpu.memref_slice %arg13[%scatter3A_1317, %scatter3A_1318, %scatter3A_1319] : memref<2x64x129xf32, #tpu.memory_space<vmem>> -> memref<1x64x129xf32, #tpu.memory_space<vmem>>
        %scatter3A_1321 = tpu.memref_squeeze %scatter3A_1320 : memref<1x64x129xf32, #tpu.memory_space<vmem>> -> memref<64x129xf32, #tpu.memory_space<vmem>>
        tpu.vector_store_idx %scatter3A_1321[%add3A_100, %broadcast_in_dim3A_1310], %add3A_1316 : memref<64x129xf32, #tpu.memory_space<vmem>>[vector<16xi32>, vector<16xi32>], vector<16xf32>,
        %mul3A_1322 = vector.broadcast %mul3A_1308 : f32 to vector<16xf32>
        %mul3A_1323 = arith.mulf %add3A_708, %mul3A_1322 : vector<16xf32>
        %sub3A_1324 = vector.broadcast %mul3A_1309 : f32 to vector<16xf32>
        %sub3A_1325 = arith.subf %mul3A_1323, %sub3A_1324 : vector<16xf32>
        %mul3A_1326 = arith.mulf %sub3A_1325, %get3A_73 : vector<16xf32>
        %add3A_1327 = arith.addf %mul3A_1326, %get3A_89 : vector<16xf32>
        %scatter3A_1328 = arith.constant 1 : i32
        %scatter3A_1329 = arith.constant 0 : i32
        %scatter3A_1330 = arith.constant 0 : i32
        %scatter3A_1331 = tpu.memref_slice %arg13[%scatter3A_1328, %scatter3A_1329, %scatter3A_1330] : memref<2x64x129xf32, #tpu.memory_space<vmem>> -> memref<1x64x129xf32, #tpu.memory_space<vmem>>
        %scatter3A_1332 = tpu.memref_squeeze %scatter3A_1331 : memref<1x64x129xf32, #tpu.memory_space<vmem>> -> memref<64x129xf32, #tpu.memory_space<vmem>>
        tpu.vector_store_idx %scatter3A_1332[%add3A_103, %broadcast_in_dim3A_1310], %add3A_1327 : memref<64x129xf32, #tpu.memory_space<vmem>>[vector<16xi32>, vector<16xi32>], vector<16xf32>,
        %mul3A_1333 = vector.broadcast %mul3A_1308 : f32 to vector<16xf32>
        %mul3A_1334 = arith.mulf %add3A_714, %mul3A_1333 : vector<16xf32>
        %sub3A_1335 = vector.broadcast %mul3A_1309 : f32 to vector<16xf32>
        %sub3A_1336 = arith.subf %mul3A_1334, %sub3A_1335 : vector<16xf32>
        %mul3A_1337 = arith.mulf %sub3A_1336, %get3A_77 : vector<16xf32>
        %add3A_1338 = arith.addf %mul3A_1337, %get3A_93 : vector<16xf32>
        %scatter3A_1339 = arith.constant 1 : i32
        %scatter3A_1340 = arith.constant 0 : i32
        %scatter3A_1341 = arith.constant 0 : i32
        %scatter3A_1342 = tpu.memref_slice %arg13[%scatter3A_1339, %scatter3A_1340, %scatter3A_1341] : memref<2x64x129xf32, #tpu.memory_space<vmem>> -> memref<1x64x129xf32, #tpu.memory_space<vmem>>
        %scatter3A_1343 = tpu.memref_squeeze %scatter3A_1342 : memref<1x64x129xf32, #tpu.memory_space<vmem>> -> memref<64x129xf32, #tpu.memory_space<vmem>>
        tpu.vector_store_idx %scatter3A_1343[%add3A_106, %broadcast_in_dim3A_1310], %add3A_1338 : memref<64x129xf32, #tpu.memory_space<vmem>>[vector<16xi32>, vector<16xi32>], vector<16xf32>,
        %mul3A_1344 = vector.broadcast %mul3A_1308 : f32 to vector<16xf32>
        %mul3A_1345 = arith.mulf %add3A_720, %mul3A_1344 : vector<16xf32>
        %sub3A_1346 = vector.broadcast %mul3A_1309 : f32 to vector<16xf32>
        %sub3A_1347 = arith.subf %mul3A_1345, %sub3A_1346 : vector<16xf32>
        %mul3A_1348 = arith.mulf %sub3A_1347, %get3A_81 : vector<16xf32>
        %add3A_1349 = arith.addf %mul3A_1348, %get3A_97 : vector<16xf32>
        %scatter3A_1350 = arith.constant 1 : i32
        %scatter3A_1351 = arith.constant 0 : i32
        %scatter3A_1352 = arith.constant 0 : i32
        %scatter3A_1353 = tpu.memref_slice %arg13[%scatter3A_1350, %scatter3A_1351, %scatter3A_1352] : memref<2x64x129xf32, #tpu.memory_space<vmem>> -> memref<1x64x129xf32, #tpu.memory_space<vmem>>
        %scatter3A_1354 = tpu.memref_squeeze %scatter3A_1353 : memref<1x64x129xf32, #tpu.memory_space<vmem>> -> memref<64x129xf32, #tpu.memory_space<vmem>>
        tpu.vector_store_idx %scatter3A_1354[%add3A_109, %broadcast_in_dim3A_1310], %add3A_1349 : memref<64x129xf32, #tpu.memory_space<vmem>>[vector<16xi32>, vector<16xi32>], vector<16xf32>,
        %mul3A_1355 = arith.constant 1.562500e-02 : f32
        %mul3A_1356 = arith.mulf %reduce_sum3A_887, %mul3A_1355 : f32
        %mul3A_1357 = arith.mulf %reduce_sum3A_887, %mul3A_1356 : f32
        %sub3A_1358 = arith.subf %reduce_sum3A_891, %mul3A_1357 : f32
        %mul3A_1359 = arith.constant 0.0158730168 : f32
        %mul3A_1360 = arith.mulf %sub3A_1358, %mul3A_1359 : f32
        %max3A_1361 = arith.constant 1.000000e-30 : f32
        %max3A_1362 = arith.maximumf %mul3A_1360, %max3A_1361 : f32
        %bitcast_convert_type3A_1363 = arith.bitcast %max3A_1362 : f32 to i32
        %shift_right_arithmetic3A_1364 = arith.constant 1 : i32
        %shift_right_arithmetic3A_1365 = arith.shrsi %bitcast_convert_type3A_1363, %shift_right_arithmetic3A_1364 : i32
        %sub3A_1366 = arith.constant 1597463007 : i32
        %sub3A_1367 = arith.subi %sub3A_1366, %shift_right_arithmetic3A_1365 : i32
        %bitcast_convert_type3A_1368 = arith.bitcast %sub3A_1367 : i32 to f32
        %mul3A_1369 = arith.constant 5.000000e-01 : f32
        %mul3A_1370 = arith.mulf %mul3A_1369, %max3A_1362 : f32
        %mul3A_1371 = arith.mulf %mul3A_1370, %bitcast_convert_type3A_1368 : f32
        %mul3A_1372 = arith.mulf %mul3A_1371, %bitcast_convert_type3A_1368 : f32
        %sub3A_1373 = arith.constant 1.500000e+00 : f32
        %sub3A_1374 = arith.subf %sub3A_1373, %mul3A_1372 : f32
        %mul3A_1375 = arith.mulf %bitcast_convert_type3A_1368, %sub3A_1374 : f32
        %mul3A_1376 = arith.mulf %mul3A_1356, %mul3A_1375 : f32
        %broadcast_in_dim3A_1377 = vector.broadcast %add3A_724 : i32 to vector<16xi32>
        %mul3A_1378 = vector.broadcast %mul3A_1375 : f32 to vector<16xf32>
        %mul3A_1379 = arith.mulf %add3A_730, %mul3A_1378 : vector<16xf32>
        %sub3A_1380 = vector.broadcast %mul3A_1376 : f32 to vector<16xf32>
        %sub3A_1381 = arith.subf %mul3A_1379, %sub3A_1380 : vector<16xf32>
        %mul3A_1382 = arith.mulf %sub3A_1381, %get3A_69 : vector<16xf32>
        %add3A_1383 = arith.addf %mul3A_1382, %get3A_85 : vector<16xf32>
        %scatter3A_1384 = arith.constant 1 : i32
        %scatter3A_1385 = arith.constant 0 : i32
        %scatter3A_1386 = arith.constant 0 : i32
        %scatter3A_1387 = tpu.memref_slice %arg13[%scatter3A_1384, %scatter3A_1385, %scatter3A_1386] : memref<2x64x129xf32, #tpu.memory_space<vmem>> -> memref<1x64x129xf32, #tpu.memory_space<vmem>>
        %scatter3A_1388 = tpu.memref_squeeze %scatter3A_1387 : memref<1x64x129xf32, #tpu.memory_space<vmem>> -> memref<64x129xf32, #tpu.memory_space<vmem>>
        tpu.vector_store_idx %scatter3A_1388[%add3A_100, %broadcast_in_dim3A_1377], %add3A_1383 : memref<64x129xf32, #tpu.memory_space<vmem>>[vector<16xi32>, vector<16xi32>], vector<16xf32>,
        %mul3A_1389 = vector.broadcast %mul3A_1375 : f32 to vector<16xf32>
        %mul3A_1390 = arith.mulf %add3A_736, %mul3A_1389 : vector<16xf32>
        %sub3A_1391 = vector.broadcast %mul3A_1376 : f32 to vector<16xf32>
        %sub3A_1392 = arith.subf %mul3A_1390, %sub3A_1391 : vector<16xf32>
        %mul3A_1393 = arith.mulf %sub3A_1392, %get3A_73 : vector<16xf32>
        %add3A_1394 = arith.addf %mul3A_1393, %get3A_89 : vector<16xf32>
        %scatter3A_1395 = arith.constant 1 : i32
        %scatter3A_1396 = arith.constant 0 : i32
        %scatter3A_1397 = arith.constant 0 : i32
        %scatter3A_1398 = tpu.memref_slice %arg13[%scatter3A_1395, %scatter3A_1396, %scatter3A_1397] : memref<2x64x129xf32, #tpu.memory_space<vmem>> -> memref<1x64x129xf32, #tpu.memory_space<vmem>>
        %scatter3A_1399 = tpu.memref_squeeze %scatter3A_1398 : memref<1x64x129xf32, #tpu.memory_space<vmem>> -> memref<64x129xf32, #tpu.memory_space<vmem>>
        tpu.vector_store_idx %scatter3A_1399[%add3A_103, %broadcast_in_dim3A_1377], %add3A_1394 : memref<64x129xf32, #tpu.memory_space<vmem>>[vector<16xi32>, vector<16xi32>], vector<16xf32>,
        %mul3A_1400 = vector.broadcast %mul3A_1375 : f32 to vector<16xf32>
        %mul3A_1401 = arith.mulf %add3A_742, %mul3A_1400 : vector<16xf32>
        %sub3A_1402 = vector.broadcast %mul3A_1376 : f32 to vector<16xf32>
        %sub3A_1403 = arith.subf %mul3A_1401, %sub3A_1402 : vector<16xf32>
        %mul3A_1404 = arith.mulf %sub3A_1403, %get3A_77 : vector<16xf32>
        %add3A_1405 = arith.addf %mul3A_1404, %get3A_93 : vector<16xf32>
        %scatter3A_1406 = arith.constant 1 : i32
        %scatter3A_1407 = arith.constant 0 : i32
        %scatter3A_1408 = arith.constant 0 : i32
        %scatter3A_1409 = tpu.memref_slice %arg13[%scatter3A_1406, %scatter3A_1407, %scatter3A_1408] : memref<2x64x129xf32, #tpu.memory_space<vmem>> -> memref<1x64x129xf32, #tpu.memory_space<vmem>>
        %scatter3A_1410 = tpu.memref_squeeze %scatter3A_1409 : memref<1x64x129xf32, #tpu.memory_space<vmem>> -> memref<64x129xf32, #tpu.memory_space<vmem>>
        tpu.vector_store_idx %scatter3A_1410[%add3A_106, %broadcast_in_dim3A_1377], %add3A_1405 : memref<64x129xf32, #tpu.memory_space<vmem>>[vector<16xi32>, vector<16xi32>], vector<16xf32>,
        %mul3A_1411 = vector.broadcast %mul3A_1375 : f32 to vector<16xf32>
        %mul3A_1412 = arith.mulf %add3A_748, %mul3A_1411 : vector<16xf32>
        %sub3A_1413 = vector.broadcast %mul3A_1376 : f32 to vector<16xf32>
        %sub3A_1414 = arith.subf %mul3A_1412, %sub3A_1413 : vector<16xf32>
        %mul3A_1415 = arith.mulf %sub3A_1414, %get3A_81 : vector<16xf32>
        %add3A_1416 = arith.addf %mul3A_1415, %get3A_97 : vector<16xf32>
        %scatter3A_1417 = arith.constant 1 : i32
        %scatter3A_1418 = arith.constant 0 : i32
        %scatter3A_1419 = arith.constant 0 : i32
        %scatter3A_1420 = tpu.memref_slice %arg13[%scatter3A_1417, %scatter3A_1418, %scatter3A_1419] : memref<2x64x129xf32, #tpu.memory_space<vmem>> -> memref<1x64x129xf32, #tpu.memory_space<vmem>>
        %scatter3A_1421 = tpu.memref_squeeze %scatter3A_1420 : memref<1x64x129xf32, #tpu.memory_space<vmem>> -> memref<64x129xf32, #tpu.memory_space<vmem>>
        tpu.vector_store_idx %scatter3A_1421[%add3A_109, %broadcast_in_dim3A_1377], %add3A_1416 : memref<64x129xf32, #tpu.memory_space<vmem>>[vector<16xi32>, vector<16xi32>], vector<16xf32>,
      }
      %scan3A_379 = arith.constant 16 : i32
      %dma_start3A_380 = arith.constant 1 : i32
      %dma_start3A_381 = arith.constant 0 : i32
      %dma_start3A_382 = arith.constant 0 : i32
      %dma_start3A_383 = arith.constant 0 : i32
      %dma_start3A_384 = tpu.memref_slice %arg13[%dma_start3A_380, %dma_start3A_382, %dma_start3A_383] : memref<2x64x129xf32, #tpu.memory_space<vmem>> -> memref<1x8x128xf32, #tpu.memory_space<vmem>>
      %dma_start3A_385 = tpu.memref_squeeze %dma_start3A_384 : memref<1x8x128xf32, #tpu.memory_space<vmem>> -> memref<8x128xf32, #tpu.memory_space<vmem>>
      %dma_start3A_386 = arith.constant 0 : i32
      %dma_start3A_387 = arith.constant 0 : i32
      %dma_start3A_388 = tpu.memref_slice %arg7[%add3A_334, %dma_start3A_381, %add3A, %dma_start3A_386, %dma_start3A_387] : memref<200x8x32x8x128xf32, #tpu.memory_space<hbm>> -> memref<1x1x1x8x128xf32, #tpu.memory_space<hbm>>
      %dma_start3A_389 = tpu.memref_squeeze %dma_start3A_388 : memref<1x1x1x8x128xf32, #tpu.memory_space<hbm>> -> memref<8x128xf32, #tpu.memory_space<hbm>>
      %dma_start3A_390 = arith.constant 0 : i32
      %dma_start3A_391 = arith.constant 0 : i32
      %dma_start3A_392 = tpu.memref_slice %arg7[%add3A_334, %dma_start3A_381, %add3A, %dma_start3A_390, %dma_start3A_391] : memref<200x8x32x8x128xf32, #tpu.memory_space<hbm>> -> memref<1x1x1x8x128xf32, #tpu.memory_space<hbm>>
      %dma_start3A_393 = tpu.memref_squeeze %dma_start3A_392 : memref<1x1x1x8x128xf32, #tpu.memory_space<hbm>> -> memref<8x128xf32, #tpu.memory_space<hbm>>
      %dma_start3A_394 = arith.constant 0 : i32
      %dma_start3A_395 = arith.constant 0 : i32
      %dma_start3A_396 = tpu.memref_slice %arg13[%dma_start3A_380, %dma_start3A_394, %dma_start3A_395] : memref<2x64x129xf32, #tpu.memory_space<vmem>> -> memref<1x8x128xf32, #tpu.memory_space<vmem>>
      %dma_start3A_397 = tpu.memref_squeeze %dma_start3A_396 : memref<1x8x128xf32, #tpu.memory_space<vmem>> -> memref<8x128xf32, #tpu.memory_space<vmem>>
      tpu.enqueue_dma source(%dma_start3A_397 : memref<8x128xf32, #tpu.memory_space<vmem>>) target(%dma_start3A_393 : memref<8x128xf32, #tpu.memory_space<hbm>>) target_semaphore(%arg15 : memref<!tpu.dma_semaphore, #tpu.memory_space<semaphore_mem>>)
      %dma_start3A_398 = arith.constant 1 : i32
      %dma_start3A_399 = arith.constant 1 : i32
      %dma_start3A_400 = arith.constant 8 : i32
      %dma_start3A_401 = arith.constant 0 : i32
      %dma_start3A_402 = tpu.memref_slice %arg13[%dma_start3A_398, %dma_start3A_400, %dma_start3A_401] : memref<2x64x129xf32, #tpu.memory_space<vmem>> -> memref<1x8x128xf32, #tpu.memory_space<vmem>>
      %dma_start3A_403 = tpu.memref_squeeze %dma_start3A_402 : memref<1x8x128xf32, #tpu.memory_space<vmem>> -> memref<8x128xf32, #tpu.memory_space<vmem>>
      %dma_start3A_404 = arith.constant 0 : i32
      %dma_start3A_405 = arith.constant 0 : i32
      %dma_start3A_406 = tpu.memref_slice %arg7[%add3A_334, %dma_start3A_399, %add3A, %dma_start3A_404, %dma_start3A_405] : memref<200x8x32x8x128xf32, #tpu.memory_space<hbm>> -> memref<1x1x1x8x128xf32, #tpu.memory_space<hbm>>
      %dma_start3A_407 = tpu.memref_squeeze %dma_start3A_406 : memref<1x1x1x8x128xf32, #tpu.memory_space<hbm>> -> memref<8x128xf32, #tpu.memory_space<hbm>>
      %dma_start3A_408 = arith.constant 0 : i32
      %dma_start3A_409 = arith.constant 0 : i32
      %dma_start3A_410 = tpu.memref_slice %arg7[%add3A_334, %dma_start3A_399, %add3A, %dma_start3A_408, %dma_start3A_409] : memref<200x8x32x8x128xf32, #tpu.memory_space<hbm>> -> memref<1x1x1x8x128xf32, #tpu.memory_space<hbm>>
      %dma_start3A_411 = tpu.memref_squeeze %dma_start3A_410 : memref<1x1x1x8x128xf32, #tpu.memory_space<hbm>> -> memref<8x128xf32, #tpu.memory_space<hbm>>
      %dma_start3A_412 = arith.constant 8 : i32
      %dma_start3A_413 = arith.constant 0 : i32
      %dma_start3A_414 = tpu.memref_slice %arg13[%dma_start3A_398, %dma_start3A_412, %dma_start3A_413] : memref<2x64x129xf32, #tpu.memory_space<vmem>> -> memref<1x8x128xf32, #tpu.memory_space<vmem>>
      %dma_start3A_415 = tpu.memref_squeeze %dma_start3A_414 : memref<1x8x128xf32, #tpu.memory_space<vmem>> -> memref<8x128xf32, #tpu.memory_space<vmem>>
      tpu.enqueue_dma source(%dma_start3A_415 : memref<8x128xf32, #tpu.memory_space<vmem>>) target(%dma_start3A_411 : memref<8x128xf32, #tpu.memory_space<hbm>>) target_semaphore(%arg15 : memref<!tpu.dma_semaphore, #tpu.memory_space<semaphore_mem>>)
      %dma_start3A_416 = arith.constant 1 : i32
      %dma_start3A_417 = arith.constant 2 : i32
      %dma_start3A_418 = arith.constant 16 : i32
      %dma_start3A_419 = arith.constant 0 : i32
      %dma_start3A_420 = tpu.memref_slice %arg13[%dma_start3A_416, %dma_start3A_418, %dma_start3A_419] : memref<2x64x129xf32, #tpu.memory_space<vmem>> -> memref<1x8x128xf32, #tpu.memory_space<vmem>>
      %dma_start3A_421 = tpu.memref_squeeze %dma_start3A_420 : memref<1x8x128xf32, #tpu.memory_space<vmem>> -> memref<8x128xf32, #tpu.memory_space<vmem>>
      %dma_start3A_422 = arith.constant 0 : i32
      %dma_start3A_423 = arith.constant 0 : i32
      %dma_start3A_424 = tpu.memref_slice %arg7[%add3A_334, %dma_start3A_417, %add3A, %dma_start3A_422, %dma_start3A_423] : memref<200x8x32x8x128xf32, #tpu.memory_space<hbm>> -> memref<1x1x1x8x128xf32, #tpu.memory_space<hbm>>
      %dma_start3A_425 = tpu.memref_squeeze %dma_start3A_424 : memref<1x1x1x8x128xf32, #tpu.memory_space<hbm>> -> memref<8x128xf32, #tpu.memory_space<hbm>>
      %dma_start3A_426 = arith.constant 0 : i32
      %dma_start3A_427 = arith.constant 0 : i32
      %dma_start3A_428 = tpu.memref_slice %arg7[%add3A_334, %dma_start3A_417, %add3A, %dma_start3A_426, %dma_start3A_427] : memref<200x8x32x8x128xf32, #tpu.memory_space<hbm>> -> memref<1x1x1x8x128xf32, #tpu.memory_space<hbm>>
      %dma_start3A_429 = tpu.memref_squeeze %dma_start3A_428 : memref<1x1x1x8x128xf32, #tpu.memory_space<hbm>> -> memref<8x128xf32, #tpu.memory_space<hbm>>
      %dma_start3A_430 = arith.constant 16 : i32
      %dma_start3A_431 = arith.constant 0 : i32
      %dma_start3A_432 = tpu.memref_slice %arg13[%dma_start3A_416, %dma_start3A_430, %dma_start3A_431] : memref<2x64x129xf32, #tpu.memory_space<vmem>> -> memref<1x8x128xf32, #tpu.memory_space<vmem>>
      %dma_start3A_433 = tpu.memref_squeeze %dma_start3A_432 : memref<1x8x128xf32, #tpu.memory_space<vmem>> -> memref<8x128xf32, #tpu.memory_space<vmem>>
      tpu.enqueue_dma source(%dma_start3A_433 : memref<8x128xf32, #tpu.memory_space<vmem>>) target(%dma_start3A_429 : memref<8x128xf32, #tpu.memory_space<hbm>>) target_semaphore(%arg15 : memref<!tpu.dma_semaphore, #tpu.memory_space<semaphore_mem>>)
      %dma_start3A_434 = arith.constant 1 : i32
      %dma_start3A_435 = arith.constant 3 : i32
      %dma_start3A_436 = arith.constant 24 : i32
      %dma_start3A_437 = arith.constant 0 : i32
      %dma_start3A_438 = tpu.memref_slice %arg13[%dma_start3A_434, %dma_start3A_436, %dma_start3A_437] : memref<2x64x129xf32, #tpu.memory_space<vmem>> -> memref<1x8x128xf32, #tpu.memory_space<vmem>>
      %dma_start3A_439 = tpu.memref_squeeze %dma_start3A_438 : memref<1x8x128xf32, #tpu.memory_space<vmem>> -> memref<8x128xf32, #tpu.memory_space<vmem>>
      %dma_start3A_440 = arith.constant 0 : i32
      %dma_start3A_441 = arith.constant 0 : i32
      %dma_start3A_442 = tpu.memref_slice %arg7[%add3A_334, %dma_start3A_435, %add3A, %dma_start3A_440, %dma_start3A_441] : memref<200x8x32x8x128xf32, #tpu.memory_space<hbm>> -> memref<1x1x1x8x128xf32, #tpu.memory_space<hbm>>
      %dma_start3A_443 = tpu.memref_squeeze %dma_start3A_442 : memref<1x1x1x8x128xf32, #tpu.memory_space<hbm>> -> memref<8x128xf32, #tpu.memory_space<hbm>>
      %dma_start3A_444 = arith.constant 0 : i32
      %dma_start3A_445 = arith.constant 0 : i32
      %dma_start3A_446 = tpu.memref_slice %arg7[%add3A_334, %dma_start3A_435, %add3A, %dma_start3A_444, %dma_start3A_445] : memref<200x8x32x8x128xf32, #tpu.memory_space<hbm>> -> memref<1x1x1x8x128xf32, #tpu.memory_space<hbm>>
      %dma_start3A_447 = tpu.memref_squeeze %dma_start3A_446 : memref<1x1x1x8x128xf32, #tpu.memory_space<hbm>> -> memref<8x128xf32, #tpu.memory_space<hbm>>
      %dma_start3A_448 = arith.constant 24 : i32
      %dma_start3A_449 = arith.constant 0 : i32
      %dma_start3A_450 = tpu.memref_slice %arg13[%dma_start3A_434, %dma_start3A_448, %dma_start3A_449] : memref<2x64x129xf32, #tpu.memory_space<vmem>> -> memref<1x8x128xf32, #tpu.memory_space<vmem>>
      %dma_start3A_451 = tpu.memref_squeeze %dma_start3A_450 : memref<1x8x128xf32, #tpu.memory_space<vmem>> -> memref<8x128xf32, #tpu.memory_space<vmem>>
      tpu.enqueue_dma source(%dma_start3A_451 : memref<8x128xf32, #tpu.memory_space<vmem>>) target(%dma_start3A_447 : memref<8x128xf32, #tpu.memory_space<hbm>>) target_semaphore(%arg15 : memref<!tpu.dma_semaphore, #tpu.memory_space<semaphore_mem>>)
      %dma_start3A_452 = arith.constant 1 : i32
      %dma_start3A_453 = arith.constant 4 : i32
      %dma_start3A_454 = arith.constant 32 : i32
      %dma_start3A_455 = arith.constant 0 : i32
      %dma_start3A_456 = tpu.memref_slice %arg13[%dma_start3A_452, %dma_start3A_454, %dma_start3A_455] : memref<2x64x129xf32, #tpu.memory_space<vmem>> -> memref<1x8x128xf32, #tpu.memory_space<vmem>>
      %dma_start3A_457 = tpu.memref_squeeze %dma_start3A_456 : memref<1x8x128xf32, #tpu.memory_space<vmem>> -> memref<8x128xf32, #tpu.memory_space<vmem>>
      %dma_start3A_458 = arith.constant 0 : i32
      %dma_start3A_459 = arith.constant 0 : i32
      %dma_start3A_460 = tpu.memref_slice %arg7[%add3A_334, %dma_start3A_453, %add3A, %dma_start3A_458, %dma_start3A_459] : memref<200x8x32x8x128xf32, #tpu.memory_space<hbm>> -> memref<1x1x1x8x128xf32, #tpu.memory_space<hbm>>
      %dma_start3A_461 = tpu.memref_squeeze %dma_start3A_460 : memref<1x1x1x8x128xf32, #tpu.memory_space<hbm>> -> memref<8x128xf32, #tpu.memory_space<hbm>>
      %dma_start3A_462 = arith.constant 0 : i32
      %dma_start3A_463 = arith.constant 0 : i32
      %dma_start3A_464 = tpu.memref_slice %arg7[%add3A_334, %dma_start3A_453, %add3A, %dma_start3A_462, %dma_start3A_463] : memref<200x8x32x8x128xf32, #tpu.memory_space<hbm>> -> memref<1x1x1x8x128xf32, #tpu.memory_space<hbm>>
      %dma_start3A_465 = tpu.memref_squeeze %dma_start3A_464 : memref<1x1x1x8x128xf32, #tpu.memory_space<hbm>> -> memref<8x128xf32, #tpu.memory_space<hbm>>
      %dma_start3A_466 = arith.constant 32 : i32
      %dma_start3A_467 = arith.constant 0 : i32
      %dma_start3A_468 = tpu.memref_slice %arg13[%dma_start3A_452, %dma_start3A_466, %dma_start3A_467] : memref<2x64x129xf32, #tpu.memory_space<vmem>> -> memref<1x8x128xf32, #tpu.memory_space<vmem>>
      %dma_start3A_469 = tpu.memref_squeeze %dma_start3A_468 : memref<1x8x128xf32, #tpu.memory_space<vmem>> -> memref<8x128xf32, #tpu.memory_space<vmem>>
      tpu.enqueue_dma source(%dma_start3A_469 : memref<8x128xf32, #tpu.memory_space<vmem>>) target(%dma_start3A_465 : memref<8x128xf32, #tpu.memory_space<hbm>>) target_semaphore(%arg15 : memref<!tpu.dma_semaphore, #tpu.memory_space<semaphore_mem>>)
      %dma_start3A_470 = arith.constant 1 : i32
      %dma_start3A_471 = arith.constant 5 : i32
      %dma_start3A_472 = arith.constant 40 : i32
      %dma_start3A_473 = arith.constant 0 : i32
      %dma_start3A_474 = tpu.memref_slice %arg13[%dma_start3A_470, %dma_start3A_472, %dma_start3A_473] : memref<2x64x129xf32, #tpu.memory_space<vmem>> -> memref<1x8x128xf32, #tpu.memory_space<vmem>>
      %dma_start3A_475 = tpu.memref_squeeze %dma_start3A_474 : memref<1x8x128xf32, #tpu.memory_space<vmem>> -> memref<8x128xf32, #tpu.memory_space<vmem>>
      %dma_start3A_476 = arith.constant 0 : i32
      %dma_start3A_477 = arith.constant 0 : i32
      %dma_start3A_478 = tpu.memref_slice %arg7[%add3A_334, %dma_start3A_471, %add3A, %dma_start3A_476, %dma_start3A_477] : memref<200x8x32x8x128xf32, #tpu.memory_space<hbm>> -> memref<1x1x1x8x128xf32, #tpu.memory_space<hbm>>
      %dma_start3A_479 = tpu.memref_squeeze %dma_start3A_478 : memref<1x1x1x8x128xf32, #tpu.memory_space<hbm>> -> memref<8x128xf32, #tpu.memory_space<hbm>>
      %dma_start3A_480 = arith.constant 0 : i32
      %dma_start3A_481 = arith.constant 0 : i32
      %dma_start3A_482 = tpu.memref_slice %arg7[%add3A_334, %dma_start3A_471, %add3A, %dma_start3A_480, %dma_start3A_481] : memref<200x8x32x8x128xf32, #tpu.memory_space<hbm>> -> memref<1x1x1x8x128xf32, #tpu.memory_space<hbm>>
      %dma_start3A_483 = tpu.memref_squeeze %dma_start3A_482 : memref<1x1x1x8x128xf32, #tpu.memory_space<hbm>> -> memref<8x128xf32, #tpu.memory_space<hbm>>
      %dma_start3A_484 = arith.constant 40 : i32
      %dma_start3A_485 = arith.constant 0 : i32
      %dma_start3A_486 = tpu.memref_slice %arg13[%dma_start3A_470, %dma_start3A_484, %dma_start3A_485] : memref<2x64x129xf32, #tpu.memory_space<vmem>> -> memref<1x8x128xf32, #tpu.memory_space<vmem>>
      %dma_start3A_487 = tpu.memref_squeeze %dma_start3A_486 : memref<1x8x128xf32, #tpu.memory_space<vmem>> -> memref<8x128xf32, #tpu.memory_space<vmem>>
      tpu.enqueue_dma source(%dma_start3A_487 : memref<8x128xf32, #tpu.memory_space<vmem>>) target(%dma_start3A_483 : memref<8x128xf32, #tpu.memory_space<hbm>>) target_semaphore(%arg15 : memref<!tpu.dma_semaphore, #tpu.memory_space<semaphore_mem>>)
      %dma_start3A_488 = arith.constant 1 : i32
      %dma_start3A_489 = arith.constant 6 : i32
      %dma_start3A_490 = arith.constant 48 : i32
      %dma_start3A_491 = arith.constant 0 : i32
      %dma_start3A_492 = tpu.memref_slice %arg13[%dma_start3A_488, %dma_start3A_490, %dma_start3A_491] : memref<2x64x129xf32, #tpu.memory_space<vmem>> -> memref<1x8x128xf32, #tpu.memory_space<vmem>>
      %dma_start3A_493 = tpu.memref_squeeze %dma_start3A_492 : memref<1x8x128xf32, #tpu.memory_space<vmem>> -> memref<8x128xf32, #tpu.memory_space<vmem>>
      %dma_start3A_494 = arith.constant 0 : i32
      %dma_start3A_495 = arith.constant 0 : i32
      %dma_start3A_496 = tpu.memref_slice %arg7[%add3A_334, %dma_start3A_489, %add3A, %dma_start3A_494, %dma_start3A_495] : memref<200x8x32x8x128xf32, #tpu.memory_space<hbm>> -> memref<1x1x1x8x128xf32, #tpu.memory_space<hbm>>
      %dma_start3A_497 = tpu.memref_squeeze %dma_start3A_496 : memref<1x1x1x8x128xf32, #tpu.memory_space<hbm>> -> memref<8x128xf32, #tpu.memory_space<hbm>>
      %dma_start3A_498 = arith.constant 0 : i32
      %dma_start3A_499 = arith.constant 0 : i32
      %dma_start3A_500 = tpu.memref_slice %arg7[%add3A_334, %dma_start3A_489, %add3A, %dma_start3A_498, %dma_start3A_499] : memref<200x8x32x8x128xf32, #tpu.memory_space<hbm>> -> memref<1x1x1x8x128xf32, #tpu.memory_space<hbm>>
      %dma_start3A_501 = tpu.memref_squeeze %dma_start3A_500 : memref<1x1x1x8x128xf32, #tpu.memory_space<hbm>> -> memref<8x128xf32, #tpu.memory_space<hbm>>
      %dma_start3A_502 = arith.constant 48 : i32
      %dma_start3A_503 = arith.constant 0 : i32
      %dma_start3A_504 = tpu.memref_slice %arg13[%dma_start3A_488, %dma_start3A_502, %dma_start3A_503] : memref<2x64x129xf32, #tpu.memory_space<vmem>> -> memref<1x8x128xf32, #tpu.memory_space<vmem>>
      %dma_start3A_505 = tpu.memref_squeeze %dma_start3A_504 : memref<1x8x128xf32, #tpu.memory_space<vmem>> -> memref<8x128xf32, #tpu.memory_space<vmem>>
      tpu.enqueue_dma source(%dma_start3A_505 : memref<8x128xf32, #tpu.memory_space<vmem>>) target(%dma_start3A_501 : memref<8x128xf32, #tpu.memory_space<hbm>>) target_semaphore(%arg15 : memref<!tpu.dma_semaphore, #tpu.memory_space<semaphore_mem>>)
      %dma_start3A_506 = arith.constant 1 : i32
      %dma_start3A_507 = arith.constant 7 : i32
      %dma_start3A_508 = arith.constant 56 : i32
      %dma_start3A_509 = arith.constant 0 : i32
      %dma_start3A_510 = tpu.memref_slice %arg13[%dma_start3A_506, %dma_start3A_508, %dma_start3A_509] : memref<2x64x129xf32, #tpu.memory_space<vmem>> -> memref<1x8x128xf32, #tpu.memory_space<vmem>>
      %dma_start3A_511 = tpu.memref_squeeze %dma_start3A_510 : memref<1x8x128xf32, #tpu.memory_space<vmem>> -> memref<8x128xf32, #tpu.memory_space<vmem>>
      %dma_start3A_512 = arith.constant 0 : i32
      %dma_start3A_513 = arith.constant 0 : i32
      %dma_start3A_514 = tpu.memref_slice %arg7[%add3A_334, %dma_start3A_507, %add3A, %dma_start3A_512, %dma_start3A_513] : memref<200x8x32x8x128xf32, #tpu.memory_space<hbm>> -> memref<1x1x1x8x128xf32, #tpu.memory_space<hbm>>
      %dma_start3A_515 = tpu.memref_squeeze %dma_start3A_514 : memref<1x1x1x8x128xf32, #tpu.memory_space<hbm>> -> memref<8x128xf32, #tpu.memory_space<hbm>>
      %dma_start3A_516 = arith.constant 0 : i32
      %dma_start3A_517 = arith.constant 0 : i32
      %dma_start3A_518 = tpu.memref_slice %arg7[%add3A_334, %dma_start3A_507, %add3A, %dma_start3A_516, %dma_start3A_517] : memref<200x8x32x8x128xf32, #tpu.memory_space<hbm>> -> memref<1x1x1x8x128xf32, #tpu.memory_space<hbm>>
      %dma_start3A_519 = tpu.memref_squeeze %dma_start3A_518 : memref<1x1x1x8x128xf32, #tpu.memory_space<hbm>> -> memref<8x128xf32, #tpu.memory_space<hbm>>
      %dma_start3A_520 = arith.constant 56 : i32
      %dma_start3A_521 = arith.constant 0 : i32
      %dma_start3A_522 = tpu.memref_slice %arg13[%dma_start3A_506, %dma_start3A_520, %dma_start3A_521] : memref<2x64x129xf32, #tpu.memory_space<vmem>> -> memref<1x8x128xf32, #tpu.memory_space<vmem>>
      %dma_start3A_523 = tpu.memref_squeeze %dma_start3A_522 : memref<1x8x128xf32, #tpu.memory_space<vmem>> -> memref<8x128xf32, #tpu.memory_space<vmem>>
      tpu.enqueue_dma source(%dma_start3A_523 : memref<8x128xf32, #tpu.memory_space<vmem>>) target(%dma_start3A_519 : memref<8x128xf32, #tpu.memory_space<hbm>>) target_semaphore(%arg15 : memref<!tpu.dma_semaphore, #tpu.memory_space<semaphore_mem>>)
    }
    %scan3A_126 = arith.constant 100 : i32
    %dma_wait3A = arith.constant 0 : i32
    %dma_wait3A_127 = arith.constant 0 : i32
    %dma_wait3A_128 = arith.constant 0 : i32
    %dma_wait3A_129 = tpu.memref_slice %arg10[%dma_wait3A, %dma_wait3A_127, %dma_wait3A_128] : memref<2x128x128xf32, #tpu.memory_space<vmem>> -> memref<1x64x128xf32, #tpu.memory_space<vmem>>
    %dma_wait3A_130 = tpu.memref_squeeze %dma_wait3A_129 : memref<1x64x128xf32, #tpu.memory_space<vmem>> -> memref<64x128xf32, #tpu.memory_space<vmem>>
    %dma_wait3A_131 = arith.constant 0 : i32
    %dma_wait3A_132 = arith.constant 0 : i32
    %dma_wait3A_133 = tpu.memref_slice %arg2[%dma_wait3A_131, %dma_wait3A_132] : memref<1000000x128xf32, #tpu.memory_space<hbm>> -> memref<64x128xf32, #tpu.memory_space<hbm>>
    %dma_wait3A_134 = arith.constant 0 : i32
    %dma_wait3A_135 = arith.constant 0 : i32
    %dma_wait3A_136 = tpu.memref_slice %arg10[%dma_wait3A, %dma_wait3A_134, %dma_wait3A_135] : memref<2x128x128xf32, #tpu.memory_space<vmem>> -> memref<1x64x128xf32, #tpu.memory_space<vmem>>
    %dma_wait3A_137 = tpu.memref_squeeze %dma_wait3A_136 : memref<1x64x128xf32, #tpu.memory_space<vmem>> -> memref<64x128xf32, #tpu.memory_space<vmem>>
    %dma_wait3A_138 = arith.constant 0 : i32
    %dma_wait3A_139 = arith.constant 0 : i32
    %dma_wait3A_140 = tpu.memref_slice %arg2[%dma_wait3A_138, %dma_wait3A_139] : memref<1000000x128xf32, #tpu.memory_space<hbm>> -> memref<64x128xf32, #tpu.memory_space<hbm>>
    tpu.wait_dma2 semaphore(%arg15 : memref<!tpu.dma_semaphore, #tpu.memory_space<semaphore_mem>>) src(%dma_wait3A_140 : memref<64x128xf32, #tpu.memory_space<hbm>>) dst(%dma_wait3A_137 : memref<64x128xf32, #tpu.memory_space<vmem>>)
    return
  }
}

</mosaic_0001>

<sc_bundles>
// kernel: kernel.3.cloned.1.call-start
scs
__scs_entry_jumppad:
0x0: {  	(pc) =	sbr.rel $0x88, $3  }
0x1: {  	(tag) =	ssettag $0x0;
	lr =	simm.s32 $0x1  }
0x2: {  	[smem:$0x3F9C] =	sst lr;
	_ =	strace $0xD0000000  }
0x3: {  	_ = 	snop  }
0x4: {  	_ = 	snop  }
0x5: {  	_ = 	snop  }
0x6: {  	_ = 	snop  }
0x7: {  	_ = 	snop  }
__scs_overlays_trampoline_lowered:
0x8: {  	[smem:$0x3FAB] =	sst s0  }
0x9: {  	[smem:$0x3FAC] =	sst s1  }
0xa: {  	[smem:$0x3FAD] =	sst s2  }
0xb: {  	[smem:$0x3FAE] =	sst s3  }
0xc: {  	[smem:$0x3FAF] =	sst s4  }
0xd: {  	[smem:$0x3FB0] =	sst s5  }
0xe: {  	[smem:$0x3FB1] =	sst s6  }
0xf: {  	[smem:$0x3FB2] =	sst s7  }
0x10: {  	[smem:$0x3FB3] =	sst s8  }
0x11: {  	[smem:$0x3FB4] =	sst s9;
	s0 =	simm.s32 @!p0 $0x0  }
0x12: {  	s1 =	sld [smem:$0x3F9A];
	s0 =	simm.s32 @p0 $0x1  }
0x13: {  	[smem:$0x3FB5] =	sst s0;
	s0 =	simm.s32 @!p1 $0x0  }
0x14: {  	s2 =	sld [smem:$0x3F99];
	s0 =	simm.s32 @p1 $0x1  }
0x15: {  	[smem:$0x3FB6] =	sst s0;
	s0 =	simm.s32 @!p2 $0x0  }
0x16: {  	s3 =	sld [smem:$0x3FDB];
	s0 =	simm.s32 @p2 $0x1  }
0x17: {  	s4 =	simm.s32 $0x1BF5;
	[smem:$0x3FB8] =	sst s0  }
0x18: {  	s0 =	sld [smem:$0x3F9B];
	_ =	swait.ge [sflag:s4], $0x0  }
0x19: {  	s7 =	sld [smem:$0x3F9C]  }
0x1a: {  	s8 =	sadd.s32 $0xFFFFE003, lr  }
0x1b: {  	s9 =	sadd.s32 $0xFFFFFEF7, lr;
	s5 =	simm.s32 $0xFFFFFFFF;
	p2 =	slt.u32 s8, $0xFFFFF086  }
0x1c: {  	p1 =	slt.u32 s9, $0xF7A;
	s5 =	simm.s32 @!p2 $0x0  }
0x1d: {  	s5 =	simm.s32 @p1 $0x1;
	p0 =	seq.s32 s7, s2  }
0x1e: {  	s7 =	smul.u32 @!p0 $0xF7A, s2;
	p2 =	seq.s32 @!p0 s5, $0x0  }
0x1f: {  	s9 =	smul.u32 $0xF7A, s1;
	s8 =	simm.s32 @!p0 $0x1BF5;
	p2 =	por !p2, p0  }
0x20: {  	[sflag:s8] =	ssyncset.s32 @!p0 $0xFFFFF086;
	s6 =	sadd.s32 @!p0 s3, s7;
	s7 =	simm.s32 @!p0 $0x108  }
0x21: {  	s3 =	sadd.s32 s3, s9;
	s6 =	sadd.s32 @!p0 $0x88, s6;
	s7 =	simm.s32 @p2 $0x1082  }
0x22: {  	[simem:s7], [sflag:s8] =	dma.local @!p0 [hbm:s6], $0xF7A  }
0x23: {  	s9 =	sor.u32 $0xD0000000, s2;
	s6 =	simm.s32 $0x108;
	_ =	swait.ge @!p0 [sflag:s8], $0x0  }
0x24: {  	s3 =	sadd.s32 $0x88, s3;
	s6 =	simm.s32 @!p1 $0x1082;
	[sflag:s4] =	ssyncset.s32 $0xFFFFF086  }
0x25: {  	[simem:s6], [sflag:s4] =	dma.local [hbm:s3], $0xF7A  }
0x26: {  	[smem:$0x3F9C] =	sst s1;
	(tag) =	ssettag s2;
	_ =	strace s9  }
0x27: {  	s1 =	sld [smem:$0x3FAC]  }
0x28: {  	s2 =	sld [smem:$0x3FAD]  }
0x29: {  	s4 =	sld [smem:$0x3FAF]  }
0x2a: {  	p0 =	seq.s32 s5, $0x0;
	s5 =	sld [smem:$0x3FB0]  }
0x2b: {  	s6 =	sld [smem:$0x3FB1]  }
0x2c: {  	s7 =	sld [smem:$0x3FB2]  }
0x2d: {  	s3 =	simm.s32 $0x108;
	s8 =	sld [smem:$0x3FB3]  }
0x2e: {  	s3 =	simm.s32 @!p0 $0x1082;
	s9 =	sld [smem:$0x3FB4]  }
0x2f: {  	lr =	sadd.s32 s0, s3;
	s0 =	sld [smem:$0x3FAB]  }
0x30: {  	s3 =	sld [smem:$0x3FAE]  }
0x31: {  	[smem:$0x3FB7] =	sst s10  }
0x32: {  	s10 =	sld [smem:$0x3FB5];
	_ =	sdelay $0x3  }
0x33: {  	p0 =	seq.s32 s10, $0x1;
	s10 =	sld [smem:$0x3FB7];
	_ =	sdelay $0x3  }
0x34: {  	[smem:$0x3FB7] =	sst s10  }
0x35: {  	s10 =	sld [smem:$0x3FB6];
	_ =	sdelay $0x3  }
0x36: {  	p1 =	seq.s32 s10, $0x1;
	s10 =	sld [smem:$0x3FB7];
	_ =	sdelay $0x3  }
0x37: {  	[smem:$0x3FB7] =	sst s10  }
0x38: {  	s10 =	sld [smem:$0x3FB8]  }
0x39: {  	_ = 	snop;
	(pc) =	sbr.ind lr, $3  }
0x3a: {  	_ = 	snop  }
0x3b: {  	_ = 	snop  }
0x3c: {  	p2 =	seq.s32 s10, $0x1;
	s10 =	sld [smem:$0x3FB7]  }
0x3d: {  	_ =	shalt  }
0x3e: {  	_ =	shalt  }
0x3f: {  	_ =	shalt  }
0x40: {  	_ =	shalt  }
0x41: {  	_ =	shalt  }
0x42: {  	_ =	shalt  }
0x43: {  	_ =	shalt  }
0x44: {  	_ =	shalt  }
0x45: {  	_ =	shalt  }
0x46: {  	_ =	shalt  }
0x47: {  	_ =	shalt  }
0x48: {  	_ =	shalt  }
0x49: {  	_ =	shalt  }
0x4a: {  	_ =	shalt  }
0x4b: {  	_ =	shalt  }
0x4c: {  	_ =	shalt  }
0x4d: {  	_ =	shalt  }
0x4e: {  	_ =	shalt  }
0x4f: {  	_ =	shalt  }
0x50: {  	_ =	shalt  }
0x51: {  	_ =	shalt  }
0x52: {  	_ =	shalt  }
0x53: {  	_ =	shalt  }
0x54: {  	_ =	shalt  }
0x55: {  	_ =	shalt  }
0x56: {  	_ =	shalt  }
0x57: {  	_ =	shalt  }
0x58: {  	_ =	shalt  }
0x59: {  	_ =	shalt  }
0x5a: {  	_ =	shalt  }
0x5b: {  	_ =	shalt  }
0x5c: {  	_ =	shalt  }
0x5d: {  	_ =	shalt  }
0x5e: {  	_ =	shalt  }
0x5f: {  	_ =	shalt  }
0x60: {  	_ =	shalt  }
0x61: {  	_ =	shalt  }
0x62: {  	_ =	shalt  }
0x63: {  	_ =	shalt  }
0x64: {  	_ =	shalt  }
0x65: {  	_ =	shalt  }
0x66: {  	_ =	shalt  }
0x67: {  	_ =	shalt  }
0x68: {  	_ =	shalt  }
0x69: {  	_ =	shalt  }
0x6a: {  	_ =	shalt  }
0x6b: {  	_ =	shalt  }
0x6c: {  	_ =	shalt  }
0x6d: {  	_ =	shalt  }
0x6e: {  	_ =	shalt  }
0x6f: {  	_ =	shalt  }
0x70: {  	_ =	shalt  }
0x71: {  	_ =	shalt  }
0x72: {  	_ =	shalt  }
0x73: {  	_ =	shalt  }
0x74: {  	_ =	shalt  }
0x75: {  	_ =	shalt  }
0x76: {  	_ =	shalt  }
0x77: {  	_ =	shalt  }
0x78: {  	_ =	shalt  }
0x79: {  	_ =	shalt  }
0x7a: {  	_ =	shalt  }
0x7b: {  	_ =	shalt  }
0x7c: {  	_ =	shalt  }
0x7d: {  	_ =	shalt  }
0x7e: {  	_ =	shalt  }
0x7f: {  	_ =	shalt  }
0x80: {  	_ =	shalt  }
0x81: {  	_ =	shalt  }
0x82: {  	_ =	shalt  }
0x83: {  	_ =	shalt  }
0x84: {  	_ =	shalt  }
0x85: {  	_ =	shalt  }
0x86: {  	_ =	shalt  }
0x87: {  	_ =	shalt  }
.Lfunc_end0:
.L_simem_size_0:
called_computation_lowered:
.L_overlay_start_0:
0x88: {  	s2 =	sld [smem:$0x3FD9]  }
0x89: {  	s3 =	sld [smem:$0x3FFE];
	_ =	sdelay $0x1  }
0x8a: {  	s1 =	srdreg.scid  }
0x8b: {  	s0 =	sand.u32 $0x1, s1  }
0x8c: {  	s17 =	sshll.u32 s0, $0xA;
	s2 =	sadd.s32 s3, s2  }
0x8d: {  	s2 =	sadd.s32 s2, s17  }
0x8e: {  	[smem:$0x3FC3] =	sst s2  }
0x8f: {  	_ = 	snop  }
0x90: {  	s2 =	sld [smem:$0x3FC7]  }
0x91: {  	s18 =	sld [smem:$0x3FC6]  }
0x92: {  	s4 =	sld [smem:$0x3FD0];
	(tm) =	ssettm $0x1  }
0x93: {  	s5 =	sld [smem:$0x3FFB];
	_ =	sdelay $0x3  }
0x94: {  	_ =	strace s5  }
0x95: {  	s5 =	sld [smem:$0x3FFC];
	_ =	sdelay $0x3  }
0x96: {  	_ =	strace s5  }
0x97: {  	s5 =	sld [smem:$0x3FFD];
	_ =	sdelay $0x3  }
0x98: {  	_ =	strace s5  }
0x99: {  	_ =	strace $0x8FFFFFFF  }
0x9a: {  	s19 =	sld [smem:$0x3FDB];
	_ =	sdelay $0x1  }
0x9b: {  	s6 =	simm.s32 $_scs_section_size  }
0x9c: {  	s7 =	simm.s32 $_size__tile_overlayer_lowered;
	s8 =	simm.s32 $_tile_overlayer_lowered  }
0x9d: {  	s22 =	simm.s32 $0x1BFF;
	s21 =	sshll.u32 s8, $0x1;
	s5 =	sadd.s32 s6, s19  }
0x9e: {  	s9 =	simm.s32 $0x0;
	s20 =	sshll.u32 s7, $0x1;
	s7 =	sadd.s32 s21, s5  }
0x9f: {  	[timem:s9], [sflag:s22] =	dma.local [hbm:s7], s20  }
0xa0: {  	_ =	swait.ge [sflag:s22], s20  }
0xa1: {  	s6 =	ssub.s32 $0x0, s20;
	[sflag:s22] =	ssyncset.done $0x0  }
0xa2: {  	[sflag:s22] =	ssyncadd.s32 s6;
	_ =	sdelay $0x1  }
0xa3: {  	s23 =	simm.s32 $0x1B8B  }
0xa4: {  	_ =	swait.ge [sflag:s23], $0x1  }
0xa5: {  	[sflag:s23] =	ssyncset.done $0x0  }
0xa6: {  	s25 =	simm.s32 $0x1B8E;
	s24 =	sld [smem:$0x3FFE];
	[sflag:s23] =	ssyncadd.s32 $0xFFFFFFFF  }
0xa7: {  	s26 =	simm.s32 $execute0_lowered;
	[smem:$0x3FD2] =	sst s25  }
0xa8: {  	s7 =	sshll.u32 s26, $0x1;
	_ =	strace $0x80000046;
	[dreg:$0x1] =	wrdreg $0xFFFFFFFF  }
0xa9: {  	s28 =	simm.s32 $_size_execute0_lowered;
	s5 =	sadd.s32 s5, s7;
	[dreg:$0x0] =	wrdreg $0x0  }
0xaa: {  	s7 =	sshll.u32 s28, $0x1;
	[dreg:$0x2] =	wrdreg s5  }
0xab: {  	[dreg:$0x3] =	wrdreg s7  }
0xac: {  	[dreg:$0x4] =	wrdreg $0xC0  }
0xad: {  	_ =	task [dreg:s9], $0x5FFFF  }
0xae: {  	[dreg:$0x1] =	wrdreg $0xFFFFFFFF  }
0xaf: {  	[dreg:$0x0] =	wrdreg $0x60  }
0xb0: {  	[dreg:$0x2] =	wrdreg s24  }
0xb1: {  	[dreg:$0x3] =	wrdreg s2  }
0xb2: {  	[dreg:$0x4] =	wrdreg s18  }
0xb3: {  	[dreg:$0x5] =	wrdreg s4  }
0xb4: {  	[dreg:$0x6] =	wrdreg $0x9  }
0xb5: {  	_ =	task.clear_ibuf [dreg:s9], $0x7FFFF;
	_ =	strace $0x90000046  }
0xb6: {  	s29 =	simm.s32 $0x9;
	_ =	strace $0x80000048  }
0xb7: {  	_ =	swait.ge [sflag:s29], $0x1  }
0xb8: {  	[sflag:s29] =	ssyncadd.s32 $0xFFFFFFFF  }
0xb9: {  	_ =	strace $0x90000048  }
0xba: {  	_ =	sfence  }
0xbb: {  	s30 =	sld [smem:$0x0];
	_ =	sdelay $0x2  }
0xbc: {  	s31 =	sshll.u32 s1, $0xD;
	s1 =	sshrl.u32 s1, $0x2  }
0xbd: {  	s3 =	sand.u32 $0x4000, s31;
	s1 =	sadd.s32 s1, s30  }
0xbe: {  	s0 =	sor.u32 s3, s0;
	s1 =	sshll.u32 s1, $0x11  }
0xbf: {  	s0 =	sor.u32 s1, s0  }
0xc0: {  	s0 =	sadd.s32 $0x8F2B, s0  }
0xc1: {  	[sflag:s0] =	ssyncadd.remote.s32 $0x1  }
0xc2: {  	_ =	sfence.sel $0xFFFF  }
0xc3: {  	[dreg:$0x0] =	wrdreg $0xFFFFFFFF;
	(pc) =	sbr.abs _section_cstart, $3  }
0xc4: {  	[dreg:$0x1] =	wrdreg $0xFFFFFFFF  }
0xc5: {  	_ =	task.clear_ibuf [dreg:s9], $0x2FFFF;
	_ =	strace $0x9FFFFFFF  }
0xc6: {  	(tm) =	ssettm $0x7FFFFFFF  }
0xc7: {  	_ =	shalt  }
tec
execute0_lowered:
.L_overlay_start_1:
0x0: {  	(tag) =	ssettag $0x1  }
0x1: {  	s0 =	rddreg [dreg:$0x0];
	s5 =	simm.s32 $0x0;
	v5 =	vlaneseq.u32  }
0x2: {  	[smem:$0x7FF] =	sst s5;
	v6 =	vor.u32 $0x10, v5  }
0x3: {  	s4 =	rddreg [dreg:$0x3];
	v7 =	vor.u32 $0x20, v5;
	_ =	strace $0x80000047;
	[tilespmem:$0x1FE10] =	vst v6  }
0x4: {  	v8 =	vor.u32 $0x30, v5;
	[tilespmem:$0x1FE20] =	vst v7  }
0x5: {  	v9 =	vor.u32 $0x40, v5;
	[tilespmem:$0x1FE30] =	vst v8  }
0x6: {  	v11 =	vor.u32 $0x50, v5;
	[tilespmem:$0x1FE40] =	vst v9  }
0x7: {  	v13 =	vor.u32 $0x60, v5;
	[tilespmem:$0x1FE50] =	vst v11  }
0x8: {  	v12 =	vmul.u32 $0x88, v5;
	v14 =	vor.u32 $0x70, v5;
	[tilespmem:$0x1FE70] =	vst v13  }
0x9: {  	v1 =	vmul.u32 $0xC8, v5;
	[tilespmem:$0x1FE80] =	vst v14  }
0xa: {  	[tilespmem:$0x1FE60] =	vst v12  }
0xb: {  	v15 =	vadd.s32 $0x880, v12;
	[tilespmem:$0x1FF20] =	vst v1  }
0xc: {  	v16 =	vadd.s32 $0x1100, v12;
	[tilespmem:$0x1FE90] =	vst v15  }
0xd: {  	v17 =	vadd.s32 $0x1980, v12;
	[tilespmem:$0x1FEA0] =	vst v16  }
0xe: {  	v18 =	vor.u32 $0x1, v12;
	[tilespmem:$0x1FEB0] =	vst v17  }
0xf: {  	v19 =	vadd.s32 $0x881, v12;
	[tilespmem:$0x1FEC0] =	vst v18  }
0x10: {  	v20 =	vadd.s32 $0x1101, v12;
	[tilespmem:$0x1FED0] =	vst v19  }
0x11: {  	s1 =	srdreg.scid;
	v21 =	vor.u32 $0x2, v12;
	[tilespmem:$0x1FEE0] =	vst v20  }
0x12: {  	s2 =	stileid.u32;
	s30 =	simm.s32 $0x6400;
	s1 =	sand.u32 $0x1, s1;
	v22 =	vadd.s32 $0x882, v12;
	[tilespmem:$0x1FEF0] =	vst v21  }
0x13: {  	s2 =	sshll.u32 s2, $0x1;
	s6 =	sadd.s32 $0xF5C200, s0;
	s7 =	sadd.s32 $0xF42A00, s0;
	v23 =	vadd.s32 $0x1102, v12;
	[tilespmem:$0x1FF00] =	vst v22  }
0x14: {  	s0 =	sadd.s32 $0xF5BA00, s0;
	s17 =	sadd.s32 $0x1000, s4;
	s2 =	sor.u32 s1, s2;
	v24 =	vor.u32 $0x4, v12;
	[tilespmem:$0x1FF10] =	vst v23  }
0x15: {  	s18 =	sadd.s32 $0x2000, s4;
	s19 =	sadd.s32 $0x3000, s4;
	s3 =	smul.u32 $0x6400, s2;
	v62 =	vor.u32 $0x5, v12;
	[tilespmem:$0x1FF30] =	vst v24  }
0x16: {  	s20 =	sadd.s32 $0x4000, s4;
	s1 =	ssub.s32 $0x2, s1;
	s9 =	smul.u32 $0xC80, s2;
	v63 =	vadd.s32 $0x885, v12;
	[tilespmem:$0x1FF40] =	vst v62  }
0x17: {  	s21 =	sadd.s32 $0x5000, s4;
	[dreg:$0x5] =	wrdreg s0;
	s8 =	sshrl.u32 s1, $0x1;
	v34 =	vadd.s32 $0x1105, v12;
	[tilespmem:$0x1FF50] =	vst v63  }
0x18: {  	v58 =	vadd.s32 $0x886, v12;
	s15 =	ssub.s32 s1, s8;
	[tilespmem:$0x1FF60] =	vst v34;
	s3 =	sshrl.u32 s3, $0x3;
	s23 =	sadd.s32 s7, s9  }
0x19: {  	v59 =	vor.u32 $0x6, v12;
	[tilespmem:$0x1FF70] =	vst v58;
	s0 =	smax.u32 s15, $0x1;
	s22 =	sadd.s32 s7, s3;
	[dreg:$0x6] =	wrdreg s23  }
0x1a: {  	s16 =	sshll.u32 s2, $0xA;
	v61 =	vadd.s32 $0x1985, v12;
	[tilespmem:$0x1FF80] =	vst v59;
	[dreg:$0xe] =	wrdreg s0;
	s24 =	sadd.s32 $0x190, s22  }
0x1b: {  	s2 =	simm.s32 $0x1;
	v60 =	vadd.s32 $0x1106, v12;
	[tilespmem:$0x1FF90] =	vst v61;
	s25 =	sadd.s32 $0x320, s22;
	[dreg:$0x7] =	wrdreg s24  }
0x1c: {  	v0 =	vimm.s32 $0x0;
	vm0 =	vcmask $0x300;
	v54 =	vadd.s32 $0x1986, v12;
	s8 =	simm.s32 $0x0;
	[tilespmem:$0x1FFA0] =	vst v60;
	s26 =	sadd.s32 $0x4B0, s22;
	[dreg:$0x8] =	wrdreg s25  }
0x1d: {  	v10 =	vsel vm0, $0x3, v0;
	v55 =	vor.u32 $0x7, v12;
	[tilespmem:$0x1FFB0] =	vst v54;
	s9 =	simm.s32 $0x3;
	s28 =	sadd.s32 $0x640, s22;
	[dreg:$0x9] =	wrdreg s26  }
0x1e: {  	v30 =	vadd.s32 $0x1981, v12;
	v27 =	vadd.s32 $0x1982, v12;
	v56 =	vadd.s32 $0x887, v12;
	[tilespmem:$0x1FFC0] =	vst v55;
	s23 =	sadd.s32 $0x7000, s4;
	s29 =	sadd.s32 $0x7D0, s22;
	[dreg:$0xa] =	wrdreg s28  }
0x1f: {  	v28 =	vor.u32 $0x3, v12;
	v26 =	vadd.s32 $0x883, v12;
	v57 =	vadd.s32 $0x1107, v12;
	[tilespmem:$0x1FFD0] =	vst v56;
	s3 =	simm.s32 $0x12300;
	s31 =	sadd.s32 $0x960, s22;
	[dreg:$0xb] =	wrdreg s29  }
0x20: {  	v31 =	vadd.s32 $0x1103, v12;
	v29 =	vadd.s32 $0x1983, v12;
	v35 =	vadd.s32 $0x1987, v12;
	[tilespmem:$0x1FFE0] =	vst v57;
	s0 =	simm.s32 $0x2;
	s1 =	sadd.s32 $0xAF0, s22;
	[dreg:$0xc] =	wrdreg s31  }
0x21: {  	v25 =	vadd.s32 $0x884, v12;
	v32 =	vadd.s32 $0x1104, v12;
	v33 =	vadd.s32 $0x1984, v12;
	[tilespmem:$0x1FFF0] =	vst v35;
	s7 =	simm.s32 $0x14500;
	s22 =	sadd.s32 $0x6000, s4;
	[dreg:$0xd] =	wrdreg s1  }
.LBB2_1:
0x22: {  	[dreg:$0xf] =	wrdreg s8  }
0x23: {  	s1 =	rddreg [dreg:$0x5];
	s24 =	simm.s32 $0xF080  }
0x24: {  	[tilespmem:s24], [sflag:$0x3] =	stream.linear.gather [hbm4b:s1+s5], $0x3200, $0x38;
	[tilespmem:$0x16700] =	vst v63  }
0x25: {  	_ =	swait.ge [sflag:s9], $0x3200  }
0x26: {  	[sflag:s9] =	ssyncset.done $0x0  }
0x27: {  	[sflag:s9] =	ssyncadd.s32 $0xFFFFCE00  }
0x28: {  	s26 =	simm.s32 $0x12280;
	s25 =	rddreg [dreg:$0x1]  }
0x29: {  	[tilespmem:s26], [sflag:$0x3] =	stream.linear.gather [hbm4b:s25+s5], $0x40, $0x38;
	[tilespmem:$0x16700] =	vst v63  }
0x2a: {  	_ =	swait.ge [sflag:s9], $0x40  }
0x2b: {  	[sflag:s9] =	ssyncset.done $0x0  }
0x2c: {  	[sflag:s9] =	ssyncadd.s32 $0xFFFFFFC0  }
0x2d: {  	s29 =	simm.s32 $0x122C0;
	s28 =	rddreg [dreg:$0x2]  }
0x2e: {  	[tilespmem:s29], [sflag:$0x3] =	stream.linear.gather [hbm4b:s28+s5], $0x40, $0x38;
	[tilespmem:$0x16700] =	vst v63  }
0x2f: {  	v3 =	vmov s5;
	_ =	swait.ge [sflag:s9], $0x40  }
0x30: {  	v0 =	vand.u32 $0xFF, v3;
	[sflag:s9] =	ssyncset.done $0x0  }
0x31: {  	v2 =	vadd.s32 v1, v0;
	s31 =	rddreg [dreg:$0x6];
	[sflag:s9] =	ssyncadd.s32 $0xFFFFFFC0  }
0x32: {  	[tilespmem:s30], [sflag:$0x3] =	stream.linear.gather [hbm4b:s31+s5], $0xC80, $0x38;
	[tilespmem:$0x16700] =	vst v63  }
0x33: {  	_ =	swait.ge [sflag:s9], $0xC80  }
0x34: {  	[sflag:s9] =	ssyncset.done $0x0  }
0x35: {  	s10 =	simm.s32 $0x1;
	[sflag:s9] =	ssyncadd.s32 $0xFFFFF380  }
0x36: {  	v3 =	vshll.u32 v3, $0x7;
	v0 =	vmov s10;
	s10 =	simm.s32 $0x2;
	v2 =	vld.idx.msk [tilespmem:v2+s30+$0x0], $0xffff  }
.LBB2_2:
0x37: {  	p0 =	sne.s32 s10, $0xC7;
	v4 =	vand.u32 $0xFF, v0;
	v3 =	vor.u32 v5, v3  }
0x38: {  	v4 =	vadd.s32 v1, v4  }
.Ltmp0:
0x39: {  	(pc) =	sbr.rel @p0 .LBB2_2-.Ltmp0, $3  }
0x3a: {  	_ =	sdelay $0x1  }
0x3b: {  	[tilespmem:v3+s5+$0x0] =	vst.idx.msk $0xffff, v2  }
0x3c: {  	v3 =	vshll.u32 v0, $0x7;
	v0 =	vmov s10;
	s10 =	sadd.s32 $0x1, s10;
	v2 =	vld.idx.msk [tilespmem:v4+s30+$0x0], $0xffff  }
0x3d: {  	v4 =	vand.u32 $0xFF, v0;
	v3 =	vor.u32 v5, v3  }
0x3e: {  	v4 =	vadd.s32 v1, v4;
	_ =	sdelay $0x3  }
0x3f: {  	v0 =	vshll.u32 v0, $0x7;
	[tilespmem:v3+s5+$0x0] =	vst.idx.msk $0xffff, v2  }
0x40: {  	v0 =	vor.u32 v5, v0;
	v2 =	vld.idx.msk [tilespmem:v4+s30+$0x0], $0xffff;
	_ =	sdelay $0x1  }
0x41: {  	s10 =	simm.s32 $0x0  }
0x42: {  	v3 =	vmov s10  }
0x43: {  	v4 =	vand.u32 $0xFF, v3  }
0x44: {  	s1 =	rddreg [dreg:$0x7];
	[tilespmem:v0+s5+$0x0] =	vst.idx.msk $0xffff, v2;
	v2 =	vadd.s32 v1, v4  }
0x45: {  	[tilespmem:s30], [sflag:$0x3] =	stream.linear.gather [hbm4b:s1+s10], $0xC80, $0x38;
	[tilespmem:$0x16700] =	vst v63  }
0x46: {  	_ =	swait.ge [sflag:s9], $0xC80  }
0x47: {  	[sflag:s9] =	ssyncset.done $0x0  }
0x48: {  	s31 =	simm.s32 $0x1;
	[sflag:s9] =	ssyncadd.s32 $0xFFFFF380  }
0x49: {  	v3 =	vshll.u32 v3, $0x7;
	v0 =	vmov s31;
	s10 =	simm.s32 $0x2;
	v2 =	vld.idx.msk [tilespmem:v2+s30+$0x0], $0xffff  }
.LBB2_4:
0x4a: {  	p0 =	sne.s32 s10, $0xC7;
	v4 =	vand.u32 $0xFF, v0;
	v3 =	vor.u32 v6, v3  }
0x4b: {  	v4 =	vadd.s32 v1, v4  }
.Ltmp1:
0x4c: {  	(pc) =	sbr.rel @p0 .LBB2_4-.Ltmp1, $3  }
0x4d: {  	_ =	sdelay $0x1  }
0x4e: {  	[tilespmem:v3+s5+$0x0] =	vst.idx.msk $0xffff, v2  }
0x4f: {  	v3 =	vshll.u32 v0, $0x7;
	v0 =	vmov s10;
	s10 =	sadd.s32 $0x1, s10;
	v2 =	vld.idx.msk [tilespmem:v4+s30+$0x0], $0xffff  }
0x50: {  	v4 =	vand.u32 $0xFF, v0;
	v3 =	vor.u32 v6, v3  }
0x51: {  	v4 =	vadd.s32 v1, v4;
	_ =	sdelay $0x3  }
0x52: {  	v0 =	vshll.u32 v0, $0x7;
	[tilespmem:v3+s5+$0x0] =	vst.idx.msk $0xffff, v2  }
0x53: {  	v0 =	vor.u32 v6, v0;
	v2 =	vld.idx.msk [tilespmem:v4+s30+$0x0], $0xffff;
	_ =	sdelay $0x1  }
0x54: {  	s10 =	simm.s32 $0x0  }
0x55: {  	v3 =	vmov s10  }
0x56: {  	v4 =	vand.u32 $0xFF, v3  }
0x57: {  	s1 =	rddreg [dreg:$0x8];
	[tilespmem:v0+s5+$0x0] =	vst.idx.msk $0xffff, v2;
	v2 =	vadd.s32 v1, v4  }
0x58: {  	[tilespmem:s30], [sflag:$0x3] =	stream.linear.gather [hbm4b:s1+s10], $0xC80, $0x38;
	[tilespmem:$0x16700] =	vst v63  }
0x59: {  	_ =	swait.ge [sflag:s9], $0xC80  }
0x5a: {  	[sflag:s9] =	ssyncset.done $0x0  }
0x5b: {  	s31 =	simm.s32 $0x1;
	[sflag:s9] =	ssyncadd.s32 $0xFFFFF380  }
0x5c: {  	v3 =	vshll.u32 v3, $0x7;
	v0 =	vmov s31;
	s10 =	simm.s32 $0x2;
	v2 =	vld.idx.msk [tilespmem:v2+s30+$0x0], $0xffff  }
.LBB2_6:
0x5d: {  	p0 =	sne.s32 s10, $0xC7;
	v4 =	vand.u32 $0xFF, v0;
	v3 =	vor.u32 v7, v3  }
0x5e: {  	v4 =	vadd.s32 v1, v4  }
.Ltmp2:
0x5f: {  	(pc) =	sbr.rel @p0 .LBB2_6-.Ltmp2, $3  }
0x60: {  	_ =	sdelay $0x1  }
0x61: {  	[tilespmem:v3+s5+$0x0] =	vst.idx.msk $0xffff, v2  }
0x62: {  	v3 =	vshll.u32 v0, $0x7;
	v0 =	vmov s10;
	s10 =	sadd.s32 $0x1, s10;
	v2 =	vld.idx.msk [tilespmem:v4+s30+$0x0], $0xffff  }
0x63: {  	v4 =	vand.u32 $0xFF, v0;
	v3 =	vor.u32 v7, v3  }
0x64: {  	v4 =	vadd.s32 v1, v4;
	_ =	sdelay $0x3  }
0x65: {  	v0 =	vshll.u32 v0, $0x7;
	[tilespmem:v3+s5+$0x0] =	vst.idx.msk $0xffff, v2  }
0x66: {  	v0 =	vor.u32 v7, v0;
	v2 =	vld.idx.msk [tilespmem:v4+s30+$0x0], $0xffff;
	_ =	sdelay $0x1  }
0x67: {  	s10 =	simm.s32 $0x0  }
0x68: {  	v3 =	vmov s10  }
0x69: {  	v4 =	vand.u32 $0xFF, v3  }
0x6a: {  	s1 =	rddreg [dreg:$0x9];
	[tilespmem:v0+s5+$0x0] =	vst.idx.msk $0xffff, v2;
	v2 =	vadd.s32 v1, v4  }
0x6b: {  	[tilespmem:s30], [sflag:$0x3] =	stream.linear.gather [hbm4b:s1+s10], $0xC80, $0x38;
	[tilespmem:$0x16700] =	vst v63  }
0x6c: {  	_ =	swait.ge [sflag:s9], $0xC80  }
0x6d: {  	[sflag:s9] =	ssyncset.done $0x0  }
0x6e: {  	s31 =	simm.s32 $0x1;
	[sflag:s9] =	ssyncadd.s32 $0xFFFFF380  }
0x6f: {  	v3 =	vshll.u32 v3, $0x7;
	v0 =	vmov s31;
	s10 =	simm.s32 $0x2;
	v2 =	vld.idx.msk [tilespmem:v2+s30+$0x0], $0xffff  }
.LBB2_8:
0x70: {  	p0 =	sne.s32 s10, $0xC7;
	v4 =	vand.u32 $0xFF, v0;
	v3 =	vor.u32 v8, v3  }
0x71: {  	v4 =	vadd.s32 v1, v4  }
.Ltmp3:
0x72: {  	(pc) =	sbr.rel @p0 .LBB2_8-.Ltmp3, $3  }
0x73: {  	_ =	sdelay $0x1  }
0x74: {  	[tilespmem:v3+s5+$0x0] =	vst.idx.msk $0xffff, v2  }
0x75: {  	v3 =	vshll.u32 v0, $0x7;
	v0 =	vmov s10;
	s10 =	sadd.s32 $0x1, s10;
	v2 =	vld.idx.msk [tilespmem:v4+s30+$0x0], $0xffff  }
0x76: {  	v4 =	vand.u32 $0xFF, v0;
	v3 =	vor.u32 v8, v3  }
0x77: {  	v4 =	vadd.s32 v1, v4;
	_ =	sdelay $0x3  }
0x78: {  	v0 =	vshll.u32 v0, $0x7;
	[tilespmem:v3+s5+$0x0] =	vst.idx.msk $0xffff, v2  }
0x79: {  	v0 =	vor.u32 v8, v0;
	v2 =	vld.idx.msk [tilespmem:v4+s30+$0x0], $0xffff;
	_ =	sdelay $0x1  }
0x7a: {  	s10 =	simm.s32 $0x0  }
0x7b: {  	v3 =	vmov s10  }
0x7c: {  	v4 =	vand.u32 $0xFF, v3  }
0x7d: {  	s1 =	rddreg [dreg:$0xa];
	[tilespmem:v0+s5+$0x0] =	vst.idx.msk $0xffff, v2;
	v2 =	vadd.s32 v1, v4  }
0x7e: {  	[tilespmem:s30], [sflag:$0x3] =	stream.linear.gather [hbm4b:s1+s10], $0xC80, $0x38;
	[tilespmem:$0x16700] =	vst v63  }
0x7f: {  	_ =	swait.ge [sflag:s9], $0xC80  }
0x80: {  	[sflag:s9] =	ssyncset.done $0x0  }
0x81: {  	s31 =	simm.s32 $0x1;
	[sflag:s9] =	ssyncadd.s32 $0xFFFFF380  }
0x82: {  	v3 =	vshll.u32 v3, $0x7;
	v0 =	vmov s31;
	s10 =	simm.s32 $0x2;
	v2 =	vld.idx.msk [tilespmem:v2+s30+$0x0], $0xffff  }
.LBB2_10:
0x83: {  	p0 =	sne.s32 s10, $0xC7;
	v4 =	vand.u32 $0xFF, v0;
	v3 =	vor.u32 v9, v3  }
0x84: {  	v4 =	vadd.s32 v1, v4  }
.Ltmp4:
0x85: {  	(pc) =	sbr.rel @p0 .LBB2_10-.Ltmp4, $3  }
0x86: {  	_ =	sdelay $0x1  }
0x87: {  	[tilespmem:v3+s5+$0x0] =	vst.idx.msk $0xffff, v2  }
0x88: {  	v3 =	vshll.u32 v0, $0x7;
	v0 =	vmov s10;
	s10 =	sadd.s32 $0x1, s10;
	v2 =	vld.idx.msk [tilespmem:v4+s30+$0x0], $0xffff  }
0x89: {  	v4 =	vand.u32 $0xFF, v0;
	v3 =	vor.u32 v9, v3  }
0x8a: {  	v4 =	vadd.s32 v1, v4;
	_ =	sdelay $0x3  }
0x8b: {  	v0 =	vshll.u32 v0, $0x7;
	[tilespmem:v3+s5+$0x0] =	vst.idx.msk $0xffff, v2  }
0x8c: {  	v0 =	vor.u32 v9, v0;
	v2 =	vld.idx.msk [tilespmem:v4+s30+$0x0], $0xffff;
	_ =	sdelay $0x1  }
0x8d: {  	s10 =	simm.s32 $0x0  }
0x8e: {  	v3 =	vmov s10  }
0x8f: {  	v4 =	vand.u32 $0xFF, v3  }
0x90: {  	s1 =	rddreg [dreg:$0xb];
	[tilespmem:v0+s5+$0x0] =	vst.idx.msk $0xffff, v2;
	v2 =	vadd.s32 v1, v4  }
0x91: {  	[tilespmem:s30], [sflag:$0x3] =	stream.linear.gather [hbm4b:s1+s10], $0xC80, $0x38;
	[tilespmem:$0x16700] =	vst v63  }
0x92: {  	_ =	swait.ge [sflag:s9], $0xC80  }
0x93: {  	[sflag:s9] =	ssyncset.done $0x0  }
0x94: {  	s31 =	simm.s32 $0x1;
	[sflag:s9] =	ssyncadd.s32 $0xFFFFF380  }
0x95: {  	v3 =	vshll.u32 v3, $0x7;
	v0 =	vmov s31;
	s10 =	simm.s32 $0x2;
	v2 =	vld.idx.msk [tilespmem:v2+s30+$0x0], $0xffff  }
.LBB2_12:
0x96: {  	p0 =	sne.s32 s10, $0xC7;
	v4 =	vand.u32 $0xFF, v0;
	v3 =	vor.u32 v11, v3  }
0x97: {  	v4 =	vadd.s32 v1, v4  }
.Ltmp5:
0x98: {  	(pc) =	sbr.rel @p0 .LBB2_12-.Ltmp5, $3  }
0x99: {  	_ =	sdelay $0x1  }
0x9a: {  	[tilespmem:v3+s5+$0x0] =	vst.idx.msk $0xffff, v2  }
0x9b: {  	v3 =	vshll.u32 v0, $0x7;
	v0 =	vmov s10;
	s10 =	sadd.s32 $0x1, s10;
	v2 =	vld.idx.msk [tilespmem:v4+s30+$0x0], $0xffff  }
0x9c: {  	v4 =	vand.u32 $0xFF, v0;
	v3 =	vor.u32 v11, v3  }
0x9d: {  	v4 =	vadd.s32 v1, v4;
	_ =	sdelay $0x3  }
0x9e: {  	v0 =	vshll.u32 v0, $0x7;
	[tilespmem:v3+s5+$0x0] =	vst.idx.msk $0xffff, v2  }
0x9f: {  	v0 =	vor.u32 v11, v0;
	v2 =	vld.idx.msk [tilespmem:v4+s30+$0x0], $0xffff;
	_ =	sdelay $0x1  }
0xa0: {  	s10 =	simm.s32 $0x0  }
0xa1: {  	v3 =	vmov s10  }
0xa2: {  	v4 =	vand.u32 $0xFF, v3  }
0xa3: {  	s1 =	rddreg [dreg:$0xc];
	[tilespmem:v0+s5+$0x0] =	vst.idx.msk $0xffff, v2;
	v2 =	vadd.s32 v1, v4  }
0xa4: {  	[tilespmem:s30], [sflag:$0x3] =	stream.linear.gather [hbm4b:s1+s10], $0xC80, $0x38;
	[tilespmem:$0x16700] =	vst v63  }
0xa5: {  	_ =	swait.ge [sflag:s9], $0xC80  }
0xa6: {  	[sflag:s9] =	ssyncset.done $0x0  }
0xa7: {  	s31 =	simm.s32 $0x1;
	[sflag:s9] =	ssyncadd.s32 $0xFFFFF380  }
0xa8: {  	v3 =	vshll.u32 v3, $0x7;
	v0 =	vmov s31;
	s10 =	simm.s32 $0x2;
	v2 =	vld.idx.msk [tilespmem:v2+s30+$0x0], $0xffff  }
.LBB2_14:
0xa9: {  	p0 =	sne.s32 s10, $0xC7;
	v4 =	vand.u32 $0xFF, v0;
	v3 =	vor.u32 v13, v3  }
0xaa: {  	v4 =	vadd.s32 v1, v4  }
.Ltmp6:
0xab: {  	(pc) =	sbr.rel @p0 .LBB2_14-.Ltmp6, $3  }
0xac: {  	_ =	sdelay $0x1  }
0xad: {  	[tilespmem:v3+s5+$0x0] =	vst.idx.msk $0xffff, v2  }
0xae: {  	v3 =	vshll.u32 v0, $0x7;
	v0 =	vmov s10;
	s10 =	sadd.s32 $0x1, s10;
	v2 =	vld.idx.msk [tilespmem:v4+s30+$0x0], $0xffff  }
0xaf: {  	v4 =	vand.u32 $0xFF, v0;
	v3 =	vor.u32 v13, v3  }
0xb0: {  	v4 =	vadd.s32 v1, v4;
	_ =	sdelay $0x3  }
0xb1: {  	v0 =	vshll.u32 v0, $0x7;
	[tilespmem:v3+s5+$0x0] =	vst.idx.msk $0xffff, v2  }
0xb2: {  	v0 =	vor.u32 v13, v0;
	v2 =	vld.idx.msk [tilespmem:v4+s30+$0x0], $0xffff;
	_ =	sdelay $0x1  }
0xb3: {  	s10 =	simm.s32 $0x0  }
0xb4: {  	v3 =	vmov s10  }
0xb5: {  	v4 =	vand.u32 $0xFF, v3  }
0xb6: {  	s1 =	rddreg [dreg:$0xd];
	[tilespmem:v0+s5+$0x0] =	vst.idx.msk $0xffff, v2;
	v2 =	vadd.s32 v1, v4  }
0xb7: {  	[tilespmem:s30], [sflag:$0x3] =	stream.linear.gather [hbm4b:s1+s10], $0xC80, $0x38;
	[tilespmem:$0x16700] =	vst v63  }
0xb8: {  	_ =	swait.ge [sflag:s9], $0xC80  }
0xb9: {  	[sflag:s9] =	ssyncset.done $0x0  }
0xba: {  	s31 =	simm.s32 $0x1;
	[sflag:s9] =	ssyncadd.s32 $0xFFFFF380  }
0xbb: {  	v3 =	vshll.u32 v3, $0x7;
	v0 =	vmov s31;
	s10 =	simm.s32 $0x2;
	v2 =	vld.idx.msk [tilespmem:v2+s30+$0x0], $0xffff  }
.LBB2_16:
0xbc: {  	p0 =	sne.s32 s10, $0xC7;
	v4 =	vand.u32 $0xFF, v0;
	v3 =	vor.u32 v14, v3  }
0xbd: {  	v4 =	vadd.s32 v1, v4  }
.Ltmp7:
0xbe: {  	(pc) =	sbr.rel @p0 .LBB2_16-.Ltmp7, $3  }
0xbf: {  	_ =	sdelay $0x1  }
0xc0: {  	[tilespmem:v3+s5+$0x0] =	vst.idx.msk $0xffff, v2  }
0xc1: {  	v3 =	vshll.u32 v0, $0x7;
	v0 =	vmov s10;
	s10 =	sadd.s32 $0x1, s10;
	v2 =	vld.idx.msk [tilespmem:v4+s30+$0x0], $0xffff  }
0xc2: {  	v4 =	vand.u32 $0xFF, v0;
	v3 =	vor.u32 v14, v3  }
0xc3: {  	v4 =	vadd.s32 v1, v4;
	_ =	sdelay $0x3  }
0xc4: {  	v63 =	vshll.u32 v0, $0x7;
	[tilespmem:v3+s5+$0x0] =	vst.idx.msk $0xffff, v2  }
0xc5: {  	v0 =	vor.u32 v14, v63;
	v2 =	vld.idx.msk [tilespmem:v4+s30+$0x0], $0xffff;
	_ =	sdelay $0x4  }
0xc6: {  	[tilespmem:v0+s5+$0x0] =	vst.idx.msk $0xffff, v2  }
0xc7: {  	v42 =	vld [tilespmem:$0x12280]  }
0xc8: {  	v43 =	vld [tilespmem:$0x12290]  }
0xc9: {  	v44 =	vld [tilespmem:$0x122A0]  }
0xca: {  	v45 =	vld [tilespmem:$0x122B0]  }
0xcb: {  	v46 =	vld [tilespmem:$0x122C0]  }
0xcc: {  	v47 =	vld [tilespmem:$0x122D0]  }
0xcd: {  	s10 =	simm.s32 $0x0;
	s1 =	simm.s32 $0x80;
	s8 =	simm.s32 $0x7080;
	v48 =	vld [tilespmem:$0x122E0]  }
0xce: {  	v49 =	vld [tilespmem:$0x122F0];
	[tilespmem:s8], [sflag:$0x1] =	stream.indirect.gather [hbm4b:s6+s1], $0x80, s10, s1, $0xb8  }
.LBB2_18:
0xcf: {  	_ =	swait.ge [sflag:s2], $0x4000;
	s11 =	sshllo.u32 s10, $0x1;
	s1 =	simm.s32 $0x80  }
0xd0: {  	s8 =	simm.s32 $0xB080;
	[sflag:s2] =	ssyncset.done $0x0;
	s12 =	sshll.u32 s11, $0x7  }
0xd1: {  	p0 =	seq.s32 s10, $0x0;
	[sflag:s2] =	ssyncadd.s32 $0xFFFFC000;
	s12 =	sand.u32 $0x3FFFFF80, s12  }
0xd2: {  	[tilespmem:s8], [sflag:$0x1] =	stream.indirect.gather [hbm4b:s6+s1], $0x80, s12, s1, $0xb8;
	[tilespmem:$0x16700] =	vst v63  }
0xd3: {  	s12 =	simm.s32 @!p0 $0x2  }
0xd4: {  	_ =	swait.ge @!p0 [sflag:s12], $0x2000  }
0xd5: {  	s13 =	sshll.u32 s10, $0x7;
	[sflag:s12] =	ssyncset.done @!p0 $0x0  }
0xd6: {  	s31 =	sand.u32 $0x3FFFFF80, s13;
	[sflag:s12] =	ssyncadd.s32 @!p0 $0xFFFFE000  }
0xd7: {  	v50 =	vld [tilespmem:s31+$0xF080]  }
0xd8: {  	v51 =	vld [tilespmem:s31+$0xF090]  }
0xd9: {  	v52 =	vld [tilespmem:s31+$0xF0A0]  }
0xda: {  	s13 =	simm.s32 $0x7280;
	s12 =	simm.s32 $0x7;
	v53 =	vld [tilespmem:s31+$0xF0B0]  }
.LBB2_19:
0xdb: {  	v0 =	vld [tilespmem:s13+$0xFFFFFE00]  }
0xdc: {  	v2 =	vld [tilespmem:s13+$0xFFFFFE10]  }
0xdd: {  	v3 =	vld [tilespmem:s13+$0xFFFFFE20]  }
0xde: {  	v4 =	vld [tilespmem:s13+$0xFFFFFE30];
	_ =	sdelay $0x1  }
0xdf: {  	v5 =	vld [tilespmem:s13+$0xFFFFFEB0]  }
0xe0: {  	v13 =	vld [tilespmem:s13+$0xFFFFFF10]  }
0xe1: {  	v23 =	vadd.f32 v0, v50;
	v22 =	vadd.f32 v2, v51;
	v0 =	vld [tilespmem:s13+$0xFFFFFE80]  }
0xe2: {  	v20 =	vadd.f32 v3, v52;
	v21 =	vadd.f32 v4, v53;
	v2 =	vld [tilespmem:s13+$0xFFFFFE90]  }
0xe3: {  	v3 =	vld [tilespmem:s13+$0xFFFFFEA0]  }
0xe4: {  	v9 =	vld [tilespmem:s13+$0xFFFFFF00];
	v34 =	vadd.f32 v22, v23;
	v6 =	vadd.f32 v21, v20  }
0xe5: {  	v16 =	vadd.f32 v5, v53;
	v13 =	vadd.f32 v13, v51;
	v7 =	vmul.f32 v23, v23  }
0xe6: {  	v8 =	vmul.f32 v22, v22;
	v4 =	vadd.f32 v6, v34;
	v19 =	vadd.f32 v0, v50;
	v0 =	vld [tilespmem:s13+$0xFFFFFF30]  }
0xe7: {  	v11 =	vmul.f32 v20, v20;
	v12 =	vmul.f32 v21, v21;
	v18 =	vadd.f32 v2, v51;
	v2 =	vld [tilespmem:s13+$0xFFFFFF80]  }
0xe8: {  	v7 =	vadd.f32 v8, v7;
	v17 =	vadd.f32 v3, v52;
	v3 =	vld [tilespmem:s13+$0xFFFFFF90];
	(xrf2) =	vadd.scan.msk.f32 $0xffff, v4  }
0xe9: {  	v35 =	vld [tilespmem:s13+$0xFFFFFF20];
	v8 =	vadd.f32 v12, v11;
	v12 =	vadd.f32 v9, v50  }
0xea: {  	v36 =	vld [tilespmem:s13+$0xFFFFFFA0];
	v56 =	vmul.f32 v16, v16;
	v37 =	vadd.f32 v18, v19;
	v38 =	vadd.f32 v16, v17  }
0xeb: {  	v39 =	vld [tilespmem:s13+$0x10];
	v7 =	vadd.f32 v8, v7;
	v54 =	vmul.f32 v19, v19;
	v55 =	vmul.f32 v18, v18  }
0xec: {  	v8 =	vld [tilespmem:s13+$0xFFFFFFB0];
	v9 =	vadd.f32 v38, v37;
	v11 =	vadd.f32 v2, v50;
	v2 =	vmul.f32 v17, v17  }
0xed: {  	(xrf2) =	vadd.scan.msk.f32 $0xffff, v7;
	v15 =	vadd.f32 v0, v53;
	v0 =	vld [tilespmem:s13+$0x0];
	v7 =	vadd.f32 v3, v51  }
0xee: {  	v3 =	vadd.f32 v55, v54;
	v2 =	vadd.f32 v56, v2  }
0xef: {  	v14 =	vadd.f32 v35, v52;
	v5 =	vadd.f32 v36, v52;
	(xrf2) =	vadd.scan.msk.f32 $0xffff, v9  }
0xf0: {  	v62 =	vadd.f32 v39, v51;
	v41 =	vmul.f32 v13, v13;
	v2 =	vadd.f32 v2, v3  }
0xf1: {  	v39 =	vmovc v26;
	v26 =	vld [tilespmem:s13+$0x120];
	v60 =	vmul.f32 v14, v14;
	v35 =	vmul.f32 v5, v5;
	v9 =	vadd.f32 v8, v53  }
0xf2: {  	v8 =	vmul.f32 v12, v12;
	v63 =	vadd.f32 v0, v50;
	v0, _, _ =	vpop (xrf2);
	(xrf2) =	vadd.scan.msk.f32 $0xffff, v2;
	v2 =	vadd.f32 v15, v14  }
0xf3: {  	v57 =	vld [tilespmem:s13+$0x90];
	v61 =	vmul.f32 v15, v15;
	(v2sf) =	vpush v0, $0xF;
	v0 =	vadd.f32 v13, v12  }
0xf4: {  	v36 =	vmov v25;
	v25 =	vld [tilespmem:s13+$0x110];
	v58 =	vmul.f32 v11, v11;
	v59 =	vmul.f32 v7, v7  }
0xf5: {  	v37 =	vmovc v27;
	v27 =	vld [tilespmem:s13+$0x130];
	v24 =	vmul.f32 v9, v9;
	v6 =	vadd.f32 v61, v60;
	v0 =	vadd.f32 v2, v0  }
0xf6: {  	v3 =	vld [tilespmem:s13+$0x20];
	v58 =	vadd.f32 v59, v58;
	v59 =	vadd.f32 v26, v52  }
0xf7: {  	v60 =	vld [tilespmem:s13+$0x100];
	v24 =	vadd.f32 v24, v35;
	v40, _, _ =	vpop (xrf2);
	v2 =	vadd.f32 v41, v8;
	(xrf2) =	vadd.scan.msk.f32 $0xffff, v0  }
0xf8: {  	v4 =	vld [tilespmem:s13+$0x30];
	v8 =	vadd.f32 v7, v11;
	v0 =	vadd.f32 v9, v5  }
0xf9: {  	v34 =	vld [tilespmem:s13+$0xB0];
	(v2sf) =	vpush v40, $0xF;
	v61, _, _ =	vpop (xrf2);
	v2 =	vadd.f32 v6, v2  }
0xfa: {  	v38 =	vld [tilespmem:s13+$0x180];
	(v2sf) =	vpush v61, $0xF;
	v0 =	vadd.f32 v0, v8  }
0xfb: {  	v55 =	vld [tilespmem:s13+$0x80];
	v24 =	vadd.f32 v24, v58;
	v58 =	vadd.f32 v27, v53;
	(xrf2) =	vadd.scan.msk.f32 $0xffff, v2  }
0xfc: {  	v54 =	vld [tilespmem:s13+$0xA0];
	v6 =	vadd.f32 v3, v52;
	v61 =	vadd.f32 v60, v50;
	(xrf2) =	vadd.scan.msk.f32 $0xffff, v0  }
0xfd: {  	v60 =	vadd.f32 v25, v51;
	v25 =	vld [tilespmem:s13+$0x1A0];
	v8 =	vadd.f32 v4, v53;
	v40, _, _ =	vpop (xrf2);
	(xrf2) =	vadd.scan.msk.f32 $0xffff, v24  }
0xfe: {  	v27 =	vadd.f32 v62, v63;
	v3 =	vadd.f32 v34, v53  }
0xff: {  	v41 =	vadd.f32 v8, v6;
	v24 =	vld [tilespmem:s13+$0x190];
	(v2sf) =	vpush v40, $0xF  }
0x100: {  	v34 =	vmov v29;
	v2 =	vadd.f32 v55, v50;
	v4 =	vadd.f32 v57, v51  }
0x101: {  	v29 =	vmul.f32 v6, v6;
	v0 =	vadd.f32 v54, v52;
	v54 =	vadd.f32 v38, v50;
	v26, _, _ =	vpop (xrf2)  }
0x102: {  	v38 =	vmovc v28;
	v28 =	vmul.f32 v62, v62;
	v56 =	vadd.f32 v25, v52;
	(v2sf) =	vpush v26, $0xF  }
0x103: {  	v26 =	vadd.f32 v41, v27;
	v27 =	vmul.f32 v63, v63;
	v41 =	vmovc v30;
	v30 =	vmul.f32 v8, v8  }
0x104: {  	v40 =	vmov v31;
	v31 =	vadd.f32 v58, v59;
	v55 =	vadd.f32 v24, v51;
	s14 =	spop (v2sf)  }
0x105: {  	s15 =	smul.f32 $1.562500000e-02, s14;
	v24, _, _ =	vpop (xrf2);
	(xrf2) =	vadd.scan.msk.f32 $0xffff, v26;
	v25 =	vadd.f32 v28, v27;
	v26 =	vadd.f32 v30, v29  }
0x106: {  	(v2sf) =	vpush v24, $0xF;
	v27 =	vmul.f32 v4, v4;
	v29 =	vadd.f32 v3, v0;
	v24, _, _ =	vpop (xrf2)  }
0x107: {  	v28 =	vmul.f32 v3, v3;
	s14 =	smul.f32 s15, s14;
	(v2sf) =	vpush v24, $0xF;
	v24, _, _ =	vpop (xrf2);
	v25 =	vadd.f32 v26, v25  }
0x108: {  	v57 =	vld [tilespmem:s13+$0x1B0];
	s24 =	spop (v2sf);
	v26 =	vmul.f32 v2, v2;
	(v2sf) =	vpush v24, $0xF;
	v24 =	vmul.f32 v0, v0  }
0x109: {  	v30 =	vadd.f32 v60, v61;
	s14 =	ssub.f32 s24, s14;
	s1 =	spop (v2sf);
	(xrf2) =	vadd.scan.msk.f32 $0xffff, v25;
	v25 =	vadd.f32 v4, v2  }
0x10a: {  	s31 =	smul.f32 $1.562500000e-02, s1;
	v26 =	vadd.f32 v27, v26;
	v24 =	vadd.f32 v28, v24  }
0x10b: {  	v27 =	vmul.f32 v61, v61;
	s14 =	smul.f32 $1.587301680e-02, s14;
	v28 =	vmul.f32 v60, v60;
	v25 =	vadd.f32 v29, v25  }
0x10c: {  	v29 =	vmul.f32 v58, v58;
	v24 =	vadd.f32 v24, v26;
	v26 =	vmul.f32 v59, v59  }
0x10d: {  	v57 =	vadd.f32 v57, v53;
	s24 =	smul.f32 s31, s1;
	s14 =	smax.f32 s14, $1.000000000e-30;
	v27 =	vadd.f32 v28, v27  }
0x10e: {  	s1 =	spop (v2sf);
	s25 =	sshra.s32 s14, $0x1;
	s14 =	smul.f32 $5.000000000e-01, s14;
	(xrf2) =	vadd.scan.msk.f32 $0xffff, v25;
	v25 =	vadd.f32 v31, v30;
	v26 =	vadd.f32 v29, v26  }
0x10f: {  	v1 =	vmov v32;
	s25 =	ssub.s32 $0x5F3759DF, s25;
	s1 =	ssub.f32 s1, s24;
	(xrf2) =	vadd.scan.msk.f32 $0xffff, v24  }
0x110: {  	v28 =	vmul.f32 v57, v57;
	v32, _, _ =	vpop (xrf2);
	s14 =	smul.f32 s25, s14;
	(xrf2) =	vadd.scan.msk.f32 $0xffff, v25;
	v25 =	vmul.f32 v56, v56;
	v24 =	vadd.f32 v26, v27  }
0x111: {  	(v2sf) =	vpush v32, $0xF;
	s1 =	smul.f32 $1.587301680e-02, s1;
	v26 =	vmul.f32 v54, v54;
	v27 =	vmul.f32 v55, v55  }
0x112: {  	v29 =	vadd.f32 v57, v56;
	s28 =	smul.f32 s25, s14;
	s8 =	spop (v2sf);
	(xrf2) =	vadd.scan.msk.f32 $0xffff, v24;
	v24 =	vadd.f32 v55, v54  }
0x113: {  	v25 =	vadd.f32 v28, v25;
	s1 =	smax.f32 s1, $1.000000000e-30;
	v26 =	vadd.f32 v27, v26;
	s14 =	smul.f32 $1.562500000e-02, s8  }
0x114: {  	s29 =	sshra.s32 s1, $0x1;
	s1 =	smul.f32 $5.000000000e-01, s1;
	v30, _, _ =	vpop (xrf2);
	v24 =	vadd.f32 v29, v24  }
0x115: {  	s28 =	ssub.f32 $1.500000000e+00, s28;
	s29 =	ssub.s32 $0x5F3759DF, s29;
	(v2sf) =	vpush v30, $0xF;
	v25 =	vadd.f32 v25, v26;
	s24 =	smul.f32 s14, s8  }
0x116: {  	s1 =	smul.f32 s29, s1  }
0x117: {  	s8 =	spop (v2sf);
	s25 =	smul.f32 s25, s28  }
0x118: {  	(xrf2) =	vadd.scan.msk.f32 $0xffff, v24;
	s8 =	ssub.f32 s8, s24;
	s1 =	smul.f32 s29, s1;
	v24, _, _ =	vpop (xrf2)  }
0x119: {  	s28 =	spop (v2sf);
	(xrf2) =	vadd.scan.msk.f32 $0xffff, v25;
	s15 =	smul.f32 s25, s15;
	v23 =	vmul.f32 s25, v23;
	v25, _, _ =	vpop (xrf2);
	(v2sf) =	vpush v24, $0xF  }
0x11a: {  	v22 =	vmul.f32 s25, v22;
	v20 =	vmul.f32 s25, v20;
	s8 =	smul.f32 $1.587301680e-02, s8;
	s1 =	ssub.f32 $1.500000000e+00, s1;
	v24, _, _ =	vpop (xrf2);
	(v2sf) =	vpush v25, $0xF  }
0x11b: {  	v21 =	vmul.f32 s25, v21;
	v25 =	vmov s15;
	s15 =	smul.f32 $1.562500000e-02, s28;
	(v2sf) =	vpush v24, $0xF  }
0x11c: {  	s26 =	sadd.s32 $0xFFFFFFF9, s12;
	s8 =	smax.f32 s8, $1.000000000e-30;
	s1 =	smul.f32 s29, s1;
	v23 =	vsub.f32 v23, v25;
	v22 =	vsub.f32 v22, v25  }
0x11d: {  	v24 =	vmov s26;
	v20 =	vsub.f32 v20, v25;
	v21 =	vsub.f32 v21, v25;
	s9 =	sshra.s32 s8, $0x1;
	s8 =	smul.f32 $5.000000000e-01, s8  }
0x11e: {  	v26, _, _ =	vpop (xrf2);
	v24 =	vshrl.u32 v24, $0x3;
	s28 =	smul.f32 s15, s28;
	v23 =	vmul.f32 v23, v42;
	v22 =	vmul.f32 v22, v43  }
0x11f: {  	s24 =	ssub.s32 $0x5F3759DF, s9;
	(v2sf) =	vpush v26, $0xF;
	s29 =	smul.f32 s1, s31;
	s9 =	spop (v2sf);
	v20 =	vmul.f32 v20, v44;
	v19 =	vmul.f32 s1, v19  }
0x120: {  	v24 =	vshll.u32 v24, v10;
	v21 =	vmul.f32 v21, v45;
	v18 =	vmul.f32 s1, v18;
	s8 =	smul.f32 s24, s8;
	s26 =	spop (v2sf)  }
0x121: {  	v17 =	vmul.f32 s1, v17;
	v16 =	vmul.f32 s1, v16;
	v23 =	vadd.f32 v23, v46;
	s31 =	smul.f32 $1.562500000e-02, s26  }
0x122: {  	v28 =	vld [tilespmem:$0x1FE90];
	v27 =	vmov s29;
	v22 =	vadd.f32 v22, v47;
	v20 =	vadd.f32 v20, v48;
	s8 =	smul.f32 s24, s8  }
0x123: {  	v25 =	vld [tilespmem:$0x1FEA0];
	v24 =	vbroadcast v24, $0x0;
	s9 =	ssub.f32 s9, s28;
	s28 =	sadd.s32 $0xFFFFFFFA, s12;
	v21 =	vadd.f32 v21, v49;
	v19 =	vsub.f32 v19, v27;
	s26 =	smul.f32 s31, s26  }
0x124: {  	v32 =	vld [tilespmem:$0x1FED0];
	v29 =	vmov s28;
	v26, _, _ =	vpop (xrf2);
	v18 =	vsub.f32 v18, v27;
	v17 =	vsub.f32 v17, v27;
	s8 =	ssub.f32 $1.500000000e+00, s8;
	s29 =	spop (v2sf)  }
0x125: {  	v31 =	vld [tilespmem:$0x1FEB0];
	s9 =	smul.f32 $1.587301680e-02, s9;
	v29 =	vshrl.u32 v29, $0x3;
	v16 =	vsub.f32 v16, v27;
	(v2sf) =	vpush v26, $0xF;
	v26, _, _ =	vpop (xrf2);
	s26 =	ssub.f32 s29, s26  }
0x126: {  	v29 =	vshll.u32 v29, v10;
	(v2sf) =	vpush v26, $0xF;
	v26 =	vld [tilespmem:$0x1FE60];
	v19 =	vmul.f32 v19, v42;
	s8 =	smul.f32 s24, s8  }
0x127: {  	v28 =	vadd.s32 v28, v24;
	s9 =	smax.f32 s9, $1.000000000e-30;
	v29 =	vbroadcast v29, $0x0;
	v18 =	vmul.f32 v18, v43;
	s24 =	smul.f32 $1.587301680e-02, s26  }
0x128: {  	v25 =	vadd.s32 v25, v24;
	v17 =	vmul.f32 v17, v44;
	v16 =	vmul.f32 v16, v45;
	s26 =	sshra.s32 s9, $0x1;
	s9 =	smul.f32 $5.000000000e-01, s9  }
0x129: {  	v27 =	vld [tilespmem:$0x1FEE0];
	s29 =	sadd.s32 $0xFFFFFFFB, s12;
	v19 =	vadd.f32 v19, v46;
	v18 =	vadd.f32 v18, v47;
	v32 =	vadd.s32 v32, v29;
	s14 =	smul.f32 s8, s14;
	s1 =	ssub.s32 $0x5F3759DF, s26  }
0x12a: {  	v17 =	vadd.f32 v17, v48;
	v16 =	vadd.f32 v16, v49;
	v30 =	vmov s29;
	s24 =	smax.f32 s24, $1.000000000e-30;
	s9 =	smul.f32 s1, s9  }
0x12b: {  	v12 =	vmul.f32 s8, v12;
	v26 =	vadd.s32 v26, v24;
	v24 =	vadd.s32 v31, v24;
	v31 =	vld [tilespmem:$0x1FEC0];
	s29 =	spop (v2sf);
	s28 =	sshra.s32 s24, $0x1;
	s24 =	smul.f32 $5.000000000e-01, s24  }
0x12c: {  	v35 =	vmovc v33;
	v13 =	vmul.f32 s8, v13;
	v14 =	vmul.f32 s8, v14;
	v33 =	vmov s14;
	s14 =	smul.f32 $1.562500000e-02, s29  }
0x12d: {  	v15 =	vmul.f32 s8, v15;
	v30 =	vshrl.u32 v30, $0x3;
	v12 =	vsub.f32 v12, v33;
	s25 =	ssub.s32 $0x5F3759DF, s28;
	s9 =	smul.f32 s1, s9  }
0x12e: {  	v27 =	vadd.s32 v27, v29;
	v30 =	vshll.u32 v30, v10;
	v13 =	vsub.f32 v13, v33;
	s24 =	smul.f32 s25, s24  }
0x12f: {  	v14 =	vsub.f32 v14, v33;
	v15 =	vsub.f32 v15, v33;
	s26 =	smul.f32 s14, s29;
	v12 =	vmul.f32 v12, v42  }
0x130: {  	s29 =	spop (v2sf);
	v31 =	vadd.s32 v31, v29;
	s9 =	ssub.f32 $1.500000000e+00, s9;
	[tilespmem:v26+s3+$0x0] =	vst.idx.msk $0xffff, v23;
	v26 =	vadd.s32 v41, v29;
	v29 =	vld [tilespmem:$0x1FEF0]  }
0x131: {  	v13 =	vmul.f32 v13, v43;
	v14 =	vmul.f32 v14, v44;
	s24 =	smul.f32 s25, s24;
	s8 =	ssub.f32 s29, s26;
	[tilespmem:v28+s3+$0x0] =	vst.idx.msk $0xffff, v22;
	v22 =	vld [tilespmem:$0x1FF00]  }
0x132: {  	v15 =	vmul.f32 v15, v45;
	v12 =	vadd.f32 v12, v46;
	s1 =	smul.f32 s1, s9;
	[tilespmem:v25+s3+$0x0] =	vst.idx.msk $0xffff, v20;
	v20 =	vld [tilespmem:$0x1FF10]  }
0x133: {  	v23 =	vbroadcast v30, $0x0;
	v13 =	vadd.f32 v13, v47;
	v14 =	vadd.f32 v14, v48;
	s28 =	ssub.f32 $1.500000000e+00, s24;
	s8 =	smul.f32 $1.587301680e-02, s8  }
0x134: {  	v15 =	vadd.f32 v15, v49;
	s15 =	smul.f32 s1, s15;
	v11 =	vmul.f32 s1, v11;
	v7 =	vmul.f32 s1, v7  }
0x135: {  	[tilespmem:v24+s3+$0x0] =	vst.idx.msk $0xffff, v21;
	v5 =	vmul.f32 s1, v5;
	v9 =	vmul.f32 s1, v9;
	s24 =	smul.f32 s25, s28;
	s25 =	sadd.s32 $0xFFFFFFFC, s12;
	v29 =	vadd.s32 v29, v23  }
0x136: {  	s8 =	smax.f32 s8, $1.000000000e-30;
	[tilespmem:v31+s3+$0x0] =	vst.idx.msk $0xffff, v19;
	v22 =	vadd.s32 v22, v23;
	v28 =	vmov s25;
	v21 =	vmov s15  }
0x137: {  	s26 =	spop (v2sf);
	s29 =	sshra.s32 s8, $0x1;
	s8 =	smul.f32 $5.000000000e-01, s8;
	[tilespmem:v32+s3+$0x0] =	vst.idx.msk $0xffff, v18;
	v20 =	vadd.s32 v20, v23;
	v11 =	vsub.f32 v11, v21;
	v18 =	vshrl.u32 v28, $0x3  }
0x138: {  	s15 =	smul.f32 $1.562500000e-02, s26;
	v7 =	vsub.f32 v7, v21;
	v5 =	vsub.f32 v5, v21;
	v23 =	vadd.s32 v37, v23  }
0x139: {  	s25 =	smul.f32 s24, s31;
	s1 =	ssub.s32 $0x5F3759DF, s29;
	[tilespmem:v27+s3+$0x0] =	vst.idx.msk $0xffff, v17;
	v9 =	vsub.f32 v9, v21;
	v6 =	vmul.f32 s24, v6;
	v8 =	vmul.f32 s24, v8  }
0x13a: {  	v18 =	vshll.u32 v18, v10;
	s8 =	smul.f32 s1, s8;
	[tilespmem:v26+s3+$0x0] =	vst.idx.msk $0xffff, v16;
	v16 =	vmul.f32 s24, v63;
	v11 =	vmul.f32 v11, v42  }
0x13b: {  	s28 =	sadd.s32 $0xFFFFFFFD, s12;
	s9 =	smul.f32 s15, s26;
	v17 =	vbroadcast v18, $0x0;
	v18 =	vmov s25;
	v7 =	vmul.f32 v7, v43  }
0x13c: {  	v19 =	vmov s28;
	s31 =	spop (v2sf);
	v5 =	vmul.f32 v5, v44;
	[tilespmem:v29+s3+$0x0] =	vst.idx.msk $0xffff, v12;
	v12 =	vsub.f32 v16, v18  }
0x13d: {  	s9 =	ssub.f32 s31, s9;
	s8 =	smul.f32 s1, s8;
	v6 =	vsub.f32 v6, v18;
	v8 =	vsub.f32 v8, v18;
	v24 =	vadd.s32 v38, v17  }
0x13e: {  	v9 =	vmul.f32 v9, v45;
	v11 =	vadd.f32 v11, v46;
	v7 =	vadd.f32 v7, v47  }
0x13f: {  	v19 =	vshrl.u32 v19, $0x3;
	v21 =	vadd.s32 v39, v17;
	v5 =	vadd.f32 v5, v48;
	[tilespmem:v22+s3+$0x0] =	vst.idx.msk $0xffff, v13;
	s8 =	ssub.f32 $1.500000000e+00, s8;
	s9 =	smul.f32 $1.587301680e-02, s9  }
0x140: {  	v16 =	vmul.f32 s24, v62;
	v25 =	vadd.s32 v40, v17;
	v13 =	vshll.u32 v19, v10;
	[tilespmem:v20+s3+$0x0] =	vst.idx.msk $0xffff, v14  }
0x141: {  	s25 =	sadd.s32 $0xFFFFFFFE, s12;
	v9 =	vadd.f32 v9, v49;
	v12 =	vmul.f32 v12, v42;
	[tilespmem:v23+s3+$0x0] =	vst.idx.msk $0xffff, v15;
	s1 =	smul.f32 s1, s8;
	s24 =	smax.f32 s9, $1.000000000e-30  }
0x142: {  	v22 =	vmov s25;
	v16 =	vsub.f32 v16, v18;
	v20 =	vadd.s32 v34, v17;
	s26 =	sshra.s32 s24, $0x1;
	s8 =	smul.f32 $5.000000000e-01, s24;
	[tilespmem:v24+s3+$0x0] =	vst.idx.msk $0xffff, v11;
	v24 =	vld [tilespmem:$0x1FF30]  }
0x143: {  	v13 =	vbroadcast v13, $0x0;
	v6 =	vmul.f32 v6, v44;
	v14 =	vshrl.u32 v22, $0x3;
	s14 =	smul.f32 s1, s14;
	s28 =	ssub.s32 $0x5F3759DF, s26  }
0x144: {  	s29 =	spop (v2sf);
	v62 =	vld [tilespmem:$0x1FF40];
	v8 =	vmul.f32 v8, v45;
	v14 =	vshll.u32 v14, v10;
	v16 =	vmul.f32 v16, v43;
	s8 =	smul.f32 s28, s8  }
0x145: {  	v12 =	vadd.f32 v12, v46;
	v6 =	vadd.f32 v6, v48;
	v11 =	vmov s14;
	s14 =	smul.f32 $1.562500000e-02, s29  }
0x146: {  	v22 =	vadd.s32 v1, v13;
	v23 =	vbroadcast v14, $0x0;
	v8 =	vadd.f32 v8, v49;
	[tilespmem:v21+s3+$0x0] =	vst.idx.msk $0xffff, v7;
	s31 =	smul.f32 s28, s8  }
0x147: {  	v2 =	vmul.f32 s1, v2;
	v4 =	vmul.f32 s1, v4;
	[tilespmem:v25+s3+$0x0] =	vst.idx.msk $0xffff, v5;
	s24 =	smul.f32 s14, s29;
	v21 =	vadd.s32 v24, v13  }
0x148: {  	s25 =	sadd.s32 $0xFFFFFFFF, s12;
	v0 =	vmul.f32 s1, v0;
	v3 =	vmul.f32 s1, v3;
	s26 =	spop (v2sf);
	[tilespmem:v20+s3+$0x0] =	vst.idx.msk $0xffff, v9;
	v9 =	vadd.s32 v36, v13;
	s1 =	ssub.f32 $1.500000000e+00, s31  }
0x149: {  	v16 =	vadd.f32 v16, v47;
	v14 =	vadd.s32 v62, v23;
	v62 =	vld [tilespmem:$0x1FF60];
	v5 =	vmov s25;
	s8 =	ssub.f32 s26, s24  }
0x14a: {  	v2 =	vsub.f32 v2, v11;
	v4 =	vsub.f32 v4, v11;
	v13 =	vadd.s32 v35, v13;
	s1 =	smul.f32 s28, s1  }
0x14b: {  	v63 =	vld [tilespmem:$0x1FF50];
	v0 =	vsub.f32 v0, v11;
	v3 =	vsub.f32 v3, v11;
	v5 =	vshrl.u32 v5, $0x3;
	s8 =	smul.f32 $1.587301680e-02, s8  }
0x14c: {  	v5 =	vshll.u32 v5, v10;
	v2 =	vmul.f32 v2, v42;
	[tilespmem:v21+s3+$0x0] =	vst.idx.msk $0xffff, v12;
	v21 =	vld [tilespmem:$0x1FF90]  }
0x14d: {  	v4 =	vmul.f32 v4, v43;
	v0 =	vmul.f32 v0, v44;
	s9 =	smul.f32 s1, s15;
	s8 =	smax.f32 s8, $1.000000000e-30;
	[tilespmem:v9+s3+$0x0] =	vst.idx.msk $0xffff, v16  }
0x14e: {  	v19 =	vadd.s32 v62, v23;
	v2 =	vadd.f32 v2, v46;
	s28 =	sshra.s32 s8, $0x1;
	s8 =	smul.f32 $5.000000000e-01, s8;
	[tilespmem:v22+s3+$0x0] =	vst.idx.msk $0xffff, v6  }
0x14f: {  	v3 =	vmul.f32 v3, v45;
	v62 =	vld [tilespmem:$0x1FF80];
	v4 =	vadd.f32 v4, v47;
	v11 =	vmov s9;
	s9 =	ssub.s32 $0x5F3759DF, s28;
	[tilespmem:v13+s3+$0x0] =	vst.idx.msk $0xffff, v8  }
0x150: {  	v5 =	vbroadcast v5, $0x0;
	v0 =	vadd.f32 v0, v48;
	v9 =	vadd.s32 v63, v23;
	s8 =	smul.f32 s9, s8;
	[tilespmem:v14+s3+$0x0] =	vst.idx.msk $0xffff, v2;
	v14 =	vld [tilespmem:$0x1FF70]  }
0x151: {  	v20 =	vmul.f32 s1, v61;
	v61 =	vmul.f32 s1, v59;
	v22 =	vadd.s32 v21, v23;
	v23 =	vld [tilespmem:$0x1FFA0]  }
0x152: {  	v3 =	vadd.f32 v3, v49;
	v63 =	vmul.f32 s1, v58;
	v8 =	vmul.f32 s1, v60;
	s8 =	smul.f32 s9, s8  }
0x153: {  	v6 =	vsub.f32 v61, v11;
	v2 =	vsub.f32 v20, v11  }
0x154: {  	v16 =	vsub.f32 v8, v11;
	v8 =	vadd.s32 v62, v5;
	v11 =	vsub.f32 v63, v11;
	s29 =	ssub.f32 $1.500000000e+00, s8  }
0x155: {  	v60 =	vld [tilespmem:$0x1FFD0];
	[tilespmem:v9+s3+$0x0] =	vst.idx.msk $0xffff, v4;
	v2 =	vmul.f32 v2, v42;
	v9 =	vadd.s32 v14, v5  }
0x156: {  	v17 =	vmov s12;
	v21 =	vld [tilespmem:$0x1FFB0];
	v4 =	vmul.f32 v16, v43;
	[tilespmem:v19+s3+$0x0] =	vst.idx.msk $0xffff, v0;
	s1 =	smul.f32 s9, s29;
	v0 =	vadd.s32 v23, v5  }
0x157: {  	v18 =	vshrl.u32 v17, $0x3;
	v2 =	vadd.f32 v2, v46;
	[tilespmem:v22+s3+$0x0] =	vst.idx.msk $0xffff, v3;
	v3 =	vmul.f32 v6, v44;
	v23 =	vld [tilespmem:$0x1FFC0]  }
0x158: {  	v20 =	vmul.f32 v11, v45;
	v4 =	vadd.f32 v4, v47;
	v6 =	vshll.u32 v18, v10;
	s31 =	smul.f32 s1, s14  }
0x159: {  	v61 =	vld [tilespmem:$0x1FFE0];
	[tilespmem:v8+s3+$0x0] =	vst.idx.msk $0xffff, v2;
	v6 =	vbroadcast v6, $0x0;
	v2 =	vadd.f32 v3, v48;
	v3 =	vmul.f32 s1, v54  }
0x15a: {  	v19 =	vld [tilespmem:$0x1FFF0];
	v22 =	vmul.f32 s1, v55;
	v11 =	vmul.f32 s1, v57;
	v8 =	vmov s31;
	[tilespmem:v9+s3+$0x0] =	vst.idx.msk $0xffff, v4  }
0x15b: {  	v9 =	vmul.f32 s1, v56;
	[tilespmem:v0+s3+$0x0] =	vst.idx.msk $0xffff, v2;
	v0 =	vadd.s32 v21, v5;
	v2 =	vsub.f32 v3, v8  }
0x15c: {  	v63 =	vadd.s32 v60, v6;
	v4 =	vsub.f32 v22, v8;
	v62 =	vadd.s32 v23, v6  }
0x15d: {  	v3 =	vadd.f32 v20, v49;
	v9 =	vsub.f32 v9, v8;
	v2 =	vmul.f32 v2, v42  }
0x15e: {  	v4 =	vmul.f32 v4, v43;
	v8 =	vsub.f32 v11, v8;
	v11 =	vadd.s32 v61, v6  }
0x15f: {  	p0 =	sne.s32 s12, $0x7F;
	v6 =	vadd.s32 v19, v6;
	v9 =	vmul.f32 v9, v44;
	v2 =	vadd.f32 v2, v46  }
.Ltmp8:
0x160: {  	[tilespmem:v0+s3+$0x0] =	vst.idx.msk $0xffff, v3;
	v0 =	vadd.f32 v4, v47;
	v3 =	vmul.f32 v8, v45;
	(pc) =	sbr.rel @p0 .LBB2_19-.Ltmp8, $4  }
0x161: {  	[tilespmem:v62+s3+$0x0] =	vst.idx.msk $0xffff, v2;
	v2 =	vadd.f32 v9, v48  }
0x162: {  	[tilespmem:v63+s3+$0x0] =	vst.idx.msk $0xffff, v0;
	v0 =	vadd.f32 v3, v49  }
0x163: {  	v33 =	vmovc v35;
	v30 =	vmov v41;
	v31 =	vmov v40;
	v32 =	vmov v1;
	[tilespmem:v11+s3+$0x0] =	vst.idx.msk $0xffff, v2  }
0x164: {  	s13 =	sadd.s32 $0x400, s13;
	v27 =	vmovc v37;
	v26 =	vmovc v39;
	v28 =	vmov v38;
	v29 =	vmov v34;
	s12 =	sadd.s32 $0x8, s12;
	v25 =	vmov v36;
	[tilespmem:v6+s3+$0x0] =	vst.idx.msk $0xffff, v0  }
0x165: {  	s1 =	sshll.u32 s10, $0x13  }
0x166: {  	s1 =	sor.u32 s16, s1  }
0x167: {  	s12 =	sshrl.u32 s1, $0x3  }
0x168: {  	s1 =	sadd.s32 s4, s12  }
0x169: {  	[hbm4b:s1+s5] =	stream.linear.scatter [tilespmem:s3], [sflag:$0x2], $0x80, $0x38;
	[tilespmem:$0x16700] =	vst v63  }
0x16a: {  	s9 =	simm.s32 $0x12388;
	s8 =	sadd.s32 $0x10, s1  }
0x16b: {  	[hbm4b:s8+s5] =	stream.linear.scatter [tilespmem:s9], [sflag:$0x2], $0x80, $0x38;
	[tilespmem:$0x16700] =	vst v63  }
0x16c: {  	s13 =	simm.s32 $0x12410;
	s9 =	sadd.s32 $0x20, s1  }
0x16d: {  	[hbm4b:s9+s5] =	stream.linear.scatter [tilespmem:s13], [sflag:$0x2], $0x80, $0x38;
	[tilespmem:$0x16700] =	vst v63  }
0x16e: {  	s15 =	simm.s32 $0x12498;
	s14 =	sadd.s32 $0x30, s1  }
0x16f: {  	[hbm4b:s14+s5] =	stream.linear.scatter [tilespmem:s15], [sflag:$0x2], $0x80, $0x38;
	[tilespmem:$0x16700] =	vst v63  }
0x170: {  	s25 =	simm.s32 $0x12520;
	s24 =	sadd.s32 $0x40, s1  }
0x171: {  	[hbm4b:s24+s5] =	stream.linear.scatter [tilespmem:s25], [sflag:$0x2], $0x80, $0x38;
	[tilespmem:$0x16700] =	vst v63  }
0x172: {  	s28 =	simm.s32 $0x125A8;
	s26 =	sadd.s32 $0x50, s1  }
0x173: {  	[hbm4b:s26+s5] =	stream.linear.scatter [tilespmem:s28], [sflag:$0x2], $0x80, $0x38;
	[tilespmem:$0x16700] =	vst v63  }
0x174: {  	s31 =	simm.s32 $0x12630;
	s29 =	sadd.s32 $0x60, s1  }
0x175: {  	[hbm4b:s29+s5] =	stream.linear.scatter [tilespmem:s31], [sflag:$0x2], $0x80, $0x38;
	[tilespmem:$0x16700] =	vst v63  }
0x176: {  	s1 =	sadd.s32 $0x70, s1;
	s9 =	simm.s32 $0x126B8  }
0x177: {  	[hbm4b:s1+s5] =	stream.linear.scatter [tilespmem:s9], [sflag:$0x2], $0x80, $0x38;
	[tilespmem:$0x16700] =	vst v63  }
0x178: {  	s13 =	simm.s32 $0x12740;
	s1 =	sadd.s32 s12, s17  }
0x179: {  	[hbm4b:s1+s5] =	stream.linear.scatter [tilespmem:s13], [sflag:$0x2], $0x80, $0x38;
	[tilespmem:$0x16700] =	vst v63  }
0x17a: {  	s15 =	simm.s32 $0x127C8;
	s14 =	sadd.s32 $0x10, s1  }
0x17b: {  	[hbm4b:s14+s5] =	stream.linear.scatter [tilespmem:s15], [sflag:$0x2], $0x80, $0x38;
	[tilespmem:$0x16700] =	vst v63  }
0x17c: {  	s25 =	simm.s32 $0x12850;
	s24 =	sadd.s32 $0x20, s1  }
0x17d: {  	[hbm4b:s24+s5] =	stream.linear.scatter [tilespmem:s25], [sflag:$0x2], $0x80, $0x38;
	[tilespmem:$0x16700] =	vst v63  }
0x17e: {  	s28 =	simm.s32 $0x128D8;
	s26 =	sadd.s32 $0x30, s1  }
0x17f: {  	[hbm4b:s26+s5] =	stream.linear.scatter [tilespmem:s28], [sflag:$0x2], $0x80, $0x38;
	[tilespmem:$0x16700] =	vst v63  }
0x180: {  	s31 =	simm.s32 $0x12960;
	s29 =	sadd.s32 $0x40, s1  }
0x181: {  	[hbm4b:s29+s5] =	stream.linear.scatter [tilespmem:s31], [sflag:$0x2], $0x80, $0x38;
	[tilespmem:$0x16700] =	vst v63  }
0x182: {  	s9 =	sadd.s32 $0x50, s1;
	s13 =	simm.s32 $0x129E8  }
0x183: {  	[hbm4b:s9+s5] =	stream.linear.scatter [tilespmem:s13], [sflag:$0x2], $0x80, $0x38;
	[tilespmem:$0x16700] =	vst v63  }
0x184: {  	s14 =	sadd.s32 $0x60, s1;
	s15 =	simm.s32 $0x12A70  }
0x185: {  	[hbm4b:s14+s5] =	stream.linear.scatter [tilespmem:s15], [sflag:$0x2], $0x80, $0x38;
	[tilespmem:$0x16700] =	vst v63  }
0x186: {  	s1 =	sadd.s32 $0x70, s1;
	s24 =	simm.s32 $0x12AF8  }
0x187: {  	[hbm4b:s1+s5] =	stream.linear.scatter [tilespmem:s24], [sflag:$0x2], $0x80, $0x38;
	[tilespmem:$0x16700] =	vst v63  }
0x188: {  	s25 =	simm.s32 $0x12B80;
	s1 =	sadd.s32 s12, s18  }
0x189: {  	[hbm4b:s1+s5] =	stream.linear.scatter [tilespmem:s25], [sflag:$0x2], $0x80, $0x38;
	[tilespmem:$0x16700] =	vst v63  }
0x18a: {  	s28 =	simm.s32 $0x12C08;
	s26 =	sadd.s32 $0x10, s1  }
0x18b: {  	[hbm4b:s26+s5] =	stream.linear.scatter [tilespmem:s28], [sflag:$0x2], $0x80, $0x38;
	[tilespmem:$0x16700] =	vst v63  }
0x18c: {  	s31 =	simm.s32 $0x12C90;
	s29 =	sadd.s32 $0x20, s1  }
0x18d: {  	[hbm4b:s29+s5] =	stream.linear.scatter [tilespmem:s31], [sflag:$0x2], $0x80, $0x38;
	[tilespmem:$0x16700] =	vst v63  }
0x18e: {  	s13 =	simm.s32 $0x12D18;
	s9 =	sadd.s32 $0x30, s1  }
0x18f: {  	[hbm4b:s9+s5] =	stream.linear.scatter [tilespmem:s13], [sflag:$0x2], $0x80, $0x38;
	[tilespmem:$0x16700] =	vst v63  }
0x190: {  	s15 =	simm.s32 $0x12DA0;
	s14 =	sadd.s32 $0x40, s1  }
0x191: {  	[hbm4b:s14+s5] =	stream.linear.scatter [tilespmem:s15], [sflag:$0x2], $0x80, $0x38;
	[tilespmem:$0x16700] =	vst v63  }
0x192: {  	s24 =	sadd.s32 $0x50, s1;
	s25 =	simm.s32 $0x12E28  }
0x193: {  	[hbm4b:s24+s5] =	stream.linear.scatter [tilespmem:s25], [sflag:$0x2], $0x80, $0x38;
	[tilespmem:$0x16700] =	vst v63  }
0x194: {  	s26 =	sadd.s32 $0x60, s1;
	s28 =	simm.s32 $0x12EB0  }
0x195: {  	[hbm4b:s26+s5] =	stream.linear.scatter [tilespmem:s28], [sflag:$0x2], $0x80, $0x38;
	[tilespmem:$0x16700] =	vst v63  }
0x196: {  	s1 =	sadd.s32 $0x70, s1;
	s29 =	simm.s32 $0x12F38  }
0x197: {  	[hbm4b:s1+s5] =	stream.linear.scatter [tilespmem:s29], [sflag:$0x2], $0x80, $0x38;
	[tilespmem:$0x16700] =	vst v63  }
0x198: {  	s31 =	simm.s32 $0x12FC0;
	s1 =	sadd.s32 s12, s19  }
0x199: {  	[hbm4b:s1+s5] =	stream.linear.scatter [tilespmem:s31], [sflag:$0x2], $0x80, $0x38;
	[tilespmem:$0x16700] =	vst v63  }
0x19a: {  	s13 =	simm.s32 $0x13048;
	s9 =	sadd.s32 $0x10, s1  }
0x19b: {  	[hbm4b:s9+s5] =	stream.linear.scatter [tilespmem:s13], [sflag:$0x2], $0x80, $0x38;
	[tilespmem:$0x16700] =	vst v63  }
0x19c: {  	s15 =	simm.s32 $0x130D0;
	s14 =	sadd.s32 $0x20, s1  }
0x19d: {  	[hbm4b:s14+s5] =	stream.linear.scatter [tilespmem:s15], [sflag:$0x2], $0x80, $0x38;
	[tilespmem:$0x16700] =	vst v63  }
0x19e: {  	s25 =	simm.s32 $0x13158;
	s24 =	sadd.s32 $0x30, s1  }
0x19f: {  	[hbm4b:s24+s5] =	stream.linear.scatter [tilespmem:s25], [sflag:$0x2], $0x80, $0x38;
	[tilespmem:$0x16700] =	vst v63  }
0x1a0: {  	s28 =	simm.s32 $0x131E0;
	s26 =	sadd.s32 $0x40, s1  }
0x1a1: {  	[hbm4b:s26+s5] =	stream.linear.scatter [tilespmem:s28], [sflag:$0x2], $0x80, $0x38;
	[tilespmem:$0x16700] =	vst v63  }
0x1a2: {  	s29 =	sadd.s32 $0x50, s1;
	s31 =	simm.s32 $0x13268  }
0x1a3: {  	[hbm4b:s29+s5] =	stream.linear.scatter [tilespmem:s31], [sflag:$0x2], $0x80, $0x38;
	[tilespmem:$0x16700] =	vst v63  }
0x1a4: {  	s9 =	sadd.s32 $0x60, s1;
	s13 =	simm.s32 $0x132F0  }
0x1a5: {  	[hbm4b:s9+s5] =	stream.linear.scatter [tilespmem:s13], [sflag:$0x2], $0x80, $0x38;
	[tilespmem:$0x16700] =	vst v63  }
0x1a6: {  	s1 =	sadd.s32 $0x70, s1;
	s14 =	simm.s32 $0x13378  }
0x1a7: {  	[hbm4b:s1+s5] =	stream.linear.scatter [tilespmem:s14], [sflag:$0x2], $0x80, $0x38;
	[tilespmem:$0x16700] =	vst v63  }
0x1a8: {  	s15 =	simm.s32 $0x13400;
	s1 =	sadd.s32 s12, s20  }
0x1a9: {  	[hbm4b:s1+s5] =	stream.linear.scatter [tilespmem:s15], [sflag:$0x2], $0x80, $0x38;
	[tilespmem:$0x16700] =	vst v63  }
0x1aa: {  	s25 =	simm.s32 $0x13488;
	s24 =	sadd.s32 $0x10, s1  }
0x1ab: {  	[hbm4b:s24+s5] =	stream.linear.scatter [tilespmem:s25], [sflag:$0x2], $0x80, $0x38;
	[tilespmem:$0x16700] =	vst v63  }
0x1ac: {  	s28 =	simm.s32 $0x13510;
	s26 =	sadd.s32 $0x20, s1  }
0x1ad: {  	[hbm4b:s26+s5] =	stream.linear.scatter [tilespmem:s28], [sflag:$0x2], $0x80, $0x38;
	[tilespmem:$0x16700] =	vst v63  }
0x1ae: {  	s31 =	simm.s32 $0x13598;
	s29 =	sadd.s32 $0x30, s1  }
0x1af: {  	[hbm4b:s29+s5] =	stream.linear.scatter [tilespmem:s31], [sflag:$0x2], $0x80, $0x38;
	[tilespmem:$0x16700] =	vst v63  }
0x1b0: {  	s13 =	simm.s32 $0x13620;
	s9 =	sadd.s32 $0x40, s1  }
0x1b1: {  	[hbm4b:s9+s5] =	stream.linear.scatter [tilespmem:s13], [sflag:$0x2], $0x80, $0x38;
	[tilespmem:$0x16700] =	vst v63  }
0x1b2: {  	s14 =	sadd.s32 $0x50, s1;
	s15 =	simm.s32 $0x136A8  }
0x1b3: {  	[hbm4b:s14+s5] =	stream.linear.scatter [tilespmem:s15], [sflag:$0x2], $0x80, $0x38;
	[tilespmem:$0x16700] =	vst v63  }
0x1b4: {  	s24 =	sadd.s32 $0x60, s1;
	s25 =	simm.s32 $0x13730  }
0x1b5: {  	[hbm4b:s24+s5] =	stream.linear.scatter [tilespmem:s25], [sflag:$0x2], $0x80, $0x38;
	[tilespmem:$0x16700] =	vst v63  }
0x1b6: {  	s1 =	sadd.s32 $0x70, s1;
	s26 =	simm.s32 $0x137B8  }
0x1b7: {  	[hbm4b:s1+s5] =	stream.linear.scatter [tilespmem:s26], [sflag:$0x2], $0x80, $0x38;
	[tilespmem:$0x16700] =	vst v63  }
0x1b8: {  	s28 =	simm.s32 $0x13840;
	s1 =	sadd.s32 s12, s21  }
0x1b9: {  	[hbm4b:s1+s5] =	stream.linear.scatter [tilespmem:s28], [sflag:$0x2], $0x80, $0x38;
	[tilespmem:$0x16700] =	vst v63  }
0x1ba: {  	s31 =	simm.s32 $0x138C8;
	s29 =	sadd.s32 $0x10, s1  }
0x1bb: {  	[hbm4b:s29+s5] =	stream.linear.scatter [tilespmem:s31], [sflag:$0x2], $0x80, $0x38;
	[tilespmem:$0x16700] =	vst v63  }
0x1bc: {  	s13 =	simm.s32 $0x13950;
	s9 =	sadd.s32 $0x20, s1  }
0x1bd: {  	[hbm4b:s9+s5] =	stream.linear.scatter [tilespmem:s13], [sflag:$0x2], $0x80, $0x38;
	[tilespmem:$0x16700] =	vst v63  }
0x1be: {  	s15 =	simm.s32 $0x139D8;
	s14 =	sadd.s32 $0x30, s1  }
0x1bf: {  	[hbm4b:s14+s5] =	stream.linear.scatter [tilespmem:s15], [sflag:$0x2], $0x80, $0x38;
	[tilespmem:$0x16700] =	vst v63  }
0x1c0: {  	s25 =	simm.s32 $0x13A60;
	s24 =	sadd.s32 $0x40, s1  }
0x1c1: {  	[hbm4b:s24+s5] =	stream.linear.scatter [tilespmem:s25], [sflag:$0x2], $0x80, $0x38;
	[tilespmem:$0x16700] =	vst v63  }
0x1c2: {  	s26 =	sadd.s32 $0x50, s1;
	s28 =	simm.s32 $0x13AE8  }
0x1c3: {  	[hbm4b:s26+s5] =	stream.linear.scatter [tilespmem:s28], [sflag:$0x2], $0x80, $0x38;
	[tilespmem:$0x16700] =	vst v63  }
0x1c4: {  	s29 =	sadd.s32 $0x60, s1;
	s31 =	simm.s32 $0x13B70  }
0x1c5: {  	[hbm4b:s29+s5] =	stream.linear.scatter [tilespmem:s31], [sflag:$0x2], $0x80, $0x38;
	[tilespmem:$0x16700] =	vst v63  }
0x1c6: {  	s1 =	sadd.s32 $0x70, s1;
	s9 =	simm.s32 $0x13BF8  }
0x1c7: {  	[hbm4b:s1+s5] =	stream.linear.scatter [tilespmem:s9], [sflag:$0x2], $0x80, $0x38;
	[tilespmem:$0x16700] =	vst v63  }
0x1c8: {  	s13 =	simm.s32 $0x13C80;
	s1 =	sadd.s32 s12, s22  }
0x1c9: {  	[hbm4b:s1+s5] =	stream.linear.scatter [tilespmem:s13], [sflag:$0x2], $0x80, $0x38;
	[tilespmem:$0x16700] =	vst v63  }
0x1ca: {  	s15 =	simm.s32 $0x13D08;
	s14 =	sadd.s32 $0x10, s1  }
0x1cb: {  	[hbm4b:s14+s5] =	stream.linear.scatter [tilespmem:s15], [sflag:$0x2], $0x80, $0x38;
	[tilespmem:$0x16700] =	vst v63  }
0x1cc: {  	s25 =	simm.s32 $0x13D90;
	s24 =	sadd.s32 $0x20, s1  }
0x1cd: {  	[hbm4b:s24+s5] =	stream.linear.scatter [tilespmem:s25], [sflag:$0x2], $0x80, $0x38;
	[tilespmem:$0x16700] =	vst v63  }
0x1ce: {  	s28 =	simm.s32 $0x13E18;
	s26 =	sadd.s32 $0x30, s1  }
0x1cf: {  	[hbm4b:s26+s5] =	stream.linear.scatter [tilespmem:s28], [sflag:$0x2], $0x80, $0x38;
	[tilespmem:$0x16700] =	vst v63  }
0x1d0: {  	s31 =	simm.s32 $0x13EA0;
	s29 =	sadd.s32 $0x40, s1  }
0x1d1: {  	[hbm4b:s29+s5] =	stream.linear.scatter [tilespmem:s31], [sflag:$0x2], $0x80, $0x38;
	[tilespmem:$0x16700] =	vst v63  }
0x1d2: {  	s9 =	sadd.s32 $0x50, s1;
	s13 =	simm.s32 $0x13F28  }
0x1d3: {  	[hbm4b:s9+s5] =	stream.linear.scatter [tilespmem:s13], [sflag:$0x2], $0x80, $0x38;
	[tilespmem:$0x16700] =	vst v63  }
0x1d4: {  	s14 =	sadd.s32 $0x60, s1;
	s15 =	simm.s32 $0x13FB0  }
0x1d5: {  	[hbm4b:s14+s5] =	stream.linear.scatter [tilespmem:s15], [sflag:$0x2], $0x80, $0x38;
	[tilespmem:$0x16700] =	vst v63  }
0x1d6: {  	s1 =	sadd.s32 $0x70, s1;
	s24 =	simm.s32 $0x14038  }
0x1d7: {  	[hbm4b:s1+s5] =	stream.linear.scatter [tilespmem:s24], [sflag:$0x2], $0x80, $0x38;
	[tilespmem:$0x16700] =	vst v63  }
0x1d8: {  	s25 =	simm.s32 $0x140C0;
	s1 =	sadd.s32 s12, s23  }
0x1d9: {  	[hbm4b:s1+s5] =	stream.linear.scatter [tilespmem:s25], [sflag:$0x2], $0x80, $0x38;
	[tilespmem:$0x16700] =	vst v63  }
0x1da: {  	s28 =	simm.s32 $0x14148;
	s26 =	sadd.s32 $0x10, s1  }
0x1db: {  	[hbm4b:s26+s5] =	stream.linear.scatter [tilespmem:s28], [sflag:$0x2], $0x80, $0x38;
	[tilespmem:$0x16700] =	vst v63  }
0x1dc: {  	s31 =	simm.s32 $0x141D0;
	s29 =	sadd.s32 $0x20, s1  }
0x1dd: {  	[hbm4b:s29+s5] =	stream.linear.scatter [tilespmem:s31], [sflag:$0x2], $0x80, $0x38;
	[tilespmem:$0x16700] =	vst v63  }
0x1de: {  	s13 =	simm.s32 $0x14258;
	s12 =	sadd.s32 $0x30, s1  }
0x1df: {  	[hbm4b:s12+s5] =	stream.linear.scatter [tilespmem:s13], [sflag:$0x2], $0x80, $0x38;
	[tilespmem:$0x16700] =	vst v63  }
0x1e0: {  	s15 =	simm.s32 $0x142E0;
	s14 =	sadd.s32 $0x40, s1  }
0x1e1: {  	[hbm4b:s14+s5] =	stream.linear.scatter [tilespmem:s15], [sflag:$0x2], $0x80, $0x38;
	[tilespmem:$0x16700] =	vst v63  }
0x1e2: {  	s24 =	sadd.s32 $0x50, s1;
	s25 =	simm.s32 $0x14368  }
0x1e3: {  	[hbm4b:s24+s5] =	stream.linear.scatter [tilespmem:s25], [sflag:$0x2], $0x80, $0x38;
	[tilespmem:$0x16700] =	vst v63  }
0x1e4: {  	s26 =	sadd.s32 $0x60, s1;
	s28 =	simm.s32 $0x143F0  }
0x1e5: {  	[hbm4b:s26+s5] =	stream.linear.scatter [tilespmem:s28], [sflag:$0x2], $0x80, $0x38;
	[tilespmem:$0x16700] =	vst v63  }
0x1e6: {  	p0 =	seq.s32 s10, $0x63;
	s1 =	sadd.s32 $0x70, s1;
	s29 =	simm.s32 $0x14478  }
0x1e7: {  	[hbm4b:s1+s5] =	stream.linear.scatter [tilespmem:s29], [sflag:$0x2], $0x80, $0x38;
	[tilespmem:$0x16700] =	vst v63  }
0x1e8: {  	s1 =	sshll.u32 @!p0 s10, $0x8;
	_ =	swait.ge [sflag:s2], $0x4000  }
0x1e9: {  	s8 =	simm.s32 @!p0 $0x80;
	s1 =	sand.u32 @!p0 $0x3FFFFF00, s1;
	[sflag:s2] =	ssyncset.done $0x0  }
0x1ea: {  	s9 =	simm.s32 @!p0 $0x7080;
	s1 =	sadd.s32 @!p0 $0x100, s1;
	[sflag:s2] =	ssyncadd.s32 $0xFFFFC000  }
0x1eb: {  	[tilespmem:s9], [sflag:$0x1] =	stream.indirect.gather @!p0 [hbm4b:s6+s8], $0x80, s1, s8, $0xb8;
	[tilespmem:$0x16700] =	vst v63  }
0x1ec: {  	_ =	swait.ge [sflag:s0], $0x2000  }
0x1ed: {  	s31 =	sshll.u32 s11, $0x6;
	[sflag:s0] =	ssyncset.done $0x0  }
0x1ee: {  	s1 =	sand.u32 $0x3FFFFFC0, s31;
	[sflag:s0] =	ssyncadd.s32 $0xFFFFE000  }
0x1ef: {  	v50 =	vld [tilespmem:s1+$0xF080]  }
0x1f0: {  	v51 =	vld [tilespmem:s1+$0xF090]  }
0x1f1: {  	v52 =	vld [tilespmem:s1+$0xF0A0]  }
0x1f2: {  	s12 =	simm.s32 $0x0;
	s13 =	simm.s32 $0x7;
	v53 =	vld [tilespmem:s1+$0xF0B0]  }
.LBB2_21:
0x1f3: {  	s31 =	sshra.s32 s12, $0x2  }
0x1f4: {  	v0 =	vld [tilespmem:s31+$0xB080]  }
0x1f5: {  	v2 =	vld [tilespmem:s31+$0xB090]  }
0x1f6: {  	v3 =	vld [tilespmem:s31+$0xB0A0]  }
0x1f7: {  	v4 =	vld [tilespmem:s31+$0xB0B0];
	_ =	sdelay $0x3  }
0x1f8: {  	v5 =	vld [tilespmem:s31+$0xB130];
	v23 =	vadd.f32 v0, v50;
	v22 =	vadd.f32 v2, v51  }
0x1f9: {  	v0 =	vld [tilespmem:s31+$0xB100];
	v20 =	vadd.f32 v3, v52;
	v21 =	vadd.f32 v4, v53  }
0x1fa: {  	v2 =	vld [tilespmem:s31+$0xB110]  }
0x1fb: {  	v3 =	vld [tilespmem:s31+$0xB120];
	v32 =	vadd.f32 v22, v23;
	v6 =	vadd.f32 v21, v20  }
0x1fc: {  	v7 =	vmul.f32 v23, v23;
	v8 =	vmul.f32 v22, v22  }
0x1fd: {  	v9 =	vld [tilespmem:s31+$0xB180];
	v11 =	vmul.f32 v20, v20;
	v12 =	vmul.f32 v21, v21;
	v4 =	vadd.f32 v6, v32  }
0x1fe: {  	v7 =	vadd.f32 v8, v7;
	v19 =	vadd.f32 v0, v50;
	v0 =	vld [tilespmem:s31+$0xB1B0]  }
0x1ff: {  	v8 =	vadd.f32 v12, v11;
	v18 =	vadd.f32 v2, v51;
	v2 =	vld [tilespmem:s31+$0xB200]  }
0x200: {  	v16 =	vadd.f32 v5, v53;
	v17 =	vadd.f32 v3, v52;
	v3 =	vld [tilespmem:s31+$0xB210];
	(xrf2) =	vadd.scan.msk.f32 $0xffff, v4  }
0x201: {  	v7 =	vadd.f32 v8, v7  }
0x202: {  	v13 =	vld [tilespmem:s31+$0xB190];
	v26 =	vmul.f32 v16, v16;
	v55 =	vadd.f32 v18, v19;
	v56 =	vadd.f32 v16, v17  }
0x203: {  	v33 =	vld [tilespmem:s31+$0xB1A0];
	v12 =	vadd.f32 v9, v50;
	v24 =	vmul.f32 v19, v19;
	v25 =	vmul.f32 v18, v18  }
0x204: {  	v54 =	vld [tilespmem:s31+$0xB220];
	(xrf2) =	vadd.scan.msk.f32 $0xffff, v7;
	v9 =	vadd.f32 v56, v55;
	v11 =	vadd.f32 v2, v50;
	v2 =	vmul.f32 v17, v17  }
0x205: {  	v15 =	vadd.f32 v0, v53;
	v0 =	vld [tilespmem:s31+$0xB280];
	v7 =	vadd.f32 v3, v51  }
0x206: {  	v3 =	vadd.f32 v25, v24;
	(xrf2) =	vadd.scan.msk.f32 $0xffff, v9;
	v2 =	vadd.f32 v26, v2  }
0x207: {  	v13 =	vadd.f32 v13, v51;
	v8 =	vld [tilespmem:s31+$0xB230]  }
0x208: {  	v57 =	vld [tilespmem:s31+$0xB290];
	v14 =	vadd.f32 v33, v52;
	v2 =	vadd.f32 v2, v3  }
0x209: {  	v5 =	vadd.f32 v54, v52  }
0x20a: {  	v59 =	vmul.f32 v13, v13;
	v63 =	vadd.f32 v0, v50;
	v0, _, _ =	vpop (xrf2);
	(xrf2) =	vadd.scan.msk.f32 $0xffff, v2;
	v2 =	vadd.f32 v15, v14  }
0x20b: {  	v54 =	vmul.f32 v14, v14;
	(v2sf) =	vpush v0, $0xF;
	v0 =	vadd.f32 v13, v12  }
0x20c: {  	v60 =	vld [tilespmem:s31+$0xB300];
	v9 =	vadd.f32 v8, v53;
	v8 =	vmul.f32 v12, v12;
	v55 =	vmul.f32 v15, v15  }
0x20d: {  	v27 =	vld [tilespmem:s31+$0xB310];
	v62 =	vadd.f32 v57, v51;
	v28 =	vmul.f32 v11, v11;
	v0 =	vadd.f32 v2, v0  }
0x20e: {  	v57 =	vld [tilespmem:s31+$0xB330];
	v32 =	vmul.f32 v9, v9;
	v6 =	vadd.f32 v55, v54;
	v58, _, _ =	vpop (xrf2);
	v2 =	vadd.f32 v59, v8  }
0x20f: {  	v3 =	vld [tilespmem:s31+$0xB2A0];
	(v2sf) =	vpush v58, $0xF;
	v8 =	vadd.f32 v7, v11;
	v58 =	vmul.f32 v5, v5;
	(xrf2) =	vadd.scan.msk.f32 $0xffff, v0  }
0x210: {  	v33 =	vld [tilespmem:s31+$0xB390];
	v29 =	vmul.f32 v7, v7;
	v0 =	vadd.f32 v9, v5;
	v31, _, _ =	vpop (xrf2);
	v2 =	vadd.f32 v6, v2  }
0x211: {  	v4 =	vld [tilespmem:s31+$0xB2B0];
	v61 =	vadd.f32 v32, v58;
	(v2sf) =	vpush v31, $0xF  }
0x212: {  	v56 =	vld [tilespmem:s31+$0xB320];
	v28 =	vadd.f32 v29, v28  }
0x213: {  	v59 =	vld [tilespmem:s31+$0xB3A0];
	v0 =	vadd.f32 v0, v8;
	(xrf2) =	vadd.scan.msk.f32 $0xffff, v2  }
0x214: {  	v6 =	vadd.f32 v3, v52;
	v32 =	vld [tilespmem:s31+$0xB3B0];
	v54 =	vadd.f32 v61, v28  }
0x215: {  	v30 =	vld [tilespmem:s31+$0xB380];
	v3 =	vadd.f32 v57, v53;
	v57 =	vadd.f32 v62, v63;
	(xrf2) =	vadd.scan.msk.f32 $0xffff, v0;
	v61, _, _ =	vpop (xrf2)  }
0x216: {  	v26 =	vld [tilespmem:s31+$0xB420];
	v8 =	vadd.f32 v4, v53;
	(xrf2) =	vadd.scan.msk.f32 $0xffff, v54;
	(v2sf) =	vpush v61, $0xF  }
0x217: {  	v55 =	vld [tilespmem:s31+$0xB400];
	v2 =	vadd.f32 v60, v50;
	v4 =	vadd.f32 v27, v51  }
0x218: {  	v25 =	vld [tilespmem:s31+$0xB410];
	v60 =	vadd.f32 v33, v51;
	v59 =	vadd.f32 v59, v52  }
0x219: {  	v29 =	vmul.f32 v62, v62;
	v0 =	vadd.f32 v56, v52;
	v58 =	vadd.f32 v32, v53;
	v33, _, _ =	vpop (xrf2)  }
0x21a: {  	v24 =	vld [tilespmem:s31+$0xB430];
	v31 =	vmul.f32 v8, v8;
	v32 =	vadd.f32 v8, v6;
	(v2sf) =	vpush v33, $0xF  }
0x21b: {  	v56 =	vadd.f32 v26, v52;
	v61 =	vadd.f32 v30, v50;
	v30 =	vmul.f32 v6, v6;
	s1 =	spop (v2sf)  }
0x21c: {  	v28 =	vmul.f32 v63, v63;
	v54 =	vadd.f32 v55, v50;
	v27 =	vadd.f32 v32, v57;
	s15 =	smul.f32 $1.562500000e-02, s1  }
0x21d: {  	v55 =	vadd.f32 v25, v51;
	v31 =	vadd.f32 v31, v30;
	v33, _, _ =	vpop (xrf2)  }
0x21e: {  	(xrf2) =	vadd.scan.msk.f32 $0xffff, v27;
	(v2sf) =	vpush v33, $0xF;
	v33 =	vadd.f32 v29, v28;
	s1 =	smul.f32 s15, s1  }
0x21f: {  	v26 =	vmul.f32 v2, v2;
	v57 =	vadd.f32 v24, v53;
	v30 =	vadd.f32 v60, v61;
	s8 =	spop (v2sf);
	v32, _, _ =	vpop (xrf2)  }
0x220: {  	v24 =	vmul.f32 v0, v0;
	(v2sf) =	vpush v32, $0xF;
	v32, _, _ =	vpop (xrf2);
	v33 =	vadd.f32 v31, v33;
	s1 =	ssub.f32 s8, s1;
	s25 =	spop (v2sf)  }
0x221: {  	v27 =	vmul.f32 v4, v4;
	v28 =	vmul.f32 v3, v3;
	(v2sf) =	vpush v32, $0xF;
	s31 =	smul.f32 $1.562500000e-02, s25  }
0x222: {  	v32 =	vadd.f32 v4, v2;
	(xrf2) =	vadd.scan.msk.f32 $0xffff, v33;
	v33 =	vadd.f32 v3, v0;
	s1 =	smul.f32 $1.587301680e-02, s1  }
0x223: {  	v26 =	vadd.f32 v27, v26;
	v24 =	vadd.f32 v28, v24  }
0x224: {  	v31 =	vadd.f32 v58, v59;
	v25 =	vadd.f32 v33, v32;
	s8 =	smul.f32 s31, s25;
	s1 =	smax.f32 s1, $1.000000000e-30  }
0x225: {  	v27 =	vmul.f32 v61, v61;
	v28 =	vmul.f32 v60, v60;
	v24 =	vadd.f32 v24, v26;
	s9 =	spop (v2sf);
	s14 =	sshra.s32 s1, $0x1;
	s1 =	smul.f32 $5.000000000e-01, s1  }
0x226: {  	v29 =	vmul.f32 v58, v58;
	v26 =	vmul.f32 v59, v59;
	v31 =	vadd.f32 v31, v30;
	(xrf2) =	vadd.scan.msk.f32 $0xffff, v25;
	s24 =	ssub.s32 $0x5F3759DF, s14;
	s8 =	ssub.f32 s9, s8  }
0x227: {  	v27 =	vadd.f32 v28, v27;
	(xrf2) =	vadd.scan.msk.f32 $0xffff, v24;
	s1 =	smul.f32 s24, s1  }
0x228: {  	v28 =	vmul.f32 v57, v57;
	v26 =	vadd.f32 v29, v26;
	v29 =	vadd.f32 v57, v56;
	v32, _, _ =	vpop (xrf2);
	(xrf2) =	vadd.scan.msk.f32 $0xffff, v31;
	s8 =	smul.f32 $1.587301680e-02, s8  }
0x229: {  	v25 =	vmul.f32 v56, v56;
	v24 =	vadd.f32 v55, v54;
	(v2sf) =	vpush v32, $0xF;
	s1 =	smul.f32 s24, s1;
	s26 =	spop (v2sf)  }
0x22a: {  	v32 =	vadd.f32 v26, v27;
	v26 =	vmul.f32 v54, v54;
	v27 =	vmul.f32 v55, v55;
	s8 =	smax.f32 s8, $1.000000000e-30;
	s14 =	smul.f32 $1.562500000e-02, s26  }
0x22b: {  	v24 =	vadd.f32 v29, v24;
	s25 =	sshra.s32 s8, $0x1;
	s8 =	smul.f32 $5.000000000e-01, s8  }
0x22c: {  	v25 =	vadd.f32 v28, v25;
	(xrf2) =	vadd.scan.msk.f32 $0xffff, v32;
	v26 =	vadd.f32 v27, v26;
	v33, _, _ =	vpop (xrf2);
	s1 =	ssub.f32 $1.500000000e+00, s1;
	s25 =	ssub.s32 $0x5F3759DF, s25;
	s9 =	smul.f32 s14, s26  }
0x22d: {  	(xrf2) =	vadd.scan.msk.f32 $0xffff, v24;
	(v2sf) =	vpush v33, $0xF;
	s8 =	smul.f32 s25, s8  }
0x22e: {  	v25 =	vadd.f32 v25, v26;
	s26 =	spop (v2sf);
	s1 =	smul.f32 s24, s1  }
0x22f: {  	s29 =	sadd.s32 $0xFFFFFFF9, s13;
	s9 =	ssub.f32 s26, s9;
	s8 =	smul.f32 s25, s8  }
0x230: {  	v29 =	vmov s29;
	(xrf2) =	vadd.scan.msk.f32 $0xffff, v25;
	s15 =	smul.f32 s1, s15;
	v31, _, _ =	vpop (xrf2)  }
0x231: {  	v24 =	vshrl.u32 v29, $0x3;
	v23 =	vmul.f32 s1, v23;
	v32, _, _ =	vpop (xrf2);
	(v2sf) =	vpush v31, $0xF;
	s9 =	smul.f32 $1.587301680e-02, s9;
	s8 =	ssub.f32 $1.500000000e+00, s8  }
0x232: {  	v22 =	vmul.f32 s1, v22;
	v20 =	vmul.f32 s1, v20;
	v33, _, _ =	vpop (xrf2);
	(v2sf) =	vpush v32, $0xF  }
0x233: {  	v21 =	vmul.f32 s1, v21;
	v25 =	vmov s15;
	(v2sf) =	vpush v33, $0xF;
	s9 =	smax.f32 s9, $1.000000000e-30;
	s8 =	smul.f32 s25, s8  }
0x234: {  	v24 =	vshll.u32 v24, v10;
	v23 =	vsub.f32 v23, v25;
	v22 =	vsub.f32 v22, v25;
	s25 =	spop (v2sf);
	s28 =	sshra.s32 s9, $0x1;
	s9 =	smul.f32 $5.000000000e-01, s9  }
0x235: {  	v24 =	vbroadcast v24, $0x0;
	v20 =	vsub.f32 v20, v25;
	v33 =	vld [tilespmem:$0x1FE90];
	v21 =	vsub.f32 v21, v25;
	s15 =	smul.f32 $1.562500000e-02, s25  }
0x236: {  	v28, _, _ =	vpop (xrf2);
	v23 =	vmul.f32 v23, v42;
	v22 =	vmul.f32 v22, v43;
	s24 =	ssub.s32 $0x5F3759DF, s28;
	s31 =	smul.f32 s8, s31  }
0x237: {  	v32 =	vld [tilespmem:$0x1FE60];
	(v2sf) =	vpush v28, $0xF;
	v30, _, _ =	vpop (xrf2);
	v20 =	vmul.f32 v20, v44;
	v21 =	vmul.f32 v21, v45;
	s28 =	spop (v2sf);
	s9 =	smul.f32 s24, s9  }
0x238: {  	(v2sf) =	vpush v30, $0xF;
	v19 =	vmul.f32 s8, v19;
	v18 =	vmul.f32 s8, v18;
	s29 =	spop (v2sf);
	s25 =	smul.f32 s15, s25  }
0x239: {  	v17 =	vmul.f32 s8, v17;
	v23 =	vadd.f32 v23, v46;
	v27 =	vmov s31;
	s31 =	smul.f32 $1.562500000e-02, s29  }
0x23a: {  	v22 =	vadd.f32 v22, v47;
	v20 =	vadd.f32 v20, v48;
	v31, _, _ =	vpop (xrf2);
	v28 =	vadd.s32 v33, v24;
	v33 =	vld [tilespmem:$0x1FEB0];
	s9 =	smul.f32 s24, s9  }
0x23b: {  	v16 =	vmul.f32 s8, v16;
	v21 =	vadd.f32 v21, v49;
	(v2sf) =	vpush v31, $0xF;
	s1 =	ssub.f32 s28, s25;
	v31 =	vld [tilespmem:$0x1FEA0];
	s26 =	smul.f32 s31, s29  }
0x23c: {  	v26 =	vadd.s32 v32, v24;
	s28 =	sadd.s32 $0xFFFFFFFA, s13;
	v19 =	vsub.f32 v19, v27;
	v18 =	vsub.f32 v18, v27;
	s9 =	ssub.f32 $1.500000000e+00, s9;
	s29 =	spop (v2sf)  }
0x23d: {  	v17 =	vsub.f32 v17, v27;
	v16 =	vsub.f32 v16, v27;
	v32 =	vmov s28;
	s1 =	smul.f32 $1.587301680e-02, s1;
	s26 =	ssub.f32 s29, s26  }
0x23e: {  	v19 =	vmul.f32 v19, v42;
	v29 =	vshrl.u32 v32, $0x3;
	v18 =	vmul.f32 v18, v43;
	s9 =	smul.f32 s24, s9  }
0x23f: {  	v27 =	vld [tilespmem:$0x1FEE0];
	v17 =	vmul.f32 v17, v44;
	v16 =	vmul.f32 v16, v45;
	v29 =	vshll.u32 v29, v10;
	s1 =	smax.f32 s1, $1.000000000e-30;
	s24 =	smul.f32 $1.587301680e-02, s26  }
0x240: {  	v19 =	vadd.f32 v19, v46;
	v25 =	vadd.s32 v31, v24;
	v24 =	vadd.s32 v33, v24;
	v33 =	vld [tilespmem:$0x1FEC0];
	s26 =	sshra.s32 s1, $0x1;
	s1 =	smul.f32 $5.000000000e-01, s1  }
0x241: {  	v32 =	vld [tilespmem:$0x1FED0];
	s29 =	sadd.s32 $0xFFFFFFFB, s13;
	v29 =	vbroadcast v29, $0x0;
	v18 =	vadd.f32 v18, v47;
	v17 =	vadd.f32 v17, v48;
	s14 =	smul.f32 s9, s14;
	s8 =	ssub.s32 $0x5F3759DF, s26  }
0x242: {  	[tilespmem:v26+s7+$0x0] =	vst.idx.msk $0xffff, v23;
	v16 =	vadd.f32 v16, v49;
	v30 =	vmov s29;
	v12 =	vmul.f32 s9, v12;
	s24 =	smax.f32 s24, $1.000000000e-30;
	s1 =	smul.f32 s8, s1  }
0x243: {  	[tilespmem:v28+s7+$0x0] =	vst.idx.msk $0xffff, v22;
	v28 =	vld [tilespmem:$0x1FF00];
	v13 =	vmul.f32 s9, v13;
	v14 =	vmul.f32 s9, v14;
	v30 =	vshrl.u32 v30, $0x3;
	s28 =	sshra.s32 s24, $0x1;
	s24 =	smul.f32 $5.000000000e-01, s24  }
0x244: {  	v15 =	vmul.f32 s9, v15;
	v27 =	vadd.s32 v27, v29;
	s29 =	spop (v2sf);
	v30 =	vshll.u32 v30, v10;
	s1 =	smul.f32 s8, s1  }
0x245: {  	v23 =	vbroadcast v30, $0x0;
	v30 =	vld [tilespmem:$0x1FF10];
	s25 =	ssub.s32 $0x5F3759DF, s28;
	v31 =	vadd.s32 v33, v29;
	v33 =	vmov s14;
	s14 =	smul.f32 $1.562500000e-02, s29  }
0x246: {  	v26 =	vadd.s32 v41, v29;
	v32 =	vadd.s32 v32, v29;
	v29 =	vld [tilespmem:$0x1FEF0];
	s24 =	smul.f32 s25, s24;
	v12 =	vsub.f32 v12, v33  }
0x247: {  	v13 =	vsub.f32 v13, v33;
	v14 =	vsub.f32 v14, v33;
	s1 =	ssub.f32 $1.500000000e+00, s1;
	s26 =	smul.f32 s14, s29  }
0x248: {  	v22 =	vadd.s32 v28, v23;
	v15 =	vsub.f32 v15, v33;
	s24 =	smul.f32 s25, s24;
	v12 =	vmul.f32 v12, v42  }
0x249: {  	[tilespmem:v25+s7+$0x0] =	vst.idx.msk $0xffff, v20;
	s29 =	spop (v2sf);
	v13 =	vmul.f32 v13, v43;
	v14 =	vmul.f32 v14, v44;
	s1 =	smul.f32 s8, s1  }
0x24a: {  	v20 =	vadd.s32 v30, v23;
	v15 =	vmul.f32 v15, v45;
	s8 =	ssub.f32 s29, s26;
	v12 =	vadd.f32 v12, v46  }
0x24b: {  	s28 =	ssub.f32 $1.500000000e+00, s24;
	v29 =	vadd.s32 v29, v23;
	v13 =	vadd.f32 v13, v47;
	v14 =	vadd.f32 v14, v48;
	s15 =	smul.f32 s1, s15  }
0x24c: {  	v15 =	vadd.f32 v15, v49;
	v23 =	vadd.s32 v37, v23;
	s8 =	smul.f32 $1.587301680e-02, s8;
	v11 =	vmul.f32 s1, v11  }
0x24d: {  	s26 =	spop (v2sf);
	v7 =	vmul.f32 s1, v7;
	v5 =	vmul.f32 s1, v5;
	s24 =	smul.f32 s25, s28;
	s25 =	sadd.s32 $0xFFFFFFFC, s13;
	v33 =	vmov s15  }
0x24e: {  	[tilespmem:v24+s7+$0x0] =	vst.idx.msk $0xffff, v21;
	v9 =	vmul.f32 s1, v9;
	v28 =	vmov s25;
	s8 =	smax.f32 s8, $1.000000000e-30;
	s15 =	smul.f32 $1.562500000e-02, s26;
	v11 =	vsub.f32 v11, v33  }
0x24f: {  	[tilespmem:v31+s7+$0x0] =	vst.idx.msk $0xffff, v19;
	s29 =	sshra.s32 s8, $0x1;
	s8 =	smul.f32 $5.000000000e-01, s8;
	v25 =	vshrl.u32 v28, $0x3;
	v7 =	vsub.f32 v7, v33;
	v5 =	vsub.f32 v5, v33  }
0x250: {  	[tilespmem:v32+s7+$0x0] =	vst.idx.msk $0xffff, v18;
	v9 =	vsub.f32 v9, v33;
	v28 =	vmul.f32 s24, v63;
	v33 =	vmul.f32 s24, v62;
	s1 =	ssub.s32 $0x5F3759DF, s29;
	s9 =	smul.f32 s15, s26  }
0x251: {  	s28 =	sadd.s32 $0xFFFFFFFD, s13;
	[tilespmem:v27+s7+$0x0] =	vst.idx.msk $0xffff, v17;
	v6 =	vmul.f32 s24, v6;
	v8 =	vmul.f32 s24, v8;
	v18 =	vshll.u32 v25, v10;
	s8 =	smul.f32 s1, s8  }
0x252: {  	v19 =	vmov s28;
	[tilespmem:v26+s7+$0x0] =	vst.idx.msk $0xffff, v16;
	s25 =	smul.f32 s24, s31;
	s31 =	spop (v2sf);
	v11 =	vmul.f32 v11, v42;
	v17 =	vbroadcast v18, $0x0  }
0x253: {  	v19 =	vshrl.u32 v19, $0x3;
	[tilespmem:v29+s7+$0x0] =	vst.idx.msk $0xffff, v12;
	v7 =	vmul.f32 v7, v43;
	v5 =	vmul.f32 v5, v44;
	s9 =	ssub.f32 s31, s9;
	s8 =	smul.f32 s1, s8  }
0x254: {  	v18 =	vmov s25;
	v9 =	vmul.f32 v9, v45;
	[tilespmem:v22+s7+$0x0] =	vst.idx.msk $0xffff, v13;
	v13 =	vshll.u32 v19, v10  }
0x255: {  	v32 =	vsub.f32 v28, v18;
	v16 =	vsub.f32 v33, v18;
	v24 =	vadd.s32 v38, v17;
	s9 =	smul.f32 $1.587301680e-02, s9;
	s8 =	ssub.f32 $1.500000000e+00, s8  }
0x256: {  	s25 =	sadd.s32 $0xFFFFFFFE, s13;
	v6 =	vsub.f32 v6, v18;
	v8 =	vsub.f32 v8, v18;
	v30 =	vadd.s32 v39, v17  }
0x257: {  	v29 =	vld [tilespmem:$0x1FF30];
	[tilespmem:v20+s7+$0x0] =	vst.idx.msk $0xffff, v14;
	v22 =	vmov s25;
	v11 =	vadd.f32 v11, v46;
	v31 =	vadd.s32 v40, v17;
	s24 =	smax.f32 s9, $1.000000000e-30;
	s1 =	smul.f32 s1, s8  }
0x258: {  	v7 =	vadd.f32 v7, v47;
	v5 =	vadd.f32 v5, v48;
	v28 =	vadd.s32 v34, v17;
	s26 =	sshra.s32 s24, $0x1;
	s8 =	smul.f32 $5.000000000e-01, s24  }
0x259: {  	v13 =	vbroadcast v13, $0x0;
	[tilespmem:v23+s7+$0x0] =	vst.idx.msk $0xffff, v15;
	v9 =	vadd.f32 v9, v49;
	v12 =	vmul.f32 v32, v42;
	s28 =	ssub.s32 $0x5F3759DF, s26;
	s14 =	smul.f32 s1, s14  }
0x25a: {  	v62 =	vld [tilespmem:$0x1FF40];
	s29 =	spop (v2sf);
	v14 =	vshrl.u32 v22, $0x3;
	v16 =	vmul.f32 v16, v43;
	v6 =	vmul.f32 v6, v44;
	[tilespmem:v24+s7+$0x0] =	vst.idx.msk $0xffff, v11;
	s8 =	smul.f32 s28, s8  }
0x25b: {  	v19 =	vld [tilespmem:$0x1FF90];
	v8 =	vmul.f32 v8, v45;
	v14 =	vshll.u32 v14, v10;
	[tilespmem:v30+s7+$0x0] =	vst.idx.msk $0xffff, v7;
	v11 =	vmov s14;
	s14 =	smul.f32 $1.562500000e-02, s29  }
0x25c: {  	v33 =	vbroadcast v14, $0x0;
	v12 =	vadd.f32 v12, v46;
	v30 =	vadd.s32 v29, v13;
	[tilespmem:v31+s7+$0x0] =	vst.idx.msk $0xffff, v5;
	s31 =	smul.f32 s28, s8  }
0x25d: {  	v63 =	vld [tilespmem:$0x1FF50];
	v2 =	vmul.f32 s1, v2;
	v4 =	vmul.f32 s1, v4;
	[tilespmem:v28+s7+$0x0] =	vst.idx.msk $0xffff, v9;
	v9 =	vadd.s32 v36, v13;
	s24 =	smul.f32 s14, s29  }
0x25e: {  	v16 =	vadd.f32 v16, v47;
	s26 =	spop (v2sf);
	v0 =	vmul.f32 s1, v0;
	v3 =	vmul.f32 s1, v3;
	s1 =	ssub.f32 $1.500000000e+00, s31  }
0x25f: {  	v32 =	vadd.s32 v1, v13;
	v6 =	vadd.f32 v6, v48;
	v8 =	vadd.f32 v8, v49;
	s8 =	ssub.f32 s26, s24  }
0x260: {  	v14 =	vadd.s32 v62, v33;
	v20 =	vadd.s32 v19, v33;
	v13 =	vadd.s32 v35, v13;
	s1 =	smul.f32 s28, s1  }
0x261: {  	s25 =	sadd.s32 $0xFFFFFFFF, s13;
	v2 =	vsub.f32 v2, v11;
	v4 =	vsub.f32 v4, v11;
	[tilespmem:v30+s7+$0x0] =	vst.idx.msk $0xffff, v12;
	s8 =	smul.f32 $1.587301680e-02, s8  }
0x262: {  	v31 =	vmov s25;
	v0 =	vsub.f32 v0, v11;
	[tilespmem:v9+s7+$0x0] =	vst.idx.msk $0xffff, v16;
	v9 =	vadd.s32 v63, v33;
	v63 =	vld [tilespmem:$0x1FF60]  }
0x263: {  	v5 =	vshrl.u32 v31, $0x3;
	v3 =	vsub.f32 v3, v11;
	v2 =	vmul.f32 v2, v42;
	s9 =	smul.f32 s1, s15;
	s8 =	smax.f32 s8, $1.000000000e-30  }
0x264: {  	v5 =	vshll.u32 v5, v10;
	v4 =	vmul.f32 v4, v43;
	v0 =	vmul.f32 v0, v44;
	s28 =	sshra.s32 s8, $0x1;
	s8 =	smul.f32 $5.000000000e-01, s8  }
0x265: {  	v23 =	vld [tilespmem:$0x1FF80];
	v3 =	vmul.f32 v3, v45;
	v2 =	vadd.f32 v2, v46;
	v11 =	vmov s9;
	s9 =	ssub.s32 $0x5F3759DF, s28  }
0x266: {  	v25 =	vld [tilespmem:$0x1FF70];
	v5 =	vbroadcast v5, $0x0;
	v4 =	vadd.f32 v4, v47;
	v0 =	vadd.f32 v0, v48;
	[tilespmem:v32+s7+$0x0] =	vst.idx.msk $0xffff, v6;
	s8 =	smul.f32 s9, s8  }
0x267: {  	v21 =	vld [tilespmem:$0x1FFA0];
	v18 =	vmul.f32 s1, v61;
	[tilespmem:v13+s7+$0x0] =	vst.idx.msk $0xffff, v8;
	v8 =	vmul.f32 s1, v60;
	v15 =	vadd.s32 v63, v33  }
0x268: {  	v3 =	vadd.f32 v3, v49;
	v22 =	vmul.f32 s1, v59;
	v24 =	vmul.f32 s1, v58;
	s8 =	smul.f32 s9, s8  }
0x269: {  	[tilespmem:v14+s7+$0x0] =	vst.idx.msk $0xffff, v2;
	v2 =	vsub.f32 v18, v11;
	v26 =	vsub.f32 v8, v11  }
0x26a: {  	v8 =	vadd.s32 v23, v5;
	v6 =	vsub.f32 v22, v11;
	v11 =	vsub.f32 v24, v11;
	s29 =	ssub.f32 $1.500000000e+00, s8  }
0x26b: {  	v30 =	vld [tilespmem:$0x1FFB0];
	[tilespmem:v9+s7+$0x0] =	vst.idx.msk $0xffff, v4;
	v9 =	vadd.s32 v25, v5;
	v2 =	vmul.f32 v2, v42  }
0x26c: {  	v27 =	vmov s13;
	v32 =	vld [tilespmem:$0x1FFC0];
	v4 =	vmul.f32 v26, v43;
	[tilespmem:v15+s7+$0x0] =	vst.idx.msk $0xffff, v0;
	v0 =	vadd.s32 v21, v5;
	s1 =	smul.f32 s9, s29  }
0x26d: {  	v28 =	vshrl.u32 v27, $0x3;
	v33 =	vld [tilespmem:$0x1FFD0];
	v2 =	vadd.f32 v2, v46;
	[tilespmem:v20+s7+$0x0] =	vst.idx.msk $0xffff, v3;
	v3 =	vmul.f32 v6, v44  }
0x26e: {  	v29 =	vmul.f32 v11, v45;
	v4 =	vadd.f32 v4, v47;
	v6 =	vshll.u32 v28, v10;
	s31 =	smul.f32 s1, s14  }
0x26f: {  	v60 =	vld [tilespmem:$0x1FFE0];
	[tilespmem:v8+s7+$0x0] =	vst.idx.msk $0xffff, v2;
	v6 =	vbroadcast v6, $0x0;
	v2 =	vadd.f32 v3, v48;
	v3 =	vmul.f32 s1, v54  }
0x270: {  	v63 =	vld [tilespmem:$0x1FFF0];
	[tilespmem:v9+s7+$0x0] =	vst.idx.msk $0xffff, v4;
	v31 =	vmul.f32 s1, v55;
	v9 =	vmul.f32 s1, v56;
	v8 =	vmov s31  }
0x271: {  	v11 =	vmul.f32 s1, v57;
	[tilespmem:v0+s7+$0x0] =	vst.idx.msk $0xffff, v2;
	v0 =	vadd.s32 v30, v5;
	v2 =	vsub.f32 v3, v8  }
0x272: {  	v61 =	vadd.s32 v32, v6;
	v62 =	vadd.s32 v33, v6;
	v4 =	vsub.f32 v31, v8  }
0x273: {  	v3 =	vadd.f32 v29, v49;
	v9 =	vsub.f32 v9, v8;
	v2 =	vmul.f32 v2, v42  }
0x274: {  	v8 =	vsub.f32 v11, v8;
	v11 =	vadd.s32 v60, v6;
	v4 =	vmul.f32 v4, v43  }
0x275: {  	p0 =	sne.s32 s12, $0xF000;
	v6 =	vadd.s32 v63, v6;
	v9 =	vmul.f32 v9, v44;
	v2 =	vadd.f32 v2, v46  }
.Ltmp9:
0x276: {  	[tilespmem:v0+s7+$0x0] =	vst.idx.msk $0xffff, v3;
	v3 =	vmul.f32 v8, v45;
	v0 =	vadd.f32 v4, v47;
	(pc) =	sbr.rel @p0 .LBB2_21-.Ltmp9, $4  }
0x277: {  	[tilespmem:v61+s7+$0x0] =	vst.idx.msk $0xffff, v2;
	v2 =	vadd.f32 v9, v48  }
0x278: {  	[tilespmem:v62+s7+$0x0] =	vst.idx.msk $0xffff, v0;
	v0 =	vadd.f32 v3, v49  }
0x279: {  	[tilespmem:v11+s7+$0x0] =	vst.idx.msk $0xffff, v2  }
0x27a: {  	s12 =	sadd.s32 $0x1000, s12;
	s13 =	sadd.s32 $0x8, s13;
	[tilespmem:v6+s7+$0x0] =	vst.idx.msk $0xffff, v0  }
0x27b: {  	s1 =	sshll.u32 s11, $0x12  }
0x27c: {  	s1 =	sor.u32 s16, s1  }
0x27d: {  	s11 =	sshrl.u32 s1, $0x3  }
0x27e: {  	s1 =	sadd.s32 s4, s11  }
0x27f: {  	[hbm4b:s1+s5] =	stream.linear.scatter [tilespmem:s7], [sflag:$0x2], $0x80, $0x38;
	[tilespmem:$0x16700] =	vst v63  }
0x280: {  	s9 =	simm.s32 $0x14588;
	s8 =	sadd.s32 $0x10, s1  }
0x281: {  	[hbm4b:s8+s5] =	stream.linear.scatter [tilespmem:s9], [sflag:$0x2], $0x80, $0x38;
	[tilespmem:$0x16700] =	vst v63  }
0x282: {  	s28 =	simm.s32 $0x14610;
	s26 =	sadd.s32 $0x20, s1  }
0x283: {  	[hbm4b:s26+s5] =	stream.linear.scatter [tilespmem:s28], [sflag:$0x2], $0x80, $0x38;
	[tilespmem:$0x16700] =	vst v63  }
0x284: {  	s31 =	simm.s32 $0x14698;
	s29 =	sadd.s32 $0x30, s1  }
0x285: {  	[hbm4b:s29+s5] =	stream.linear.scatter [tilespmem:s31], [sflag:$0x2], $0x80, $0x38;
	[tilespmem:$0x16700] =	vst v63  }
0x286: {  	s13 =	simm.s32 $0x14720;
	s12 =	sadd.s32 $0x40, s1  }
0x287: {  	[hbm4b:s12+s5] =	stream.linear.scatter [tilespmem:s13], [sflag:$0x2], $0x80, $0x38;
	[tilespmem:$0x16700] =	vst v63  }
0x288: {  	s15 =	simm.s32 $0x147A8;
	s14 =	sadd.s32 $0x50, s1  }
0x289: {  	[hbm4b:s14+s5] =	stream.linear.scatter [tilespmem:s15], [sflag:$0x2], $0x80, $0x38;
	[tilespmem:$0x16700] =	vst v63  }
0x28a: {  	s25 =	simm.s32 $0x14830;
	s24 =	sadd.s32 $0x60, s1  }
0x28b: {  	[hbm4b:s24+s5] =	stream.linear.scatter [tilespmem:s25], [sflag:$0x2], $0x80, $0x38;
	[tilespmem:$0x16700] =	vst v63  }
0x28c: {  	s1 =	sadd.s32 $0x70, s1;
	s26 =	simm.s32 $0x148B8  }
0x28d: {  	[hbm4b:s1+s5] =	stream.linear.scatter [tilespmem:s26], [sflag:$0x2], $0x80, $0x38;
	[tilespmem:$0x16700] =	vst v63  }
0x28e: {  	s28 =	simm.s32 $0x14940;
	s1 =	sadd.s32 s11, s17  }
0x28f: {  	[hbm4b:s1+s5] =	stream.linear.scatter [tilespmem:s28], [sflag:$0x2], $0x80, $0x38;
	[tilespmem:$0x16700] =	vst v63  }
0x290: {  	s31 =	simm.s32 $0x149C8;
	s29 =	sadd.s32 $0x10, s1  }
0x291: {  	[hbm4b:s29+s5] =	stream.linear.scatter [tilespmem:s31], [sflag:$0x2], $0x80, $0x38;
	[tilespmem:$0x16700] =	vst v63  }
0x292: {  	s12 =	simm.s32 $0x14A50;
	s9 =	sadd.s32 $0x20, s1  }
0x293: {  	[hbm4b:s9+s5] =	stream.linear.scatter [tilespmem:s12], [sflag:$0x2], $0x80, $0x38;
	[tilespmem:$0x16700] =	vst v63  }
0x294: {  	s14 =	simm.s32 $0x14AD8;
	s13 =	sadd.s32 $0x30, s1  }
0x295: {  	[hbm4b:s13+s5] =	stream.linear.scatter [tilespmem:s14], [sflag:$0x2], $0x80, $0x38;
	[tilespmem:$0x16700] =	vst v63  }
0x296: {  	s24 =	simm.s32 $0x14B60;
	s15 =	sadd.s32 $0x40, s1  }
0x297: {  	[hbm4b:s15+s5] =	stream.linear.scatter [tilespmem:s24], [sflag:$0x2], $0x80, $0x38;
	[tilespmem:$0x16700] =	vst v63  }
0x298: {  	s26 =	simm.s32 $0x14BE8;
	s25 =	sadd.s32 $0x50, s1  }
0x299: {  	[hbm4b:s25+s5] =	stream.linear.scatter [tilespmem:s26], [sflag:$0x2], $0x80, $0x38;
	[tilespmem:$0x16700] =	vst v63  }
0x29a: {  	s28 =	sadd.s32 $0x60, s1;
	s29 =	simm.s32 $0x14C70  }
0x29b: {  	[hbm4b:s28+s5] =	stream.linear.scatter [tilespmem:s29], [sflag:$0x2], $0x80, $0x38;
	[tilespmem:$0x16700] =	vst v63  }
0x29c: {  	s1 =	sadd.s32 $0x70, s1;
	s31 =	simm.s32 $0x14CF8  }
0x29d: {  	[hbm4b:s1+s5] =	stream.linear.scatter [tilespmem:s31], [sflag:$0x2], $0x80, $0x38;
	[tilespmem:$0x16700] =	vst v63  }
0x29e: {  	s9 =	simm.s32 $0x14D80;
	s1 =	sadd.s32 s11, s18  }
0x29f: {  	[hbm4b:s1+s5] =	stream.linear.scatter [tilespmem:s9], [sflag:$0x2], $0x80, $0x38;
	[tilespmem:$0x16700] =	vst v63  }
0x2a0: {  	s13 =	simm.s32 $0x14E08;
	s12 =	sadd.s32 $0x10, s1  }
0x2a1: {  	[hbm4b:s12+s5] =	stream.linear.scatter [tilespmem:s13], [sflag:$0x2], $0x80, $0x38;
	[tilespmem:$0x16700] =	vst v63  }
0x2a2: {  	s15 =	simm.s32 $0x14E90;
	s14 =	sadd.s32 $0x20, s1  }
0x2a3: {  	[hbm4b:s14+s5] =	stream.linear.scatter [tilespmem:s15], [sflag:$0x2], $0x80, $0x38;
	[tilespmem:$0x16700] =	vst v63  }
0x2a4: {  	s25 =	simm.s32 $0x14F18;
	s24 =	sadd.s32 $0x30, s1  }
0x2a5: {  	[hbm4b:s24+s5] =	stream.linear.scatter [tilespmem:s25], [sflag:$0x2], $0x80, $0x38;
	[tilespmem:$0x16700] =	vst v63  }
0x2a6: {  	s28 =	simm.s32 $0x14FA0;
	s26 =	sadd.s32 $0x40, s1  }
0x2a7: {  	[hbm4b:s26+s5] =	stream.linear.scatter [tilespmem:s28], [sflag:$0x2], $0x80, $0x38;
	[tilespmem:$0x16700] =	vst v63  }
0x2a8: {  	s31 =	simm.s32 $0x15028;
	s29 =	sadd.s32 $0x50, s1  }
0x2a9: {  	[hbm4b:s29+s5] =	stream.linear.scatter [tilespmem:s31], [sflag:$0x2], $0x80, $0x38;
	[tilespmem:$0x16700] =	vst v63  }
0x2aa: {  	s12 =	sadd.s32 $0x60, s1;
	s13 =	simm.s32 $0x150B0  }
0x2ab: {  	[hbm4b:s12+s5] =	stream.linear.scatter [tilespmem:s13], [sflag:$0x2], $0x80, $0x38;
	[tilespmem:$0x16700] =	vst v63  }
0x2ac: {  	s1 =	sadd.s32 $0x70, s1;
	s14 =	simm.s32 $0x15138  }
0x2ad: {  	[hbm4b:s1+s5] =	stream.linear.scatter [tilespmem:s14], [sflag:$0x2], $0x80, $0x38;
	[tilespmem:$0x16700] =	vst v63  }
0x2ae: {  	s15 =	simm.s32 $0x151C0;
	s1 =	sadd.s32 s11, s19  }
0x2af: {  	[hbm4b:s1+s5] =	stream.linear.scatter [tilespmem:s15], [sflag:$0x2], $0x80, $0x38;
	[tilespmem:$0x16700] =	vst v63  }
0x2b0: {  	s25 =	simm.s32 $0x15248;
	s24 =	sadd.s32 $0x10, s1  }
0x2b1: {  	[hbm4b:s24+s5] =	stream.linear.scatter [tilespmem:s25], [sflag:$0x2], $0x80, $0x38;
	[tilespmem:$0x16700] =	vst v63  }
0x2b2: {  	s28 =	simm.s32 $0x152D0;
	s26 =	sadd.s32 $0x20, s1  }
0x2b3: {  	[hbm4b:s26+s5] =	stream.linear.scatter [tilespmem:s28], [sflag:$0x2], $0x80, $0x38;
	[tilespmem:$0x16700] =	vst v63  }
0x2b4: {  	s31 =	simm.s32 $0x15358;
	s29 =	sadd.s32 $0x30, s1  }
0x2b5: {  	[hbm4b:s29+s5] =	stream.linear.scatter [tilespmem:s31], [sflag:$0x2], $0x80, $0x38;
	[tilespmem:$0x16700] =	vst v63  }
0x2b6: {  	s13 =	simm.s32 $0x153E0;
	s12 =	sadd.s32 $0x40, s1  }
0x2b7: {  	[hbm4b:s12+s5] =	stream.linear.scatter [tilespmem:s13], [sflag:$0x2], $0x80, $0x38;
	[tilespmem:$0x16700] =	vst v63  }
0x2b8: {  	s14 =	sadd.s32 $0x50, s1;
	s15 =	simm.s32 $0x15468  }
0x2b9: {  	[hbm4b:s14+s5] =	stream.linear.scatter [tilespmem:s15], [sflag:$0x2], $0x80, $0x38;
	[tilespmem:$0x16700] =	vst v63  }
0x2ba: {  	s24 =	sadd.s32 $0x60, s1;
	s25 =	simm.s32 $0x154F0  }
0x2bb: {  	[hbm4b:s24+s5] =	stream.linear.scatter [tilespmem:s25], [sflag:$0x2], $0x80, $0x38;
	[tilespmem:$0x16700] =	vst v63  }
0x2bc: {  	s1 =	sadd.s32 $0x70, s1;
	s26 =	simm.s32 $0x15578  }
0x2bd: {  	[hbm4b:s1+s5] =	stream.linear.scatter [tilespmem:s26], [sflag:$0x2], $0x80, $0x38;
	[tilespmem:$0x16700] =	vst v63  }
0x2be: {  	s28 =	simm.s32 $0x15600;
	s1 =	sadd.s32 s11, s20  }
0x2bf: {  	[hbm4b:s1+s5] =	stream.linear.scatter [tilespmem:s28], [sflag:$0x2], $0x80, $0x38;
	[tilespmem:$0x16700] =	vst v63  }
0x2c0: {  	s31 =	simm.s32 $0x15688;
	s29 =	sadd.s32 $0x10, s1  }
0x2c1: {  	[hbm4b:s29+s5] =	stream.linear.scatter [tilespmem:s31], [sflag:$0x2], $0x80, $0x38;
	[tilespmem:$0x16700] =	vst v63  }
0x2c2: {  	s12 =	simm.s32 $0x15710;
	s9 =	sadd.s32 $0x20, s1  }
0x2c3: {  	[hbm4b:s9+s5] =	stream.linear.scatter [tilespmem:s12], [sflag:$0x2], $0x80, $0x38;
	[tilespmem:$0x16700] =	vst v63  }
0x2c4: {  	s14 =	simm.s32 $0x15798;
	s13 =	sadd.s32 $0x30, s1  }
0x2c5: {  	[hbm4b:s13+s5] =	stream.linear.scatter [tilespmem:s14], [sflag:$0x2], $0x80, $0x38;
	[tilespmem:$0x16700] =	vst v63  }
0x2c6: {  	s24 =	simm.s32 $0x15820;
	s15 =	sadd.s32 $0x40, s1  }
0x2c7: {  	[hbm4b:s15+s5] =	stream.linear.scatter [tilespmem:s24], [sflag:$0x2], $0x80, $0x38;
	[tilespmem:$0x16700] =	vst v63  }
0x2c8: {  	s26 =	simm.s32 $0x158A8;
	s25 =	sadd.s32 $0x50, s1  }
0x2c9: {  	[hbm4b:s25+s5] =	stream.linear.scatter [tilespmem:s26], [sflag:$0x2], $0x80, $0x38;
	[tilespmem:$0x16700] =	vst v63  }
0x2ca: {  	s28 =	sadd.s32 $0x60, s1;
	s29 =	simm.s32 $0x15930  }
0x2cb: {  	[hbm4b:s28+s5] =	stream.linear.scatter [tilespmem:s29], [sflag:$0x2], $0x80, $0x38;
	[tilespmem:$0x16700] =	vst v63  }
0x2cc: {  	s1 =	sadd.s32 $0x70, s1;
	s31 =	simm.s32 $0x159B8  }
0x2cd: {  	[hbm4b:s1+s5] =	stream.linear.scatter [tilespmem:s31], [sflag:$0x2], $0x80, $0x38;
	[tilespmem:$0x16700] =	vst v63  }
0x2ce: {  	s9 =	simm.s32 $0x15A40;
	s1 =	sadd.s32 s11, s21  }
0x2cf: {  	[hbm4b:s1+s5] =	stream.linear.scatter [tilespmem:s9], [sflag:$0x2], $0x80, $0x38;
	[tilespmem:$0x16700] =	vst v63  }
0x2d0: {  	s13 =	simm.s32 $0x15AC8;
	s12 =	sadd.s32 $0x10, s1  }
0x2d1: {  	[hbm4b:s12+s5] =	stream.linear.scatter [tilespmem:s13], [sflag:$0x2], $0x80, $0x38;
	[tilespmem:$0x16700] =	vst v63  }
0x2d2: {  	s15 =	simm.s32 $0x15B50;
	s14 =	sadd.s32 $0x20, s1  }
0x2d3: {  	[hbm4b:s14+s5] =	stream.linear.scatter [tilespmem:s15], [sflag:$0x2], $0x80, $0x38;
	[tilespmem:$0x16700] =	vst v63  }
0x2d4: {  	s25 =	simm.s32 $0x15BD8;
	s24 =	sadd.s32 $0x30, s1  }
0x2d5: {  	[hbm4b:s24+s5] =	stream.linear.scatter [tilespmem:s25], [sflag:$0x2], $0x80, $0x38;
	[tilespmem:$0x16700] =	vst v63  }
0x2d6: {  	s28 =	simm.s32 $0x15C60;
	s26 =	sadd.s32 $0x40, s1  }
0x2d7: {  	[hbm4b:s26+s5] =	stream.linear.scatter [tilespmem:s28], [sflag:$0x2], $0x80, $0x38;
	[tilespmem:$0x16700] =	vst v63  }
0x2d8: {  	s31 =	simm.s32 $0x15CE8;
	s29 =	sadd.s32 $0x50, s1  }
0x2d9: {  	[hbm4b:s29+s5] =	stream.linear.scatter [tilespmem:s31], [sflag:$0x2], $0x80, $0x38;
	[tilespmem:$0x16700] =	vst v63  }
0x2da: {  	s12 =	sadd.s32 $0x60, s1;
	s13 =	simm.s32 $0x15D70  }
0x2db: {  	[hbm4b:s12+s5] =	stream.linear.scatter [tilespmem:s13], [sflag:$0x2], $0x80, $0x38;
	[tilespmem:$0x16700] =	vst v63  }
0x2dc: {  	s1 =	sadd.s32 $0x70, s1;
	s14 =	simm.s32 $0x15DF8  }
0x2dd: {  	[hbm4b:s1+s5] =	stream.linear.scatter [tilespmem:s14], [sflag:$0x2], $0x80, $0x38;
	[tilespmem:$0x16700] =	vst v63  }
0x2de: {  	s15 =	simm.s32 $0x15E80;
	s1 =	sadd.s32 s11, s22  }
0x2df: {  	[hbm4b:s1+s5] =	stream.linear.scatter [tilespmem:s15], [sflag:$0x2], $0x80, $0x38;
	[tilespmem:$0x16700] =	vst v63  }
0x2e0: {  	s25 =	simm.s32 $0x15F08;
	s24 =	sadd.s32 $0x10, s1  }
0x2e1: {  	[hbm4b:s24+s5] =	stream.linear.scatter [tilespmem:s25], [sflag:$0x2], $0x80, $0x38;
	[tilespmem:$0x16700] =	vst v63  }
0x2e2: {  	s28 =	simm.s32 $0x15F90;
	s26 =	sadd.s32 $0x20, s1  }
0x2e3: {  	[hbm4b:s26+s5] =	stream.linear.scatter [tilespmem:s28], [sflag:$0x2], $0x80, $0x38;
	[tilespmem:$0x16700] =	vst v63  }
0x2e4: {  	s31 =	simm.s32 $0x16018;
	s29 =	sadd.s32 $0x30, s1  }
0x2e5: {  	[hbm4b:s29+s5] =	stream.linear.scatter [tilespmem:s31], [sflag:$0x2], $0x80, $0x38;
	[tilespmem:$0x16700] =	vst v63  }
0x2e6: {  	s13 =	simm.s32 $0x160A0;
	s12 =	sadd.s32 $0x40, s1  }
0x2e7: {  	[hbm4b:s12+s5] =	stream.linear.scatter [tilespmem:s13], [sflag:$0x2], $0x80, $0x38;
	[tilespmem:$0x16700] =	vst v63  }
0x2e8: {  	s14 =	sadd.s32 $0x50, s1;
	s15 =	simm.s32 $0x16128  }
0x2e9: {  	[hbm4b:s14+s5] =	stream.linear.scatter [tilespmem:s15], [sflag:$0x2], $0x80, $0x38;
	[tilespmem:$0x16700] =	vst v63  }
0x2ea: {  	s24 =	sadd.s32 $0x60, s1;
	s25 =	simm.s32 $0x161B0  }
0x2eb: {  	[hbm4b:s24+s5] =	stream.linear.scatter [tilespmem:s25], [sflag:$0x2], $0x80, $0x38;
	[tilespmem:$0x16700] =	vst v63  }
0x2ec: {  	s1 =	sadd.s32 $0x70, s1;
	s26 =	simm.s32 $0x16238  }
0x2ed: {  	[hbm4b:s1+s5] =	stream.linear.scatter [tilespmem:s26], [sflag:$0x2], $0x80, $0x38;
	[tilespmem:$0x16700] =	vst v63  }
0x2ee: {  	s28 =	simm.s32 $0x162C0;
	s1 =	sadd.s32 s11, s23  }
0x2ef: {  	[hbm4b:s1+s5] =	stream.linear.scatter [tilespmem:s28], [sflag:$0x2], $0x80, $0x38;
	[tilespmem:$0x16700] =	vst v63  }
0x2f0: {  	s31 =	simm.s32 $0x16348;
	s29 =	sadd.s32 $0x10, s1  }
0x2f1: {  	[hbm4b:s29+s5] =	stream.linear.scatter [tilespmem:s31], [sflag:$0x2], $0x80, $0x38;
	[tilespmem:$0x16700] =	vst v63  }
0x2f2: {  	s12 =	simm.s32 $0x163D0;
	s11 =	sadd.s32 $0x20, s1  }
0x2f3: {  	[hbm4b:s11+s5] =	stream.linear.scatter [tilespmem:s12], [sflag:$0x2], $0x80, $0x38;
	[tilespmem:$0x16700] =	vst v63  }
0x2f4: {  	s14 =	simm.s32 $0x16458;
	s13 =	sadd.s32 $0x30, s1  }
0x2f5: {  	[hbm4b:s13+s5] =	stream.linear.scatter [tilespmem:s14], [sflag:$0x2], $0x80, $0x38;
	[tilespmem:$0x16700] =	vst v63  }
0x2f6: {  	s10 =	sadd.s32 $0x1, s10;
	s24 =	simm.s32 $0x164E0;
	s15 =	sadd.s32 $0x40, s1  }
0x2f7: {  	[hbm4b:s15+s5] =	stream.linear.scatter [tilespmem:s24], [sflag:$0x2], $0x80, $0x38;
	[tilespmem:$0x16700] =	vst v63  }
0x2f8: {  	p0 =	sne.s32 s10, $0x64;
	s26 =	simm.s32 $0x16568;
	s25 =	sadd.s32 $0x50, s1  }
0x2f9: {  	[hbm4b:s25+s5] =	stream.linear.scatter [tilespmem:s26], [sflag:$0x2], $0x80, $0x38;
	[tilespmem:$0x16700] =	vst v63  }
.Ltmp10:
0x2fa: {  	_ = 	snop;
	(pc) =	sbr.rel @p0 .LBB2_18-.Ltmp10, $4  }
0x2fb: {  	s28 =	sadd.s32 $0x60, s1;
	s29 =	simm.s32 $0x165F0  }
0x2fc: {  	[hbm4b:s28+s5] =	stream.linear.scatter [tilespmem:s29], [sflag:$0x2], $0x80, $0x38;
	[tilespmem:$0x16700] =	vst v63  }
0x2fd: {  	v30 =	vmovc v41;
	v33 =	vmov v35;
	v31 =	vmov v40;
	v32 =	vmov v1;
	s1 =	sadd.s32 $0x70, s1;
	s31 =	simm.s32 $0x16678  }
0x2fe: {  	v28 =	vmovc v38;
	v27 =	vmovc v37;
	v26 =	vmov v39;
	v29 =	vmov v34;
	v25 =	vmov v36;
	[hbm4b:s1+s5] =	stream.linear.scatter [tilespmem:s31], [sflag:$0x2], $0x80, $0x38;
	[tilespmem:$0x16700] =	vst v63  }
0x2ff: {  	_ =	swait.ge [sflag:s0], $0x2000  }
0x300: {  	v6 =	vld [tilespmem:$0x1FE10]  }
0x301: {  	v7 =	vld [tilespmem:$0x1FE20]  }
0x302: {  	v8 =	vld [tilespmem:$0x1FE30]  }
0x303: {  	s8 =	rddreg [dreg:$0xf];
	v9 =	vld [tilespmem:$0x1FE40]  }
0x304: {  	s1 =	rddreg [dreg:$0xe];
	v11 =	vld [tilespmem:$0x1FE50];
	s8 =	sadd.s32 $0x1, s8  }
0x305: {  	v13 =	vld [tilespmem:$0x1FE70];
	p0 =	sne.s32 s8, s1  }
.Ltmp11:
0x306: {  	v14 =	vld [tilespmem:$0x1FE80];
	(pc) =	sbr.rel @p0 .LBB2_1-.Ltmp11, $3  }
0x307: {  	v1 =	vld [tilespmem:$0x1FF20];
	_ =	sdelay $0x1  }
0x308: {  	[sflag:s0] =	ssyncset.done $0x0  }
0x309: {  	s9 =	simm.s32 $0x3;
	v5 =	vlaneseq.u32;
	[sflag:s0] =	ssyncadd.s32 $0xFFFFE000  }
0x30a: {  	_ =	sfence.sel $0x180000  }
0x30b: {  	[bflag:$0x0] =	sbarrier.arrive $0xFFFF  }
0x30c: {  	_ =	strace $0x90000047  }
0x30d: {  	s0 =	stileid.u32;
	[bflag:$0x2] =	sbarrier.arrive $0xFFFF  }
0x30e: {  	p0 =	sne.s32 s0, $0x0;
	s0 =	rddreg [dreg:$0x4]  }
0x30f: {  	s0 =	sadd.s32 @!p0 $0x100000, s0  }
0x310: {  	[sflag:s0] =	ssyncadd.tile.s32 @!p0 $0x1;
	_ =	shalt  }
.Lfunc_end2:
_tile_overlayer_lowered:
.L_overlay_start_2:
0x311: {  	(tag) =	ssettag $0x2  }
0x312: {  	s0 =	rddreg [dreg:$0x0];
	s2 =	stileid.u32  }
0x313: {  	s1 =	rddreg [dreg:$0x1];
	p0 =	sne.s32 s2, $0x0  }
0x314: {  	s3 =	rddreg [dreg:$0x2];
	[bflag:$0x3] =	sbarrier.arrive $0xFFFF;
	s2 =	simm.s32 @!p0 $0x1C03  }
0x315: {  	[timem:s3], [sflag:s2] =	dma.local @!p0 [hbm:s0], s1  }
0x316: {  	s0 =	simm.s32 @!p0 $0x3  }
0x317: {  	_ =	swait.ge @!p0 [sflag:s0], s1  }
0x318: {  	s1 =	ssub.s32 @!p0 $0x0, s1;
	[sflag:s0] =	ssyncset.done @!p0 $0x0  }
0x319: {  	[sflag:s0] =	ssyncadd.s32 @!p0 s1  }
0x31a: {  	[bflag:$0x3] =	sbarrier.arrive $0xFFFF  }
0x31b: {  	_ =	shalt  }

</sc_bundles>
